<compile_context>
chip_gen: v7x
topology: tpu7x:2x2x1
jax: 0.10.2.dev20260603
libtpu: 0.0.44.dev20260713+nightly
codegen_flags: <defaults>
</compile_context>

<pallas_src>
import functools

import jax
import jax.numpy as jnp
import numpy as np
from jax import lax
from jax.experimental import pallas as pl
from jax.experimental.pallas import tpu as pltpu
from jax.experimental.pallas import tpu_sc as plsc

N_NODES = 100000
N_EDGES = 700000
C_OUT = 32
AVG_DEGREE = 7
EPS = 1e-5

NC = 2
NS = 16
HALF = N_NODES // NC
R_REAL = HALF * 4
R_TOT = 200192
R_TILE = R_TOT // NS
SB = R_TILE // 32
CHUNK_R = 8
LANE = 128
CHUNK = CHUNK_R * LANE
N_CHUNK = 44
E_PAD = NS * N_CHUNK * CHUNK

_I0 = np.int32(0)


def _key_body(dst_ref, typ_ref, src_ref, k_ref, g_ref):
    d = dst_ref[...]
    t = typ_ref[...]
    lane = lax.broadcasted_iota(jnp.int32, d.shape, 1)
    trash = R_REAL + (lane & 127)
    half_row = (d - HALF) * 4 + (t >> 1)
    k_ref[0] = jnp.where(d < HALF, d * 4 + (t >> 1), trash)
    k_ref[1] = jnp.where((d >= HALF) & (d < N_NODES), half_row, trash)
    g_ref[...] = src_ref[...] + (t & 1) * N_NODES


def _make_keys(dst_p, typ_p, src_p):
    rows = E_PAD // LANE
    blk = rows // 8
    grid_spec = pl.GridSpec(
        grid=(8,),
        in_specs=[pl.BlockSpec((blk, LANE), lambda i: (i, _I0))] * 3,
        out_specs=[
            pl.BlockSpec((NC, blk, LANE), lambda i: (_I0, i, _I0)),
            pl.BlockSpec((blk, LANE), lambda i: (i, _I0)),
        ],
    )
    return pl.pallas_call(
        _key_body,
        grid_spec=grid_spec,
        out_shape=[
            jax.ShapeDtypeStruct((NC, rows, LANE), jnp.int32),
            jax.ShapeDtypeStruct((rows, LANE), jnp.int32),
        ],
    )(dst_p.reshape(rows, LANE), typ_p.reshape(rows, LANE),
      src_p.reshape(rows, LANE))


def _sc_body(xx_hbm, gidx_hbm, keys_hbm, zeros_hbm, acc_hbm,
             idx_a, key_a, rows_a, idx_b, key_b, rows_b,
             obuf, obuf2, acc_sh, gsem, ssem, isem):
    c = lax.axis_index("c")
    s = lax.axis_index("s")
    base = s * R_TILE
    pltpu.sync_copy(zeros_hbm, obuf)
    zcps = [pltpu.async_copy(obuf, acc_sh.at[pl.ds(base + np.int32(i * SB), SB)],
                             gsem)
            for i in range(R_TILE // SB)]
    for z in zcps:
        z.wait()
    plsc.subcore_barrier()

    def gathers(idx_v, rows_v):
        return [pltpu.async_copy(xx_hbm.at[idx_v.at[np.int32(j)]],
                                 rows_v.at[np.int32(j)], gsem)
                for j in range(CHUNK_R)]

    def scatters(key_v, rows_v):
        return [pltpu.async_copy(rows_v.at[np.int32(j)],
                                 acc_sh.at[key_v.at[np.int32(j)]], ssem,
                                 add=True)
                for j in range(CHUNK_R)]

    def chunk_body(i, carry):
        a = i * 2
        b = a + 1
        ld = [pltpu.async_copy(gidx_hbm.at[s, a], idx_a, isem),
              pltpu.async_copy(keys_hbm.at[c, s, a], key_a, isem),
              pltpu.async_copy(gidx_hbm.at[s, b], idx_b, isem),
              pltpu.async_copy(keys_hbm.at[c, s, b], key_b, isem)]
        ld[0].wait()
        ld[1].wait()
        ga = gathers(idx_a, rows_a)
        ld[2].wait()
        ld[3].wait()
        for d in ga:
            d.wait()
        sa = scatters(key_a, rows_a)
        gb = gathers(idx_b, rows_b)
        for d in sa:
            d.wait()
        for d in gb:
            d.wait()
        sb = scatters(key_b, rows_b)
        for d in sb:
            d.wait()
        return carry

    lax.fori_loop(jnp.int32(0), jnp.int32(N_CHUNK // 2), chunk_body,
                  jnp.int32(0))
    plsc.subcore_barrier()
    n_cp = R_TILE // SB
    bufs = (obuf, obuf2)
    pend_out = [None, None]

    def cp_in(i):
        return pltpu.async_copy(
            acc_sh.at[pl.ds(base + np.int32(i * SB), SB)], bufs[i % 2], gsem)

    d_in = cp_in(0)
    for i in range(n_cp):
        d_in.wait()
        d_in = None
        if i + 1 < n_cp:
            if pend_out[(i + 1) % 2] is not None:
                pend_out[(i + 1) % 2].wait()
                pend_out[(i + 1) % 2] = None
            d_in = cp_in(i + 1)
        pend_out[i % 2] = pltpu.async_copy(
            bufs[i % 2], acc_hbm.at[c, pl.ds(base + np.int32(i * SB), SB)],
            ssem)
    for o in pend_out:
        if o is not None:
            o.wait()


_sc_scatter = functools.partial(
    pl.kernel,
    out_type=jax.ShapeDtypeStruct((NC, R_TOT, 8), jnp.float32),
    mesh=plsc.VectorSubcoreMesh(
        core_axis_name="c", subcore_axis_name="s", num_cores=NC, num_subcores=NS),
    scratch_types=[
        pltpu.VMEM((CHUNK_R, LANE), jnp.int32),
        pltpu.VMEM((CHUNK_R, LANE), jnp.int32),
        pltpu.VMEM((CHUNK_R, LANE, 8), jnp.float32),
        pltpu.VMEM((CHUNK_R, LANE), jnp.int32),
        pltpu.VMEM((CHUNK_R, LANE), jnp.int32),
        pltpu.VMEM((CHUNK_R, LANE, 8), jnp.float32),
        pltpu.VMEM((SB, 8), jnp.float32),
        pltpu.VMEM((SB, 8), jnp.float32),
        pltpu.VMEM_SHARED((R_TOT, 8), jnp.float32),
        pltpu.SemaphoreType.DMA,
        pltpu.SemaphoreType.DMA,
        pltpu.SemaphoreType.DMA,
    ],
    compiler_params=pltpu.CompilerParams(use_tc_tiling_on_sc=False),
)(_sc_body)


_BLK = 2000
_NB = HALF // _BLK


def _stat_body(acc_ref, g_ref, cs_ref):
    s = pl.program_id(0)
    b = pl.program_id(1)
    a = acc_ref[0]
    g = lax.dot_general(a, a, (((0,), (0,)), ((), ())),
                        preferred_element_type=jnp.float32)
    cs = jnp.sum(a, axis=0, keepdims=True)
    first = (s == 0) & (b == 0)

    @pl.when(first)
    def _():
        g_ref[...] = g
        cs_ref[...] = cs

    @pl.when(jnp.logical_not(first))
    def _():
        g_ref[...] = g_ref[...] + g
        cs_ref[...] = cs_ref[...] + cs


def _gram_stats(acc):
    return pl.pallas_call(
        _stat_body,
        grid=(NC, _NB),
        in_specs=[pl.BlockSpec((1, _BLK, C_OUT), lambda s, b: (s, b, _I0))],
        out_specs=[
            pl.BlockSpec((C_OUT, C_OUT), lambda s, b: (_I0, _I0)),
            pl.BlockSpec((1, C_OUT), lambda s, b: (_I0, _I0)),
        ],
        out_shape=[
            jax.ShapeDtypeStruct((C_OUT, C_OUT), jnp.float32),
            jax.ShapeDtypeStruct((1, C_OUT), jnp.float32),
        ],
    )(acc)


def _out_body(acc_ref, wr_ref, g_ref, cs_ref, gam_ref, bet_ref, out_ref):
    w = wr_ref[...]
    inv_n = 1.0 / N_NODES
    scale = 1.0 / AVG_DEGREE
    mean = jnp.dot(cs_ref[...], w,
                   preferred_element_type=jnp.float32) * (scale * inv_n)
    gw = jnp.dot(g_ref[...], w, preferred_element_type=jnp.float32)
    ey2 = jnp.sum(w * gw, axis=0, keepdims=True) * (scale * scale * inv_n)
    var = ey2 - mean * mean
    inv = lax.rsqrt(var + EPS) * gam_ref[...]
    y = jnp.dot(acc_ref[0], w, preferred_element_type=jnp.float32) * scale
    out_ref[...] = jnp.maximum((y - mean) * inv + bet_ref[...], 0.0)


def _fused_out(acc, wr, g, cs, gam, bet):
    return pl.pallas_call(
        _out_body,
        grid=(NC, _NB),
        in_specs=[
            pl.BlockSpec((1, _BLK, C_OUT), lambda s, b: (s, b, _I0)),
            pl.BlockSpec((C_OUT, C_OUT), lambda s, b: (_I0, _I0)),
            pl.BlockSpec((C_OUT, C_OUT), lambda s, b: (_I0, _I0)),
            pl.BlockSpec((1, C_OUT), lambda s, b: (_I0, _I0)),
            pl.BlockSpec((1, C_OUT), lambda s, b: (_I0, _I0)),
            pl.BlockSpec((1, C_OUT), lambda s, b: (_I0, _I0)),
        ],
        out_specs=pl.BlockSpec((_BLK, C_OUT), lambda s, b: (s * _NB + b, _I0)),
        out_shape=jax.ShapeDtypeStruct((N_NODES, C_OUT), jnp.float32),
    )(acc, wr, g, cs, gam, bet)


def kernel(x, edge_index, edge_type, W, gamma, beta):
    src = edge_index[0].astype(jnp.int32)
    dst = edge_index[1].astype(jnp.int32)
    typ = edge_type.astype(jnp.int32)
    pad = E_PAD - N_EDGES
    src_p = jnp.concatenate([src, jnp.zeros((pad,), jnp.int32)])
    dst_p = jnp.concatenate([dst, jnp.full((pad,), N_NODES, jnp.int32)])
    typ_p = jnp.concatenate([typ, jnp.zeros((pad,), jnp.int32)])

    k01, gidx = _make_keys(dst_p, typ_p, src_p)
    keys = k01.reshape(NC, NS, N_CHUNK, CHUNK_R, LANE)
    gidx4 = gidx.reshape(NS, N_CHUNK, CHUNK_R, LANE)
    zeros = jnp.zeros((SB, 8), jnp.float32)

    xf = x.astype(jnp.float32)
    xx = jnp.concatenate([
        jnp.pad(xf, ((0, 0), (0, 4))),
        jnp.pad(xf, ((0, 0), (4, 0))),
    ])

    acc = _sc_scatter(xx, gidx4, keys, zeros)
    accv = acc.reshape(NC, R_TOT // 4, C_OUT)

    wr = jnp.pad(W.astype(jnp.float32).reshape(28, C_OUT), ((0, 4), (0, 0)))
    g, cs = _gram_stats(accv)
    return _fused_out(accv, wr, g, cs,
                      gamma.astype(jnp.float32).reshape(1, C_OUT),
                      beta.astype(jnp.float32).reshape(1, C_OUT))

# --- scband reference (transcript-rebuilt; emitter-appended) ---
"""Pipeline reference for scband-graph-ounet-88304527605868 (READ-ONLY COPY).

The authoritative reference and input builder live on the scoring server;
editing this copy changes nothing except your own understanding.
"""

import jax, jax.numpy as jnp
import numpy as np

jax.config.update('jax_enable_x64', True)

N_NODES = 100000
N_EDGES = 700000
C_IN = 4
C_OUT = 32  # channels[depth=6] = 32
N_EDGE_TYPE = 7
AVG_DEGREE = 7
EPS = 1e-5


def setup_inputs(seed: int = 0) -> dict:
    key = jax.random.key(seed)
    k1, k2, k3, k4 = jax.random.split(key, 4)
    x = jax.random.normal(k1, (N_NODES, C_IN), dtype=jnp.float32)
    edge_index = jax.random.randint(k2, (2, N_EDGES), 0, N_NODES, dtype=jnp.int64)
    edge_type = jax.random.randint(k3, (N_EDGES,), 0, N_EDGE_TYPE, dtype=jnp.int64)
    # Learned params of the first GraphConvBnRelu (conv1): per-edge-type weight
    # matrices, plus batch-norm affine params.
    W = jax.random.normal(k4, (N_EDGE_TYPE, C_IN, C_OUT), dtype=jnp.float32) * 0.1
    gamma = jnp.ones((C_OUT,), dtype=jnp.float32)
    beta = jnp.zeros((C_OUT,), dtype=jnp.float32)
    return {'x': x, 'edge_index': edge_index, 'edge_type': edge_type,
            'W': W, 'gamma': gamma, 'beta': beta}


def reference(x, edge_index, edge_type, W, gamma, beta):
    # GraphConvBnRelu on the dual-octree graph at depth d:
    #   out[dst] += W[edge_type] @ x[src]   (normalized by avg_degree)
    #   then BatchNorm (training-mode stats over nodes) and ReLU.
    src = edge_index[0]
    dst = edge_index[1]
    msg = jnp.take(x, src, axis=0)                    # [E, C_IN] gather
    We = jnp.take(W, edge_type, axis=0)               # [E, C_IN, C_OUT] gather
    m = jnp.einsum('ec,eco->eo', msg, We)             # per-edge transform
    out = jax.ops.segment_sum(m, dst, num_segments=N_NODES)  # scatter-add
    out = out / AVG_DEGREE
    mean = jnp.mean(out, axis=0)
    var = jnp.var(out, axis=0)
    out = (out - mean) / jnp.sqrt(var + EPS) * gamma + beta
    return jax.nn.relu(out)

if __name__ == "__main__":
    import jax
    _d = setup_inputs()
    print(jax.jit(kernel)(*tuple(_d.values())))

</pallas_src>

<mosaic_0001>
#map = affine_map<(d0, d1) -> (0, 0)>
#map1 = affine_map<(d0, d1) -> (0, 0, 0, 0)>
#map2 = affine_map<(d0, d1) -> (0, 0, 0, 0, 0)>
#map3 = affine_map<(d0, d1) -> (0, 0, 0)>
module attributes {stable_mosaic.version = 14 : i64} {
  func.func @_sc_body(%arg0: i32, %arg1: i32, %arg2: memref<200000x8xf32, #tpu.memory_space<hbm>>, %arg3: memref<16x44x8x128xi32, #tpu.memory_space<hbm>>, %arg4: memref<2x16x44x8x128xi32, #tpu.memory_space<hbm>>, %arg5: memref<391x8xf32, #tpu.memory_space<hbm>>, %arg6: memref<2x200192x8xf32, #tpu.memory_space<hbm>>, %arg7: memref<8x128xi32, #tpu.memory_space<vmem>>, %arg8: memref<8x128xi32, #tpu.memory_space<vmem>>, %arg9: memref<8x128x8xf32, #tpu.memory_space<vmem>>, %arg10: memref<8x128xi32, #tpu.memory_space<vmem>>, %arg11: memref<8x128xi32, #tpu.memory_space<vmem>>, %arg12: memref<8x128x8xf32, #tpu.memory_space<vmem>>, %arg13: memref<391x8xf32, #tpu.memory_space<vmem>>, %arg14: memref<391x8xf32, #tpu.memory_space<vmem>>, %arg15: memref<200192x8xf32, #tpu.memory_space<vmem_shared>>, %arg16: memref<!tpu.dma_semaphore, #tpu.memory_space<semaphore_mem>>, %arg17: memref<!tpu.dma_semaphore, #tpu.memory_space<semaphore_mem>>, %arg18: memref<!tpu.dma_semaphore, #tpu.memory_space<semaphore_mem>>) attributes {dimension_semantics = [#tpu.dimension_semantics<core_parallel>, #tpu.dimension_semantics<subcore_parallel>], iteration_bounds = array<i64: 2, 16>, scalar_prefetch = 0 : i64, scratch_operands = 12 : i64, tpu.core_type = #tpu.core_type<sc_vector_subcore>, window_params = [{transform_indices = #map}, {transform_indices = #map1}, {transform_indices = #map2}, {transform_indices = #map}, {transform_indices = #map3}]} {
    %mul3A = arith.constant 12512 : i32
    %mul3A_0 = arith.muli %arg1, %mul3A : i32
    "tpu.region"() ({
      %run_scoped3A = tpu.sem_alloc : memref<!tpu.dma_semaphore, #tpu.memory_space<semaphore_mem>>
      tpu.enqueue_dma source(%arg5 : memref<391x8xf32, #tpu.memory_space<hbm>>) target(%arg13 : memref<391x8xf32, #tpu.memory_space<vmem>>) target_semaphore(%run_scoped3A : memref<!tpu.dma_semaphore, #tpu.memory_space<semaphore_mem>>)
      tpu.wait_dma2 semaphore(%run_scoped3A : memref<!tpu.dma_semaphore, #tpu.memory_space<semaphore_mem>>) src(%arg5 : memref<391x8xf32, #tpu.memory_space<hbm>>) dst(%arg13 : memref<391x8xf32, #tpu.memory_space<vmem>>)
      tpu.yield
    }) : () -> ()
    %add3A = arith.constant 0 : i32
    %add3A_1 = arith.addi %mul3A_0, %add3A : i32
    %dma_start3A = arith.constant 0 : i32
    %dma_start3A_2 = tpu.memref_slice %arg15[%add3A_1, %dma_start3A] : memref<200192x8xf32, #tpu.memory_space<vmem_shared>> -> memref<391x8xf32, #tpu.memory_space<vmem_shared>>
    %dma_start3A_3 = arith.constant 0 : i32
    %dma_start3A_4 = tpu.memref_slice %arg15[%add3A_1, %dma_start3A_3] : memref<200192x8xf32, #tpu.memory_space<vmem_shared>> -> memref<391x8xf32, #tpu.memory_space<vmem_shared>>
    tpu.enqueue_dma source(%arg13 : memref<391x8xf32, #tpu.memory_space<vmem>>) target(%dma_start3A_4 : memref<391x8xf32, #tpu.memory_space<vmem_shared>>) target_semaphore(%arg16 : memref<!tpu.dma_semaphore, #tpu.memory_space<semaphore_mem>>)
    %add3A_5 = arith.constant 391 : i32
    %add3A_6 = arith.addi %mul3A_0, %add3A_5 : i32
    %dma_start3A_7 = arith.constant 0 : i32
    %dma_start3A_8 = tpu.memref_slice %arg15[%add3A_6, %dma_start3A_7] : memref<200192x8xf32, #tpu.memory_space<vmem_shared>> -> memref<391x8xf32, #tpu.memory_space<vmem_shared>>
    %dma_start3A_9 = arith.constant 0 : i32
    %dma_start3A_10 = tpu.memref_slice %arg15[%add3A_6, %dma_start3A_9] : memref<200192x8xf32, #tpu.memory_space<vmem_shared>> -> memref<391x8xf32, #tpu.memory_space<vmem_shared>>
    tpu.enqueue_dma source(%arg13 : memref<391x8xf32, #tpu.memory_space<vmem>>) target(%dma_start3A_10 : memref<391x8xf32, #tpu.memory_space<vmem_shared>>) target_semaphore(%arg16 : memref<!tpu.dma_semaphore, #tpu.memory_space<semaphore_mem>>)
    %add3A_11 = arith.constant 782 : i32
    %add3A_12 = arith.addi %mul3A_0, %add3A_11 : i32
    %dma_start3A_13 = arith.constant 0 : i32
    %dma_start3A_14 = tpu.memref_slice %arg15[%add3A_12, %dma_start3A_13] : memref<200192x8xf32, #tpu.memory_space<vmem_shared>> -> memref<391x8xf32, #tpu.memory_space<vmem_shared>>
    %dma_start3A_15 = arith.constant 0 : i32
    %dma_start3A_16 = tpu.memref_slice %arg15[%add3A_12, %dma_start3A_15] : memref<200192x8xf32, #tpu.memory_space<vmem_shared>> -> memref<391x8xf32, #tpu.memory_space<vmem_shared>>
    tpu.enqueue_dma source(%arg13 : memref<391x8xf32, #tpu.memory_space<vmem>>) target(%dma_start3A_16 : memref<391x8xf32, #tpu.memory_space<vmem_shared>>) target_semaphore(%arg16 : memref<!tpu.dma_semaphore, #tpu.memory_space<semaphore_mem>>)
    %add3A_17 = arith.constant 1173 : i32
    %add3A_18 = arith.addi %mul3A_0, %add3A_17 : i32
    %dma_start3A_19 = arith.constant 0 : i32
    %dma_start3A_20 = tpu.memref_slice %arg15[%add3A_18, %dma_start3A_19] : memref<200192x8xf32, #tpu.memory_space<vmem_shared>> -> memref<391x8xf32, #tpu.memory_space<vmem_shared>>
    %dma_start3A_21 = arith.constant 0 : i32
    %dma_start3A_22 = tpu.memref_slice %arg15[%add3A_18, %dma_start3A_21] : memref<200192x8xf32, #tpu.memory_space<vmem_shared>> -> memref<391x8xf32, #tpu.memory_space<vmem_shared>>
    tpu.enqueue_dma source(%arg13 : memref<391x8xf32, #tpu.memory_space<vmem>>) target(%dma_start3A_22 : memref<391x8xf32, #tpu.memory_space<vmem_shared>>) target_semaphore(%arg16 : memref<!tpu.dma_semaphore, #tpu.memory_space<semaphore_mem>>)
    %add3A_23 = arith.constant 1564 : i32
    %add3A_24 = arith.addi %mul3A_0, %add3A_23 : i32
    %dma_start3A_25 = arith.constant 0 : i32
    %dma_start3A_26 = tpu.memref_slice %arg15[%add3A_24, %dma_start3A_25] : memref<200192x8xf32, #tpu.memory_space<vmem_shared>> -> memref<391x8xf32, #tpu.memory_space<vmem_shared>>
    %dma_start3A_27 = arith.constant 0 : i32
    %dma_start3A_28 = tpu.memref_slice %arg15[%add3A_24, %dma_start3A_27] : memref<200192x8xf32, #tpu.memory_space<vmem_shared>> -> memref<391x8xf32, #tpu.memory_space<vmem_shared>>
    tpu.enqueue_dma source(%arg13 : memref<391x8xf32, #tpu.memory_space<vmem>>) target(%dma_start3A_28 : memref<391x8xf32, #tpu.memory_space<vmem_shared>>) target_semaphore(%arg16 : memref<!tpu.dma_semaphore, #tpu.memory_space<semaphore_mem>>)
    %add3A_29 = arith.constant 1955 : i32
    %add3A_30 = arith.addi %mul3A_0, %add3A_29 : i32
    %dma_start3A_31 = arith.constant 0 : i32
    %dma_start3A_32 = tpu.memref_slice %arg15[%add3A_30, %dma_start3A_31] : memref<200192x8xf32, #tpu.memory_space<vmem_shared>> -> memref<391x8xf32, #tpu.memory_space<vmem_shared>>
    %dma_start3A_33 = arith.constant 0 : i32
    %dma_start3A_34 = tpu.memref_slice %arg15[%add3A_30, %dma_start3A_33] : memref<200192x8xf32, #tpu.memory_space<vmem_shared>> -> memref<391x8xf32, #tpu.memory_space<vmem_shared>>
    tpu.enqueue_dma source(%arg13 : memref<391x8xf32, #tpu.memory_space<vmem>>) target(%dma_start3A_34 : memref<391x8xf32, #tpu.memory_space<vmem_shared>>) target_semaphore(%arg16 : memref<!tpu.dma_semaphore, #tpu.memory_space<semaphore_mem>>)
    %add3A_35 = arith.constant 2346 : i32
    %add3A_36 = arith.addi %mul3A_0, %add3A_35 : i32
    %dma_start3A_37 = arith.constant 0 : i32
    %dma_start3A_38 = tpu.memref_slice %arg15[%add3A_36, %dma_start3A_37] : memref<200192x8xf32, #tpu.memory_space<vmem_shared>> -> memref<391x8xf32, #tpu.memory_space<vmem_shared>>
    %dma_start3A_39 = arith.constant 0 : i32
    %dma_start3A_40 = tpu.memref_slice %arg15[%add3A_36, %dma_start3A_39] : memref<200192x8xf32, #tpu.memory_space<vmem_shared>> -> memref<391x8xf32, #tpu.memory_space<vmem_shared>>
    tpu.enqueue_dma source(%arg13 : memref<391x8xf32, #tpu.memory_space<vmem>>) target(%dma_start3A_40 : memref<391x8xf32, #tpu.memory_space<vmem_shared>>) target_semaphore(%arg16 : memref<!tpu.dma_semaphore, #tpu.memory_space<semaphore_mem>>)
    %add3A_41 = arith.constant 2737 : i32
    %add3A_42 = arith.addi %mul3A_0, %add3A_41 : i32
    %dma_start3A_43 = arith.constant 0 : i32
    %dma_start3A_44 = tpu.memref_slice %arg15[%add3A_42, %dma_start3A_43] : memref<200192x8xf32, #tpu.memory_space<vmem_shared>> -> memref<391x8xf32, #tpu.memory_space<vmem_shared>>
    %dma_start3A_45 = arith.constant 0 : i32
    %dma_start3A_46 = tpu.memref_slice %arg15[%add3A_42, %dma_start3A_45] : memref<200192x8xf32, #tpu.memory_space<vmem_shared>> -> memref<391x8xf32, #tpu.memory_space<vmem_shared>>
    tpu.enqueue_dma source(%arg13 : memref<391x8xf32, #tpu.memory_space<vmem>>) target(%dma_start3A_46 : memref<391x8xf32, #tpu.memory_space<vmem_shared>>) target_semaphore(%arg16 : memref<!tpu.dma_semaphore, #tpu.memory_space<semaphore_mem>>)
    %add3A_47 = arith.constant 3128 : i32
    %add3A_48 = arith.addi %mul3A_0, %add3A_47 : i32
    %dma_start3A_49 = arith.constant 0 : i32
    %dma_start3A_50 = tpu.memref_slice %arg15[%add3A_48, %dma_start3A_49] : memref<200192x8xf32, #tpu.memory_space<vmem_shared>> -> memref<391x8xf32, #tpu.memory_space<vmem_shared>>
    %dma_start3A_51 = arith.constant 0 : i32
    %dma_start3A_52 = tpu.memref_slice %arg15[%add3A_48, %dma_start3A_51] : memref<200192x8xf32, #tpu.memory_space<vmem_shared>> -> memref<391x8xf32, #tpu.memory_space<vmem_shared>>
    tpu.enqueue_dma source(%arg13 : memref<391x8xf32, #tpu.memory_space<vmem>>) target(%dma_start3A_52 : memref<391x8xf32, #tpu.memory_space<vmem_shared>>) target_semaphore(%arg16 : memref<!tpu.dma_semaphore, #tpu.memory_space<semaphore_mem>>)
    %add3A_53 = arith.constant 3519 : i32
    %add3A_54 = arith.addi %mul3A_0, %add3A_53 : i32
    %dma_start3A_55 = arith.constant 0 : i32
    %dma_start3A_56 = tpu.memref_slice %arg15[%add3A_54, %dma_start3A_55] : memref<200192x8xf32, #tpu.memory_space<vmem_shared>> -> memref<391x8xf32, #tpu.memory_space<vmem_shared>>
    %dma_start3A_57 = arith.constant 0 : i32
    %dma_start3A_58 = tpu.memref_slice %arg15[%add3A_54, %dma_start3A_57] : memref<200192x8xf32, #tpu.memory_space<vmem_shared>> -> memref<391x8xf32, #tpu.memory_space<vmem_shared>>
    tpu.enqueue_dma source(%arg13 : memref<391x8xf32, #tpu.memory_space<vmem>>) target(%dma_start3A_58 : memref<391x8xf32, #tpu.memory_space<vmem_shared>>) target_semaphore(%arg16 : memref<!tpu.dma_semaphore, #tpu.memory_space<semaphore_mem>>)
    %add3A_59 = arith.constant 3910 : i32
    %add3A_60 = arith.addi %mul3A_0, %add3A_59 : i32
    %dma_start3A_61 = arith.constant 0 : i32
    %dma_start3A_62 = tpu.memref_slice %arg15[%add3A_60, %dma_start3A_61] : memref<200192x8xf32, #tpu.memory_space<vmem_shared>> -> memref<391x8xf32, #tpu.memory_space<vmem_shared>>
    %dma_start3A_63 = arith.constant 0 : i32
    %dma_start3A_64 = tpu.memref_slice %arg15[%add3A_60, %dma_start3A_63] : memref<200192x8xf32, #tpu.memory_space<vmem_shared>> -> memref<391x8xf32, #tpu.memory_space<vmem_shared>>
    tpu.enqueue_dma source(%arg13 : memref<391x8xf32, #tpu.memory_space<vmem>>) target(%dma_start3A_64 : memref<391x8xf32, #tpu.memory_space<vmem_shared>>) target_semaphore(%arg16 : memref<!tpu.dma_semaphore, #tpu.memory_space<semaphore_mem>>)
    %add3A_65 = arith.constant 4301 : i32
    %add3A_66 = arith.addi %mul3A_0, %add3A_65 : i32
    %dma_start3A_67 = arith.constant 0 : i32
    %dma_start3A_68 = tpu.memref_slice %arg15[%add3A_66, %dma_start3A_67] : memref<200192x8xf32, #tpu.memory_space<vmem_shared>> -> memref<391x8xf32, #tpu.memory_space<vmem_shared>>
    %dma_start3A_69 = arith.constant 0 : i32
    %dma_start3A_70 = tpu.memref_slice %arg15[%add3A_66, %dma_start3A_69] : memref<200192x8xf32, #tpu.memory_space<vmem_shared>> -> memref<391x8xf32, #tpu.memory_space<vmem_shared>>
    tpu.enqueue_dma source(%arg13 : memref<391x8xf32, #tpu.memory_space<vmem>>) target(%dma_start3A_70 : memref<391x8xf32, #tpu.memory_space<vmem_shared>>) target_semaphore(%arg16 : memref<!tpu.dma_semaphore, #tpu.memory_space<semaphore_mem>>)
    %add3A_71 = arith.constant 4692 : i32
    %add3A_72 = arith.addi %mul3A_0, %add3A_71 : i32
    %dma_start3A_73 = arith.constant 0 : i32
    %dma_start3A_74 = tpu.memref_slice %arg15[%add3A_72, %dma_start3A_73] : memref<200192x8xf32, #tpu.memory_space<vmem_shared>> -> memref<391x8xf32, #tpu.memory_space<vmem_shared>>
    %dma_start3A_75 = arith.constant 0 : i32
    %dma_start3A_76 = tpu.memref_slice %arg15[%add3A_72, %dma_start3A_75] : memref<200192x8xf32, #tpu.memory_space<vmem_shared>> -> memref<391x8xf32, #tpu.memory_space<vmem_shared>>
    tpu.enqueue_dma source(%arg13 : memref<391x8xf32, #tpu.memory_space<vmem>>) target(%dma_start3A_76 : memref<391x8xf32, #tpu.memory_space<vmem_shared>>) target_semaphore(%arg16 : memref<!tpu.dma_semaphore, #tpu.memory_space<semaphore_mem>>)
    %add3A_77 = arith.constant 5083 : i32
    %add3A_78 = arith.addi %mul3A_0, %add3A_77 : i32
    %dma_start3A_79 = arith.constant 0 : i32
    %dma_start3A_80 = tpu.memref_slice %arg15[%add3A_78, %dma_start3A_79] : memref<200192x8xf32, #tpu.memory_space<vmem_shared>> -> memref<391x8xf32, #tpu.memory_space<vmem_shared>>
    %dma_start3A_81 = arith.constant 0 : i32
    %dma_start3A_82 = tpu.memref_slice %arg15[%add3A_78, %dma_start3A_81] : memref<200192x8xf32, #tpu.memory_space<vmem_shared>> -> memref<391x8xf32, #tpu.memory_space<vmem_shared>>
    tpu.enqueue_dma source(%arg13 : memref<391x8xf32, #tpu.memory_space<vmem>>) target(%dma_start3A_82 : memref<391x8xf32, #tpu.memory_space<vmem_shared>>) target_semaphore(%arg16 : memref<!tpu.dma_semaphore, #tpu.memory_space<semaphore_mem>>)
    %add3A_83 = arith.constant 5474 : i32
    %add3A_84 = arith.addi %mul3A_0, %add3A_83 : i32
    %dma_start3A_85 = arith.constant 0 : i32
    %dma_start3A_86 = tpu.memref_slice %arg15[%add3A_84, %dma_start3A_85] : memref<200192x8xf32, #tpu.memory_space<vmem_shared>> -> memref<391x8xf32, #tpu.memory_space<vmem_shared>>
    %dma_start3A_87 = arith.constant 0 : i32
    %dma_start3A_88 = tpu.memref_slice %arg15[%add3A_84, %dma_start3A_87] : memref<200192x8xf32, #tpu.memory_space<vmem_shared>> -> memref<391x8xf32, #tpu.memory_space<vmem_shared>>
    tpu.enqueue_dma source(%arg13 : memref<391x8xf32, #tpu.memory_space<vmem>>) target(%dma_start3A_88 : memref<391x8xf32, #tpu.memory_space<vmem_shared>>) target_semaphore(%arg16 : memref<!tpu.dma_semaphore, #tpu.memory_space<semaphore_mem>>)
    %add3A_89 = arith.constant 5865 : i32
    %add3A_90 = arith.addi %mul3A_0, %add3A_89 : i32
    %dma_start3A_91 = arith.constant 0 : i32
    %dma_start3A_92 = tpu.memref_slice %arg15[%add3A_90, %dma_start3A_91] : memref<200192x8xf32, #tpu.memory_space<vmem_shared>> -> memref<391x8xf32, #tpu.memory_space<vmem_shared>>
    %dma_start3A_93 = arith.constant 0 : i32
    %dma_start3A_94 = tpu.memref_slice %arg15[%add3A_90, %dma_start3A_93] : memref<200192x8xf32, #tpu.memory_space<vmem_shared>> -> memref<391x8xf32, #tpu.memory_space<vmem_shared>>
    tpu.enqueue_dma source(%arg13 : memref<391x8xf32, #tpu.memory_space<vmem>>) target(%dma_start3A_94 : memref<391x8xf32, #tpu.memory_space<vmem_shared>>) target_semaphore(%arg16 : memref<!tpu.dma_semaphore, #tpu.memory_space<semaphore_mem>>)
    %add3A_95 = arith.constant 6256 : i32
    %add3A_96 = arith.addi %mul3A_0, %add3A_95 : i32
    %dma_start3A_97 = arith.constant 0 : i32
    %dma_start3A_98 = tpu.memref_slice %arg15[%add3A_96, %dma_start3A_97] : memref<200192x8xf32, #tpu.memory_space<vmem_shared>> -> memref<391x8xf32, #tpu.memory_space<vmem_shared>>
    %dma_start3A_99 = arith.constant 0 : i32
    %dma_start3A_100 = tpu.memref_slice %arg15[%add3A_96, %dma_start3A_99] : memref<200192x8xf32, #tpu.memory_space<vmem_shared>> -> memref<391x8xf32, #tpu.memory_space<vmem_shared>>
    tpu.enqueue_dma source(%arg13 : memref<391x8xf32, #tpu.memory_space<vmem>>) target(%dma_start3A_100 : memref<391x8xf32, #tpu.memory_space<vmem_shared>>) target_semaphore(%arg16 : memref<!tpu.dma_semaphore, #tpu.memory_space<semaphore_mem>>)
    %add3A_101 = arith.constant 6647 : i32
    %add3A_102 = arith.addi %mul3A_0, %add3A_101 : i32
    %dma_start3A_103 = arith.constant 0 : i32
    %dma_start3A_104 = tpu.memref_slice %arg15[%add3A_102, %dma_start3A_103] : memref<200192x8xf32, #tpu.memory_space<vmem_shared>> -> memref<391x8xf32, #tpu.memory_space<vmem_shared>>
    %dma_start3A_105 = arith.constant 0 : i32
    %dma_start3A_106 = tpu.memref_slice %arg15[%add3A_102, %dma_start3A_105] : memref<200192x8xf32, #tpu.memory_space<vmem_shared>> -> memref<391x8xf32, #tpu.memory_space<vmem_shared>>
    tpu.enqueue_dma source(%arg13 : memref<391x8xf32, #tpu.memory_space<vmem>>) target(%dma_start3A_106 : memref<391x8xf32, #tpu.memory_space<vmem_shared>>) target_semaphore(%arg16 : memref<!tpu.dma_semaphore, #tpu.memory_space<semaphore_mem>>)
    %add3A_107 = arith.constant 7038 : i32
    %add3A_108 = arith.addi %mul3A_0, %add3A_107 : i32
    %dma_start3A_109 = arith.constant 0 : i32
    %dma_start3A_110 = tpu.memref_slice %arg15[%add3A_108, %dma_start3A_109] : memref<200192x8xf32, #tpu.memory_space<vmem_shared>> -> memref<391x8xf32, #tpu.memory_space<vmem_shared>>
    %dma_start3A_111 = arith.constant 0 : i32
    %dma_start3A_112 = tpu.memref_slice %arg15[%add3A_108, %dma_start3A_111] : memref<200192x8xf32, #tpu.memory_space<vmem_shared>> -> memref<391x8xf32, #tpu.memory_space<vmem_shared>>
    tpu.enqueue_dma source(%arg13 : memref<391x8xf32, #tpu.memory_space<vmem>>) target(%dma_start3A_112 : memref<391x8xf32, #tpu.memory_space<vmem_shared>>) target_semaphore(%arg16 : memref<!tpu.dma_semaphore, #tpu.memory_space<semaphore_mem>>)
    %add3A_113 = arith.constant 7429 : i32
    %add3A_114 = arith.addi %mul3A_0, %add3A_113 : i32
    %dma_start3A_115 = arith.constant 0 : i32
    %dma_start3A_116 = tpu.memref_slice %arg15[%add3A_114, %dma_start3A_115] : memref<200192x8xf32, #tpu.memory_space<vmem_shared>> -> memref<391x8xf32, #tpu.memory_space<vmem_shared>>
    %dma_start3A_117 = arith.constant 0 : i32
    %dma_start3A_118 = tpu.memref_slice %arg15[%add3A_114, %dma_start3A_117] : memref<200192x8xf32, #tpu.memory_space<vmem_shared>> -> memref<391x8xf32, #tpu.memory_space<vmem_shared>>
    tpu.enqueue_dma source(%arg13 : memref<391x8xf32, #tpu.memory_space<vmem>>) target(%dma_start3A_118 : memref<391x8xf32, #tpu.memory_space<vmem_shared>>) target_semaphore(%arg16 : memref<!tpu.dma_semaphore, #tpu.memory_space<semaphore_mem>>)
    %add3A_119 = arith.constant 7820 : i32
    %add3A_120 = arith.addi %mul3A_0, %add3A_119 : i32
    %dma_start3A_121 = arith.constant 0 : i32
    %dma_start3A_122 = tpu.memref_slice %arg15[%add3A_120, %dma_start3A_121] : memref<200192x8xf32, #tpu.memory_space<vmem_shared>> -> memref<391x8xf32, #tpu.memory_space<vmem_shared>>
    %dma_start3A_123 = arith.constant 0 : i32
    %dma_start3A_124 = tpu.memref_slice %arg15[%add3A_120, %dma_start3A_123] : memref<200192x8xf32, #tpu.memory_space<vmem_shared>> -> memref<391x8xf32, #tpu.memory_space<vmem_shared>>
    tpu.enqueue_dma source(%arg13 : memref<391x8xf32, #tpu.memory_space<vmem>>) target(%dma_start3A_124 : memref<391x8xf32, #tpu.memory_space<vmem_shared>>) target_semaphore(%arg16 : memref<!tpu.dma_semaphore, #tpu.memory_space<semaphore_mem>>)
    %add3A_125 = arith.constant 8211 : i32
    %add3A_126 = arith.addi %mul3A_0, %add3A_125 : i32
    %dma_start3A_127 = arith.constant 0 : i32
    %dma_start3A_128 = tpu.memref_slice %arg15[%add3A_126, %dma_start3A_127] : memref<200192x8xf32, #tpu.memory_space<vmem_shared>> -> memref<391x8xf32, #tpu.memory_space<vmem_shared>>
    %dma_start3A_129 = arith.constant 0 : i32
    %dma_start3A_130 = tpu.memref_slice %arg15[%add3A_126, %dma_start3A_129] : memref<200192x8xf32, #tpu.memory_space<vmem_shared>> -> memref<391x8xf32, #tpu.memory_space<vmem_shared>>
    tpu.enqueue_dma source(%arg13 : memref<391x8xf32, #tpu.memory_space<vmem>>) target(%dma_start3A_130 : memref<391x8xf32, #tpu.memory_space<vmem_shared>>) target_semaphore(%arg16 : memref<!tpu.dma_semaphore, #tpu.memory_space<semaphore_mem>>)
    %add3A_131 = arith.constant 8602 : i32
    %add3A_132 = arith.addi %mul3A_0, %add3A_131 : i32
    %dma_start3A_133 = arith.constant 0 : i32
    %dma_start3A_134 = tpu.memref_slice %arg15[%add3A_132, %dma_start3A_133] : memref<200192x8xf32, #tpu.memory_space<vmem_shared>> -> memref<391x8xf32, #tpu.memory_space<vmem_shared>>
    %dma_start3A_135 = arith.constant 0 : i32
    %dma_start3A_136 = tpu.memref_slice %arg15[%add3A_132, %dma_start3A_135] : memref<200192x8xf32, #tpu.memory_space<vmem_shared>> -> memref<391x8xf32, #tpu.memory_space<vmem_shared>>
    tpu.enqueue_dma source(%arg13 : memref<391x8xf32, #tpu.memory_space<vmem>>) target(%dma_start3A_136 : memref<391x8xf32, #tpu.memory_space<vmem_shared>>) target_semaphore(%arg16 : memref<!tpu.dma_semaphore, #tpu.memory_space<semaphore_mem>>)
    %add3A_137 = arith.constant 8993 : i32
    %add3A_138 = arith.addi %mul3A_0, %add3A_137 : i32
    %dma_start3A_139 = arith.constant 0 : i32
    %dma_start3A_140 = tpu.memref_slice %arg15[%add3A_138, %dma_start3A_139] : memref<200192x8xf32, #tpu.memory_space<vmem_shared>> -> memref<391x8xf32, #tpu.memory_space<vmem_shared>>
    %dma_start3A_141 = arith.constant 0 : i32
    %dma_start3A_142 = tpu.memref_slice %arg15[%add3A_138, %dma_start3A_141] : memref<200192x8xf32, #tpu.memory_space<vmem_shared>> -> memref<391x8xf32, #tpu.memory_space<vmem_shared>>
    tpu.enqueue_dma source(%arg13 : memref<391x8xf32, #tpu.memory_space<vmem>>) target(%dma_start3A_142 : memref<391x8xf32, #tpu.memory_space<vmem_shared>>) target_semaphore(%arg16 : memref<!tpu.dma_semaphore, #tpu.memory_space<semaphore_mem>>)
    %add3A_143 = arith.constant 9384 : i32
    %add3A_144 = arith.addi %mul3A_0, %add3A_143 : i32
    %dma_start3A_145 = arith.constant 0 : i32
    %dma_start3A_146 = tpu.memref_slice %arg15[%add3A_144, %dma_start3A_145] : memref<200192x8xf32, #tpu.memory_space<vmem_shared>> -> memref<391x8xf32, #tpu.memory_space<vmem_shared>>
    %dma_start3A_147 = arith.constant 0 : i32
    %dma_start3A_148 = tpu.memref_slice %arg15[%add3A_144, %dma_start3A_147] : memref<200192x8xf32, #tpu.memory_space<vmem_shared>> -> memref<391x8xf32, #tpu.memory_space<vmem_shared>>
    tpu.enqueue_dma source(%arg13 : memref<391x8xf32, #tpu.memory_space<vmem>>) target(%dma_start3A_148 : memref<391x8xf32, #tpu.memory_space<vmem_shared>>) target_semaphore(%arg16 : memref<!tpu.dma_semaphore, #tpu.memory_space<semaphore_mem>>)
    %add3A_149 = arith.constant 9775 : i32
    %add3A_150 = arith.addi %mul3A_0, %add3A_149 : i32
    %dma_start3A_151 = arith.constant 0 : i32
    %dma_start3A_152 = tpu.memref_slice %arg15[%add3A_150, %dma_start3A_151] : memref<200192x8xf32, #tpu.memory_space<vmem_shared>> -> memref<391x8xf32, #tpu.memory_space<vmem_shared>>
    %dma_start3A_153 = arith.constant 0 : i32
    %dma_start3A_154 = tpu.memref_slice %arg15[%add3A_150, %dma_start3A_153] : memref<200192x8xf32, #tpu.memory_space<vmem_shared>> -> memref<391x8xf32, #tpu.memory_space<vmem_shared>>
    tpu.enqueue_dma source(%arg13 : memref<391x8xf32, #tpu.memory_space<vmem>>) target(%dma_start3A_154 : memref<391x8xf32, #tpu.memory_space<vmem_shared>>) target_semaphore(%arg16 : memref<!tpu.dma_semaphore, #tpu.memory_space<semaphore_mem>>)
    %add3A_155 = arith.constant 10166 : i32
    %add3A_156 = arith.addi %mul3A_0, %add3A_155 : i32
    %dma_start3A_157 = arith.constant 0 : i32
    %dma_start3A_158 = tpu.memref_slice %arg15[%add3A_156, %dma_start3A_157] : memref<200192x8xf32, #tpu.memory_space<vmem_shared>> -> memref<391x8xf32, #tpu.memory_space<vmem_shared>>
    %dma_start3A_159 = arith.constant 0 : i32
    %dma_start3A_160 = tpu.memref_slice %arg15[%add3A_156, %dma_start3A_159] : memref<200192x8xf32, #tpu.memory_space<vmem_shared>> -> memref<391x8xf32, #tpu.memory_space<vmem_shared>>
    tpu.enqueue_dma source(%arg13 : memref<391x8xf32, #tpu.memory_space<vmem>>) target(%dma_start3A_160 : memref<391x8xf32, #tpu.memory_space<vmem_shared>>) target_semaphore(%arg16 : memref<!tpu.dma_semaphore, #tpu.memory_space<semaphore_mem>>)
    %add3A_161 = arith.constant 10557 : i32
    %add3A_162 = arith.addi %mul3A_0, %add3A_161 : i32
    %dma_start3A_163 = arith.constant 0 : i32
    %dma_start3A_164 = tpu.memref_slice %arg15[%add3A_162, %dma_start3A_163] : memref<200192x8xf32, #tpu.memory_space<vmem_shared>> -> memref<391x8xf32, #tpu.memory_space<vmem_shared>>
    %dma_start3A_165 = arith.constant 0 : i32
    %dma_start3A_166 = tpu.memref_slice %arg15[%add3A_162, %dma_start3A_165] : memref<200192x8xf32, #tpu.memory_space<vmem_shared>> -> memref<391x8xf32, #tpu.memory_space<vmem_shared>>
    tpu.enqueue_dma source(%arg13 : memref<391x8xf32, #tpu.memory_space<vmem>>) target(%dma_start3A_166 : memref<391x8xf32, #tpu.memory_space<vmem_shared>>) target_semaphore(%arg16 : memref<!tpu.dma_semaphore, #tpu.memory_space<semaphore_mem>>)
    %add3A_167 = arith.constant 10948 : i32
    %add3A_168 = arith.addi %mul3A_0, %add3A_167 : i32
    %dma_start3A_169 = arith.constant 0 : i32
    %dma_start3A_170 = tpu.memref_slice %arg15[%add3A_168, %dma_start3A_169] : memref<200192x8xf32, #tpu.memory_space<vmem_shared>> -> memref<391x8xf32, #tpu.memory_space<vmem_shared>>
    %dma_start3A_171 = arith.constant 0 : i32
    %dma_start3A_172 = tpu.memref_slice %arg15[%add3A_168, %dma_start3A_171] : memref<200192x8xf32, #tpu.memory_space<vmem_shared>> -> memref<391x8xf32, #tpu.memory_space<vmem_shared>>
    tpu.enqueue_dma source(%arg13 : memref<391x8xf32, #tpu.memory_space<vmem>>) target(%dma_start3A_172 : memref<391x8xf32, #tpu.memory_space<vmem_shared>>) target_semaphore(%arg16 : memref<!tpu.dma_semaphore, #tpu.memory_space<semaphore_mem>>)
    %add3A_173 = arith.constant 11339 : i32
    %add3A_174 = arith.addi %mul3A_0, %add3A_173 : i32
    %dma_start3A_175 = arith.constant 0 : i32
    %dma_start3A_176 = tpu.memref_slice %arg15[%add3A_174, %dma_start3A_175] : memref<200192x8xf32, #tpu.memory_space<vmem_shared>> -> memref<391x8xf32, #tpu.memory_space<vmem_shared>>
    %dma_start3A_177 = arith.constant 0 : i32
    %dma_start3A_178 = tpu.memref_slice %arg15[%add3A_174, %dma_start3A_177] : memref<200192x8xf32, #tpu.memory_space<vmem_shared>> -> memref<391x8xf32, #tpu.memory_space<vmem_shared>>
    tpu.enqueue_dma source(%arg13 : memref<391x8xf32, #tpu.memory_space<vmem>>) target(%dma_start3A_178 : memref<391x8xf32, #tpu.memory_space<vmem_shared>>) target_semaphore(%arg16 : memref<!tpu.dma_semaphore, #tpu.memory_space<semaphore_mem>>)
    %add3A_179 = arith.constant 11730 : i32
    %add3A_180 = arith.addi %mul3A_0, %add3A_179 : i32
    %dma_start3A_181 = arith.constant 0 : i32
    %dma_start3A_182 = tpu.memref_slice %arg15[%add3A_180, %dma_start3A_181] : memref<200192x8xf32, #tpu.memory_space<vmem_shared>> -> memref<391x8xf32, #tpu.memory_space<vmem_shared>>
    %dma_start3A_183 = arith.constant 0 : i32
    %dma_start3A_184 = tpu.memref_slice %arg15[%add3A_180, %dma_start3A_183] : memref<200192x8xf32, #tpu.memory_space<vmem_shared>> -> memref<391x8xf32, #tpu.memory_space<vmem_shared>>
    tpu.enqueue_dma source(%arg13 : memref<391x8xf32, #tpu.memory_space<vmem>>) target(%dma_start3A_184 : memref<391x8xf32, #tpu.memory_space<vmem_shared>>) target_semaphore(%arg16 : memref<!tpu.dma_semaphore, #tpu.memory_space<semaphore_mem>>)
    %add3A_185 = arith.constant 12121 : i32
    %add3A_186 = arith.addi %mul3A_0, %add3A_185 : i32
    %dma_start3A_187 = arith.constant 0 : i32
    %dma_start3A_188 = tpu.memref_slice %arg15[%add3A_186, %dma_start3A_187] : memref<200192x8xf32, #tpu.memory_space<vmem_shared>> -> memref<391x8xf32, #tpu.memory_space<vmem_shared>>
    %dma_start3A_189 = arith.constant 0 : i32
    %dma_start3A_190 = tpu.memref_slice %arg15[%add3A_186, %dma_start3A_189] : memref<200192x8xf32, #tpu.memory_space<vmem_shared>> -> memref<391x8xf32, #tpu.memory_space<vmem_shared>>
    tpu.enqueue_dma source(%arg13 : memref<391x8xf32, #tpu.memory_space<vmem>>) target(%dma_start3A_190 : memref<391x8xf32, #tpu.memory_space<vmem_shared>>) target_semaphore(%arg16 : memref<!tpu.dma_semaphore, #tpu.memory_space<semaphore_mem>>)
    %dma_wait3A = arith.constant 0 : i32
    %dma_wait3A_191 = tpu.memref_slice %arg15[%add3A_1, %dma_wait3A] : memref<200192x8xf32, #tpu.memory_space<vmem_shared>> -> memref<391x8xf32, #tpu.memory_space<vmem_shared>>
    %dma_wait3A_192 = arith.constant 0 : i32
    %dma_wait3A_193 = tpu.memref_slice %arg15[%add3A_1, %dma_wait3A_192] : memref<200192x8xf32, #tpu.memory_space<vmem_shared>> -> memref<391x8xf32, #tpu.memory_space<vmem_shared>>
    tpu.wait_dma2 semaphore(%arg16 : memref<!tpu.dma_semaphore, #tpu.memory_space<semaphore_mem>>) src(%arg13 : memref<391x8xf32, #tpu.memory_space<vmem>>) dst(%dma_wait3A_193 : memref<391x8xf32, #tpu.memory_space<vmem_shared>>)
    %dma_wait3A_194 = arith.constant 0 : i32
    %dma_wait3A_195 = tpu.memref_slice %arg15[%add3A_6, %dma_wait3A_194] : memref<200192x8xf32, #tpu.memory_space<vmem_shared>> -> memref<391x8xf32, #tpu.memory_space<vmem_shared>>
    %dma_wait3A_196 = arith.constant 0 : i32
    %dma_wait3A_197 = tpu.memref_slice %arg15[%add3A_6, %dma_wait3A_196] : memref<200192x8xf32, #tpu.memory_space<vmem_shared>> -> memref<391x8xf32, #tpu.memory_space<vmem_shared>>
    tpu.wait_dma2 semaphore(%arg16 : memref<!tpu.dma_semaphore, #tpu.memory_space<semaphore_mem>>) src(%arg13 : memref<391x8xf32, #tpu.memory_space<vmem>>) dst(%dma_wait3A_197 : memref<391x8xf32, #tpu.memory_space<vmem_shared>>)
    %dma_wait3A_198 = arith.constant 0 : i32
    %dma_wait3A_199 = tpu.memref_slice %arg15[%add3A_12, %dma_wait3A_198] : memref<200192x8xf32, #tpu.memory_space<vmem_shared>> -> memref<391x8xf32, #tpu.memory_space<vmem_shared>>
    %dma_wait3A_200 = arith.constant 0 : i32
    %dma_wait3A_201 = tpu.memref_slice %arg15[%add3A_12, %dma_wait3A_200] : memref<200192x8xf32, #tpu.memory_space<vmem_shared>> -> memref<391x8xf32, #tpu.memory_space<vmem_shared>>
    tpu.wait_dma2 semaphore(%arg16 : memref<!tpu.dma_semaphore, #tpu.memory_space<semaphore_mem>>) src(%arg13 : memref<391x8xf32, #tpu.memory_space<vmem>>) dst(%dma_wait3A_201 : memref<391x8xf32, #tpu.memory_space<vmem_shared>>)
    %dma_wait3A_202 = arith.constant 0 : i32
    %dma_wait3A_203 = tpu.memref_slice %arg15[%add3A_18, %dma_wait3A_202] : memref<200192x8xf32, #tpu.memory_space<vmem_shared>> -> memref<391x8xf32, #tpu.memory_space<vmem_shared>>
    %dma_wait3A_204 = arith.constant 0 : i32
    %dma_wait3A_205 = tpu.memref_slice %arg15[%add3A_18, %dma_wait3A_204] : memref<200192x8xf32, #tpu.memory_space<vmem_shared>> -> memref<391x8xf32, #tpu.memory_space<vmem_shared>>
    tpu.wait_dma2 semaphore(%arg16 : memref<!tpu.dma_semaphore, #tpu.memory_space<semaphore_mem>>) src(%arg13 : memref<391x8xf32, #tpu.memory_space<vmem>>) dst(%dma_wait3A_205 : memref<391x8xf32, #tpu.memory_space<vmem_shared>>)
    %dma_wait3A_206 = arith.constant 0 : i32
    %dma_wait3A_207 = tpu.memref_slice %arg15[%add3A_24, %dma_wait3A_206] : memref<200192x8xf32, #tpu.memory_space<vmem_shared>> -> memref<391x8xf32, #tpu.memory_space<vmem_shared>>
    %dma_wait3A_208 = arith.constant 0 : i32
    %dma_wait3A_209 = tpu.memref_slice %arg15[%add3A_24, %dma_wait3A_208] : memref<200192x8xf32, #tpu.memory_space<vmem_shared>> -> memref<391x8xf32, #tpu.memory_space<vmem_shared>>
    tpu.wait_dma2 semaphore(%arg16 : memref<!tpu.dma_semaphore, #tpu.memory_space<semaphore_mem>>) src(%arg13 : memref<391x8xf32, #tpu.memory_space<vmem>>) dst(%dma_wait3A_209 : memref<391x8xf32, #tpu.memory_space<vmem_shared>>)
    %dma_wait3A_210 = arith.constant 0 : i32
    %dma_wait3A_211 = tpu.memref_slice %arg15[%add3A_30, %dma_wait3A_210] : memref<200192x8xf32, #tpu.memory_space<vmem_shared>> -> memref<391x8xf32, #tpu.memory_space<vmem_shared>>
    %dma_wait3A_212 = arith.constant 0 : i32
    %dma_wait3A_213 = tpu.memref_slice %arg15[%add3A_30, %dma_wait3A_212] : memref<200192x8xf32, #tpu.memory_space<vmem_shared>> -> memref<391x8xf32, #tpu.memory_space<vmem_shared>>
    tpu.wait_dma2 semaphore(%arg16 : memref<!tpu.dma_semaphore, #tpu.memory_space<semaphore_mem>>) src(%arg13 : memref<391x8xf32, #tpu.memory_space<vmem>>) dst(%dma_wait3A_213 : memref<391x8xf32, #tpu.memory_space<vmem_shared>>)
    %dma_wait3A_214 = arith.constant 0 : i32
    %dma_wait3A_215 = tpu.memref_slice %arg15[%add3A_36, %dma_wait3A_214] : memref<200192x8xf32, #tpu.memory_space<vmem_shared>> -> memref<391x8xf32, #tpu.memory_space<vmem_shared>>
    %dma_wait3A_216 = arith.constant 0 : i32
    %dma_wait3A_217 = tpu.memref_slice %arg15[%add3A_36, %dma_wait3A_216] : memref<200192x8xf32, #tpu.memory_space<vmem_shared>> -> memref<391x8xf32, #tpu.memory_space<vmem_shared>>
    tpu.wait_dma2 semaphore(%arg16 : memref<!tpu.dma_semaphore, #tpu.memory_space<semaphore_mem>>) src(%arg13 : memref<391x8xf32, #tpu.memory_space<vmem>>) dst(%dma_wait3A_217 : memref<391x8xf32, #tpu.memory_space<vmem_shared>>)
    %dma_wait3A_218 = arith.constant 0 : i32
    %dma_wait3A_219 = tpu.memref_slice %arg15[%add3A_42, %dma_wait3A_218] : memref<200192x8xf32, #tpu.memory_space<vmem_shared>> -> memref<391x8xf32, #tpu.memory_space<vmem_shared>>
    %dma_wait3A_220 = arith.constant 0 : i32
    %dma_wait3A_221 = tpu.memref_slice %arg15[%add3A_42, %dma_wait3A_220] : memref<200192x8xf32, #tpu.memory_space<vmem_shared>> -> memref<391x8xf32, #tpu.memory_space<vmem_shared>>
    tpu.wait_dma2 semaphore(%arg16 : memref<!tpu.dma_semaphore, #tpu.memory_space<semaphore_mem>>) src(%arg13 : memref<391x8xf32, #tpu.memory_space<vmem>>) dst(%dma_wait3A_221 : memref<391x8xf32, #tpu.memory_space<vmem_shared>>)
    %dma_wait3A_222 = arith.constant 0 : i32
    %dma_wait3A_223 = tpu.memref_slice %arg15[%add3A_48, %dma_wait3A_222] : memref<200192x8xf32, #tpu.memory_space<vmem_shared>> -> memref<391x8xf32, #tpu.memory_space<vmem_shared>>
    %dma_wait3A_224 = arith.constant 0 : i32
    %dma_wait3A_225 = tpu.memref_slice %arg15[%add3A_48, %dma_wait3A_224] : memref<200192x8xf32, #tpu.memory_space<vmem_shared>> -> memref<391x8xf32, #tpu.memory_space<vmem_shared>>
    tpu.wait_dma2 semaphore(%arg16 : memref<!tpu.dma_semaphore, #tpu.memory_space<semaphore_mem>>) src(%arg13 : memref<391x8xf32, #tpu.memory_space<vmem>>) dst(%dma_wait3A_225 : memref<391x8xf32, #tpu.memory_space<vmem_shared>>)
    %dma_wait3A_226 = arith.constant 0 : i32
    %dma_wait3A_227 = tpu.memref_slice %arg15[%add3A_54, %dma_wait3A_226] : memref<200192x8xf32, #tpu.memory_space<vmem_shared>> -> memref<391x8xf32, #tpu.memory_space<vmem_shared>>
    %dma_wait3A_228 = arith.constant 0 : i32
    %dma_wait3A_229 = tpu.memref_slice %arg15[%add3A_54, %dma_wait3A_228] : memref<200192x8xf32, #tpu.memory_space<vmem_shared>> -> memref<391x8xf32, #tpu.memory_space<vmem_shared>>
    tpu.wait_dma2 semaphore(%arg16 : memref<!tpu.dma_semaphore, #tpu.memory_space<semaphore_mem>>) src(%arg13 : memref<391x8xf32, #tpu.memory_space<vmem>>) dst(%dma_wait3A_229 : memref<391x8xf32, #tpu.memory_space<vmem_shared>>)
    %dma_wait3A_230 = arith.constant 0 : i32
    %dma_wait3A_231 = tpu.memref_slice %arg15[%add3A_60, %dma_wait3A_230] : memref<200192x8xf32, #tpu.memory_space<vmem_shared>> -> memref<391x8xf32, #tpu.memory_space<vmem_shared>>
    %dma_wait3A_232 = arith.constant 0 : i32
    %dma_wait3A_233 = tpu.memref_slice %arg15[%add3A_60, %dma_wait3A_232] : memref<200192x8xf32, #tpu.memory_space<vmem_shared>> -> memref<391x8xf32, #tpu.memory_space<vmem_shared>>
    tpu.wait_dma2 semaphore(%arg16 : memref<!tpu.dma_semaphore, #tpu.memory_space<semaphore_mem>>) src(%arg13 : memref<391x8xf32, #tpu.memory_space<vmem>>) dst(%dma_wait3A_233 : memref<391x8xf32, #tpu.memory_space<vmem_shared>>)
    %dma_wait3A_234 = arith.constant 0 : i32
    %dma_wait3A_235 = tpu.memref_slice %arg15[%add3A_66, %dma_wait3A_234] : memref<200192x8xf32, #tpu.memory_space<vmem_shared>> -> memref<391x8xf32, #tpu.memory_space<vmem_shared>>
    %dma_wait3A_236 = arith.constant 0 : i32
    %dma_wait3A_237 = tpu.memref_slice %arg15[%add3A_66, %dma_wait3A_236] : memref<200192x8xf32, #tpu.memory_space<vmem_shared>> -> memref<391x8xf32, #tpu.memory_space<vmem_shared>>
    tpu.wait_dma2 semaphore(%arg16 : memref<!tpu.dma_semaphore, #tpu.memory_space<semaphore_mem>>) src(%arg13 : memref<391x8xf32, #tpu.memory_space<vmem>>) dst(%dma_wait3A_237 : memref<391x8xf32, #tpu.memory_space<vmem_shared>>)
    %dma_wait3A_238 = arith.constant 0 : i32
    %dma_wait3A_239 = tpu.memref_slice %arg15[%add3A_72, %dma_wait3A_238] : memref<200192x8xf32, #tpu.memory_space<vmem_shared>> -> memref<391x8xf32, #tpu.memory_space<vmem_shared>>
    %dma_wait3A_240 = arith.constant 0 : i32
    %dma_wait3A_241 = tpu.memref_slice %arg15[%add3A_72, %dma_wait3A_240] : memref<200192x8xf32, #tpu.memory_space<vmem_shared>> -> memref<391x8xf32, #tpu.memory_space<vmem_shared>>
    tpu.wait_dma2 semaphore(%arg16 : memref<!tpu.dma_semaphore, #tpu.memory_space<semaphore_mem>>) src(%arg13 : memref<391x8xf32, #tpu.memory_space<vmem>>) dst(%dma_wait3A_241 : memref<391x8xf32, #tpu.memory_space<vmem_shared>>)
    %dma_wait3A_242 = arith.constant 0 : i32
    %dma_wait3A_243 = tpu.memref_slice %arg15[%add3A_78, %dma_wait3A_242] : memref<200192x8xf32, #tpu.memory_space<vmem_shared>> -> memref<391x8xf32, #tpu.memory_space<vmem_shared>>
    %dma_wait3A_244 = arith.constant 0 : i32
    %dma_wait3A_245 = tpu.memref_slice %arg15[%add3A_78, %dma_wait3A_244] : memref<200192x8xf32, #tpu.memory_space<vmem_shared>> -> memref<391x8xf32, #tpu.memory_space<vmem_shared>>
    tpu.wait_dma2 semaphore(%arg16 : memref<!tpu.dma_semaphore, #tpu.memory_space<semaphore_mem>>) src(%arg13 : memref<391x8xf32, #tpu.memory_space<vmem>>) dst(%dma_wait3A_245 : memref<391x8xf32, #tpu.memory_space<vmem_shared>>)
    %dma_wait3A_246 = arith.constant 0 : i32
    %dma_wait3A_247 = tpu.memref_slice %arg15[%add3A_84, %dma_wait3A_246] : memref<200192x8xf32, #tpu.memory_space<vmem_shared>> -> memref<391x8xf32, #tpu.memory_space<vmem_shared>>
    %dma_wait3A_248 = arith.constant 0 : i32
    %dma_wait3A_249 = tpu.memref_slice %arg15[%add3A_84, %dma_wait3A_248] : memref<200192x8xf32, #tpu.memory_space<vmem_shared>> -> memref<391x8xf32, #tpu.memory_space<vmem_shared>>
    tpu.wait_dma2 semaphore(%arg16 : memref<!tpu.dma_semaphore, #tpu.memory_space<semaphore_mem>>) src(%arg13 : memref<391x8xf32, #tpu.memory_space<vmem>>) dst(%dma_wait3A_249 : memref<391x8xf32, #tpu.memory_space<vmem_shared>>)
    %dma_wait3A_250 = arith.constant 0 : i32
    %dma_wait3A_251 = tpu.memref_slice %arg15[%add3A_90, %dma_wait3A_250] : memref<200192x8xf32, #tpu.memory_space<vmem_shared>> -> memref<391x8xf32, #tpu.memory_space<vmem_shared>>
    %dma_wait3A_252 = arith.constant 0 : i32
    %dma_wait3A_253 = tpu.memref_slice %arg15[%add3A_90, %dma_wait3A_252] : memref<200192x8xf32, #tpu.memory_space<vmem_shared>> -> memref<391x8xf32, #tpu.memory_space<vmem_shared>>
    tpu.wait_dma2 semaphore(%arg16 : memref<!tpu.dma_semaphore, #tpu.memory_space<semaphore_mem>>) src(%arg13 : memref<391x8xf32, #tpu.memory_space<vmem>>) dst(%dma_wait3A_253 : memref<391x8xf32, #tpu.memory_space<vmem_shared>>)
    %dma_wait3A_254 = arith.constant 0 : i32
    %dma_wait3A_255 = tpu.memref_slice %arg15[%add3A_96, %dma_wait3A_254] : memref<200192x8xf32, #tpu.memory_space<vmem_shared>> -> memref<391x8xf32, #tpu.memory_space<vmem_shared>>
    %dma_wait3A_256 = arith.constant 0 : i32
    %dma_wait3A_257 = tpu.memref_slice %arg15[%add3A_96, %dma_wait3A_256] : memref<200192x8xf32, #tpu.memory_space<vmem_shared>> -> memref<391x8xf32, #tpu.memory_space<vmem_shared>>
    tpu.wait_dma2 semaphore(%arg16 : memref<!tpu.dma_semaphore, #tpu.memory_space<semaphore_mem>>) src(%arg13 : memref<391x8xf32, #tpu.memory_space<vmem>>) dst(%dma_wait3A_257 : memref<391x8xf32, #tpu.memory_space<vmem_shared>>)
    %dma_wait3A_258 = arith.constant 0 : i32
    %dma_wait3A_259 = tpu.memref_slice %arg15[%add3A_102, %dma_wait3A_258] : memref<200192x8xf32, #tpu.memory_space<vmem_shared>> -> memref<391x8xf32, #tpu.memory_space<vmem_shared>>
    %dma_wait3A_260 = arith.constant 0 : i32
    %dma_wait3A_261 = tpu.memref_slice %arg15[%add3A_102, %dma_wait3A_260] : memref<200192x8xf32, #tpu.memory_space<vmem_shared>> -> memref<391x8xf32, #tpu.memory_space<vmem_shared>>
    tpu.wait_dma2 semaphore(%arg16 : memref<!tpu.dma_semaphore, #tpu.memory_space<semaphore_mem>>) src(%arg13 : memref<391x8xf32, #tpu.memory_space<vmem>>) dst(%dma_wait3A_261 : memref<391x8xf32, #tpu.memory_space<vmem_shared>>)
    %dma_wait3A_262 = arith.constant 0 : i32
    %dma_wait3A_263 = tpu.memref_slice %arg15[%add3A_108, %dma_wait3A_262] : memref<200192x8xf32, #tpu.memory_space<vmem_shared>> -> memref<391x8xf32, #tpu.memory_space<vmem_shared>>
    %dma_wait3A_264 = arith.constant 0 : i32
    %dma_wait3A_265 = tpu.memref_slice %arg15[%add3A_108, %dma_wait3A_264] : memref<200192x8xf32, #tpu.memory_space<vmem_shared>> -> memref<391x8xf32, #tpu.memory_space<vmem_shared>>
    tpu.wait_dma2 semaphore(%arg16 : memref<!tpu.dma_semaphore, #tpu.memory_space<semaphore_mem>>) src(%arg13 : memref<391x8xf32, #tpu.memory_space<vmem>>) dst(%dma_wait3A_265 : memref<391x8xf32, #tpu.memory_space<vmem_shared>>)
    %dma_wait3A_266 = arith.constant 0 : i32
    %dma_wait3A_267 = tpu.memref_slice %arg15[%add3A_114, %dma_wait3A_266] : memref<200192x8xf32, #tpu.memory_space<vmem_shared>> -> memref<391x8xf32, #tpu.memory_space<vmem_shared>>
    %dma_wait3A_268 = arith.constant 0 : i32
    %dma_wait3A_269 = tpu.memref_slice %arg15[%add3A_114, %dma_wait3A_268] : memref<200192x8xf32, #tpu.memory_space<vmem_shared>> -> memref<391x8xf32, #tpu.memory_space<vmem_shared>>
    tpu.wait_dma2 semaphore(%arg16 : memref<!tpu.dma_semaphore, #tpu.memory_space<semaphore_mem>>) src(%arg13 : memref<391x8xf32, #tpu.memory_space<vmem>>) dst(%dma_wait3A_269 : memref<391x8xf32, #tpu.memory_space<vmem_shared>>)
    %dma_wait3A_270 = arith.constant 0 : i32
    %dma_wait3A_271 = tpu.memref_slice %arg15[%add3A_120, %dma_wait3A_270] : memref<200192x8xf32, #tpu.memory_space<vmem_shared>> -> memref<391x8xf32, #tpu.memory_space<vmem_shared>>
    %dma_wait3A_272 = arith.constant 0 : i32
    %dma_wait3A_273 = tpu.memref_slice %arg15[%add3A_120, %dma_wait3A_272] : memref<200192x8xf32, #tpu.memory_space<vmem_shared>> -> memref<391x8xf32, #tpu.memory_space<vmem_shared>>
    tpu.wait_dma2 semaphore(%arg16 : memref<!tpu.dma_semaphore, #tpu.memory_space<semaphore_mem>>) src(%arg13 : memref<391x8xf32, #tpu.memory_space<vmem>>) dst(%dma_wait3A_273 : memref<391x8xf32, #tpu.memory_space<vmem_shared>>)
    %dma_wait3A_274 = arith.constant 0 : i32
    %dma_wait3A_275 = tpu.memref_slice %arg15[%add3A_126, %dma_wait3A_274] : memref<200192x8xf32, #tpu.memory_space<vmem_shared>> -> memref<391x8xf32, #tpu.memory_space<vmem_shared>>
    %dma_wait3A_276 = arith.constant 0 : i32
    %dma_wait3A_277 = tpu.memref_slice %arg15[%add3A_126, %dma_wait3A_276] : memref<200192x8xf32, #tpu.memory_space<vmem_shared>> -> memref<391x8xf32, #tpu.memory_space<vmem_shared>>
    tpu.wait_dma2 semaphore(%arg16 : memref<!tpu.dma_semaphore, #tpu.memory_space<semaphore_mem>>) src(%arg13 : memref<391x8xf32, #tpu.memory_space<vmem>>) dst(%dma_wait3A_277 : memref<391x8xf32, #tpu.memory_space<vmem_shared>>)
    %dma_wait3A_278 = arith.constant 0 : i32
    %dma_wait3A_279 = tpu.memref_slice %arg15[%add3A_132, %dma_wait3A_278] : memref<200192x8xf32, #tpu.memory_space<vmem_shared>> -> memref<391x8xf32, #tpu.memory_space<vmem_shared>>
    %dma_wait3A_280 = arith.constant 0 : i32
    %dma_wait3A_281 = tpu.memref_slice %arg15[%add3A_132, %dma_wait3A_280] : memref<200192x8xf32, #tpu.memory_space<vmem_shared>> -> memref<391x8xf32, #tpu.memory_space<vmem_shared>>
    tpu.wait_dma2 semaphore(%arg16 : memref<!tpu.dma_semaphore, #tpu.memory_space<semaphore_mem>>) src(%arg13 : memref<391x8xf32, #tpu.memory_space<vmem>>) dst(%dma_wait3A_281 : memref<391x8xf32, #tpu.memory_space<vmem_shared>>)
    %dma_wait3A_282 = arith.constant 0 : i32
    %dma_wait3A_283 = tpu.memref_slice %arg15[%add3A_138, %dma_wait3A_282] : memref<200192x8xf32, #tpu.memory_space<vmem_shared>> -> memref<391x8xf32, #tpu.memory_space<vmem_shared>>
    %dma_wait3A_284 = arith.constant 0 : i32
    %dma_wait3A_285 = tpu.memref_slice %arg15[%add3A_138, %dma_wait3A_284] : memref<200192x8xf32, #tpu.memory_space<vmem_shared>> -> memref<391x8xf32, #tpu.memory_space<vmem_shared>>
    tpu.wait_dma2 semaphore(%arg16 : memref<!tpu.dma_semaphore, #tpu.memory_space<semaphore_mem>>) src(%arg13 : memref<391x8xf32, #tpu.memory_space<vmem>>) dst(%dma_wait3A_285 : memref<391x8xf32, #tpu.memory_space<vmem_shared>>)
    %dma_wait3A_286 = arith.constant 0 : i32
    %dma_wait3A_287 = tpu.memref_slice %arg15[%add3A_144, %dma_wait3A_286] : memref<200192x8xf32, #tpu.memory_space<vmem_shared>> -> memref<391x8xf32, #tpu.memory_space<vmem_shared>>
    %dma_wait3A_288 = arith.constant 0 : i32
    %dma_wait3A_289 = tpu.memref_slice %arg15[%add3A_144, %dma_wait3A_288] : memref<200192x8xf32, #tpu.memory_space<vmem_shared>> -> memref<391x8xf32, #tpu.memory_space<vmem_shared>>
    tpu.wait_dma2 semaphore(%arg16 : memref<!tpu.dma_semaphore, #tpu.memory_space<semaphore_mem>>) src(%arg13 : memref<391x8xf32, #tpu.memory_space<vmem>>) dst(%dma_wait3A_289 : memref<391x8xf32, #tpu.memory_space<vmem_shared>>)
    %dma_wait3A_290 = arith.constant 0 : i32
    %dma_wait3A_291 = tpu.memref_slice %arg15[%add3A_150, %dma_wait3A_290] : memref<200192x8xf32, #tpu.memory_space<vmem_shared>> -> memref<391x8xf32, #tpu.memory_space<vmem_shared>>
    %dma_wait3A_292 = arith.constant 0 : i32
    %dma_wait3A_293 = tpu.memref_slice %arg15[%add3A_150, %dma_wait3A_292] : memref<200192x8xf32, #tpu.memory_space<vmem_shared>> -> memref<391x8xf32, #tpu.memory_space<vmem_shared>>
    tpu.wait_dma2 semaphore(%arg16 : memref<!tpu.dma_semaphore, #tpu.memory_space<semaphore_mem>>) src(%arg13 : memref<391x8xf32, #tpu.memory_space<vmem>>) dst(%dma_wait3A_293 : memref<391x8xf32, #tpu.memory_space<vmem_shared>>)
    %dma_wait3A_294 = arith.constant 0 : i32
    %dma_wait3A_295 = tpu.memref_slice %arg15[%add3A_156, %dma_wait3A_294] : memref<200192x8xf32, #tpu.memory_space<vmem_shared>> -> memref<391x8xf32, #tpu.memory_space<vmem_shared>>
    %dma_wait3A_296 = arith.constant 0 : i32
    %dma_wait3A_297 = tpu.memref_slice %arg15[%add3A_156, %dma_wait3A_296] : memref<200192x8xf32, #tpu.memory_space<vmem_shared>> -> memref<391x8xf32, #tpu.memory_space<vmem_shared>>
    tpu.wait_dma2 semaphore(%arg16 : memref<!tpu.dma_semaphore, #tpu.memory_space<semaphore_mem>>) src(%arg13 : memref<391x8xf32, #tpu.memory_space<vmem>>) dst(%dma_wait3A_297 : memref<391x8xf32, #tpu.memory_space<vmem_shared>>)
    %dma_wait3A_298 = arith.constant 0 : i32
    %dma_wait3A_299 = tpu.memref_slice %arg15[%add3A_162, %dma_wait3A_298] : memref<200192x8xf32, #tpu.memory_space<vmem_shared>> -> memref<391x8xf32, #tpu.memory_space<vmem_shared>>
    %dma_wait3A_300 = arith.constant 0 : i32
    %dma_wait3A_301 = tpu.memref_slice %arg15[%add3A_162, %dma_wait3A_300] : memref<200192x8xf32, #tpu.memory_space<vmem_shared>> -> memref<391x8xf32, #tpu.memory_space<vmem_shared>>
    tpu.wait_dma2 semaphore(%arg16 : memref<!tpu.dma_semaphore, #tpu.memory_space<semaphore_mem>>) src(%arg13 : memref<391x8xf32, #tpu.memory_space<vmem>>) dst(%dma_wait3A_301 : memref<391x8xf32, #tpu.memory_space<vmem_shared>>)
    %dma_wait3A_302 = arith.constant 0 : i32
    %dma_wait3A_303 = tpu.memref_slice %arg15[%add3A_168, %dma_wait3A_302] : memref<200192x8xf32, #tpu.memory_space<vmem_shared>> -> memref<391x8xf32, #tpu.memory_space<vmem_shared>>
    %dma_wait3A_304 = arith.constant 0 : i32
    %dma_wait3A_305 = tpu.memref_slice %arg15[%add3A_168, %dma_wait3A_304] : memref<200192x8xf32, #tpu.memory_space<vmem_shared>> -> memref<391x8xf32, #tpu.memory_space<vmem_shared>>
    tpu.wait_dma2 semaphore(%arg16 : memref<!tpu.dma_semaphore, #tpu.memory_space<semaphore_mem>>) src(%arg13 : memref<391x8xf32, #tpu.memory_space<vmem>>) dst(%dma_wait3A_305 : memref<391x8xf32, #tpu.memory_space<vmem_shared>>)
    %dma_wait3A_306 = arith.constant 0 : i32
    %dma_wait3A_307 = tpu.memref_slice %arg15[%add3A_174, %dma_wait3A_306] : memref<200192x8xf32, #tpu.memory_space<vmem_shared>> -> memref<391x8xf32, #tpu.memory_space<vmem_shared>>
    %dma_wait3A_308 = arith.constant 0 : i32
    %dma_wait3A_309 = tpu.memref_slice %arg15[%add3A_174, %dma_wait3A_308] : memref<200192x8xf32, #tpu.memory_space<vmem_shared>> -> memref<391x8xf32, #tpu.memory_space<vmem_shared>>
    tpu.wait_dma2 semaphore(%arg16 : memref<!tpu.dma_semaphore, #tpu.memory_space<semaphore_mem>>) src(%arg13 : memref<391x8xf32, #tpu.memory_space<vmem>>) dst(%dma_wait3A_309 : memref<391x8xf32, #tpu.memory_space<vmem_shared>>)
    %dma_wait3A_310 = arith.constant 0 : i32
    %dma_wait3A_311 = tpu.memref_slice %arg15[%add3A_180, %dma_wait3A_310] : memref<200192x8xf32, #tpu.memory_space<vmem_shared>> -> memref<391x8xf32, #tpu.memory_space<vmem_shared>>
    %dma_wait3A_312 = arith.constant 0 : i32
    %dma_wait3A_313 = tpu.memref_slice %arg15[%add3A_180, %dma_wait3A_312] : memref<200192x8xf32, #tpu.memory_space<vmem_shared>> -> memref<391x8xf32, #tpu.memory_space<vmem_shared>>
    tpu.wait_dma2 semaphore(%arg16 : memref<!tpu.dma_semaphore, #tpu.memory_space<semaphore_mem>>) src(%arg13 : memref<391x8xf32, #tpu.memory_space<vmem>>) dst(%dma_wait3A_313 : memref<391x8xf32, #tpu.memory_space<vmem_shared>>)
    %dma_wait3A_314 = arith.constant 0 : i32
    %dma_wait3A_315 = tpu.memref_slice %arg15[%add3A_186, %dma_wait3A_314] : memref<200192x8xf32, #tpu.memory_space<vmem_shared>> -> memref<391x8xf32, #tpu.memory_space<vmem_shared>>
    %dma_wait3A_316 = arith.constant 0 : i32
    %dma_wait3A_317 = tpu.memref_slice %arg15[%add3A_186, %dma_wait3A_316] : memref<200192x8xf32, #tpu.memory_space<vmem_shared>> -> memref<391x8xf32, #tpu.memory_space<vmem_shared>>
    tpu.wait_dma2 semaphore(%arg16 : memref<!tpu.dma_semaphore, #tpu.memory_space<semaphore_mem>>) src(%arg13 : memref<391x8xf32, #tpu.memory_space<vmem>>) dst(%dma_wait3A_317 : memref<391x8xf32, #tpu.memory_space<vmem_shared>>)
    %barrier3A = arith.constant 0 : index
    tpu.barrier barrier_id(%barrier3A)
    %while3A = arith.constant 0 : i32
    %while3A_318 = arith.constant 0 : i32
    %while3A_319 = arith.constant 22 : i32
    %while3A_320 = arith.subi %while3A_319, %while3A_318 : i32
    %while3A_321 = arith.addi %while3A_318, %while3A_320 : i32
    %while3A_322 = arith.constant 1 : i32
    %while3A_323 = arith.divsi %while3A_320, %while3A_322 : i32
    %while3A_324 = arith.muli %while3A_323, %while3A_322 : i32
    %while3A_325 = arith.addi %while3A_318, %while3A_324 : i32
    %while3A_326 = arith.constant 1 : i32
    scf.for %while3A_1097 = %while3A_318 to %while3A_325 step %while3A_326  : i32 {
      %mul3A_1098 = arith.constant 2 : i32
      %mul3A_1099 = arith.muli %while3A_1097, %mul3A_1098 : i32
      %add3A_1100 = arith.constant 1 : i32
      %add3A_1101 = arith.addi %mul3A_1099, %add3A_1100 : i32
      %dma_start3A_1102 = arith.constant 0 : i32
      %dma_start3A_1103 = arith.constant 0 : i32
      %dma_start3A_1104 = tpu.memref_slice %arg3[%arg1, %mul3A_1099, %dma_start3A_1102, %dma_start3A_1103] : memref<16x44x8x128xi32, #tpu.memory_space<hbm>> -> memref<1x1x8x128xi32, #tpu.memory_space<hbm>>
      %dma_start3A_1105 = tpu.memref_squeeze %dma_start3A_1104 : memref<1x1x8x128xi32, #tpu.memory_space<hbm>> -> memref<8x128xi32, #tpu.memory_space<hbm>>
      %dma_start3A_1106 = arith.constant 0 : i32
      %dma_start3A_1107 = arith.constant 0 : i32
      %dma_start3A_1108 = tpu.memref_slice %arg3[%arg1, %mul3A_1099, %dma_start3A_1106, %dma_start3A_1107] : memref<16x44x8x128xi32, #tpu.memory_space<hbm>> -> memref<1x1x8x128xi32, #tpu.memory_space<hbm>>
      %dma_start3A_1109 = tpu.memref_squeeze %dma_start3A_1108 : memref<1x1x8x128xi32, #tpu.memory_space<hbm>> -> memref<8x128xi32, #tpu.memory_space<hbm>>
      tpu.enqueue_dma source(%dma_start3A_1109 : memref<8x128xi32, #tpu.memory_space<hbm>>) target(%arg7 : memref<8x128xi32, #tpu.memory_space<vmem>>) target_semaphore(%arg18 : memref<!tpu.dma_semaphore, #tpu.memory_space<semaphore_mem>>)
      %dma_start3A_1110 = arith.constant 0 : i32
      %dma_start3A_1111 = arith.constant 0 : i32
      %dma_start3A_1112 = tpu.memref_slice %arg4[%arg0, %arg1, %mul3A_1099, %dma_start3A_1110, %dma_start3A_1111] : memref<2x16x44x8x128xi32, #tpu.memory_space<hbm>> -> memref<1x1x1x8x128xi32, #tpu.memory_space<hbm>>
      %dma_start3A_1113 = tpu.memref_squeeze %dma_start3A_1112 : memref<1x1x1x8x128xi32, #tpu.memory_space<hbm>> -> memref<8x128xi32, #tpu.memory_space<hbm>>
      %dma_start3A_1114 = arith.constant 0 : i32
      %dma_start3A_1115 = arith.constant 0 : i32
      %dma_start3A_1116 = tpu.memref_slice %arg4[%arg0, %arg1, %mul3A_1099, %dma_start3A_1114, %dma_start3A_1115] : memref<2x16x44x8x128xi32, #tpu.memory_space<hbm>> -> memref<1x1x1x8x128xi32, #tpu.memory_space<hbm>>
      %dma_start3A_1117 = tpu.memref_squeeze %dma_start3A_1116 : memref<1x1x1x8x128xi32, #tpu.memory_space<hbm>> -> memref<8x128xi32, #tpu.memory_space<hbm>>
      tpu.enqueue_dma source(%dma_start3A_1117 : memref<8x128xi32, #tpu.memory_space<hbm>>) target(%arg8 : memref<8x128xi32, #tpu.memory_space<vmem>>) target_semaphore(%arg18 : memref<!tpu.dma_semaphore, #tpu.memory_space<semaphore_mem>>)
      %dma_start3A_1118 = arith.constant 0 : i32
      %dma_start3A_1119 = arith.constant 0 : i32
      %dma_start3A_1120 = tpu.memref_slice %arg3[%arg1, %add3A_1101, %dma_start3A_1118, %dma_start3A_1119] : memref<16x44x8x128xi32, #tpu.memory_space<hbm>> -> memref<1x1x8x128xi32, #tpu.memory_space<hbm>>
      %dma_start3A_1121 = tpu.memref_squeeze %dma_start3A_1120 : memref<1x1x8x128xi32, #tpu.memory_space<hbm>> -> memref<8x128xi32, #tpu.memory_space<hbm>>
      %dma_start3A_1122 = arith.constant 0 : i32
      %dma_start3A_1123 = arith.constant 0 : i32
      %dma_start3A_1124 = tpu.memref_slice %arg3[%arg1, %add3A_1101, %dma_start3A_1122, %dma_start3A_1123] : memref<16x44x8x128xi32, #tpu.memory_space<hbm>> -> memref<1x1x8x128xi32, #tpu.memory_space<hbm>>
      %dma_start3A_1125 = tpu.memref_squeeze %dma_start3A_1124 : memref<1x1x8x128xi32, #tpu.memory_space<hbm>> -> memref<8x128xi32, #tpu.memory_space<hbm>>
      tpu.enqueue_dma source(%dma_start3A_1125 : memref<8x128xi32, #tpu.memory_space<hbm>>) target(%arg10 : memref<8x128xi32, #tpu.memory_space<vmem>>) target_semaphore(%arg18 : memref<!tpu.dma_semaphore, #tpu.memory_space<semaphore_mem>>)
      %dma_start3A_1126 = arith.constant 0 : i32
      %dma_start3A_1127 = arith.constant 0 : i32
      %dma_start3A_1128 = tpu.memref_slice %arg4[%arg0, %arg1, %add3A_1101, %dma_start3A_1126, %dma_start3A_1127] : memref<2x16x44x8x128xi32, #tpu.memory_space<hbm>> -> memref<1x1x1x8x128xi32, #tpu.memory_space<hbm>>
      %dma_start3A_1129 = tpu.memref_squeeze %dma_start3A_1128 : memref<1x1x1x8x128xi32, #tpu.memory_space<hbm>> -> memref<8x128xi32, #tpu.memory_space<hbm>>
      %dma_start3A_1130 = arith.constant 0 : i32
      %dma_start3A_1131 = arith.constant 0 : i32
      %dma_start3A_1132 = tpu.memref_slice %arg4[%arg0, %arg1, %add3A_1101, %dma_start3A_1130, %dma_start3A_1131] : memref<2x16x44x8x128xi32, #tpu.memory_space<hbm>> -> memref<1x1x1x8x128xi32, #tpu.memory_space<hbm>>
      %dma_start3A_1133 = tpu.memref_squeeze %dma_start3A_1132 : memref<1x1x1x8x128xi32, #tpu.memory_space<hbm>> -> memref<8x128xi32, #tpu.memory_space<hbm>>
      tpu.enqueue_dma source(%dma_start3A_1133 : memref<8x128xi32, #tpu.memory_space<hbm>>) target(%arg11 : memref<8x128xi32, #tpu.memory_space<vmem>>) target_semaphore(%arg18 : memref<!tpu.dma_semaphore, #tpu.memory_space<semaphore_mem>>)
      %dma_wait3A_1134 = arith.constant 0 : i32
      %dma_wait3A_1135 = arith.constant 0 : i32
      %dma_wait3A_1136 = tpu.memref_slice %arg3[%arg1, %mul3A_1099, %dma_wait3A_1134, %dma_wait3A_1135] : memref<16x44x8x128xi32, #tpu.memory_space<hbm>> -> memref<1x1x8x128xi32, #tpu.memory_space<hbm>>
      %dma_wait3A_1137 = tpu.memref_squeeze %dma_wait3A_1136 : memref<1x1x8x128xi32, #tpu.memory_space<hbm>> -> memref<8x128xi32, #tpu.memory_space<hbm>>
      %dma_wait3A_1138 = arith.constant 0 : i32
      %dma_wait3A_1139 = arith.constant 0 : i32
      %dma_wait3A_1140 = tpu.memref_slice %arg3[%arg1, %mul3A_1099, %dma_wait3A_1138, %dma_wait3A_1139] : memref<16x44x8x128xi32, #tpu.memory_space<hbm>> -> memref<1x1x8x128xi32, #tpu.memory_space<hbm>>
      %dma_wait3A_1141 = tpu.memref_squeeze %dma_wait3A_1140 : memref<1x1x8x128xi32, #tpu.memory_space<hbm>> -> memref<8x128xi32, #tpu.memory_space<hbm>>
      tpu.wait_dma2 semaphore(%arg18 : memref<!tpu.dma_semaphore, #tpu.memory_space<semaphore_mem>>) src(%dma_wait3A_1141 : memref<8x128xi32, #tpu.memory_space<hbm>>) dst(%arg7 : memref<8x128xi32, #tpu.memory_space<vmem>>)
      %dma_wait3A_1142 = arith.constant 0 : i32
      %dma_wait3A_1143 = arith.constant 0 : i32
      %dma_wait3A_1144 = tpu.memref_slice %arg4[%arg0, %arg1, %mul3A_1099, %dma_wait3A_1142, %dma_wait3A_1143] : memref<2x16x44x8x128xi32, #tpu.memory_space<hbm>> -> memref<1x1x1x8x128xi32, #tpu.memory_space<hbm>>
      %dma_wait3A_1145 = tpu.memref_squeeze %dma_wait3A_1144 : memref<1x1x1x8x128xi32, #tpu.memory_space<hbm>> -> memref<8x128xi32, #tpu.memory_space<hbm>>
      %dma_wait3A_1146 = arith.constant 0 : i32
      %dma_wait3A_1147 = arith.constant 0 : i32
      %dma_wait3A_1148 = tpu.memref_slice %arg4[%arg0, %arg1, %mul3A_1099, %dma_wait3A_1146, %dma_wait3A_1147] : memref<2x16x44x8x128xi32, #tpu.memory_space<hbm>> -> memref<1x1x1x8x128xi32, #tpu.memory_space<hbm>>
      %dma_wait3A_1149 = tpu.memref_squeeze %dma_wait3A_1148 : memref<1x1x1x8x128xi32, #tpu.memory_space<hbm>> -> memref<8x128xi32, #tpu.memory_space<hbm>>
      tpu.wait_dma2 semaphore(%arg18 : memref<!tpu.dma_semaphore, #tpu.memory_space<semaphore_mem>>) src(%dma_wait3A_1149 : memref<8x128xi32, #tpu.memory_space<hbm>>) dst(%arg8 : memref<8x128xi32, #tpu.memory_space<vmem>>)
      %dma_start3A_1150 = arith.constant 0 : i32
      %dma_start3A_1151 = arith.constant 0 : i32
      %dma_start3A_1152 = arith.constant 0 : i32
      %dma_start3A_1153 = arith.constant 0 : i32
      %dma_start3A_1154 = tpu.memref_slice %arg9[%dma_start3A_1151, %dma_start3A_1152, %dma_start3A_1153] : memref<8x128x8xf32, #tpu.memory_space<vmem>> -> memref<1x128x8xf32, #tpu.memory_space<vmem>>
      %dma_start3A_1155 = tpu.memref_squeeze %dma_start3A_1154 : memref<1x128x8xf32, #tpu.memory_space<vmem>> -> memref<128x8xf32, #tpu.memory_space<vmem>>
      %dma_start3A_1156 = arith.constant 0 : i32
      %dma_start3A_1157 = tpu.memref_slice %arg7[%dma_start3A_1150, %dma_start3A_1156] : memref<8x128xi32, #tpu.memory_space<vmem>> -> memref<1x128xi32, #tpu.memory_space<vmem>>
      %dma_start3A_1158 = tpu.memref_squeeze %dma_start3A_1157 : memref<1x128xi32, #tpu.memory_space<vmem>> -> memref<128xi32, #tpu.memory_space<vmem>>
      %dma_start3A_1159 = arith.constant 0 : i32
      %dma_start3A_1160 = arith.constant 0 : i32
      %dma_start3A_1161 = tpu.memref_slice %arg2[%dma_start3A_1159, %dma_start3A_1160] : memref<200000x8xf32, #tpu.memory_space<hbm>> -> memref<200000x8xf32, #tpu.memory_space<hbm>>
      tpu.enqueue_indirect_dma source(%dma_start3A_1161 : memref<200000x8xf32, #tpu.memory_space<hbm>>) target(%dma_start3A_1155 : memref<128x8xf32, #tpu.memory_space<vmem>>) offsets(%dma_start3A_1158 : memref<128xi32, #tpu.memory_space<vmem>>) semaphore(%arg16 : memref<!tpu.dma_semaphore, #tpu.memory_space<semaphore_mem>>)
      %dma_start3A_1162 = arith.constant 1 : i32
      %dma_start3A_1163 = arith.constant 1 : i32
      %dma_start3A_1164 = arith.constant 0 : i32
      %dma_start3A_1165 = arith.constant 0 : i32
      %dma_start3A_1166 = tpu.memref_slice %arg9[%dma_start3A_1163, %dma_start3A_1164, %dma_start3A_1165] : memref<8x128x8xf32, #tpu.memory_space<vmem>> -> memref<1x128x8xf32, #tpu.memory_space<vmem>>
      %dma_start3A_1167 = tpu.memref_squeeze %dma_start3A_1166 : memref<1x128x8xf32, #tpu.memory_space<vmem>> -> memref<128x8xf32, #tpu.memory_space<vmem>>
      %dma_start3A_1168 = arith.constant 0 : i32
      %dma_start3A_1169 = tpu.memref_slice %arg7[%dma_start3A_1162, %dma_start3A_1168] : memref<8x128xi32, #tpu.memory_space<vmem>> -> memref<1x128xi32, #tpu.memory_space<vmem>>
      %dma_start3A_1170 = tpu.memref_squeeze %dma_start3A_1169 : memref<1x128xi32, #tpu.memory_space<vmem>> -> memref<128xi32, #tpu.memory_space<vmem>>
      %dma_start3A_1171 = arith.constant 0 : i32
      %dma_start3A_1172 = arith.constant 0 : i32
      %dma_start3A_1173 = tpu.memref_slice %arg2[%dma_start3A_1171, %dma_start3A_1172] : memref<200000x8xf32, #tpu.memory_space<hbm>> -> memref<200000x8xf32, #tpu.memory_space<hbm>>
      tpu.enqueue_indirect_dma source(%dma_start3A_1173 : memref<200000x8xf32, #tpu.memory_space<hbm>>) target(%dma_start3A_1167 : memref<128x8xf32, #tpu.memory_space<vmem>>) offsets(%dma_start3A_1170 : memref<128xi32, #tpu.memory_space<vmem>>) semaphore(%arg16 : memref<!tpu.dma_semaphore, #tpu.memory_space<semaphore_mem>>)
      %dma_start3A_1174 = arith.constant 2 : i32
      %dma_start3A_1175 = arith.constant 2 : i32
      %dma_start3A_1176 = arith.constant 0 : i32
      %dma_start3A_1177 = arith.constant 0 : i32
      %dma_start3A_1178 = tpu.memref_slice %arg9[%dma_start3A_1175, %dma_start3A_1176, %dma_start3A_1177] : memref<8x128x8xf32, #tpu.memory_space<vmem>> -> memref<1x128x8xf32, #tpu.memory_space<vmem>>
      %dma_start3A_1179 = tpu.memref_squeeze %dma_start3A_1178 : memref<1x128x8xf32, #tpu.memory_space<vmem>> -> memref<128x8xf32, #tpu.memory_space<vmem>>
      %dma_start3A_1180 = arith.constant 0 : i32
      %dma_start3A_1181 = tpu.memref_slice %arg7[%dma_start3A_1174, %dma_start3A_1180] : memref<8x128xi32, #tpu.memory_space<vmem>> -> memref<1x128xi32, #tpu.memory_space<vmem>>
      %dma_start3A_1182 = tpu.memref_squeeze %dma_start3A_1181 : memref<1x128xi32, #tpu.memory_space<vmem>> -> memref<128xi32, #tpu.memory_space<vmem>>
      %dma_start3A_1183 = arith.constant 0 : i32
      %dma_start3A_1184 = arith.constant 0 : i32
      %dma_start3A_1185 = tpu.memref_slice %arg2[%dma_start3A_1183, %dma_start3A_1184] : memref<200000x8xf32, #tpu.memory_space<hbm>> -> memref<200000x8xf32, #tpu.memory_space<hbm>>
      tpu.enqueue_indirect_dma source(%dma_start3A_1185 : memref<200000x8xf32, #tpu.memory_space<hbm>>) target(%dma_start3A_1179 : memref<128x8xf32, #tpu.memory_space<vmem>>) offsets(%dma_start3A_1182 : memref<128xi32, #tpu.memory_space<vmem>>) semaphore(%arg16 : memref<!tpu.dma_semaphore, #tpu.memory_space<semaphore_mem>>)
      %dma_start3A_1186 = arith.constant 3 : i32
      %dma_start3A_1187 = arith.constant 3 : i32
      %dma_start3A_1188 = arith.constant 0 : i32
      %dma_start3A_1189 = arith.constant 0 : i32
      %dma_start3A_1190 = tpu.memref_slice %arg9[%dma_start3A_1187, %dma_start3A_1188, %dma_start3A_1189] : memref<8x128x8xf32, #tpu.memory_space<vmem>> -> memref<1x128x8xf32, #tpu.memory_space<vmem>>
      %dma_start3A_1191 = tpu.memref_squeeze %dma_start3A_1190 : memref<1x128x8xf32, #tpu.memory_space<vmem>> -> memref<128x8xf32, #tpu.memory_space<vmem>>
      %dma_start3A_1192 = arith.constant 0 : i32
      %dma_start3A_1193 = tpu.memref_slice %arg7[%dma_start3A_1186, %dma_start3A_1192] : memref<8x128xi32, #tpu.memory_space<vmem>> -> memref<1x128xi32, #tpu.memory_space<vmem>>
      %dma_start3A_1194 = tpu.memref_squeeze %dma_start3A_1193 : memref<1x128xi32, #tpu.memory_space<vmem>> -> memref<128xi32, #tpu.memory_space<vmem>>
      %dma_start3A_1195 = arith.constant 0 : i32
      %dma_start3A_1196 = arith.constant 0 : i32
      %dma_start3A_1197 = tpu.memref_slice %arg2[%dma_start3A_1195, %dma_start3A_1196] : memref<200000x8xf32, #tpu.memory_space<hbm>> -> memref<200000x8xf32, #tpu.memory_space<hbm>>
      tpu.enqueue_indirect_dma source(%dma_start3A_1197 : memref<200000x8xf32, #tpu.memory_space<hbm>>) target(%dma_start3A_1191 : memref<128x8xf32, #tpu.memory_space<vmem>>) offsets(%dma_start3A_1194 : memref<128xi32, #tpu.memory_space<vmem>>) semaphore(%arg16 : memref<!tpu.dma_semaphore, #tpu.memory_space<semaphore_mem>>)
      %dma_start3A_1198 = arith.constant 4 : i32
      %dma_start3A_1199 = arith.constant 4 : i32
      %dma_start3A_1200 = arith.constant 0 : i32
      %dma_start3A_1201 = arith.constant 0 : i32
      %dma_start3A_1202 = tpu.memref_slice %arg9[%dma_start3A_1199, %dma_start3A_1200, %dma_start3A_1201] : memref<8x128x8xf32, #tpu.memory_space<vmem>> -> memref<1x128x8xf32, #tpu.memory_space<vmem>>
      %dma_start3A_1203 = tpu.memref_squeeze %dma_start3A_1202 : memref<1x128x8xf32, #tpu.memory_space<vmem>> -> memref<128x8xf32, #tpu.memory_space<vmem>>
      %dma_start3A_1204 = arith.constant 0 : i32
      %dma_start3A_1205 = tpu.memref_slice %arg7[%dma_start3A_1198, %dma_start3A_1204] : memref<8x128xi32, #tpu.memory_space<vmem>> -> memref<1x128xi32, #tpu.memory_space<vmem>>
      %dma_start3A_1206 = tpu.memref_squeeze %dma_start3A_1205 : memref<1x128xi32, #tpu.memory_space<vmem>> -> memref<128xi32, #tpu.memory_space<vmem>>
      %dma_start3A_1207 = arith.constant 0 : i32
      %dma_start3A_1208 = arith.constant 0 : i32
      %dma_start3A_1209 = tpu.memref_slice %arg2[%dma_start3A_1207, %dma_start3A_1208] : memref<200000x8xf32, #tpu.memory_space<hbm>> -> memref<200000x8xf32, #tpu.memory_space<hbm>>
      tpu.enqueue_indirect_dma source(%dma_start3A_1209 : memref<200000x8xf32, #tpu.memory_space<hbm>>) target(%dma_start3A_1203 : memref<128x8xf32, #tpu.memory_space<vmem>>) offsets(%dma_start3A_1206 : memref<128xi32, #tpu.memory_space<vmem>>) semaphore(%arg16 : memref<!tpu.dma_semaphore, #tpu.memory_space<semaphore_mem>>)
      %dma_start3A_1210 = arith.constant 5 : i32
      %dma_start3A_1211 = arith.constant 5 : i32
      %dma_start3A_1212 = arith.constant 0 : i32
      %dma_start3A_1213 = arith.constant 0 : i32
      %dma_start3A_1214 = tpu.memref_slice %arg9[%dma_start3A_1211, %dma_start3A_1212, %dma_start3A_1213] : memref<8x128x8xf32, #tpu.memory_space<vmem>> -> memref<1x128x8xf32, #tpu.memory_space<vmem>>
      %dma_start3A_1215 = tpu.memref_squeeze %dma_start3A_1214 : memref<1x128x8xf32, #tpu.memory_space<vmem>> -> memref<128x8xf32, #tpu.memory_space<vmem>>
      %dma_start3A_1216 = arith.constant 0 : i32
      %dma_start3A_1217 = tpu.memref_slice %arg7[%dma_start3A_1210, %dma_start3A_1216] : memref<8x128xi32, #tpu.memory_space<vmem>> -> memref<1x128xi32, #tpu.memory_space<vmem>>
      %dma_start3A_1218 = tpu.memref_squeeze %dma_start3A_1217 : memref<1x128xi32, #tpu.memory_space<vmem>> -> memref<128xi32, #tpu.memory_space<vmem>>
      %dma_start3A_1219 = arith.constant 0 : i32
      %dma_start3A_1220 = arith.constant 0 : i32
      %dma_start3A_1221 = tpu.memref_slice %arg2[%dma_start3A_1219, %dma_start3A_1220] : memref<200000x8xf32, #tpu.memory_space<hbm>> -> memref<200000x8xf32, #tpu.memory_space<hbm>>
      tpu.enqueue_indirect_dma source(%dma_start3A_1221 : memref<200000x8xf32, #tpu.memory_space<hbm>>) target(%dma_start3A_1215 : memref<128x8xf32, #tpu.memory_space<vmem>>) offsets(%dma_start3A_1218 : memref<128xi32, #tpu.memory_space<vmem>>) semaphore(%arg16 : memref<!tpu.dma_semaphore, #tpu.memory_space<semaphore_mem>>)
      %dma_start3A_1222 = arith.constant 6 : i32
      %dma_start3A_1223 = arith.constant 6 : i32
      %dma_start3A_1224 = arith.constant 0 : i32
      %dma_start3A_1225 = arith.constant 0 : i32
      %dma_start3A_1226 = tpu.memref_slice %arg9[%dma_start3A_1223, %dma_start3A_1224, %dma_start3A_1225] : memref<8x128x8xf32, #tpu.memory_space<vmem>> -> memref<1x128x8xf32, #tpu.memory_space<vmem>>
      %dma_start3A_1227 = tpu.memref_squeeze %dma_start3A_1226 : memref<1x128x8xf32, #tpu.memory_space<vmem>> -> memref<128x8xf32, #tpu.memory_space<vmem>>
      %dma_start3A_1228 = arith.constant 0 : i32
      %dma_start3A_1229 = tpu.memref_slice %arg7[%dma_start3A_1222, %dma_start3A_1228] : memref<8x128xi32, #tpu.memory_space<vmem>> -> memref<1x128xi32, #tpu.memory_space<vmem>>
      %dma_start3A_1230 = tpu.memref_squeeze %dma_start3A_1229 : memref<1x128xi32, #tpu.memory_space<vmem>> -> memref<128xi32, #tpu.memory_space<vmem>>
      %dma_start3A_1231 = arith.constant 0 : i32
      %dma_start3A_1232 = arith.constant 0 : i32
      %dma_start3A_1233 = tpu.memref_slice %arg2[%dma_start3A_1231, %dma_start3A_1232] : memref<200000x8xf32, #tpu.memory_space<hbm>> -> memref<200000x8xf32, #tpu.memory_space<hbm>>
      tpu.enqueue_indirect_dma source(%dma_start3A_1233 : memref<200000x8xf32, #tpu.memory_space<hbm>>) target(%dma_start3A_1227 : memref<128x8xf32, #tpu.memory_space<vmem>>) offsets(%dma_start3A_1230 : memref<128xi32, #tpu.memory_space<vmem>>) semaphore(%arg16 : memref<!tpu.dma_semaphore, #tpu.memory_space<semaphore_mem>>)
      %dma_start3A_1234 = arith.constant 7 : i32
      %dma_start3A_1235 = arith.constant 7 : i32
      %dma_start3A_1236 = arith.constant 0 : i32
      %dma_start3A_1237 = arith.constant 0 : i32
      %dma_start3A_1238 = tpu.memref_slice %arg9[%dma_start3A_1235, %dma_start3A_1236, %dma_start3A_1237] : memref<8x128x8xf32, #tpu.memory_space<vmem>> -> memref<1x128x8xf32, #tpu.memory_space<vmem>>
      %dma_start3A_1239 = tpu.memref_squeeze %dma_start3A_1238 : memref<1x128x8xf32, #tpu.memory_space<vmem>> -> memref<128x8xf32, #tpu.memory_space<vmem>>
      %dma_start3A_1240 = arith.constant 0 : i32
      %dma_start3A_1241 = tpu.memref_slice %arg7[%dma_start3A_1234, %dma_start3A_1240] : memref<8x128xi32, #tpu.memory_space<vmem>> -> memref<1x128xi32, #tpu.memory_space<vmem>>
      %dma_start3A_1242 = tpu.memref_squeeze %dma_start3A_1241 : memref<1x128xi32, #tpu.memory_space<vmem>> -> memref<128xi32, #tpu.memory_space<vmem>>
      %dma_start3A_1243 = arith.constant 0 : i32
      %dma_start3A_1244 = arith.constant 0 : i32
      %dma_start3A_1245 = tpu.memref_slice %arg2[%dma_start3A_1243, %dma_start3A_1244] : memref<200000x8xf32, #tpu.memory_space<hbm>> -> memref<200000x8xf32, #tpu.memory_space<hbm>>
      tpu.enqueue_indirect_dma source(%dma_start3A_1245 : memref<200000x8xf32, #tpu.memory_space<hbm>>) target(%dma_start3A_1239 : memref<128x8xf32, #tpu.memory_space<vmem>>) offsets(%dma_start3A_1242 : memref<128xi32, #tpu.memory_space<vmem>>) semaphore(%arg16 : memref<!tpu.dma_semaphore, #tpu.memory_space<semaphore_mem>>)
      %dma_wait3A_1246 = arith.constant 0 : i32
      %dma_wait3A_1247 = arith.constant 0 : i32
      %dma_wait3A_1248 = tpu.memref_slice %arg3[%arg1, %add3A_1101, %dma_wait3A_1246, %dma_wait3A_1247] : memref<16x44x8x128xi32, #tpu.memory_space<hbm>> -> memref<1x1x8x128xi32, #tpu.memory_space<hbm>>
      %dma_wait3A_1249 = tpu.memref_squeeze %dma_wait3A_1248 : memref<1x1x8x128xi32, #tpu.memory_space<hbm>> -> memref<8x128xi32, #tpu.memory_space<hbm>>
      %dma_wait3A_1250 = arith.constant 0 : i32
      %dma_wait3A_1251 = arith.constant 0 : i32
      %dma_wait3A_1252 = tpu.memref_slice %arg3[%arg1, %add3A_1101, %dma_wait3A_1250, %dma_wait3A_1251] : memref<16x44x8x128xi32, #tpu.memory_space<hbm>> -> memref<1x1x8x128xi32, #tpu.memory_space<hbm>>
      %dma_wait3A_1253 = tpu.memref_squeeze %dma_wait3A_1252 : memref<1x1x8x128xi32, #tpu.memory_space<hbm>> -> memref<8x128xi32, #tpu.memory_space<hbm>>
      tpu.wait_dma2 semaphore(%arg18 : memref<!tpu.dma_semaphore, #tpu.memory_space<semaphore_mem>>) src(%dma_wait3A_1253 : memref<8x128xi32, #tpu.memory_space<hbm>>) dst(%arg10 : memref<8x128xi32, #tpu.memory_space<vmem>>)
      %dma_wait3A_1254 = arith.constant 0 : i32
      %dma_wait3A_1255 = arith.constant 0 : i32
      %dma_wait3A_1256 = tpu.memref_slice %arg4[%arg0, %arg1, %add3A_1101, %dma_wait3A_1254, %dma_wait3A_1255] : memref<2x16x44x8x128xi32, #tpu.memory_space<hbm>> -> memref<1x1x1x8x128xi32, #tpu.memory_space<hbm>>
      %dma_wait3A_1257 = tpu.memref_squeeze %dma_wait3A_1256 : memref<1x1x1x8x128xi32, #tpu.memory_space<hbm>> -> memref<8x128xi32, #tpu.memory_space<hbm>>
      %dma_wait3A_1258 = arith.constant 0 : i32
      %dma_wait3A_1259 = arith.constant 0 : i32
      %dma_wait3A_1260 = tpu.memref_slice %arg4[%arg0, %arg1, %add3A_1101, %dma_wait3A_1258, %dma_wait3A_1259] : memref<2x16x44x8x128xi32, #tpu.memory_space<hbm>> -> memref<1x1x1x8x128xi32, #tpu.memory_space<hbm>>
      %dma_wait3A_1261 = tpu.memref_squeeze %dma_wait3A_1260 : memref<1x1x1x8x128xi32, #tpu.memory_space<hbm>> -> memref<8x128xi32, #tpu.memory_space<hbm>>
      tpu.wait_dma2 semaphore(%arg18 : memref<!tpu.dma_semaphore, #tpu.memory_space<semaphore_mem>>) src(%dma_wait3A_1261 : memref<8x128xi32, #tpu.memory_space<hbm>>) dst(%arg11 : memref<8x128xi32, #tpu.memory_space<vmem>>)
      %dma_wait3A_1262 = arith.constant 0 : i32
      %dma_wait3A_1263 = arith.constant 0 : i32
      %dma_wait3A_1264 = arith.constant 0 : i32
      %dma_wait3A_1265 = arith.constant 0 : i32
      %dma_wait3A_1266 = tpu.memref_slice %arg9[%dma_wait3A_1263, %dma_wait3A_1264, %dma_wait3A_1265] : memref<8x128x8xf32, #tpu.memory_space<vmem>> -> memref<1x128x8xf32, #tpu.memory_space<vmem>>
      %dma_wait3A_1267 = tpu.memref_squeeze %dma_wait3A_1266 : memref<1x128x8xf32, #tpu.memory_space<vmem>> -> memref<128x8xf32, #tpu.memory_space<vmem>>
      %dma_wait3A_1268 = arith.constant 0 : i32
      %dma_wait3A_1269 = tpu.memref_slice %arg7[%dma_wait3A_1262, %dma_wait3A_1268] : memref<8x128xi32, #tpu.memory_space<vmem>> -> memref<1x128xi32, #tpu.memory_space<vmem>>
      %dma_wait3A_1270 = tpu.memref_squeeze %dma_wait3A_1269 : memref<1x128xi32, #tpu.memory_space<vmem>> -> memref<128xi32, #tpu.memory_space<vmem>>
      %dma_wait3A_1271 = arith.constant 0 : i32
      %dma_wait3A_1272 = arith.constant 0 : i32
      %dma_wait3A_1273 = tpu.memref_slice %arg2[%dma_wait3A_1271, %dma_wait3A_1272] : memref<200000x8xf32, #tpu.memory_space<hbm>> -> memref<200000x8xf32, #tpu.memory_space<hbm>>
      tpu.wait_indirect_dma semaphore(%arg16 : memref<!tpu.dma_semaphore, #tpu.memory_space<semaphore_mem>>) src(%dma_wait3A_1273 : memref<200000x8xf32, #tpu.memory_space<hbm>>) dst(%dma_wait3A_1267 : memref<128x8xf32, #tpu.memory_space<vmem>>)
      %dma_wait3A_1274 = arith.constant 1 : i32
      %dma_wait3A_1275 = arith.constant 1 : i32
      %dma_wait3A_1276 = arith.constant 0 : i32
      %dma_wait3A_1277 = arith.constant 0 : i32
      %dma_wait3A_1278 = tpu.memref_slice %arg9[%dma_wait3A_1275, %dma_wait3A_1276, %dma_wait3A_1277] : memref<8x128x8xf32, #tpu.memory_space<vmem>> -> memref<1x128x8xf32, #tpu.memory_space<vmem>>
      %dma_wait3A_1279 = tpu.memref_squeeze %dma_wait3A_1278 : memref<1x128x8xf32, #tpu.memory_space<vmem>> -> memref<128x8xf32, #tpu.memory_space<vmem>>
      %dma_wait3A_1280 = arith.constant 0 : i32
      %dma_wait3A_1281 = tpu.memref_slice %arg7[%dma_wait3A_1274, %dma_wait3A_1280] : memref<8x128xi32, #tpu.memory_space<vmem>> -> memref<1x128xi32, #tpu.memory_space<vmem>>
      %dma_wait3A_1282 = tpu.memref_squeeze %dma_wait3A_1281 : memref<1x128xi32, #tpu.memory_space<vmem>> -> memref<128xi32, #tpu.memory_space<vmem>>
      %dma_wait3A_1283 = arith.constant 0 : i32
      %dma_wait3A_1284 = arith.constant 0 : i32
      %dma_wait3A_1285 = tpu.memref_slice %arg2[%dma_wait3A_1283, %dma_wait3A_1284] : memref<200000x8xf32, #tpu.memory_space<hbm>> -> memref<200000x8xf32, #tpu.memory_space<hbm>>
      tpu.wait_indirect_dma semaphore(%arg16 : memref<!tpu.dma_semaphore, #tpu.memory_space<semaphore_mem>>) src(%dma_wait3A_1285 : memref<200000x8xf32, #tpu.memory_space<hbm>>) dst(%dma_wait3A_1279 : memref<128x8xf32, #tpu.memory_space<vmem>>)
      %dma_wait3A_1286 = arith.constant 2 : i32
      %dma_wait3A_1287 = arith.constant 2 : i32
      %dma_wait3A_1288 = arith.constant 0 : i32
      %dma_wait3A_1289 = arith.constant 0 : i32
      %dma_wait3A_1290 = tpu.memref_slice %arg9[%dma_wait3A_1287, %dma_wait3A_1288, %dma_wait3A_1289] : memref<8x128x8xf32, #tpu.memory_space<vmem>> -> memref<1x128x8xf32, #tpu.memory_space<vmem>>
      %dma_wait3A_1291 = tpu.memref_squeeze %dma_wait3A_1290 : memref<1x128x8xf32, #tpu.memory_space<vmem>> -> memref<128x8xf32, #tpu.memory_space<vmem>>
      %dma_wait3A_1292 = arith.constant 0 : i32
      %dma_wait3A_1293 = tpu.memref_slice %arg7[%dma_wait3A_1286, %dma_wait3A_1292] : memref<8x128xi32, #tpu.memory_space<vmem>> -> memref<1x128xi32, #tpu.memory_space<vmem>>
      %dma_wait3A_1294 = tpu.memref_squeeze %dma_wait3A_1293 : memref<1x128xi32, #tpu.memory_space<vmem>> -> memref<128xi32, #tpu.memory_space<vmem>>
      %dma_wait3A_1295 = arith.constant 0 : i32
      %dma_wait3A_1296 = arith.constant 0 : i32
      %dma_wait3A_1297 = tpu.memref_slice %arg2[%dma_wait3A_1295, %dma_wait3A_1296] : memref<200000x8xf32, #tpu.memory_space<hbm>> -> memref<200000x8xf32, #tpu.memory_space<hbm>>
      tpu.wait_indirect_dma semaphore(%arg16 : memref<!tpu.dma_semaphore, #tpu.memory_space<semaphore_mem>>) src(%dma_wait3A_1297 : memref<200000x8xf32, #tpu.memory_space<hbm>>) dst(%dma_wait3A_1291 : memref<128x8xf32, #tpu.memory_space<vmem>>)
      %dma_wait3A_1298 = arith.constant 3 : i32
      %dma_wait3A_1299 = arith.constant 3 : i32
      %dma_wait3A_1300 = arith.constant 0 : i32
      %dma_wait3A_1301 = arith.constant 0 : i32
      %dma_wait3A_1302 = tpu.memref_slice %arg9[%dma_wait3A_1299, %dma_wait3A_1300, %dma_wait3A_1301] : memref<8x128x8xf32, #tpu.memory_space<vmem>> -> memref<1x128x8xf32, #tpu.memory_space<vmem>>
      %dma_wait3A_1303 = tpu.memref_squeeze %dma_wait3A_1302 : memref<1x128x8xf32, #tpu.memory_space<vmem>> -> memref<128x8xf32, #tpu.memory_space<vmem>>
      %dma_wait3A_1304 = arith.constant 0 : i32
      %dma_wait3A_1305 = tpu.memref_slice %arg7[%dma_wait3A_1298, %dma_wait3A_1304] : memref<8x128xi32, #tpu.memory_space<vmem>> -> memref<1x128xi32, #tpu.memory_space<vmem>>
      %dma_wait3A_1306 = tpu.memref_squeeze %dma_wait3A_1305 : memref<1x128xi32, #tpu.memory_space<vmem>> -> memref<128xi32, #tpu.memory_space<vmem>>
      %dma_wait3A_1307 = arith.constant 0 : i32
      %dma_wait3A_1308 = arith.constant 0 : i32
      %dma_wait3A_1309 = tpu.memref_slice %arg2[%dma_wait3A_1307, %dma_wait3A_1308] : memref<200000x8xf32, #tpu.memory_space<hbm>> -> memref<200000x8xf32, #tpu.memory_space<hbm>>
      tpu.wait_indirect_dma semaphore(%arg16 : memref<!tpu.dma_semaphore, #tpu.memory_space<semaphore_mem>>) src(%dma_wait3A_1309 : memref<200000x8xf32, #tpu.memory_space<hbm>>) dst(%dma_wait3A_1303 : memref<128x8xf32, #tpu.memory_space<vmem>>)
      %dma_wait3A_1310 = arith.constant 4 : i32
      %dma_wait3A_1311 = arith.constant 4 : i32
      %dma_wait3A_1312 = arith.constant 0 : i32
      %dma_wait3A_1313 = arith.constant 0 : i32
      %dma_wait3A_1314 = tpu.memref_slice %arg9[%dma_wait3A_1311, %dma_wait3A_1312, %dma_wait3A_1313] : memref<8x128x8xf32, #tpu.memory_space<vmem>> -> memref<1x128x8xf32, #tpu.memory_space<vmem>>
      %dma_wait3A_1315 = tpu.memref_squeeze %dma_wait3A_1314 : memref<1x128x8xf32, #tpu.memory_space<vmem>> -> memref<128x8xf32, #tpu.memory_space<vmem>>
      %dma_wait3A_1316 = arith.constant 0 : i32
      %dma_wait3A_1317 = tpu.memref_slice %arg7[%dma_wait3A_1310, %dma_wait3A_1316] : memref<8x128xi32, #tpu.memory_space<vmem>> -> memref<1x128xi32, #tpu.memory_space<vmem>>
      %dma_wait3A_1318 = tpu.memref_squeeze %dma_wait3A_1317 : memref<1x128xi32, #tpu.memory_space<vmem>> -> memref<128xi32, #tpu.memory_space<vmem>>
      %dma_wait3A_1319 = arith.constant 0 : i32
      %dma_wait3A_1320 = arith.constant 0 : i32
      %dma_wait3A_1321 = tpu.memref_slice %arg2[%dma_wait3A_1319, %dma_wait3A_1320] : memref<200000x8xf32, #tpu.memory_space<hbm>> -> memref<200000x8xf32, #tpu.memory_space<hbm>>
      tpu.wait_indirect_dma semaphore(%arg16 : memref<!tpu.dma_semaphore, #tpu.memory_space<semaphore_mem>>) src(%dma_wait3A_1321 : memref<200000x8xf32, #tpu.memory_space<hbm>>) dst(%dma_wait3A_1315 : memref<128x8xf32, #tpu.memory_space<vmem>>)
      %dma_wait3A_1322 = arith.constant 5 : i32
      %dma_wait3A_1323 = arith.constant 5 : i32
      %dma_wait3A_1324 = arith.constant 0 : i32
      %dma_wait3A_1325 = arith.constant 0 : i32
      %dma_wait3A_1326 = tpu.memref_slice %arg9[%dma_wait3A_1323, %dma_wait3A_1324, %dma_wait3A_1325] : memref<8x128x8xf32, #tpu.memory_space<vmem>> -> memref<1x128x8xf32, #tpu.memory_space<vmem>>
      %dma_wait3A_1327 = tpu.memref_squeeze %dma_wait3A_1326 : memref<1x128x8xf32, #tpu.memory_space<vmem>> -> memref<128x8xf32, #tpu.memory_space<vmem>>
      %dma_wait3A_1328 = arith.constant 0 : i32
      %dma_wait3A_1329 = tpu.memref_slice %arg7[%dma_wait3A_1322, %dma_wait3A_1328] : memref<8x128xi32, #tpu.memory_space<vmem>> -> memref<1x128xi32, #tpu.memory_space<vmem>>
      %dma_wait3A_1330 = tpu.memref_squeeze %dma_wait3A_1329 : memref<1x128xi32, #tpu.memory_space<vmem>> -> memref<128xi32, #tpu.memory_space<vmem>>
      %dma_wait3A_1331 = arith.constant 0 : i32
      %dma_wait3A_1332 = arith.constant 0 : i32
      %dma_wait3A_1333 = tpu.memref_slice %arg2[%dma_wait3A_1331, %dma_wait3A_1332] : memref<200000x8xf32, #tpu.memory_space<hbm>> -> memref<200000x8xf32, #tpu.memory_space<hbm>>
      tpu.wait_indirect_dma semaphore(%arg16 : memref<!tpu.dma_semaphore, #tpu.memory_space<semaphore_mem>>) src(%dma_wait3A_1333 : memref<200000x8xf32, #tpu.memory_space<hbm>>) dst(%dma_wait3A_1327 : memref<128x8xf32, #tpu.memory_space<vmem>>)
      %dma_wait3A_1334 = arith.constant 6 : i32
      %dma_wait3A_1335 = arith.constant 6 : i32
      %dma_wait3A_1336 = arith.constant 0 : i32
      %dma_wait3A_1337 = arith.constant 0 : i32
      %dma_wait3A_1338 = tpu.memref_slice %arg9[%dma_wait3A_1335, %dma_wait3A_1336, %dma_wait3A_1337] : memref<8x128x8xf32, #tpu.memory_space<vmem>> -> memref<1x128x8xf32, #tpu.memory_space<vmem>>
      %dma_wait3A_1339 = tpu.memref_squeeze %dma_wait3A_1338 : memref<1x128x8xf32, #tpu.memory_space<vmem>> -> memref<128x8xf32, #tpu.memory_space<vmem>>
      %dma_wait3A_1340 = arith.constant 0 : i32
      %dma_wait3A_1341 = tpu.memref_slice %arg7[%dma_wait3A_1334, %dma_wait3A_1340] : memref<8x128xi32, #tpu.memory_space<vmem>> -> memref<1x128xi32, #tpu.memory_space<vmem>>
      %dma_wait3A_1342 = tpu.memref_squeeze %dma_wait3A_1341 : memref<1x128xi32, #tpu.memory_space<vmem>> -> memref<128xi32, #tpu.memory_space<vmem>>
      %dma_wait3A_1343 = arith.constant 0 : i32
      %dma_wait3A_1344 = arith.constant 0 : i32
      %dma_wait3A_1345 = tpu.memref_slice %arg2[%dma_wait3A_1343, %dma_wait3A_1344] : memref<200000x8xf32, #tpu.memory_space<hbm>> -> memref<200000x8xf32, #tpu.memory_space<hbm>>
      tpu.wait_indirect_dma semaphore(%arg16 : memref<!tpu.dma_semaphore, #tpu.memory_space<semaphore_mem>>) src(%dma_wait3A_1345 : memref<200000x8xf32, #tpu.memory_space<hbm>>) dst(%dma_wait3A_1339 : memref<128x8xf32, #tpu.memory_space<vmem>>)
      %dma_wait3A_1346 = arith.constant 7 : i32
      %dma_wait3A_1347 = arith.constant 7 : i32
      %dma_wait3A_1348 = arith.constant 0 : i32
      %dma_wait3A_1349 = arith.constant 0 : i32
      %dma_wait3A_1350 = tpu.memref_slice %arg9[%dma_wait3A_1347, %dma_wait3A_1348, %dma_wait3A_1349] : memref<8x128x8xf32, #tpu.memory_space<vmem>> -> memref<1x128x8xf32, #tpu.memory_space<vmem>>
      %dma_wait3A_1351 = tpu.memref_squeeze %dma_wait3A_1350 : memref<1x128x8xf32, #tpu.memory_space<vmem>> -> memref<128x8xf32, #tpu.memory_space<vmem>>
      %dma_wait3A_1352 = arith.constant 0 : i32
      %dma_wait3A_1353 = tpu.memref_slice %arg7[%dma_wait3A_1346, %dma_wait3A_1352] : memref<8x128xi32, #tpu.memory_space<vmem>> -> memref<1x128xi32, #tpu.memory_space<vmem>>
      %dma_wait3A_1354 = tpu.memref_squeeze %dma_wait3A_1353 : memref<1x128xi32, #tpu.memory_space<vmem>> -> memref<128xi32, #tpu.memory_space<vmem>>
      %dma_wait3A_1355 = arith.constant 0 : i32
      %dma_wait3A_1356 = arith.constant 0 : i32
      %dma_wait3A_1357 = tpu.memref_slice %arg2[%dma_wait3A_1355, %dma_wait3A_1356] : memref<200000x8xf32, #tpu.memory_space<hbm>> -> memref<200000x8xf32, #tpu.memory_space<hbm>>
      tpu.wait_indirect_dma semaphore(%arg16 : memref<!tpu.dma_semaphore, #tpu.memory_space<semaphore_mem>>) src(%dma_wait3A_1357 : memref<200000x8xf32, #tpu.memory_space<hbm>>) dst(%dma_wait3A_1351 : memref<128x8xf32, #tpu.memory_space<vmem>>)
      %dma_start3A_1358 = arith.constant 0 : i32
      %dma_start3A_1359 = arith.constant 0 : i32
      %dma_start3A_1360 = arith.constant 0 : i32
      %dma_start3A_1361 = arith.constant 0 : i32
      %dma_start3A_1362 = tpu.memref_slice %arg9[%dma_start3A_1358, %dma_start3A_1360, %dma_start3A_1361] : memref<8x128x8xf32, #tpu.memory_space<vmem>> -> memref<1x128x8xf32, #tpu.memory_space<vmem>>
      %dma_start3A_1363 = tpu.memref_squeeze %dma_start3A_1362 : memref<1x128x8xf32, #tpu.memory_space<vmem>> -> memref<128x8xf32, #tpu.memory_space<vmem>>
      %dma_start3A_1364 = arith.constant 0 : i32
      %dma_start3A_1365 = tpu.memref_slice %arg8[%dma_start3A_1359, %dma_start3A_1364] : memref<8x128xi32, #tpu.memory_space<vmem>> -> memref<1x128xi32, #tpu.memory_space<vmem>>
      %dma_start3A_1366 = tpu.memref_squeeze %dma_start3A_1365 : memref<1x128xi32, #tpu.memory_space<vmem>> -> memref<128xi32, #tpu.memory_space<vmem>>
      %dma_start3A_1367 = arith.constant 0 : i32
      %dma_start3A_1368 = arith.constant 0 : i32
      %dma_start3A_1369 = tpu.memref_slice %arg15[%dma_start3A_1367, %dma_start3A_1368] : memref<200192x8xf32, #tpu.memory_space<vmem_shared>> -> memref<200192x8xf32, #tpu.memory_space<vmem_shared>>
      tpu.enqueue_indirect_dma source(%dma_start3A_1363 : memref<128x8xf32, #tpu.memory_space<vmem>>) target(%dma_start3A_1369 : memref<200192x8xf32, #tpu.memory_space<vmem_shared>>) offsets(%dma_start3A_1366 : memref<128xi32, #tpu.memory_space<vmem>>) semaphore(%arg17 : memref<!tpu.dma_semaphore, #tpu.memory_space<semaphore_mem>>) {add = true}
      %dma_start3A_1370 = arith.constant 1 : i32
      %dma_start3A_1371 = arith.constant 1 : i32
      %dma_start3A_1372 = arith.constant 0 : i32
      %dma_start3A_1373 = arith.constant 0 : i32
      %dma_start3A_1374 = tpu.memref_slice %arg9[%dma_start3A_1370, %dma_start3A_1372, %dma_start3A_1373] : memref<8x128x8xf32, #tpu.memory_space<vmem>> -> memref<1x128x8xf32, #tpu.memory_space<vmem>>
      %dma_start3A_1375 = tpu.memref_squeeze %dma_start3A_1374 : memref<1x128x8xf32, #tpu.memory_space<vmem>> -> memref<128x8xf32, #tpu.memory_space<vmem>>
      %dma_start3A_1376 = arith.constant 0 : i32
      %dma_start3A_1377 = tpu.memref_slice %arg8[%dma_start3A_1371, %dma_start3A_1376] : memref<8x128xi32, #tpu.memory_space<vmem>> -> memref<1x128xi32, #tpu.memory_space<vmem>>
      %dma_start3A_1378 = tpu.memref_squeeze %dma_start3A_1377 : memref<1x128xi32, #tpu.memory_space<vmem>> -> memref<128xi32, #tpu.memory_space<vmem>>
      %dma_start3A_1379 = arith.constant 0 : i32
      %dma_start3A_1380 = arith.constant 0 : i32
      %dma_start3A_1381 = tpu.memref_slice %arg15[%dma_start3A_1379, %dma_start3A_1380] : memref<200192x8xf32, #tpu.memory_space<vmem_shared>> -> memref<200192x8xf32, #tpu.memory_space<vmem_shared>>
      tpu.enqueue_indirect_dma source(%dma_start3A_1375 : memref<128x8xf32, #tpu.memory_space<vmem>>) target(%dma_start3A_1381 : memref<200192x8xf32, #tpu.memory_space<vmem_shared>>) offsets(%dma_start3A_1378 : memref<128xi32, #tpu.memory_space<vmem>>) semaphore(%arg17 : memref<!tpu.dma_semaphore, #tpu.memory_space<semaphore_mem>>) {add = true}
      %dma_start3A_1382 = arith.constant 2 : i32
      %dma_start3A_1383 = arith.constant 2 : i32
      %dma_start3A_1384 = arith.constant 0 : i32
      %dma_start3A_1385 = arith.constant 0 : i32
      %dma_start3A_1386 = tpu.memref_slice %arg9[%dma_start3A_1382, %dma_start3A_1384, %dma_start3A_1385] : memref<8x128x8xf32, #tpu.memory_space<vmem>> -> memref<1x128x8xf32, #tpu.memory_space<vmem>>
      %dma_start3A_1387 = tpu.memref_squeeze %dma_start3A_1386 : memref<1x128x8xf32, #tpu.memory_space<vmem>> -> memref<128x8xf32, #tpu.memory_space<vmem>>
      %dma_start3A_1388 = arith.constant 0 : i32
      %dma_start3A_1389 = tpu.memref_slice %arg8[%dma_start3A_1383, %dma_start3A_1388] : memref<8x128xi32, #tpu.memory_space<vmem>> -> memref<1x128xi32, #tpu.memory_space<vmem>>
      %dma_start3A_1390 = tpu.memref_squeeze %dma_start3A_1389 : memref<1x128xi32, #tpu.memory_space<vmem>> -> memref<128xi32, #tpu.memory_space<vmem>>
      %dma_start3A_1391 = arith.constant 0 : i32
      %dma_start3A_1392 = arith.constant 0 : i32
      %dma_start3A_1393 = tpu.memref_slice %arg15[%dma_start3A_1391, %dma_start3A_1392] : memref<200192x8xf32, #tpu.memory_space<vmem_shared>> -> memref<200192x8xf32, #tpu.memory_space<vmem_shared>>
      tpu.enqueue_indirect_dma source(%dma_start3A_1387 : memref<128x8xf32, #tpu.memory_space<vmem>>) target(%dma_start3A_1393 : memref<200192x8xf32, #tpu.memory_space<vmem_shared>>) offsets(%dma_start3A_1390 : memref<128xi32, #tpu.memory_space<vmem>>) semaphore(%arg17 : memref<!tpu.dma_semaphore, #tpu.memory_space<semaphore_mem>>) {add = true}
      %dma_start3A_1394 = arith.constant 3 : i32
      %dma_start3A_1395 = arith.constant 3 : i32
      %dma_start3A_1396 = arith.constant 0 : i32
      %dma_start3A_1397 = arith.constant 0 : i32
      %dma_start3A_1398 = tpu.memref_slice %arg9[%dma_start3A_1394, %dma_start3A_1396, %dma_start3A_1397] : memref<8x128x8xf32, #tpu.memory_space<vmem>> -> memref<1x128x8xf32, #tpu.memory_space<vmem>>
      %dma_start3A_1399 = tpu.memref_squeeze %dma_start3A_1398 : memref<1x128x8xf32, #tpu.memory_space<vmem>> -> memref<128x8xf32, #tpu.memory_space<vmem>>
      %dma_start3A_1400 = arith.constant 0 : i32
      %dma_start3A_1401 = tpu.memref_slice %arg8[%dma_start3A_1395, %dma_start3A_1400] : memref<8x128xi32, #tpu.memory_space<vmem>> -> memref<1x128xi32, #tpu.memory_space<vmem>>
      %dma_start3A_1402 = tpu.memref_squeeze %dma_start3A_1401 : memref<1x128xi32, #tpu.memory_space<vmem>> -> memref<128xi32, #tpu.memory_space<vmem>>
      %dma_start3A_1403 = arith.constant 0 : i32
      %dma_start3A_1404 = arith.constant 0 : i32
      %dma_start3A_1405 = tpu.memref_slice %arg15[%dma_start3A_1403, %dma_start3A_1404] : memref<200192x8xf32, #tpu.memory_space<vmem_shared>> -> memref<200192x8xf32, #tpu.memory_space<vmem_shared>>
      tpu.enqueue_indirect_dma source(%dma_start3A_1399 : memref<128x8xf32, #tpu.memory_space<vmem>>) target(%dma_start3A_1405 : memref<200192x8xf32, #tpu.memory_space<vmem_shared>>) offsets(%dma_start3A_1402 : memref<128xi32, #tpu.memory_space<vmem>>) semaphore(%arg17 : memref<!tpu.dma_semaphore, #tpu.memory_space<semaphore_mem>>) {add = true}
      %dma_start3A_1406 = arith.constant 4 : i32
      %dma_start3A_1407 = arith.constant 4 : i32
      %dma_start3A_1408 = arith.constant 0 : i32
      %dma_start3A_1409 = arith.constant 0 : i32
      %dma_start3A_1410 = tpu.memref_slice %arg9[%dma_start3A_1406, %dma_start3A_1408, %dma_start3A_1409] : memref<8x128x8xf32, #tpu.memory_space<vmem>> -> memref<1x128x8xf32, #tpu.memory_space<vmem>>
      %dma_start3A_1411 = tpu.memref_squeeze %dma_start3A_1410 : memref<1x128x8xf32, #tpu.memory_space<vmem>> -> memref<128x8xf32, #tpu.memory_space<vmem>>
      %dma_start3A_1412 = arith.constant 0 : i32
      %dma_start3A_1413 = tpu.memref_slice %arg8[%dma_start3A_1407, %dma_start3A_1412] : memref<8x128xi32, #tpu.memory_space<vmem>> -> memref<1x128xi32, #tpu.memory_space<vmem>>
      %dma_start3A_1414 = tpu.memref_squeeze %dma_start3A_1413 : memref<1x128xi32, #tpu.memory_space<vmem>> -> memref<128xi32, #tpu.memory_space<vmem>>
      %dma_start3A_1415 = arith.constant 0 : i32
      %dma_start3A_1416 = arith.constant 0 : i32
      %dma_start3A_1417 = tpu.memref_slice %arg15[%dma_start3A_1415, %dma_start3A_1416] : memref<200192x8xf32, #tpu.memory_space<vmem_shared>> -> memref<200192x8xf32, #tpu.memory_space<vmem_shared>>
      tpu.enqueue_indirect_dma source(%dma_start3A_1411 : memref<128x8xf32, #tpu.memory_space<vmem>>) target(%dma_start3A_1417 : memref<200192x8xf32, #tpu.memory_space<vmem_shared>>) offsets(%dma_start3A_1414 : memref<128xi32, #tpu.memory_space<vmem>>) semaphore(%arg17 : memref<!tpu.dma_semaphore, #tpu.memory_space<semaphore_mem>>) {add = true}
      %dma_start3A_1418 = arith.constant 5 : i32
      %dma_start3A_1419 = arith.constant 5 : i32
      %dma_start3A_1420 = arith.constant 0 : i32
      %dma_start3A_1421 = arith.constant 0 : i32
      %dma_start3A_1422 = tpu.memref_slice %arg9[%dma_start3A_1418, %dma_start3A_1420, %dma_start3A_1421] : memref<8x128x8xf32, #tpu.memory_space<vmem>> -> memref<1x128x8xf32, #tpu.memory_space<vmem>>
      %dma_start3A_1423 = tpu.memref_squeeze %dma_start3A_1422 : memref<1x128x8xf32, #tpu.memory_space<vmem>> -> memref<128x8xf32, #tpu.memory_space<vmem>>
      %dma_start3A_1424 = arith.constant 0 : i32
      %dma_start3A_1425 = tpu.memref_slice %arg8[%dma_start3A_1419, %dma_start3A_1424] : memref<8x128xi32, #tpu.memory_space<vmem>> -> memref<1x128xi32, #tpu.memory_space<vmem>>
      %dma_start3A_1426 = tpu.memref_squeeze %dma_start3A_1425 : memref<1x128xi32, #tpu.memory_space<vmem>> -> memref<128xi32, #tpu.memory_space<vmem>>
      %dma_start3A_1427 = arith.constant 0 : i32
      %dma_start3A_1428 = arith.constant 0 : i32
      %dma_start3A_1429 = tpu.memref_slice %arg15[%dma_start3A_1427, %dma_start3A_1428] : memref<200192x8xf32, #tpu.memory_space<vmem_shared>> -> memref<200192x8xf32, #tpu.memory_space<vmem_shared>>
      tpu.enqueue_indirect_dma source(%dma_start3A_1423 : memref<128x8xf32, #tpu.memory_space<vmem>>) target(%dma_start3A_1429 : memref<200192x8xf32, #tpu.memory_space<vmem_shared>>) offsets(%dma_start3A_1426 : memref<128xi32, #tpu.memory_space<vmem>>) semaphore(%arg17 : memref<!tpu.dma_semaphore, #tpu.memory_space<semaphore_mem>>) {add = true}
      %dma_start3A_1430 = arith.constant 6 : i32
      %dma_start3A_1431 = arith.constant 6 : i32
      %dma_start3A_1432 = arith.constant 0 : i32
      %dma_start3A_1433 = arith.constant 0 : i32
      %dma_start3A_1434 = tpu.memref_slice %arg9[%dma_start3A_1430, %dma_start3A_1432, %dma_start3A_1433] : memref<8x128x8xf32, #tpu.memory_space<vmem>> -> memref<1x128x8xf32, #tpu.memory_space<vmem>>
      %dma_start3A_1435 = tpu.memref_squeeze %dma_start3A_1434 : memref<1x128x8xf32, #tpu.memory_space<vmem>> -> memref<128x8xf32, #tpu.memory_space<vmem>>
      %dma_start3A_1436 = arith.constant 0 : i32
      %dma_start3A_1437 = tpu.memref_slice %arg8[%dma_start3A_1431, %dma_start3A_1436] : memref<8x128xi32, #tpu.memory_space<vmem>> -> memref<1x128xi32, #tpu.memory_space<vmem>>
      %dma_start3A_1438 = tpu.memref_squeeze %dma_start3A_1437 : memref<1x128xi32, #tpu.memory_space<vmem>> -> memref<128xi32, #tpu.memory_space<vmem>>
      %dma_start3A_1439 = arith.constant 0 : i32
      %dma_start3A_1440 = arith.constant 0 : i32
      %dma_start3A_1441 = tpu.memref_slice %arg15[%dma_start3A_1439, %dma_start3A_1440] : memref<200192x8xf32, #tpu.memory_space<vmem_shared>> -> memref<200192x8xf32, #tpu.memory_space<vmem_shared>>
      tpu.enqueue_indirect_dma source(%dma_start3A_1435 : memref<128x8xf32, #tpu.memory_space<vmem>>) target(%dma_start3A_1441 : memref<200192x8xf32, #tpu.memory_space<vmem_shared>>) offsets(%dma_start3A_1438 : memref<128xi32, #tpu.memory_space<vmem>>) semaphore(%arg17 : memref<!tpu.dma_semaphore, #tpu.memory_space<semaphore_mem>>) {add = true}
      %dma_start3A_1442 = arith.constant 7 : i32
      %dma_start3A_1443 = arith.constant 7 : i32
      %dma_start3A_1444 = arith.constant 0 : i32
      %dma_start3A_1445 = arith.constant 0 : i32
      %dma_start3A_1446 = tpu.memref_slice %arg9[%dma_start3A_1442, %dma_start3A_1444, %dma_start3A_1445] : memref<8x128x8xf32, #tpu.memory_space<vmem>> -> memref<1x128x8xf32, #tpu.memory_space<vmem>>
      %dma_start3A_1447 = tpu.memref_squeeze %dma_start3A_1446 : memref<1x128x8xf32, #tpu.memory_space<vmem>> -> memref<128x8xf32, #tpu.memory_space<vmem>>
      %dma_start3A_1448 = arith.constant 0 : i32
      %dma_start3A_1449 = tpu.memref_slice %arg8[%dma_start3A_1443, %dma_start3A_1448] : memref<8x128xi32, #tpu.memory_space<vmem>> -> memref<1x128xi32, #tpu.memory_space<vmem>>
      %dma_start3A_1450 = tpu.memref_squeeze %dma_start3A_1449 : memref<1x128xi32, #tpu.memory_space<vmem>> -> memref<128xi32, #tpu.memory_space<vmem>>
      %dma_start3A_1451 = arith.constant 0 : i32
      %dma_start3A_1452 = arith.constant 0 : i32
      %dma_start3A_1453 = tpu.memref_slice %arg15[%dma_start3A_1451, %dma_start3A_1452] : memref<200192x8xf32, #tpu.memory_space<vmem_shared>> -> memref<200192x8xf32, #tpu.memory_space<vmem_shared>>
      tpu.enqueue_indirect_dma source(%dma_start3A_1447 : memref<128x8xf32, #tpu.memory_space<vmem>>) target(%dma_start3A_1453 : memref<200192x8xf32, #tpu.memory_space<vmem_shared>>) offsets(%dma_start3A_1450 : memref<128xi32, #tpu.memory_space<vmem>>) semaphore(%arg17 : memref<!tpu.dma_semaphore, #tpu.memory_space<semaphore_mem>>) {add = true}
      %dma_start3A_1454 = arith.constant 0 : i32
      %dma_start3A_1455 = arith.constant 0 : i32
      %dma_start3A_1456 = arith.constant 0 : i32
      %dma_start3A_1457 = arith.constant 0 : i32
      %dma_start3A_1458 = tpu.memref_slice %arg12[%dma_start3A_1455, %dma_start3A_1456, %dma_start3A_1457] : memref<8x128x8xf32, #tpu.memory_space<vmem>> -> memref<1x128x8xf32, #tpu.memory_space<vmem>>
      %dma_start3A_1459 = tpu.memref_squeeze %dma_start3A_1458 : memref<1x128x8xf32, #tpu.memory_space<vmem>> -> memref<128x8xf32, #tpu.memory_space<vmem>>
      %dma_start3A_1460 = arith.constant 0 : i32
      %dma_start3A_1461 = tpu.memref_slice %arg10[%dma_start3A_1454, %dma_start3A_1460] : memref<8x128xi32, #tpu.memory_space<vmem>> -> memref<1x128xi32, #tpu.memory_space<vmem>>
      %dma_start3A_1462 = tpu.memref_squeeze %dma_start3A_1461 : memref<1x128xi32, #tpu.memory_space<vmem>> -> memref<128xi32, #tpu.memory_space<vmem>>
      %dma_start3A_1463 = arith.constant 0 : i32
      %dma_start3A_1464 = arith.constant 0 : i32
      %dma_start3A_1465 = tpu.memref_slice %arg2[%dma_start3A_1463, %dma_start3A_1464] : memref<200000x8xf32, #tpu.memory_space<hbm>> -> memref<200000x8xf32, #tpu.memory_space<hbm>>
      tpu.enqueue_indirect_dma source(%dma_start3A_1465 : memref<200000x8xf32, #tpu.memory_space<hbm>>) target(%dma_start3A_1459 : memref<128x8xf32, #tpu.memory_space<vmem>>) offsets(%dma_start3A_1462 : memref<128xi32, #tpu.memory_space<vmem>>) semaphore(%arg16 : memref<!tpu.dma_semaphore, #tpu.memory_space<semaphore_mem>>)
      %dma_start3A_1466 = arith.constant 1 : i32
      %dma_start3A_1467 = arith.constant 1 : i32
      %dma_start3A_1468 = arith.constant 0 : i32
      %dma_start3A_1469 = arith.constant 0 : i32
      %dma_start3A_1470 = tpu.memref_slice %arg12[%dma_start3A_1467, %dma_start3A_1468, %dma_start3A_1469] : memref<8x128x8xf32, #tpu.memory_space<vmem>> -> memref<1x128x8xf32, #tpu.memory_space<vmem>>
      %dma_start3A_1471 = tpu.memref_squeeze %dma_start3A_1470 : memref<1x128x8xf32, #tpu.memory_space<vmem>> -> memref<128x8xf32, #tpu.memory_space<vmem>>
      %dma_start3A_1472 = arith.constant 0 : i32
      %dma_start3A_1473 = tpu.memref_slice %arg10[%dma_start3A_1466, %dma_start3A_1472] : memref<8x128xi32, #tpu.memory_space<vmem>> -> memref<1x128xi32, #tpu.memory_space<vmem>>
      %dma_start3A_1474 = tpu.memref_squeeze %dma_start3A_1473 : memref<1x128xi32, #tpu.memory_space<vmem>> -> memref<128xi32, #tpu.memory_space<vmem>>
      %dma_start3A_1475 = arith.constant 0 : i32
      %dma_start3A_1476 = arith.constant 0 : i32
      %dma_start3A_1477 = tpu.memref_slice %arg2[%dma_start3A_1475, %dma_start3A_1476] : memref<200000x8xf32, #tpu.memory_space<hbm>> -> memref<200000x8xf32, #tpu.memory_space<hbm>>
      tpu.enqueue_indirect_dma source(%dma_start3A_1477 : memref<200000x8xf32, #tpu.memory_space<hbm>>) target(%dma_start3A_1471 : memref<128x8xf32, #tpu.memory_space<vmem>>) offsets(%dma_start3A_1474 : memref<128xi32, #tpu.memory_space<vmem>>) semaphore(%arg16 : memref<!tpu.dma_semaphore, #tpu.memory_space<semaphore_mem>>)
      %dma_start3A_1478 = arith.constant 2 : i32
      %dma_start3A_1479 = arith.constant 2 : i32
      %dma_start3A_1480 = arith.constant 0 : i32
      %dma_start3A_1481 = arith.constant 0 : i32
      %dma_start3A_1482 = tpu.memref_slice %arg12[%dma_start3A_1479, %dma_start3A_1480, %dma_start3A_1481] : memref<8x128x8xf32, #tpu.memory_space<vmem>> -> memref<1x128x8xf32, #tpu.memory_space<vmem>>
      %dma_start3A_1483 = tpu.memref_squeeze %dma_start3A_1482 : memref<1x128x8xf32, #tpu.memory_space<vmem>> -> memref<128x8xf32, #tpu.memory_space<vmem>>
      %dma_start3A_1484 = arith.constant 0 : i32
      %dma_start3A_1485 = tpu.memref_slice %arg10[%dma_start3A_1478, %dma_start3A_1484] : memref<8x128xi32, #tpu.memory_space<vmem>> -> memref<1x128xi32, #tpu.memory_space<vmem>>
      %dma_start3A_1486 = tpu.memref_squeeze %dma_start3A_1485 : memref<1x128xi32, #tpu.memory_space<vmem>> -> memref<128xi32, #tpu.memory_space<vmem>>
      %dma_start3A_1487 = arith.constant 0 : i32
      %dma_start3A_1488 = arith.constant 0 : i32
      %dma_start3A_1489 = tpu.memref_slice %arg2[%dma_start3A_1487, %dma_start3A_1488] : memref<200000x8xf32, #tpu.memory_space<hbm>> -> memref<200000x8xf32, #tpu.memory_space<hbm>>
      tpu.enqueue_indirect_dma source(%dma_start3A_1489 : memref<200000x8xf32, #tpu.memory_space<hbm>>) target(%dma_start3A_1483 : memref<128x8xf32, #tpu.memory_space<vmem>>) offsets(%dma_start3A_1486 : memref<128xi32, #tpu.memory_space<vmem>>) semaphore(%arg16 : memref<!tpu.dma_semaphore, #tpu.memory_space<semaphore_mem>>)
      %dma_start3A_1490 = arith.constant 3 : i32
      %dma_start3A_1491 = arith.constant 3 : i32
      %dma_start3A_1492 = arith.constant 0 : i32
      %dma_start3A_1493 = arith.constant 0 : i32
      %dma_start3A_1494 = tpu.memref_slice %arg12[%dma_start3A_1491, %dma_start3A_1492, %dma_start3A_1493] : memref<8x128x8xf32, #tpu.memory_space<vmem>> -> memref<1x128x8xf32, #tpu.memory_space<vmem>>
      %dma_start3A_1495 = tpu.memref_squeeze %dma_start3A_1494 : memref<1x128x8xf32, #tpu.memory_space<vmem>> -> memref<128x8xf32, #tpu.memory_space<vmem>>
      %dma_start3A_1496 = arith.constant 0 : i32
      %dma_start3A_1497 = tpu.memref_slice %arg10[%dma_start3A_1490, %dma_start3A_1496] : memref<8x128xi32, #tpu.memory_space<vmem>> -> memref<1x128xi32, #tpu.memory_space<vmem>>
      %dma_start3A_1498 = tpu.memref_squeeze %dma_start3A_1497 : memref<1x128xi32, #tpu.memory_space<vmem>> -> memref<128xi32, #tpu.memory_space<vmem>>
      %dma_start3A_1499 = arith.constant 0 : i32
      %dma_start3A_1500 = arith.constant 0 : i32
      %dma_start3A_1501 = tpu.memref_slice %arg2[%dma_start3A_1499, %dma_start3A_1500] : memref<200000x8xf32, #tpu.memory_space<hbm>> -> memref<200000x8xf32, #tpu.memory_space<hbm>>
      tpu.enqueue_indirect_dma source(%dma_start3A_1501 : memref<200000x8xf32, #tpu.memory_space<hbm>>) target(%dma_start3A_1495 : memref<128x8xf32, #tpu.memory_space<vmem>>) offsets(%dma_start3A_1498 : memref<128xi32, #tpu.memory_space<vmem>>) semaphore(%arg16 : memref<!tpu.dma_semaphore, #tpu.memory_space<semaphore_mem>>)
      %dma_start3A_1502 = arith.constant 4 : i32
      %dma_start3A_1503 = arith.constant 4 : i32
      %dma_start3A_1504 = arith.constant 0 : i32
      %dma_start3A_1505 = arith.constant 0 : i32
      %dma_start3A_1506 = tpu.memref_slice %arg12[%dma_start3A_1503, %dma_start3A_1504, %dma_start3A_1505] : memref<8x128x8xf32, #tpu.memory_space<vmem>> -> memref<1x128x8xf32, #tpu.memory_space<vmem>>
      %dma_start3A_1507 = tpu.memref_squeeze %dma_start3A_1506 : memref<1x128x8xf32, #tpu.memory_space<vmem>> -> memref<128x8xf32, #tpu.memory_space<vmem>>
      %dma_start3A_1508 = arith.constant 0 : i32
      %dma_start3A_1509 = tpu.memref_slice %arg10[%dma_start3A_1502, %dma_start3A_1508] : memref<8x128xi32, #tpu.memory_space<vmem>> -> memref<1x128xi32, #tpu.memory_space<vmem>>
      %dma_start3A_1510 = tpu.memref_squeeze %dma_start3A_1509 : memref<1x128xi32, #tpu.memory_space<vmem>> -> memref<128xi32, #tpu.memory_space<vmem>>
      %dma_start3A_1511 = arith.constant 0 : i32
      %dma_start3A_1512 = arith.constant 0 : i32
      %dma_start3A_1513 = tpu.memref_slice %arg2[%dma_start3A_1511, %dma_start3A_1512] : memref<200000x8xf32, #tpu.memory_space<hbm>> -> memref<200000x8xf32, #tpu.memory_space<hbm>>
      tpu.enqueue_indirect_dma source(%dma_start3A_1513 : memref<200000x8xf32, #tpu.memory_space<hbm>>) target(%dma_start3A_1507 : memref<128x8xf32, #tpu.memory_space<vmem>>) offsets(%dma_start3A_1510 : memref<128xi32, #tpu.memory_space<vmem>>) semaphore(%arg16 : memref<!tpu.dma_semaphore, #tpu.memory_space<semaphore_mem>>)
      %dma_start3A_1514 = arith.constant 5 : i32
      %dma_start3A_1515 = arith.constant 5 : i32
      %dma_start3A_1516 = arith.constant 0 : i32
      %dma_start3A_1517 = arith.constant 0 : i32
      %dma_start3A_1518 = tpu.memref_slice %arg12[%dma_start3A_1515, %dma_start3A_1516, %dma_start3A_1517] : memref<8x128x8xf32, #tpu.memory_space<vmem>> -> memref<1x128x8xf32, #tpu.memory_space<vmem>>
      %dma_start3A_1519 = tpu.memref_squeeze %dma_start3A_1518 : memref<1x128x8xf32, #tpu.memory_space<vmem>> -> memref<128x8xf32, #tpu.memory_space<vmem>>
      %dma_start3A_1520 = arith.constant 0 : i32
      %dma_start3A_1521 = tpu.memref_slice %arg10[%dma_start3A_1514, %dma_start3A_1520] : memref<8x128xi32, #tpu.memory_space<vmem>> -> memref<1x128xi32, #tpu.memory_space<vmem>>
      %dma_start3A_1522 = tpu.memref_squeeze %dma_start3A_1521 : memref<1x128xi32, #tpu.memory_space<vmem>> -> memref<128xi32, #tpu.memory_space<vmem>>
      %dma_start3A_1523 = arith.constant 0 : i32
      %dma_start3A_1524 = arith.constant 0 : i32
      %dma_start3A_1525 = tpu.memref_slice %arg2[%dma_start3A_1523, %dma_start3A_1524] : memref<200000x8xf32, #tpu.memory_space<hbm>> -> memref<200000x8xf32, #tpu.memory_space<hbm>>
      tpu.enqueue_indirect_dma source(%dma_start3A_1525 : memref<200000x8xf32, #tpu.memory_space<hbm>>) target(%dma_start3A_1519 : memref<128x8xf32, #tpu.memory_space<vmem>>) offsets(%dma_start3A_1522 : memref<128xi32, #tpu.memory_space<vmem>>) semaphore(%arg16 : memref<!tpu.dma_semaphore, #tpu.memory_space<semaphore_mem>>)
      %dma_start3A_1526 = arith.constant 6 : i32
      %dma_start3A_1527 = arith.constant 6 : i32
      %dma_start3A_1528 = arith.constant 0 : i32
      %dma_start3A_1529 = arith.constant 0 : i32
      %dma_start3A_1530 = tpu.memref_slice %arg12[%dma_start3A_1527, %dma_start3A_1528, %dma_start3A_1529] : memref<8x128x8xf32, #tpu.memory_space<vmem>> -> memref<1x128x8xf32, #tpu.memory_space<vmem>>
      %dma_start3A_1531 = tpu.memref_squeeze %dma_start3A_1530 : memref<1x128x8xf32, #tpu.memory_space<vmem>> -> memref<128x8xf32, #tpu.memory_space<vmem>>
      %dma_start3A_1532 = arith.constant 0 : i32
      %dma_start3A_1533 = tpu.memref_slice %arg10[%dma_start3A_1526, %dma_start3A_1532] : memref<8x128xi32, #tpu.memory_space<vmem>> -> memref<1x128xi32, #tpu.memory_space<vmem>>
      %dma_start3A_1534 = tpu.memref_squeeze %dma_start3A_1533 : memref<1x128xi32, #tpu.memory_space<vmem>> -> memref<128xi32, #tpu.memory_space<vmem>>
      %dma_start3A_1535 = arith.constant 0 : i32
      %dma_start3A_1536 = arith.constant 0 : i32
      %dma_start3A_1537 = tpu.memref_slice %arg2[%dma_start3A_1535, %dma_start3A_1536] : memref<200000x8xf32, #tpu.memory_space<hbm>> -> memref<200000x8xf32, #tpu.memory_space<hbm>>
      tpu.enqueue_indirect_dma source(%dma_start3A_1537 : memref<200000x8xf32, #tpu.memory_space<hbm>>) target(%dma_start3A_1531 : memref<128x8xf32, #tpu.memory_space<vmem>>) offsets(%dma_start3A_1534 : memref<128xi32, #tpu.memory_space<vmem>>) semaphore(%arg16 : memref<!tpu.dma_semaphore, #tpu.memory_space<semaphore_mem>>)
      %dma_start3A_1538 = arith.constant 7 : i32
      %dma_start3A_1539 = arith.constant 7 : i32
      %dma_start3A_1540 = arith.constant 0 : i32
      %dma_start3A_1541 = arith.constant 0 : i32
      %dma_start3A_1542 = tpu.memref_slice %arg12[%dma_start3A_1539, %dma_start3A_1540, %dma_start3A_1541] : memref<8x128x8xf32, #tpu.memory_space<vmem>> -> memref<1x128x8xf32, #tpu.memory_space<vmem>>
      %dma_start3A_1543 = tpu.memref_squeeze %dma_start3A_1542 : memref<1x128x8xf32, #tpu.memory_space<vmem>> -> memref<128x8xf32, #tpu.memory_space<vmem>>
      %dma_start3A_1544 = arith.constant 0 : i32
      %dma_start3A_1545 = tpu.memref_slice %arg10[%dma_start3A_1538, %dma_start3A_1544] : memref<8x128xi32, #tpu.memory_space<vmem>> -> memref<1x128xi32, #tpu.memory_space<vmem>>
      %dma_start3A_1546 = tpu.memref_squeeze %dma_start3A_1545 : memref<1x128xi32, #tpu.memory_space<vmem>> -> memref<128xi32, #tpu.memory_space<vmem>>
      %dma_start3A_1547 = arith.constant 0 : i32
      %dma_start3A_1548 = arith.constant 0 : i32
      %dma_start3A_1549 = tpu.memref_slice %arg2[%dma_start3A_1547, %dma_start3A_1548] : memref<200000x8xf32, #tpu.memory_space<hbm>> -> memref<200000x8xf32, #tpu.memory_space<hbm>>
      tpu.enqueue_indirect_dma source(%dma_start3A_1549 : memref<200000x8xf32, #tpu.memory_space<hbm>>) target(%dma_start3A_1543 : memref<128x8xf32, #tpu.memory_space<vmem>>) offsets(%dma_start3A_1546 : memref<128xi32, #tpu.memory_space<vmem>>) semaphore(%arg16 : memref<!tpu.dma_semaphore, #tpu.memory_space<semaphore_mem>>)
      %dma_wait3A_1550 = arith.constant 0 : i32
      %dma_wait3A_1551 = arith.constant 0 : i32
      %dma_wait3A_1552 = arith.constant 0 : i32
      %dma_wait3A_1553 = arith.constant 0 : i32
      %dma_wait3A_1554 = tpu.memref_slice %arg9[%dma_wait3A_1550, %dma_wait3A_1552, %dma_wait3A_1553] : memref<8x128x8xf32, #tpu.memory_space<vmem>> -> memref<1x128x8xf32, #tpu.memory_space<vmem>>
      %dma_wait3A_1555 = tpu.memref_squeeze %dma_wait3A_1554 : memref<1x128x8xf32, #tpu.memory_space<vmem>> -> memref<128x8xf32, #tpu.memory_space<vmem>>
      %dma_wait3A_1556 = arith.constant 0 : i32
      %dma_wait3A_1557 = tpu.memref_slice %arg8[%dma_wait3A_1551, %dma_wait3A_1556] : memref<8x128xi32, #tpu.memory_space<vmem>> -> memref<1x128xi32, #tpu.memory_space<vmem>>
      %dma_wait3A_1558 = tpu.memref_squeeze %dma_wait3A_1557 : memref<1x128xi32, #tpu.memory_space<vmem>> -> memref<128xi32, #tpu.memory_space<vmem>>
      %dma_wait3A_1559 = arith.constant 0 : i32
      %dma_wait3A_1560 = arith.constant 0 : i32
      %dma_wait3A_1561 = tpu.memref_slice %arg15[%dma_wait3A_1559, %dma_wait3A_1560] : memref<200192x8xf32, #tpu.memory_space<vmem_shared>> -> memref<200192x8xf32, #tpu.memory_space<vmem_shared>>
      tpu.wait_indirect_dma semaphore(%arg17 : memref<!tpu.dma_semaphore, #tpu.memory_space<semaphore_mem>>) src(%dma_wait3A_1555 : memref<128x8xf32, #tpu.memory_space<vmem>>) dst(%dma_wait3A_1561 : memref<200192x8xf32, #tpu.memory_space<vmem_shared>>)
      %dma_wait3A_1562 = arith.constant 1 : i32
      %dma_wait3A_1563 = arith.constant 1 : i32
      %dma_wait3A_1564 = arith.constant 0 : i32
      %dma_wait3A_1565 = arith.constant 0 : i32
      %dma_wait3A_1566 = tpu.memref_slice %arg9[%dma_wait3A_1562, %dma_wait3A_1564, %dma_wait3A_1565] : memref<8x128x8xf32, #tpu.memory_space<vmem>> -> memref<1x128x8xf32, #tpu.memory_space<vmem>>
      %dma_wait3A_1567 = tpu.memref_squeeze %dma_wait3A_1566 : memref<1x128x8xf32, #tpu.memory_space<vmem>> -> memref<128x8xf32, #tpu.memory_space<vmem>>
      %dma_wait3A_1568 = arith.constant 0 : i32
      %dma_wait3A_1569 = tpu.memref_slice %arg8[%dma_wait3A_1563, %dma_wait3A_1568] : memref<8x128xi32, #tpu.memory_space<vmem>> -> memref<1x128xi32, #tpu.memory_space<vmem>>
      %dma_wait3A_1570 = tpu.memref_squeeze %dma_wait3A_1569 : memref<1x128xi32, #tpu.memory_space<vmem>> -> memref<128xi32, #tpu.memory_space<vmem>>
      %dma_wait3A_1571 = arith.constant 0 : i32
      %dma_wait3A_1572 = arith.constant 0 : i32
      %dma_wait3A_1573 = tpu.memref_slice %arg15[%dma_wait3A_1571, %dma_wait3A_1572] : memref<200192x8xf32, #tpu.memory_space<vmem_shared>> -> memref<200192x8xf32, #tpu.memory_space<vmem_shared>>
      tpu.wait_indirect_dma semaphore(%arg17 : memref<!tpu.dma_semaphore, #tpu.memory_space<semaphore_mem>>) src(%dma_wait3A_1567 : memref<128x8xf32, #tpu.memory_space<vmem>>) dst(%dma_wait3A_1573 : memref<200192x8xf32, #tpu.memory_space<vmem_shared>>)
      %dma_wait3A_1574 = arith.constant 2 : i32
      %dma_wait3A_1575 = arith.constant 2 : i32
      %dma_wait3A_1576 = arith.constant 0 : i32
      %dma_wait3A_1577 = arith.constant 0 : i32
      %dma_wait3A_1578 = tpu.memref_slice %arg9[%dma_wait3A_1574, %dma_wait3A_1576, %dma_wait3A_1577] : memref<8x128x8xf32, #tpu.memory_space<vmem>> -> memref<1x128x8xf32, #tpu.memory_space<vmem>>
      %dma_wait3A_1579 = tpu.memref_squeeze %dma_wait3A_1578 : memref<1x128x8xf32, #tpu.memory_space<vmem>> -> memref<128x8xf32, #tpu.memory_space<vmem>>
      %dma_wait3A_1580 = arith.constant 0 : i32
      %dma_wait3A_1581 = tpu.memref_slice %arg8[%dma_wait3A_1575, %dma_wait3A_1580] : memref<8x128xi32, #tpu.memory_space<vmem>> -> memref<1x128xi32, #tpu.memory_space<vmem>>
      %dma_wait3A_1582 = tpu.memref_squeeze %dma_wait3A_1581 : memref<1x128xi32, #tpu.memory_space<vmem>> -> memref<128xi32, #tpu.memory_space<vmem>>
      %dma_wait3A_1583 = arith.constant 0 : i32
      %dma_wait3A_1584 = arith.constant 0 : i32
      %dma_wait3A_1585 = tpu.memref_slice %arg15[%dma_wait3A_1583, %dma_wait3A_1584] : memref<200192x8xf32, #tpu.memory_space<vmem_shared>> -> memref<200192x8xf32, #tpu.memory_space<vmem_shared>>
      tpu.wait_indirect_dma semaphore(%arg17 : memref<!tpu.dma_semaphore, #tpu.memory_space<semaphore_mem>>) src(%dma_wait3A_1579 : memref<128x8xf32, #tpu.memory_space<vmem>>) dst(%dma_wait3A_1585 : memref<200192x8xf32, #tpu.memory_space<vmem_shared>>)
      %dma_wait3A_1586 = arith.constant 3 : i32
      %dma_wait3A_1587 = arith.constant 3 : i32
      %dma_wait3A_1588 = arith.constant 0 : i32
      %dma_wait3A_1589 = arith.constant 0 : i32
      %dma_wait3A_1590 = tpu.memref_slice %arg9[%dma_wait3A_1586, %dma_wait3A_1588, %dma_wait3A_1589] : memref<8x128x8xf32, #tpu.memory_space<vmem>> -> memref<1x128x8xf32, #tpu.memory_space<vmem>>
      %dma_wait3A_1591 = tpu.memref_squeeze %dma_wait3A_1590 : memref<1x128x8xf32, #tpu.memory_space<vmem>> -> memref<128x8xf32, #tpu.memory_space<vmem>>
      %dma_wait3A_1592 = arith.constant 0 : i32
      %dma_wait3A_1593 = tpu.memref_slice %arg8[%dma_wait3A_1587, %dma_wait3A_1592] : memref<8x128xi32, #tpu.memory_space<vmem>> -> memref<1x128xi32, #tpu.memory_space<vmem>>
      %dma_wait3A_1594 = tpu.memref_squeeze %dma_wait3A_1593 : memref<1x128xi32, #tpu.memory_space<vmem>> -> memref<128xi32, #tpu.memory_space<vmem>>
      %dma_wait3A_1595 = arith.constant 0 : i32
      %dma_wait3A_1596 = arith.constant 0 : i32
      %dma_wait3A_1597 = tpu.memref_slice %arg15[%dma_wait3A_1595, %dma_wait3A_1596] : memref<200192x8xf32, #tpu.memory_space<vmem_shared>> -> memref<200192x8xf32, #tpu.memory_space<vmem_shared>>
      tpu.wait_indirect_dma semaphore(%arg17 : memref<!tpu.dma_semaphore, #tpu.memory_space<semaphore_mem>>) src(%dma_wait3A_1591 : memref<128x8xf32, #tpu.memory_space<vmem>>) dst(%dma_wait3A_1597 : memref<200192x8xf32, #tpu.memory_space<vmem_shared>>)
      %dma_wait3A_1598 = arith.constant 4 : i32
      %dma_wait3A_1599 = arith.constant 4 : i32
      %dma_wait3A_1600 = arith.constant 0 : i32
      %dma_wait3A_1601 = arith.constant 0 : i32
      %dma_wait3A_1602 = tpu.memref_slice %arg9[%dma_wait3A_1598, %dma_wait3A_1600, %dma_wait3A_1601] : memref<8x128x8xf32, #tpu.memory_space<vmem>> -> memref<1x128x8xf32, #tpu.memory_space<vmem>>
      %dma_wait3A_1603 = tpu.memref_squeeze %dma_wait3A_1602 : memref<1x128x8xf32, #tpu.memory_space<vmem>> -> memref<128x8xf32, #tpu.memory_space<vmem>>
      %dma_wait3A_1604 = arith.constant 0 : i32
      %dma_wait3A_1605 = tpu.memref_slice %arg8[%dma_wait3A_1599, %dma_wait3A_1604] : memref<8x128xi32, #tpu.memory_space<vmem>> -> memref<1x128xi32, #tpu.memory_space<vmem>>
      %dma_wait3A_1606 = tpu.memref_squeeze %dma_wait3A_1605 : memref<1x128xi32, #tpu.memory_space<vmem>> -> memref<128xi32, #tpu.memory_space<vmem>>
      %dma_wait3A_1607 = arith.constant 0 : i32
      %dma_wait3A_1608 = arith.constant 0 : i32
      %dma_wait3A_1609 = tpu.memref_slice %arg15[%dma_wait3A_1607, %dma_wait3A_1608] : memref<200192x8xf32, #tpu.memory_space<vmem_shared>> -> memref<200192x8xf32, #tpu.memory_space<vmem_shared>>
      tpu.wait_indirect_dma semaphore(%arg17 : memref<!tpu.dma_semaphore, #tpu.memory_space<semaphore_mem>>) src(%dma_wait3A_1603 : memref<128x8xf32, #tpu.memory_space<vmem>>) dst(%dma_wait3A_1609 : memref<200192x8xf32, #tpu.memory_space<vmem_shared>>)
      %dma_wait3A_1610 = arith.constant 5 : i32
      %dma_wait3A_1611 = arith.constant 5 : i32
      %dma_wait3A_1612 = arith.constant 0 : i32
      %dma_wait3A_1613 = arith.constant 0 : i32
      %dma_wait3A_1614 = tpu.memref_slice %arg9[%dma_wait3A_1610, %dma_wait3A_1612, %dma_wait3A_1613] : memref<8x128x8xf32, #tpu.memory_space<vmem>> -> memref<1x128x8xf32, #tpu.memory_space<vmem>>
      %dma_wait3A_1615 = tpu.memref_squeeze %dma_wait3A_1614 : memref<1x128x8xf32, #tpu.memory_space<vmem>> -> memref<128x8xf32, #tpu.memory_space<vmem>>
      %dma_wait3A_1616 = arith.constant 0 : i32
      %dma_wait3A_1617 = tpu.memref_slice %arg8[%dma_wait3A_1611, %dma_wait3A_1616] : memref<8x128xi32, #tpu.memory_space<vmem>> -> memref<1x128xi32, #tpu.memory_space<vmem>>
      %dma_wait3A_1618 = tpu.memref_squeeze %dma_wait3A_1617 : memref<1x128xi32, #tpu.memory_space<vmem>> -> memref<128xi32, #tpu.memory_space<vmem>>
      %dma_wait3A_1619 = arith.constant 0 : i32
      %dma_wait3A_1620 = arith.constant 0 : i32
      %dma_wait3A_1621 = tpu.memref_slice %arg15[%dma_wait3A_1619, %dma_wait3A_1620] : memref<200192x8xf32, #tpu.memory_space<vmem_shared>> -> memref<200192x8xf32, #tpu.memory_space<vmem_shared>>
      tpu.wait_indirect_dma semaphore(%arg17 : memref<!tpu.dma_semaphore, #tpu.memory_space<semaphore_mem>>) src(%dma_wait3A_1615 : memref<128x8xf32, #tpu.memory_space<vmem>>) dst(%dma_wait3A_1621 : memref<200192x8xf32, #tpu.memory_space<vmem_shared>>)
      %dma_wait3A_1622 = arith.constant 6 : i32
      %dma_wait3A_1623 = arith.constant 6 : i32
      %dma_wait3A_1624 = arith.constant 0 : i32
      %dma_wait3A_1625 = arith.constant 0 : i32
      %dma_wait3A_1626 = tpu.memref_slice %arg9[%dma_wait3A_1622, %dma_wait3A_1624, %dma_wait3A_1625] : memref<8x128x8xf32, #tpu.memory_space<vmem>> -> memref<1x128x8xf32, #tpu.memory_space<vmem>>
      %dma_wait3A_1627 = tpu.memref_squeeze %dma_wait3A_1626 : memref<1x128x8xf32, #tpu.memory_space<vmem>> -> memref<128x8xf32, #tpu.memory_space<vmem>>
      %dma_wait3A_1628 = arith.constant 0 : i32
      %dma_wait3A_1629 = tpu.memref_slice %arg8[%dma_wait3A_1623, %dma_wait3A_1628] : memref<8x128xi32, #tpu.memory_space<vmem>> -> memref<1x128xi32, #tpu.memory_space<vmem>>
      %dma_wait3A_1630 = tpu.memref_squeeze %dma_wait3A_1629 : memref<1x128xi32, #tpu.memory_space<vmem>> -> memref<128xi32, #tpu.memory_space<vmem>>
      %dma_wait3A_1631 = arith.constant 0 : i32
      %dma_wait3A_1632 = arith.constant 0 : i32
      %dma_wait3A_1633 = tpu.memref_slice %arg15[%dma_wait3A_1631, %dma_wait3A_1632] : memref<200192x8xf32, #tpu.memory_space<vmem_shared>> -> memref<200192x8xf32, #tpu.memory_space<vmem_shared>>
      tpu.wait_indirect_dma semaphore(%arg17 : memref<!tpu.dma_semaphore, #tpu.memory_space<semaphore_mem>>) src(%dma_wait3A_1627 : memref<128x8xf32, #tpu.memory_space<vmem>>) dst(%dma_wait3A_1633 : memref<200192x8xf32, #tpu.memory_space<vmem_shared>>)
      %dma_wait3A_1634 = arith.constant 7 : i32
      %dma_wait3A_1635 = arith.constant 7 : i32
      %dma_wait3A_1636 = arith.constant 0 : i32
      %dma_wait3A_1637 = arith.constant 0 : i32
      %dma_wait3A_1638 = tpu.memref_slice %arg9[%dma_wait3A_1634, %dma_wait3A_1636, %dma_wait3A_1637] : memref<8x128x8xf32, #tpu.memory_space<vmem>> -> memref<1x128x8xf32, #tpu.memory_space<vmem>>
      %dma_wait3A_1639 = tpu.memref_squeeze %dma_wait3A_1638 : memref<1x128x8xf32, #tpu.memory_space<vmem>> -> memref<128x8xf32, #tpu.memory_space<vmem>>
      %dma_wait3A_1640 = arith.constant 0 : i32
      %dma_wait3A_1641 = tpu.memref_slice %arg8[%dma_wait3A_1635, %dma_wait3A_1640] : memref<8x128xi32, #tpu.memory_space<vmem>> -> memref<1x128xi32, #tpu.memory_space<vmem>>
      %dma_wait3A_1642 = tpu.memref_squeeze %dma_wait3A_1641 : memref<1x128xi32, #tpu.memory_space<vmem>> -> memref<128xi32, #tpu.memory_space<vmem>>
      %dma_wait3A_1643 = arith.constant 0 : i32
      %dma_wait3A_1644 = arith.constant 0 : i32
      %dma_wait3A_1645 = tpu.memref_slice %arg15[%dma_wait3A_1643, %dma_wait3A_1644] : memref<200192x8xf32, #tpu.memory_space<vmem_shared>> -> memref<200192x8xf32, #tpu.memory_space<vmem_shared>>
      tpu.wait_indirect_dma semaphore(%arg17 : memref<!tpu.dma_semaphore, #tpu.memory_space<semaphore_mem>>) src(%dma_wait3A_1639 : memref<128x8xf32, #tpu.memory_space<vmem>>) dst(%dma_wait3A_1645 : memref<200192x8xf32, #tpu.memory_space<vmem_shared>>)
      %dma_wait3A_1646 = arith.constant 0 : i32
      %dma_wait3A_1647 = arith.constant 0 : i32
      %dma_wait3A_1648 = arith.constant 0 : i32
      %dma_wait3A_1649 = arith.constant 0 : i32
      %dma_wait3A_1650 = tpu.memref_slice %arg12[%dma_wait3A_1647, %dma_wait3A_1648, %dma_wait3A_1649] : memref<8x128x8xf32, #tpu.memory_space<vmem>> -> memref<1x128x8xf32, #tpu.memory_space<vmem>>
      %dma_wait3A_1651 = tpu.memref_squeeze %dma_wait3A_1650 : memref<1x128x8xf32, #tpu.memory_space<vmem>> -> memref<128x8xf32, #tpu.memory_space<vmem>>
      %dma_wait3A_1652 = arith.constant 0 : i32
      %dma_wait3A_1653 = tpu.memref_slice %arg10[%dma_wait3A_1646, %dma_wait3A_1652] : memref<8x128xi32, #tpu.memory_space<vmem>> -> memref<1x128xi32, #tpu.memory_space<vmem>>
      %dma_wait3A_1654 = tpu.memref_squeeze %dma_wait3A_1653 : memref<1x128xi32, #tpu.memory_space<vmem>> -> memref<128xi32, #tpu.memory_space<vmem>>
      %dma_wait3A_1655 = arith.constant 0 : i32
      %dma_wait3A_1656 = arith.constant 0 : i32
      %dma_wait3A_1657 = tpu.memref_slice %arg2[%dma_wait3A_1655, %dma_wait3A_1656] : memref<200000x8xf32, #tpu.memory_space<hbm>> -> memref<200000x8xf32, #tpu.memory_space<hbm>>
      tpu.wait_indirect_dma semaphore(%arg16 : memref<!tpu.dma_semaphore, #tpu.memory_space<semaphore_mem>>) src(%dma_wait3A_1657 : memref<200000x8xf32, #tpu.memory_space<hbm>>) dst(%dma_wait3A_1651 : memref<128x8xf32, #tpu.memory_space<vmem>>)
      %dma_wait3A_1658 = arith.constant 1 : i32
      %dma_wait3A_1659 = arith.constant 1 : i32
      %dma_wait3A_1660 = arith.constant 0 : i32
      %dma_wait3A_1661 = arith.constant 0 : i32
      %dma_wait3A_1662 = tpu.memref_slice %arg12[%dma_wait3A_1659, %dma_wait3A_1660, %dma_wait3A_1661] : memref<8x128x8xf32, #tpu.memory_space<vmem>> -> memref<1x128x8xf32, #tpu.memory_space<vmem>>
      %dma_wait3A_1663 = tpu.memref_squeeze %dma_wait3A_1662 : memref<1x128x8xf32, #tpu.memory_space<vmem>> -> memref<128x8xf32, #tpu.memory_space<vmem>>
      %dma_wait3A_1664 = arith.constant 0 : i32
      %dma_wait3A_1665 = tpu.memref_slice %arg10[%dma_wait3A_1658, %dma_wait3A_1664] : memref<8x128xi32, #tpu.memory_space<vmem>> -> memref<1x128xi32, #tpu.memory_space<vmem>>
      %dma_wait3A_1666 = tpu.memref_squeeze %dma_wait3A_1665 : memref<1x128xi32, #tpu.memory_space<vmem>> -> memref<128xi32, #tpu.memory_space<vmem>>
      %dma_wait3A_1667 = arith.constant 0 : i32
      %dma_wait3A_1668 = arith.constant 0 : i32
      %dma_wait3A_1669 = tpu.memref_slice %arg2[%dma_wait3A_1667, %dma_wait3A_1668] : memref<200000x8xf32, #tpu.memory_space<hbm>> -> memref<200000x8xf32, #tpu.memory_space<hbm>>
      tpu.wait_indirect_dma semaphore(%arg16 : memref<!tpu.dma_semaphore, #tpu.memory_space<semaphore_mem>>) src(%dma_wait3A_1669 : memref<200000x8xf32, #tpu.memory_space<hbm>>) dst(%dma_wait3A_1663 : memref<128x8xf32, #tpu.memory_space<vmem>>)
      %dma_wait3A_1670 = arith.constant 2 : i32
      %dma_wait3A_1671 = arith.constant 2 : i32
      %dma_wait3A_1672 = arith.constant 0 : i32
      %dma_wait3A_1673 = arith.constant 0 : i32
      %dma_wait3A_1674 = tpu.memref_slice %arg12[%dma_wait3A_1671, %dma_wait3A_1672, %dma_wait3A_1673] : memref<8x128x8xf32, #tpu.memory_space<vmem>> -> memref<1x128x8xf32, #tpu.memory_space<vmem>>
      %dma_wait3A_1675 = tpu.memref_squeeze %dma_wait3A_1674 : memref<1x128x8xf32, #tpu.memory_space<vmem>> -> memref<128x8xf32, #tpu.memory_space<vmem>>
      %dma_wait3A_1676 = arith.constant 0 : i32
      %dma_wait3A_1677 = tpu.memref_slice %arg10[%dma_wait3A_1670, %dma_wait3A_1676] : memref<8x128xi32, #tpu.memory_space<vmem>> -> memref<1x128xi32, #tpu.memory_space<vmem>>
      %dma_wait3A_1678 = tpu.memref_squeeze %dma_wait3A_1677 : memref<1x128xi32, #tpu.memory_space<vmem>> -> memref<128xi32, #tpu.memory_space<vmem>>
      %dma_wait3A_1679 = arith.constant 0 : i32
      %dma_wait3A_1680 = arith.constant 0 : i32
      %dma_wait3A_1681 = tpu.memref_slice %arg2[%dma_wait3A_1679, %dma_wait3A_1680] : memref<200000x8xf32, #tpu.memory_space<hbm>> -> memref<200000x8xf32, #tpu.memory_space<hbm>>
      tpu.wait_indirect_dma semaphore(%arg16 : memref<!tpu.dma_semaphore, #tpu.memory_space<semaphore_mem>>) src(%dma_wait3A_1681 : memref<200000x8xf32, #tpu.memory_space<hbm>>) dst(%dma_wait3A_1675 : memref<128x8xf32, #tpu.memory_space<vmem>>)
      %dma_wait3A_1682 = arith.constant 3 : i32
      %dma_wait3A_1683 = arith.constant 3 : i32
      %dma_wait3A_1684 = arith.constant 0 : i32
      %dma_wait3A_1685 = arith.constant 0 : i32
      %dma_wait3A_1686 = tpu.memref_slice %arg12[%dma_wait3A_1683, %dma_wait3A_1684, %dma_wait3A_1685] : memref<8x128x8xf32, #tpu.memory_space<vmem>> -> memref<1x128x8xf32, #tpu.memory_space<vmem>>
      %dma_wait3A_1687 = tpu.memref_squeeze %dma_wait3A_1686 : memref<1x128x8xf32, #tpu.memory_space<vmem>> -> memref<128x8xf32, #tpu.memory_space<vmem>>
      %dma_wait3A_1688 = arith.constant 0 : i32
      %dma_wait3A_1689 = tpu.memref_slice %arg10[%dma_wait3A_1682, %dma_wait3A_1688] : memref<8x128xi32, #tpu.memory_space<vmem>> -> memref<1x128xi32, #tpu.memory_space<vmem>>
      %dma_wait3A_1690 = tpu.memref_squeeze %dma_wait3A_1689 : memref<1x128xi32, #tpu.memory_space<vmem>> -> memref<128xi32, #tpu.memory_space<vmem>>
      %dma_wait3A_1691 = arith.constant 0 : i32
      %dma_wait3A_1692 = arith.constant 0 : i32
      %dma_wait3A_1693 = tpu.memref_slice %arg2[%dma_wait3A_1691, %dma_wait3A_1692] : memref<200000x8xf32, #tpu.memory_space<hbm>> -> memref<200000x8xf32, #tpu.memory_space<hbm>>
      tpu.wait_indirect_dma semaphore(%arg16 : memref<!tpu.dma_semaphore, #tpu.memory_space<semaphore_mem>>) src(%dma_wait3A_1693 : memref<200000x8xf32, #tpu.memory_space<hbm>>) dst(%dma_wait3A_1687 : memref<128x8xf32, #tpu.memory_space<vmem>>)
      %dma_wait3A_1694 = arith.constant 4 : i32
      %dma_wait3A_1695 = arith.constant 4 : i32
      %dma_wait3A_1696 = arith.constant 0 : i32
      %dma_wait3A_1697 = arith.constant 0 : i32
      %dma_wait3A_1698 = tpu.memref_slice %arg12[%dma_wait3A_1695, %dma_wait3A_1696, %dma_wait3A_1697] : memref<8x128x8xf32, #tpu.memory_space<vmem>> -> memref<1x128x8xf32, #tpu.memory_space<vmem>>
      %dma_wait3A_1699 = tpu.memref_squeeze %dma_wait3A_1698 : memref<1x128x8xf32, #tpu.memory_space<vmem>> -> memref<128x8xf32, #tpu.memory_space<vmem>>
      %dma_wait3A_1700 = arith.constant 0 : i32
      %dma_wait3A_1701 = tpu.memref_slice %arg10[%dma_wait3A_1694, %dma_wait3A_1700] : memref<8x128xi32, #tpu.memory_space<vmem>> -> memref<1x128xi32, #tpu.memory_space<vmem>>
      %dma_wait3A_1702 = tpu.memref_squeeze %dma_wait3A_1701 : memref<1x128xi32, #tpu.memory_space<vmem>> -> memref<128xi32, #tpu.memory_space<vmem>>
      %dma_wait3A_1703 = arith.constant 0 : i32
      %dma_wait3A_1704 = arith.constant 0 : i32
      %dma_wait3A_1705 = tpu.memref_slice %arg2[%dma_wait3A_1703, %dma_wait3A_1704] : memref<200000x8xf32, #tpu.memory_space<hbm>> -> memref<200000x8xf32, #tpu.memory_space<hbm>>
      tpu.wait_indirect_dma semaphore(%arg16 : memref<!tpu.dma_semaphore, #tpu.memory_space<semaphore_mem>>) src(%dma_wait3A_1705 : memref<200000x8xf32, #tpu.memory_space<hbm>>) dst(%dma_wait3A_1699 : memref<128x8xf32, #tpu.memory_space<vmem>>)
      %dma_wait3A_1706 = arith.constant 5 : i32
      %dma_wait3A_1707 = arith.constant 5 : i32
      %dma_wait3A_1708 = arith.constant 0 : i32
      %dma_wait3A_1709 = arith.constant 0 : i32
      %dma_wait3A_1710 = tpu.memref_slice %arg12[%dma_wait3A_1707, %dma_wait3A_1708, %dma_wait3A_1709] : memref<8x128x8xf32, #tpu.memory_space<vmem>> -> memref<1x128x8xf32, #tpu.memory_space<vmem>>
      %dma_wait3A_1711 = tpu.memref_squeeze %dma_wait3A_1710 : memref<1x128x8xf32, #tpu.memory_space<vmem>> -> memref<128x8xf32, #tpu.memory_space<vmem>>
      %dma_wait3A_1712 = arith.constant 0 : i32
      %dma_wait3A_1713 = tpu.memref_slice %arg10[%dma_wait3A_1706, %dma_wait3A_1712] : memref<8x128xi32, #tpu.memory_space<vmem>> -> memref<1x128xi32, #tpu.memory_space<vmem>>
      %dma_wait3A_1714 = tpu.memref_squeeze %dma_wait3A_1713 : memref<1x128xi32, #tpu.memory_space<vmem>> -> memref<128xi32, #tpu.memory_space<vmem>>
      %dma_wait3A_1715 = arith.constant 0 : i32
      %dma_wait3A_1716 = arith.constant 0 : i32
      %dma_wait3A_1717 = tpu.memref_slice %arg2[%dma_wait3A_1715, %dma_wait3A_1716] : memref<200000x8xf32, #tpu.memory_space<hbm>> -> memref<200000x8xf32, #tpu.memory_space<hbm>>
      tpu.wait_indirect_dma semaphore(%arg16 : memref<!tpu.dma_semaphore, #tpu.memory_space<semaphore_mem>>) src(%dma_wait3A_1717 : memref<200000x8xf32, #tpu.memory_space<hbm>>) dst(%dma_wait3A_1711 : memref<128x8xf32, #tpu.memory_space<vmem>>)
      %dma_wait3A_1718 = arith.constant 6 : i32
      %dma_wait3A_1719 = arith.constant 6 : i32
      %dma_wait3A_1720 = arith.constant 0 : i32
      %dma_wait3A_1721 = arith.constant 0 : i32
      %dma_wait3A_1722 = tpu.memref_slice %arg12[%dma_wait3A_1719, %dma_wait3A_1720, %dma_wait3A_1721] : memref<8x128x8xf32, #tpu.memory_space<vmem>> -> memref<1x128x8xf32, #tpu.memory_space<vmem>>
      %dma_wait3A_1723 = tpu.memref_squeeze %dma_wait3A_1722 : memref<1x128x8xf32, #tpu.memory_space<vmem>> -> memref<128x8xf32, #tpu.memory_space<vmem>>
      %dma_wait3A_1724 = arith.constant 0 : i32
      %dma_wait3A_1725 = tpu.memref_slice %arg10[%dma_wait3A_1718, %dma_wait3A_1724] : memref<8x128xi32, #tpu.memory_space<vmem>> -> memref<1x128xi32, #tpu.memory_space<vmem>>
      %dma_wait3A_1726 = tpu.memref_squeeze %dma_wait3A_1725 : memref<1x128xi32, #tpu.memory_space<vmem>> -> memref<128xi32, #tpu.memory_space<vmem>>
      %dma_wait3A_1727 = arith.constant 0 : i32
      %dma_wait3A_1728 = arith.constant 0 : i32
      %dma_wait3A_1729 = tpu.memref_slice %arg2[%dma_wait3A_1727, %dma_wait3A_1728] : memref<200000x8xf32, #tpu.memory_space<hbm>> -> memref<200000x8xf32, #tpu.memory_space<hbm>>
      tpu.wait_indirect_dma semaphore(%arg16 : memref<!tpu.dma_semaphore, #tpu.memory_space<semaphore_mem>>) src(%dma_wait3A_1729 : memref<200000x8xf32, #tpu.memory_space<hbm>>) dst(%dma_wait3A_1723 : memref<128x8xf32, #tpu.memory_space<vmem>>)
      %dma_wait3A_1730 = arith.constant 7 : i32
      %dma_wait3A_1731 = arith.constant 7 : i32
      %dma_wait3A_1732 = arith.constant 0 : i32
      %dma_wait3A_1733 = arith.constant 0 : i32
      %dma_wait3A_1734 = tpu.memref_slice %arg12[%dma_wait3A_1731, %dma_wait3A_1732, %dma_wait3A_1733] : memref<8x128x8xf32, #tpu.memory_space<vmem>> -> memref<1x128x8xf32, #tpu.memory_space<vmem>>
      %dma_wait3A_1735 = tpu.memref_squeeze %dma_wait3A_1734 : memref<1x128x8xf32, #tpu.memory_space<vmem>> -> memref<128x8xf32, #tpu.memory_space<vmem>>
      %dma_wait3A_1736 = arith.constant 0 : i32
      %dma_wait3A_1737 = tpu.memref_slice %arg10[%dma_wait3A_1730, %dma_wait3A_1736] : memref<8x128xi32, #tpu.memory_space<vmem>> -> memref<1x128xi32, #tpu.memory_space<vmem>>
      %dma_wait3A_1738 = tpu.memref_squeeze %dma_wait3A_1737 : memref<1x128xi32, #tpu.memory_space<vmem>> -> memref<128xi32, #tpu.memory_space<vmem>>
      %dma_wait3A_1739 = arith.constant 0 : i32
      %dma_wait3A_1740 = arith.constant 0 : i32
      %dma_wait3A_1741 = tpu.memref_slice %arg2[%dma_wait3A_1739, %dma_wait3A_1740] : memref<200000x8xf32, #tpu.memory_space<hbm>> -> memref<200000x8xf32, #tpu.memory_space<hbm>>
      tpu.wait_indirect_dma semaphore(%arg16 : memref<!tpu.dma_semaphore, #tpu.memory_space<semaphore_mem>>) src(%dma_wait3A_1741 : memref<200000x8xf32, #tpu.memory_space<hbm>>) dst(%dma_wait3A_1735 : memref<128x8xf32, #tpu.memory_space<vmem>>)
      %dma_start3A_1742 = arith.constant 0 : i32
      %dma_start3A_1743 = arith.constant 0 : i32
      %dma_start3A_1744 = arith.constant 0 : i32
      %dma_start3A_1745 = arith.constant 0 : i32
      %dma_start3A_1746 = tpu.memref_slice %arg12[%dma_start3A_1742, %dma_start3A_1744, %dma_start3A_1745] : memref<8x128x8xf32, #tpu.memory_space<vmem>> -> memref<1x128x8xf32, #tpu.memory_space<vmem>>
      %dma_start3A_1747 = tpu.memref_squeeze %dma_start3A_1746 : memref<1x128x8xf32, #tpu.memory_space<vmem>> -> memref<128x8xf32, #tpu.memory_space<vmem>>
      %dma_start3A_1748 = arith.constant 0 : i32
      %dma_start3A_1749 = tpu.memref_slice %arg11[%dma_start3A_1743, %dma_start3A_1748] : memref<8x128xi32, #tpu.memory_space<vmem>> -> memref<1x128xi32, #tpu.memory_space<vmem>>
      %dma_start3A_1750 = tpu.memref_squeeze %dma_start3A_1749 : memref<1x128xi32, #tpu.memory_space<vmem>> -> memref<128xi32, #tpu.memory_space<vmem>>
      %dma_start3A_1751 = arith.constant 0 : i32
      %dma_start3A_1752 = arith.constant 0 : i32
      %dma_start3A_1753 = tpu.memref_slice %arg15[%dma_start3A_1751, %dma_start3A_1752] : memref<200192x8xf32, #tpu.memory_space<vmem_shared>> -> memref<200192x8xf32, #tpu.memory_space<vmem_shared>>
      tpu.enqueue_indirect_dma source(%dma_start3A_1747 : memref<128x8xf32, #tpu.memory_space<vmem>>) target(%dma_start3A_1753 : memref<200192x8xf32, #tpu.memory_space<vmem_shared>>) offsets(%dma_start3A_1750 : memref<128xi32, #tpu.memory_space<vmem>>) semaphore(%arg17 : memref<!tpu.dma_semaphore, #tpu.memory_space<semaphore_mem>>) {add = true}
      %dma_start3A_1754 = arith.constant 1 : i32
      %dma_start3A_1755 = arith.constant 1 : i32
      %dma_start3A_1756 = arith.constant 0 : i32
      %dma_start3A_1757 = arith.constant 0 : i32
      %dma_start3A_1758 = tpu.memref_slice %arg12[%dma_start3A_1754, %dma_start3A_1756, %dma_start3A_1757] : memref<8x128x8xf32, #tpu.memory_space<vmem>> -> memref<1x128x8xf32, #tpu.memory_space<vmem>>
      %dma_start3A_1759 = tpu.memref_squeeze %dma_start3A_1758 : memref<1x128x8xf32, #tpu.memory_space<vmem>> -> memref<128x8xf32, #tpu.memory_space<vmem>>
      %dma_start3A_1760 = arith.constant 0 : i32
      %dma_start3A_1761 = tpu.memref_slice %arg11[%dma_start3A_1755, %dma_start3A_1760] : memref<8x128xi32, #tpu.memory_space<vmem>> -> memref<1x128xi32, #tpu.memory_space<vmem>>
      %dma_start3A_1762 = tpu.memref_squeeze %dma_start3A_1761 : memref<1x128xi32, #tpu.memory_space<vmem>> -> memref<128xi32, #tpu.memory_space<vmem>>
      %dma_start3A_1763 = arith.constant 0 : i32
      %dma_start3A_1764 = arith.constant 0 : i32
      %dma_start3A_1765 = tpu.memref_slice %arg15[%dma_start3A_1763, %dma_start3A_1764] : memref<200192x8xf32, #tpu.memory_space<vmem_shared>> -> memref<200192x8xf32, #tpu.memory_space<vmem_shared>>
      tpu.enqueue_indirect_dma source(%dma_start3A_1759 : memref<128x8xf32, #tpu.memory_space<vmem>>) target(%dma_start3A_1765 : memref<200192x8xf32, #tpu.memory_space<vmem_shared>>) offsets(%dma_start3A_1762 : memref<128xi32, #tpu.memory_space<vmem>>) semaphore(%arg17 : memref<!tpu.dma_semaphore, #tpu.memory_space<semaphore_mem>>) {add = true}
      %dma_start3A_1766 = arith.constant 2 : i32
      %dma_start3A_1767 = arith.constant 2 : i32
      %dma_start3A_1768 = arith.constant 0 : i32
      %dma_start3A_1769 = arith.constant 0 : i32
      %dma_start3A_1770 = tpu.memref_slice %arg12[%dma_start3A_1766, %dma_start3A_1768, %dma_start3A_1769] : memref<8x128x8xf32, #tpu.memory_space<vmem>> -> memref<1x128x8xf32, #tpu.memory_space<vmem>>
      %dma_start3A_1771 = tpu.memref_squeeze %dma_start3A_1770 : memref<1x128x8xf32, #tpu.memory_space<vmem>> -> memref<128x8xf32, #tpu.memory_space<vmem>>
      %dma_start3A_1772 = arith.constant 0 : i32
      %dma_start3A_1773 = tpu.memref_slice %arg11[%dma_start3A_1767, %dma_start3A_1772] : memref<8x128xi32, #tpu.memory_space<vmem>> -> memref<1x128xi32, #tpu.memory_space<vmem>>
      %dma_start3A_1774 = tpu.memref_squeeze %dma_start3A_1773 : memref<1x128xi32, #tpu.memory_space<vmem>> -> memref<128xi32, #tpu.memory_space<vmem>>
      %dma_start3A_1775 = arith.constant 0 : i32
      %dma_start3A_1776 = arith.constant 0 : i32
      %dma_start3A_1777 = tpu.memref_slice %arg15[%dma_start3A_1775, %dma_start3A_1776] : memref<200192x8xf32, #tpu.memory_space<vmem_shared>> -> memref<200192x8xf32, #tpu.memory_space<vmem_shared>>
      tpu.enqueue_indirect_dma source(%dma_start3A_1771 : memref<128x8xf32, #tpu.memory_space<vmem>>) target(%dma_start3A_1777 : memref<200192x8xf32, #tpu.memory_space<vmem_shared>>) offsets(%dma_start3A_1774 : memref<128xi32, #tpu.memory_space<vmem>>) semaphore(%arg17 : memref<!tpu.dma_semaphore, #tpu.memory_space<semaphore_mem>>) {add = true}
      %dma_start3A_1778 = arith.constant 3 : i32
      %dma_start3A_1779 = arith.constant 3 : i32
      %dma_start3A_1780 = arith.constant 0 : i32
      %dma_start3A_1781 = arith.constant 0 : i32
      %dma_start3A_1782 = tpu.memref_slice %arg12[%dma_start3A_1778, %dma_start3A_1780, %dma_start3A_1781] : memref<8x128x8xf32, #tpu.memory_space<vmem>> -> memref<1x128x8xf32, #tpu.memory_space<vmem>>
      %dma_start3A_1783 = tpu.memref_squeeze %dma_start3A_1782 : memref<1x128x8xf32, #tpu.memory_space<vmem>> -> memref<128x8xf32, #tpu.memory_space<vmem>>
      %dma_start3A_1784 = arith.constant 0 : i32
      %dma_start3A_1785 = tpu.memref_slice %arg11[%dma_start3A_1779, %dma_start3A_1784] : memref<8x128xi32, #tpu.memory_space<vmem>> -> memref<1x128xi32, #tpu.memory_space<vmem>>
      %dma_start3A_1786 = tpu.memref_squeeze %dma_start3A_1785 : memref<1x128xi32, #tpu.memory_space<vmem>> -> memref<128xi32, #tpu.memory_space<vmem>>
      %dma_start3A_1787 = arith.constant 0 : i32
      %dma_start3A_1788 = arith.constant 0 : i32
      %dma_start3A_1789 = tpu.memref_slice %arg15[%dma_start3A_1787, %dma_start3A_1788] : memref<200192x8xf32, #tpu.memory_space<vmem_shared>> -> memref<200192x8xf32, #tpu.memory_space<vmem_shared>>
      tpu.enqueue_indirect_dma source(%dma_start3A_1783 : memref<128x8xf32, #tpu.memory_space<vmem>>) target(%dma_start3A_1789 : memref<200192x8xf32, #tpu.memory_space<vmem_shared>>) offsets(%dma_start3A_1786 : memref<128xi32, #tpu.memory_space<vmem>>) semaphore(%arg17 : memref<!tpu.dma_semaphore, #tpu.memory_space<semaphore_mem>>) {add = true}
      %dma_start3A_1790 = arith.constant 4 : i32
      %dma_start3A_1791 = arith.constant 4 : i32
      %dma_start3A_1792 = arith.constant 0 : i32
      %dma_start3A_1793 = arith.constant 0 : i32
      %dma_start3A_1794 = tpu.memref_slice %arg12[%dma_start3A_1790, %dma_start3A_1792, %dma_start3A_1793] : memref<8x128x8xf32, #tpu.memory_space<vmem>> -> memref<1x128x8xf32, #tpu.memory_space<vmem>>
      %dma_start3A_1795 = tpu.memref_squeeze %dma_start3A_1794 : memref<1x128x8xf32, #tpu.memory_space<vmem>> -> memref<128x8xf32, #tpu.memory_space<vmem>>
      %dma_start3A_1796 = arith.constant 0 : i32
      %dma_start3A_1797 = tpu.memref_slice %arg11[%dma_start3A_1791, %dma_start3A_1796] : memref<8x128xi32, #tpu.memory_space<vmem>> -> memref<1x128xi32, #tpu.memory_space<vmem>>
      %dma_start3A_1798 = tpu.memref_squeeze %dma_start3A_1797 : memref<1x128xi32, #tpu.memory_space<vmem>> -> memref<128xi32, #tpu.memory_space<vmem>>
      %dma_start3A_1799 = arith.constant 0 : i32
      %dma_start3A_1800 = arith.constant 0 : i32
      %dma_start3A_1801 = tpu.memref_slice %arg15[%dma_start3A_1799, %dma_start3A_1800] : memref<200192x8xf32, #tpu.memory_space<vmem_shared>> -> memref<200192x8xf32, #tpu.memory_space<vmem_shared>>
      tpu.enqueue_indirect_dma source(%dma_start3A_1795 : memref<128x8xf32, #tpu.memory_space<vmem>>) target(%dma_start3A_1801 : memref<200192x8xf32, #tpu.memory_space<vmem_shared>>) offsets(%dma_start3A_1798 : memref<128xi32, #tpu.memory_space<vmem>>) semaphore(%arg17 : memref<!tpu.dma_semaphore, #tpu.memory_space<semaphore_mem>>) {add = true}
      %dma_start3A_1802 = arith.constant 5 : i32
      %dma_start3A_1803 = arith.constant 5 : i32
      %dma_start3A_1804 = arith.constant 0 : i32
      %dma_start3A_1805 = arith.constant 0 : i32
      %dma_start3A_1806 = tpu.memref_slice %arg12[%dma_start3A_1802, %dma_start3A_1804, %dma_start3A_1805] : memref<8x128x8xf32, #tpu.memory_space<vmem>> -> memref<1x128x8xf32, #tpu.memory_space<vmem>>
      %dma_start3A_1807 = tpu.memref_squeeze %dma_start3A_1806 : memref<1x128x8xf32, #tpu.memory_space<vmem>> -> memref<128x8xf32, #tpu.memory_space<vmem>>
      %dma_start3A_1808 = arith.constant 0 : i32
      %dma_start3A_1809 = tpu.memref_slice %arg11[%dma_start3A_1803, %dma_start3A_1808] : memref<8x128xi32, #tpu.memory_space<vmem>> -> memref<1x128xi32, #tpu.memory_space<vmem>>
      %dma_start3A_1810 = tpu.memref_squeeze %dma_start3A_1809 : memref<1x128xi32, #tpu.memory_space<vmem>> -> memref<128xi32, #tpu.memory_space<vmem>>
      %dma_start3A_1811 = arith.constant 0 : i32
      %dma_start3A_1812 = arith.constant 0 : i32
      %dma_start3A_1813 = tpu.memref_slice %arg15[%dma_start3A_1811, %dma_start3A_1812] : memref<200192x8xf32, #tpu.memory_space<vmem_shared>> -> memref<200192x8xf32, #tpu.memory_space<vmem_shared>>
      tpu.enqueue_indirect_dma source(%dma_start3A_1807 : memref<128x8xf32, #tpu.memory_space<vmem>>) target(%dma_start3A_1813 : memref<200192x8xf32, #tpu.memory_space<vmem_shared>>) offsets(%dma_start3A_1810 : memref<128xi32, #tpu.memory_space<vmem>>) semaphore(%arg17 : memref<!tpu.dma_semaphore, #tpu.memory_space<semaphore_mem>>) {add = true}
      %dma_start3A_1814 = arith.constant 6 : i32
      %dma_start3A_1815 = arith.constant 6 : i32
      %dma_start3A_1816 = arith.constant 0 : i32
      %dma_start3A_1817 = arith.constant 0 : i32
      %dma_start3A_1818 = tpu.memref_slice %arg12[%dma_start3A_1814, %dma_start3A_1816, %dma_start3A_1817] : memref<8x128x8xf32, #tpu.memory_space<vmem>> -> memref<1x128x8xf32, #tpu.memory_space<vmem>>
      %dma_start3A_1819 = tpu.memref_squeeze %dma_start3A_1818 : memref<1x128x8xf32, #tpu.memory_space<vmem>> -> memref<128x8xf32, #tpu.memory_space<vmem>>
      %dma_start3A_1820 = arith.constant 0 : i32
      %dma_start3A_1821 = tpu.memref_slice %arg11[%dma_start3A_1815, %dma_start3A_1820] : memref<8x128xi32, #tpu.memory_space<vmem>> -> memref<1x128xi32, #tpu.memory_space<vmem>>
      %dma_start3A_1822 = tpu.memref_squeeze %dma_start3A_1821 : memref<1x128xi32, #tpu.memory_space<vmem>> -> memref<128xi32, #tpu.memory_space<vmem>>
      %dma_start3A_1823 = arith.constant 0 : i32
      %dma_start3A_1824 = arith.constant 0 : i32
      %dma_start3A_1825 = tpu.memref_slice %arg15[%dma_start3A_1823, %dma_start3A_1824] : memref<200192x8xf32, #tpu.memory_space<vmem_shared>> -> memref<200192x8xf32, #tpu.memory_space<vmem_shared>>
      tpu.enqueue_indirect_dma source(%dma_start3A_1819 : memref<128x8xf32, #tpu.memory_space<vmem>>) target(%dma_start3A_1825 : memref<200192x8xf32, #tpu.memory_space<vmem_shared>>) offsets(%dma_start3A_1822 : memref<128xi32, #tpu.memory_space<vmem>>) semaphore(%arg17 : memref<!tpu.dma_semaphore, #tpu.memory_space<semaphore_mem>>) {add = true}
      %dma_start3A_1826 = arith.constant 7 : i32
      %dma_start3A_1827 = arith.constant 7 : i32
      %dma_start3A_1828 = arith.constant 0 : i32
      %dma_start3A_1829 = arith.constant 0 : i32
      %dma_start3A_1830 = tpu.memref_slice %arg12[%dma_start3A_1826, %dma_start3A_1828, %dma_start3A_1829] : memref<8x128x8xf32, #tpu.memory_space<vmem>> -> memref<1x128x8xf32, #tpu.memory_space<vmem>>
      %dma_start3A_1831 = tpu.memref_squeeze %dma_start3A_1830 : memref<1x128x8xf32, #tpu.memory_space<vmem>> -> memref<128x8xf32, #tpu.memory_space<vmem>>
      %dma_start3A_1832 = arith.constant 0 : i32
      %dma_start3A_1833 = tpu.memref_slice %arg11[%dma_start3A_1827, %dma_start3A_1832] : memref<8x128xi32, #tpu.memory_space<vmem>> -> memref<1x128xi32, #tpu.memory_space<vmem>>
      %dma_start3A_1834 = tpu.memref_squeeze %dma_start3A_1833 : memref<1x128xi32, #tpu.memory_space<vmem>> -> memref<128xi32, #tpu.memory_space<vmem>>
      %dma_start3A_1835 = arith.constant 0 : i32
      %dma_start3A_1836 = arith.constant 0 : i32
      %dma_start3A_1837 = tpu.memref_slice %arg15[%dma_start3A_1835, %dma_start3A_1836] : memref<200192x8xf32, #tpu.memory_space<vmem_shared>> -> memref<200192x8xf32, #tpu.memory_space<vmem_shared>>
      tpu.enqueue_indirect_dma source(%dma_start3A_1831 : memref<128x8xf32, #tpu.memory_space<vmem>>) target(%dma_start3A_1837 : memref<200192x8xf32, #tpu.memory_space<vmem_shared>>) offsets(%dma_start3A_1834 : memref<128xi32, #tpu.memory_space<vmem>>) semaphore(%arg17 : memref<!tpu.dma_semaphore, #tpu.memory_space<semaphore_mem>>) {add = true}
      %dma_wait3A_1838 = arith.constant 0 : i32
      %dma_wait3A_1839 = arith.constant 0 : i32
      %dma_wait3A_1840 = arith.constant 0 : i32
      %dma_wait3A_1841 = arith.constant 0 : i32
      %dma_wait3A_1842 = tpu.memref_slice %arg12[%dma_wait3A_1838, %dma_wait3A_1840, %dma_wait3A_1841] : memref<8x128x8xf32, #tpu.memory_space<vmem>> -> memref<1x128x8xf32, #tpu.memory_space<vmem>>
      %dma_wait3A_1843 = tpu.memref_squeeze %dma_wait3A_1842 : memref<1x128x8xf32, #tpu.memory_space<vmem>> -> memref<128x8xf32, #tpu.memory_space<vmem>>
      %dma_wait3A_1844 = arith.constant 0 : i32
      %dma_wait3A_1845 = tpu.memref_slice %arg11[%dma_wait3A_1839, %dma_wait3A_1844] : memref<8x128xi32, #tpu.memory_space<vmem>> -> memref<1x128xi32, #tpu.memory_space<vmem>>
      %dma_wait3A_1846 = tpu.memref_squeeze %dma_wait3A_1845 : memref<1x128xi32, #tpu.memory_space<vmem>> -> memref<128xi32, #tpu.memory_space<vmem>>
      %dma_wait3A_1847 = arith.constant 0 : i32
      %dma_wait3A_1848 = arith.constant 0 : i32
      %dma_wait3A_1849 = tpu.memref_slice %arg15[%dma_wait3A_1847, %dma_wait3A_1848] : memref<200192x8xf32, #tpu.memory_space<vmem_shared>> -> memref<200192x8xf32, #tpu.memory_space<vmem_shared>>
      tpu.wait_indirect_dma semaphore(%arg17 : memref<!tpu.dma_semaphore, #tpu.memory_space<semaphore_mem>>) src(%dma_wait3A_1843 : memref<128x8xf32, #tpu.memory_space<vmem>>) dst(%dma_wait3A_1849 : memref<200192x8xf32, #tpu.memory_space<vmem_shared>>)
      %dma_wait3A_1850 = arith.constant 1 : i32
      %dma_wait3A_1851 = arith.constant 1 : i32
      %dma_wait3A_1852 = arith.constant 0 : i32
      %dma_wait3A_1853 = arith.constant 0 : i32
      %dma_wait3A_1854 = tpu.memref_slice %arg12[%dma_wait3A_1850, %dma_wait3A_1852, %dma_wait3A_1853] : memref<8x128x8xf32, #tpu.memory_space<vmem>> -> memref<1x128x8xf32, #tpu.memory_space<vmem>>
      %dma_wait3A_1855 = tpu.memref_squeeze %dma_wait3A_1854 : memref<1x128x8xf32, #tpu.memory_space<vmem>> -> memref<128x8xf32, #tpu.memory_space<vmem>>
      %dma_wait3A_1856 = arith.constant 0 : i32
      %dma_wait3A_1857 = tpu.memref_slice %arg11[%dma_wait3A_1851, %dma_wait3A_1856] : memref<8x128xi32, #tpu.memory_space<vmem>> -> memref<1x128xi32, #tpu.memory_space<vmem>>
      %dma_wait3A_1858 = tpu.memref_squeeze %dma_wait3A_1857 : memref<1x128xi32, #tpu.memory_space<vmem>> -> memref<128xi32, #tpu.memory_space<vmem>>
      %dma_wait3A_1859 = arith.constant 0 : i32
      %dma_wait3A_1860 = arith.constant 0 : i32
      %dma_wait3A_1861 = tpu.memref_slice %arg15[%dma_wait3A_1859, %dma_wait3A_1860] : memref<200192x8xf32, #tpu.memory_space<vmem_shared>> -> memref<200192x8xf32, #tpu.memory_space<vmem_shared>>
      tpu.wait_indirect_dma semaphore(%arg17 : memref<!tpu.dma_semaphore, #tpu.memory_space<semaphore_mem>>) src(%dma_wait3A_1855 : memref<128x8xf32, #tpu.memory_space<vmem>>) dst(%dma_wait3A_1861 : memref<200192x8xf32, #tpu.memory_space<vmem_shared>>)
      %dma_wait3A_1862 = arith.constant 2 : i32
      %dma_wait3A_1863 = arith.constant 2 : i32
      %dma_wait3A_1864 = arith.constant 0 : i32
      %dma_wait3A_1865 = arith.constant 0 : i32
      %dma_wait3A_1866 = tpu.memref_slice %arg12[%dma_wait3A_1862, %dma_wait3A_1864, %dma_wait3A_1865] : memref<8x128x8xf32, #tpu.memory_space<vmem>> -> memref<1x128x8xf32, #tpu.memory_space<vmem>>
      %dma_wait3A_1867 = tpu.memref_squeeze %dma_wait3A_1866 : memref<1x128x8xf32, #tpu.memory_space<vmem>> -> memref<128x8xf32, #tpu.memory_space<vmem>>
      %dma_wait3A_1868 = arith.constant 0 : i32
      %dma_wait3A_1869 = tpu.memref_slice %arg11[%dma_wait3A_1863, %dma_wait3A_1868] : memref<8x128xi32, #tpu.memory_space<vmem>> -> memref<1x128xi32, #tpu.memory_space<vmem>>
      %dma_wait3A_1870 = tpu.memref_squeeze %dma_wait3A_1869 : memref<1x128xi32, #tpu.memory_space<vmem>> -> memref<128xi32, #tpu.memory_space<vmem>>
      %dma_wait3A_1871 = arith.constant 0 : i32
      %dma_wait3A_1872 = arith.constant 0 : i32
      %dma_wait3A_1873 = tpu.memref_slice %arg15[%dma_wait3A_1871, %dma_wait3A_1872] : memref<200192x8xf32, #tpu.memory_space<vmem_shared>> -> memref<200192x8xf32, #tpu.memory_space<vmem_shared>>
      tpu.wait_indirect_dma semaphore(%arg17 : memref<!tpu.dma_semaphore, #tpu.memory_space<semaphore_mem>>) src(%dma_wait3A_1867 : memref<128x8xf32, #tpu.memory_space<vmem>>) dst(%dma_wait3A_1873 : memref<200192x8xf32, #tpu.memory_space<vmem_shared>>)
      %dma_wait3A_1874 = arith.constant 3 : i32
      %dma_wait3A_1875 = arith.constant 3 : i32
      %dma_wait3A_1876 = arith.constant 0 : i32
      %dma_wait3A_1877 = arith.constant 0 : i32
      %dma_wait3A_1878 = tpu.memref_slice %arg12[%dma_wait3A_1874, %dma_wait3A_1876, %dma_wait3A_1877] : memref<8x128x8xf32, #tpu.memory_space<vmem>> -> memref<1x128x8xf32, #tpu.memory_space<vmem>>
      %dma_wait3A_1879 = tpu.memref_squeeze %dma_wait3A_1878 : memref<1x128x8xf32, #tpu.memory_space<vmem>> -> memref<128x8xf32, #tpu.memory_space<vmem>>
      %dma_wait3A_1880 = arith.constant 0 : i32
      %dma_wait3A_1881 = tpu.memref_slice %arg11[%dma_wait3A_1875, %dma_wait3A_1880] : memref<8x128xi32, #tpu.memory_space<vmem>> -> memref<1x128xi32, #tpu.memory_space<vmem>>
      %dma_wait3A_1882 = tpu.memref_squeeze %dma_wait3A_1881 : memref<1x128xi32, #tpu.memory_space<vmem>> -> memref<128xi32, #tpu.memory_space<vmem>>
      %dma_wait3A_1883 = arith.constant 0 : i32
      %dma_wait3A_1884 = arith.constant 0 : i32
      %dma_wait3A_1885 = tpu.memref_slice %arg15[%dma_wait3A_1883, %dma_wait3A_1884] : memref<200192x8xf32, #tpu.memory_space<vmem_shared>> -> memref<200192x8xf32, #tpu.memory_space<vmem_shared>>
      tpu.wait_indirect_dma semaphore(%arg17 : memref<!tpu.dma_semaphore, #tpu.memory_space<semaphore_mem>>) src(%dma_wait3A_1879 : memref<128x8xf32, #tpu.memory_space<vmem>>) dst(%dma_wait3A_1885 : memref<200192x8xf32, #tpu.memory_space<vmem_shared>>)
      %dma_wait3A_1886 = arith.constant 4 : i32
      %dma_wait3A_1887 = arith.constant 4 : i32
      %dma_wait3A_1888 = arith.constant 0 : i32
      %dma_wait3A_1889 = arith.constant 0 : i32
      %dma_wait3A_1890 = tpu.memref_slice %arg12[%dma_wait3A_1886, %dma_wait3A_1888, %dma_wait3A_1889] : memref<8x128x8xf32, #tpu.memory_space<vmem>> -> memref<1x128x8xf32, #tpu.memory_space<vmem>>
      %dma_wait3A_1891 = tpu.memref_squeeze %dma_wait3A_1890 : memref<1x128x8xf32, #tpu.memory_space<vmem>> -> memref<128x8xf32, #tpu.memory_space<vmem>>
      %dma_wait3A_1892 = arith.constant 0 : i32
      %dma_wait3A_1893 = tpu.memref_slice %arg11[%dma_wait3A_1887, %dma_wait3A_1892] : memref<8x128xi32, #tpu.memory_space<vmem>> -> memref<1x128xi32, #tpu.memory_space<vmem>>
      %dma_wait3A_1894 = tpu.memref_squeeze %dma_wait3A_1893 : memref<1x128xi32, #tpu.memory_space<vmem>> -> memref<128xi32, #tpu.memory_space<vmem>>
      %dma_wait3A_1895 = arith.constant 0 : i32
      %dma_wait3A_1896 = arith.constant 0 : i32
      %dma_wait3A_1897 = tpu.memref_slice %arg15[%dma_wait3A_1895, %dma_wait3A_1896] : memref<200192x8xf32, #tpu.memory_space<vmem_shared>> -> memref<200192x8xf32, #tpu.memory_space<vmem_shared>>
      tpu.wait_indirect_dma semaphore(%arg17 : memref<!tpu.dma_semaphore, #tpu.memory_space<semaphore_mem>>) src(%dma_wait3A_1891 : memref<128x8xf32, #tpu.memory_space<vmem>>) dst(%dma_wait3A_1897 : memref<200192x8xf32, #tpu.memory_space<vmem_shared>>)
      %dma_wait3A_1898 = arith.constant 5 : i32
      %dma_wait3A_1899 = arith.constant 5 : i32
      %dma_wait3A_1900 = arith.constant 0 : i32
      %dma_wait3A_1901 = arith.constant 0 : i32
      %dma_wait3A_1902 = tpu.memref_slice %arg12[%dma_wait3A_1898, %dma_wait3A_1900, %dma_wait3A_1901] : memref<8x128x8xf32, #tpu.memory_space<vmem>> -> memref<1x128x8xf32, #tpu.memory_space<vmem>>
      %dma_wait3A_1903 = tpu.memref_squeeze %dma_wait3A_1902 : memref<1x128x8xf32, #tpu.memory_space<vmem>> -> memref<128x8xf32, #tpu.memory_space<vmem>>
      %dma_wait3A_1904 = arith.constant 0 : i32
      %dma_wait3A_1905 = tpu.memref_slice %arg11[%dma_wait3A_1899, %dma_wait3A_1904] : memref<8x128xi32, #tpu.memory_space<vmem>> -> memref<1x128xi32, #tpu.memory_space<vmem>>
      %dma_wait3A_1906 = tpu.memref_squeeze %dma_wait3A_1905 : memref<1x128xi32, #tpu.memory_space<vmem>> -> memref<128xi32, #tpu.memory_space<vmem>>
      %dma_wait3A_1907 = arith.constant 0 : i32
      %dma_wait3A_1908 = arith.constant 0 : i32
      %dma_wait3A_1909 = tpu.memref_slice %arg15[%dma_wait3A_1907, %dma_wait3A_1908] : memref<200192x8xf32, #tpu.memory_space<vmem_shared>> -> memref<200192x8xf32, #tpu.memory_space<vmem_shared>>
      tpu.wait_indirect_dma semaphore(%arg17 : memref<!tpu.dma_semaphore, #tpu.memory_space<semaphore_mem>>) src(%dma_wait3A_1903 : memref<128x8xf32, #tpu.memory_space<vmem>>) dst(%dma_wait3A_1909 : memref<200192x8xf32, #tpu.memory_space<vmem_shared>>)
      %dma_wait3A_1910 = arith.constant 6 : i32
      %dma_wait3A_1911 = arith.constant 6 : i32
      %dma_wait3A_1912 = arith.constant 0 : i32
      %dma_wait3A_1913 = arith.constant 0 : i32
      %dma_wait3A_1914 = tpu.memref_slice %arg12[%dma_wait3A_1910, %dma_wait3A_1912, %dma_wait3A_1913] : memref<8x128x8xf32, #tpu.memory_space<vmem>> -> memref<1x128x8xf32, #tpu.memory_space<vmem>>
      %dma_wait3A_1915 = tpu.memref_squeeze %dma_wait3A_1914 : memref<1x128x8xf32, #tpu.memory_space<vmem>> -> memref<128x8xf32, #tpu.memory_space<vmem>>
      %dma_wait3A_1916 = arith.constant 0 : i32
      %dma_wait3A_1917 = tpu.memref_slice %arg11[%dma_wait3A_1911, %dma_wait3A_1916] : memref<8x128xi32, #tpu.memory_space<vmem>> -> memref<1x128xi32, #tpu.memory_space<vmem>>
      %dma_wait3A_1918 = tpu.memref_squeeze %dma_wait3A_1917 : memref<1x128xi32, #tpu.memory_space<vmem>> -> memref<128xi32, #tpu.memory_space<vmem>>
      %dma_wait3A_1919 = arith.constant 0 : i32
      %dma_wait3A_1920 = arith.constant 0 : i32
      %dma_wait3A_1921 = tpu.memref_slice %arg15[%dma_wait3A_1919, %dma_wait3A_1920] : memref<200192x8xf32, #tpu.memory_space<vmem_shared>> -> memref<200192x8xf32, #tpu.memory_space<vmem_shared>>
      tpu.wait_indirect_dma semaphore(%arg17 : memref<!tpu.dma_semaphore, #tpu.memory_space<semaphore_mem>>) src(%dma_wait3A_1915 : memref<128x8xf32, #tpu.memory_space<vmem>>) dst(%dma_wait3A_1921 : memref<200192x8xf32, #tpu.memory_space<vmem_shared>>)
      %dma_wait3A_1922 = arith.constant 7 : i32
      %dma_wait3A_1923 = arith.constant 7 : i32
      %dma_wait3A_1924 = arith.constant 0 : i32
      %dma_wait3A_1925 = arith.constant 0 : i32
      %dma_wait3A_1926 = tpu.memref_slice %arg12[%dma_wait3A_1922, %dma_wait3A_1924, %dma_wait3A_1925] : memref<8x128x8xf32, #tpu.memory_space<vmem>> -> memref<1x128x8xf32, #tpu.memory_space<vmem>>
      %dma_wait3A_1927 = tpu.memref_squeeze %dma_wait3A_1926 : memref<1x128x8xf32, #tpu.memory_space<vmem>> -> memref<128x8xf32, #tpu.memory_space<vmem>>
      %dma_wait3A_1928 = arith.constant 0 : i32
      %dma_wait3A_1929 = tpu.memref_slice %arg11[%dma_wait3A_1923, %dma_wait3A_1928] : memref<8x128xi32, #tpu.memory_space<vmem>> -> memref<1x128xi32, #tpu.memory_space<vmem>>
      %dma_wait3A_1930 = tpu.memref_squeeze %dma_wait3A_1929 : memref<1x128xi32, #tpu.memory_space<vmem>> -> memref<128xi32, #tpu.memory_space<vmem>>
      %dma_wait3A_1931 = arith.constant 0 : i32
      %dma_wait3A_1932 = arith.constant 0 : i32
      %dma_wait3A_1933 = tpu.memref_slice %arg15[%dma_wait3A_1931, %dma_wait3A_1932] : memref<200192x8xf32, #tpu.memory_space<vmem_shared>> -> memref<200192x8xf32, #tpu.memory_space<vmem_shared>>
      tpu.wait_indirect_dma semaphore(%arg17 : memref<!tpu.dma_semaphore, #tpu.memory_space<semaphore_mem>>) src(%dma_wait3A_1927 : memref<128x8xf32, #tpu.memory_space<vmem>>) dst(%dma_wait3A_1933 : memref<200192x8xf32, #tpu.memory_space<vmem_shared>>)
    }
    %while3A_327 = arith.constant 1 : i32
    scf.for %while3A_1097 = %while3A_325 to %while3A_321 step %while3A_327  : i32 {
      %mul3A_1098 = arith.constant 2 : i32
      %mul3A_1099 = arith.muli %while3A_1097, %mul3A_1098 : i32
      %add3A_1100 = arith.constant 1 : i32
      %add3A_1101 = arith.addi %mul3A_1099, %add3A_1100 : i32
      %dma_start3A_1102 = arith.constant 0 : i32
      %dma_start3A_1103 = arith.constant 0 : i32
      %dma_start3A_1104 = tpu.memref_slice %arg3[%arg1, %mul3A_1099, %dma_start3A_1102, %dma_start3A_1103] : memref<16x44x8x128xi32, #tpu.memory_space<hbm>> -> memref<1x1x8x128xi32, #tpu.memory_space<hbm>>
      %dma_start3A_1105 = tpu.memref_squeeze %dma_start3A_1104 : memref<1x1x8x128xi32, #tpu.memory_space<hbm>> -> memref<8x128xi32, #tpu.memory_space<hbm>>
      %dma_start3A_1106 = arith.constant 0 : i32
      %dma_start3A_1107 = arith.constant 0 : i32
      %dma_start3A_1108 = tpu.memref_slice %arg3[%arg1, %mul3A_1099, %dma_start3A_1106, %dma_start3A_1107] : memref<16x44x8x128xi32, #tpu.memory_space<hbm>> -> memref<1x1x8x128xi32, #tpu.memory_space<hbm>>
      %dma_start3A_1109 = tpu.memref_squeeze %dma_start3A_1108 : memref<1x1x8x128xi32, #tpu.memory_space<hbm>> -> memref<8x128xi32, #tpu.memory_space<hbm>>
      tpu.enqueue_dma source(%dma_start3A_1109 : memref<8x128xi32, #tpu.memory_space<hbm>>) target(%arg7 : memref<8x128xi32, #tpu.memory_space<vmem>>) target_semaphore(%arg18 : memref<!tpu.dma_semaphore, #tpu.memory_space<semaphore_mem>>)
      %dma_start3A_1110 = arith.constant 0 : i32
      %dma_start3A_1111 = arith.constant 0 : i32
      %dma_start3A_1112 = tpu.memref_slice %arg4[%arg0, %arg1, %mul3A_1099, %dma_start3A_1110, %dma_start3A_1111] : memref<2x16x44x8x128xi32, #tpu.memory_space<hbm>> -> memref<1x1x1x8x128xi32, #tpu.memory_space<hbm>>
      %dma_start3A_1113 = tpu.memref_squeeze %dma_start3A_1112 : memref<1x1x1x8x128xi32, #tpu.memory_space<hbm>> -> memref<8x128xi32, #tpu.memory_space<hbm>>
      %dma_start3A_1114 = arith.constant 0 : i32
      %dma_start3A_1115 = arith.constant 0 : i32
      %dma_start3A_1116 = tpu.memref_slice %arg4[%arg0, %arg1, %mul3A_1099, %dma_start3A_1114, %dma_start3A_1115] : memref<2x16x44x8x128xi32, #tpu.memory_space<hbm>> -> memref<1x1x1x8x128xi32, #tpu.memory_space<hbm>>
      %dma_start3A_1117 = tpu.memref_squeeze %dma_start3A_1116 : memref<1x1x1x8x128xi32, #tpu.memory_space<hbm>> -> memref<8x128xi32, #tpu.memory_space<hbm>>
      tpu.enqueue_dma source(%dma_start3A_1117 : memref<8x128xi32, #tpu.memory_space<hbm>>) target(%arg8 : memref<8x128xi32, #tpu.memory_space<vmem>>) target_semaphore(%arg18 : memref<!tpu.dma_semaphore, #tpu.memory_space<semaphore_mem>>)
      %dma_start3A_1118 = arith.constant 0 : i32
      %dma_start3A_1119 = arith.constant 0 : i32
      %dma_start3A_1120 = tpu.memref_slice %arg3[%arg1, %add3A_1101, %dma_start3A_1118, %dma_start3A_1119] : memref<16x44x8x128xi32, #tpu.memory_space<hbm>> -> memref<1x1x8x128xi32, #tpu.memory_space<hbm>>
      %dma_start3A_1121 = tpu.memref_squeeze %dma_start3A_1120 : memref<1x1x8x128xi32, #tpu.memory_space<hbm>> -> memref<8x128xi32, #tpu.memory_space<hbm>>
      %dma_start3A_1122 = arith.constant 0 : i32
      %dma_start3A_1123 = arith.constant 0 : i32
      %dma_start3A_1124 = tpu.memref_slice %arg3[%arg1, %add3A_1101, %dma_start3A_1122, %dma_start3A_1123] : memref<16x44x8x128xi32, #tpu.memory_space<hbm>> -> memref<1x1x8x128xi32, #tpu.memory_space<hbm>>
      %dma_start3A_1125 = tpu.memref_squeeze %dma_start3A_1124 : memref<1x1x8x128xi32, #tpu.memory_space<hbm>> -> memref<8x128xi32, #tpu.memory_space<hbm>>
      tpu.enqueue_dma source(%dma_start3A_1125 : memref<8x128xi32, #tpu.memory_space<hbm>>) target(%arg10 : memref<8x128xi32, #tpu.memory_space<vmem>>) target_semaphore(%arg18 : memref<!tpu.dma_semaphore, #tpu.memory_space<semaphore_mem>>)
      %dma_start3A_1126 = arith.constant 0 : i32
      %dma_start3A_1127 = arith.constant 0 : i32
      %dma_start3A_1128 = tpu.memref_slice %arg4[%arg0, %arg1, %add3A_1101, %dma_start3A_1126, %dma_start3A_1127] : memref<2x16x44x8x128xi32, #tpu.memory_space<hbm>> -> memref<1x1x1x8x128xi32, #tpu.memory_space<hbm>>
      %dma_start3A_1129 = tpu.memref_squeeze %dma_start3A_1128 : memref<1x1x1x8x128xi32, #tpu.memory_space<hbm>> -> memref<8x128xi32, #tpu.memory_space<hbm>>
      %dma_start3A_1130 = arith.constant 0 : i32
      %dma_start3A_1131 = arith.constant 0 : i32
      %dma_start3A_1132 = tpu.memref_slice %arg4[%arg0, %arg1, %add3A_1101, %dma_start3A_1130, %dma_start3A_1131] : memref<2x16x44x8x128xi32, #tpu.memory_space<hbm>> -> memref<1x1x1x8x128xi32, #tpu.memory_space<hbm>>
      %dma_start3A_1133 = tpu.memref_squeeze %dma_start3A_1132 : memref<1x1x1x8x128xi32, #tpu.memory_space<hbm>> -> memref<8x128xi32, #tpu.memory_space<hbm>>
      tpu.enqueue_dma source(%dma_start3A_1133 : memref<8x128xi32, #tpu.memory_space<hbm>>) target(%arg11 : memref<8x128xi32, #tpu.memory_space<vmem>>) target_semaphore(%arg18 : memref<!tpu.dma_semaphore, #tpu.memory_space<semaphore_mem>>)
      %dma_wait3A_1134 = arith.constant 0 : i32
      %dma_wait3A_1135 = arith.constant 0 : i32
      %dma_wait3A_1136 = tpu.memref_slice %arg3[%arg1, %mul3A_1099, %dma_wait3A_1134, %dma_wait3A_1135] : memref<16x44x8x128xi32, #tpu.memory_space<hbm>> -> memref<1x1x8x128xi32, #tpu.memory_space<hbm>>
      %dma_wait3A_1137 = tpu.memref_squeeze %dma_wait3A_1136 : memref<1x1x8x128xi32, #tpu.memory_space<hbm>> -> memref<8x128xi32, #tpu.memory_space<hbm>>
      %dma_wait3A_1138 = arith.constant 0 : i32
      %dma_wait3A_1139 = arith.constant 0 : i32
      %dma_wait3A_1140 = tpu.memref_slice %arg3[%arg1, %mul3A_1099, %dma_wait3A_1138, %dma_wait3A_1139] : memref<16x44x8x128xi32, #tpu.memory_space<hbm>> -> memref<1x1x8x128xi32, #tpu.memory_space<hbm>>
      %dma_wait3A_1141 = tpu.memref_squeeze %dma_wait3A_1140 : memref<1x1x8x128xi32, #tpu.memory_space<hbm>> -> memref<8x128xi32, #tpu.memory_space<hbm>>
      tpu.wait_dma2 semaphore(%arg18 : memref<!tpu.dma_semaphore, #tpu.memory_space<semaphore_mem>>) src(%dma_wait3A_1141 : memref<8x128xi32, #tpu.memory_space<hbm>>) dst(%arg7 : memref<8x128xi32, #tpu.memory_space<vmem>>)
      %dma_wait3A_1142 = arith.constant 0 : i32
      %dma_wait3A_1143 = arith.constant 0 : i32
      %dma_wait3A_1144 = tpu.memref_slice %arg4[%arg0, %arg1, %mul3A_1099, %dma_wait3A_1142, %dma_wait3A_1143] : memref<2x16x44x8x128xi32, #tpu.memory_space<hbm>> -> memref<1x1x1x8x128xi32, #tpu.memory_space<hbm>>
      %dma_wait3A_1145 = tpu.memref_squeeze %dma_wait3A_1144 : memref<1x1x1x8x128xi32, #tpu.memory_space<hbm>> -> memref<8x128xi32, #tpu.memory_space<hbm>>
      %dma_wait3A_1146 = arith.constant 0 : i32
      %dma_wait3A_1147 = arith.constant 0 : i32
      %dma_wait3A_1148 = tpu.memref_slice %arg4[%arg0, %arg1, %mul3A_1099, %dma_wait3A_1146, %dma_wait3A_1147] : memref<2x16x44x8x128xi32, #tpu.memory_space<hbm>> -> memref<1x1x1x8x128xi32, #tpu.memory_space<hbm>>
      %dma_wait3A_1149 = tpu.memref_squeeze %dma_wait3A_1148 : memref<1x1x1x8x128xi32, #tpu.memory_space<hbm>> -> memref<8x128xi32, #tpu.memory_space<hbm>>
      tpu.wait_dma2 semaphore(%arg18 : memref<!tpu.dma_semaphore, #tpu.memory_space<semaphore_mem>>) src(%dma_wait3A_1149 : memref<8x128xi32, #tpu.memory_space<hbm>>) dst(%arg8 : memref<8x128xi32, #tpu.memory_space<vmem>>)
      %dma_start3A_1150 = arith.constant 0 : i32
      %dma_start3A_1151 = arith.constant 0 : i32
      %dma_start3A_1152 = arith.constant 0 : i32
      %dma_start3A_1153 = arith.constant 0 : i32
      %dma_start3A_1154 = tpu.memref_slice %arg9[%dma_start3A_1151, %dma_start3A_1152, %dma_start3A_1153] : memref<8x128x8xf32, #tpu.memory_space<vmem>> -> memref<1x128x8xf32, #tpu.memory_space<vmem>>
      %dma_start3A_1155 = tpu.memref_squeeze %dma_start3A_1154 : memref<1x128x8xf32, #tpu.memory_space<vmem>> -> memref<128x8xf32, #tpu.memory_space<vmem>>
      %dma_start3A_1156 = arith.constant 0 : i32
      %dma_start3A_1157 = tpu.memref_slice %arg7[%dma_start3A_1150, %dma_start3A_1156] : memref<8x128xi32, #tpu.memory_space<vmem>> -> memref<1x128xi32, #tpu.memory_space<vmem>>
      %dma_start3A_1158 = tpu.memref_squeeze %dma_start3A_1157 : memref<1x128xi32, #tpu.memory_space<vmem>> -> memref<128xi32, #tpu.memory_space<vmem>>
      %dma_start3A_1159 = arith.constant 0 : i32
      %dma_start3A_1160 = arith.constant 0 : i32
      %dma_start3A_1161 = tpu.memref_slice %arg2[%dma_start3A_1159, %dma_start3A_1160] : memref<200000x8xf32, #tpu.memory_space<hbm>> -> memref<200000x8xf32, #tpu.memory_space<hbm>>
      tpu.enqueue_indirect_dma source(%dma_start3A_1161 : memref<200000x8xf32, #tpu.memory_space<hbm>>) target(%dma_start3A_1155 : memref<128x8xf32, #tpu.memory_space<vmem>>) offsets(%dma_start3A_1158 : memref<128xi32, #tpu.memory_space<vmem>>) semaphore(%arg16 : memref<!tpu.dma_semaphore, #tpu.memory_space<semaphore_mem>>)
      %dma_start3A_1162 = arith.constant 1 : i32
      %dma_start3A_1163 = arith.constant 1 : i32
      %dma_start3A_1164 = arith.constant 0 : i32
      %dma_start3A_1165 = arith.constant 0 : i32
      %dma_start3A_1166 = tpu.memref_slice %arg9[%dma_start3A_1163, %dma_start3A_1164, %dma_start3A_1165] : memref<8x128x8xf32, #tpu.memory_space<vmem>> -> memref<1x128x8xf32, #tpu.memory_space<vmem>>
      %dma_start3A_1167 = tpu.memref_squeeze %dma_start3A_1166 : memref<1x128x8xf32, #tpu.memory_space<vmem>> -> memref<128x8xf32, #tpu.memory_space<vmem>>
      %dma_start3A_1168 = arith.constant 0 : i32
      %dma_start3A_1169 = tpu.memref_slice %arg7[%dma_start3A_1162, %dma_start3A_1168] : memref<8x128xi32, #tpu.memory_space<vmem>> -> memref<1x128xi32, #tpu.memory_space<vmem>>
      %dma_start3A_1170 = tpu.memref_squeeze %dma_start3A_1169 : memref<1x128xi32, #tpu.memory_space<vmem>> -> memref<128xi32, #tpu.memory_space<vmem>>
      %dma_start3A_1171 = arith.constant 0 : i32
      %dma_start3A_1172 = arith.constant 0 : i32
      %dma_start3A_1173 = tpu.memref_slice %arg2[%dma_start3A_1171, %dma_start3A_1172] : memref<200000x8xf32, #tpu.memory_space<hbm>> -> memref<200000x8xf32, #tpu.memory_space<hbm>>
      tpu.enqueue_indirect_dma source(%dma_start3A_1173 : memref<200000x8xf32, #tpu.memory_space<hbm>>) target(%dma_start3A_1167 : memref<128x8xf32, #tpu.memory_space<vmem>>) offsets(%dma_start3A_1170 : memref<128xi32, #tpu.memory_space<vmem>>) semaphore(%arg16 : memref<!tpu.dma_semaphore, #tpu.memory_space<semaphore_mem>>)
      %dma_start3A_1174 = arith.constant 2 : i32
      %dma_start3A_1175 = arith.constant 2 : i32
      %dma_start3A_1176 = arith.constant 0 : i32
      %dma_start3A_1177 = arith.constant 0 : i32
      %dma_start3A_1178 = tpu.memref_slice %arg9[%dma_start3A_1175, %dma_start3A_1176, %dma_start3A_1177] : memref<8x128x8xf32, #tpu.memory_space<vmem>> -> memref<1x128x8xf32, #tpu.memory_space<vmem>>
      %dma_start3A_1179 = tpu.memref_squeeze %dma_start3A_1178 : memref<1x128x8xf32, #tpu.memory_space<vmem>> -> memref<128x8xf32, #tpu.memory_space<vmem>>
      %dma_start3A_1180 = arith.constant 0 : i32
      %dma_start3A_1181 = tpu.memref_slice %arg7[%dma_start3A_1174, %dma_start3A_1180] : memref<8x128xi32, #tpu.memory_space<vmem>> -> memref<1x128xi32, #tpu.memory_space<vmem>>
      %dma_start3A_1182 = tpu.memref_squeeze %dma_start3A_1181 : memref<1x128xi32, #tpu.memory_space<vmem>> -> memref<128xi32, #tpu.memory_space<vmem>>
      %dma_start3A_1183 = arith.constant 0 : i32
      %dma_start3A_1184 = arith.constant 0 : i32
      %dma_start3A_1185 = tpu.memref_slice %arg2[%dma_start3A_1183, %dma_start3A_1184] : memref<200000x8xf32, #tpu.memory_space<hbm>> -> memref<200000x8xf32, #tpu.memory_space<hbm>>
      tpu.enqueue_indirect_dma source(%dma_start3A_1185 : memref<200000x8xf32, #tpu.memory_space<hbm>>) target(%dma_start3A_1179 : memref<128x8xf32, #tpu.memory_space<vmem>>) offsets(%dma_start3A_1182 : memref<128xi32, #tpu.memory_space<vmem>>) semaphore(%arg16 : memref<!tpu.dma_semaphore, #tpu.memory_space<semaphore_mem>>)
      %dma_start3A_1186 = arith.constant 3 : i32
      %dma_start3A_1187 = arith.constant 3 : i32
      %dma_start3A_1188 = arith.constant 0 : i32
      %dma_start3A_1189 = arith.constant 0 : i32
      %dma_start3A_1190 = tpu.memref_slice %arg9[%dma_start3A_1187, %dma_start3A_1188, %dma_start3A_1189] : memref<8x128x8xf32, #tpu.memory_space<vmem>> -> memref<1x128x8xf32, #tpu.memory_space<vmem>>
      %dma_start3A_1191 = tpu.memref_squeeze %dma_start3A_1190 : memref<1x128x8xf32, #tpu.memory_space<vmem>> -> memref<128x8xf32, #tpu.memory_space<vmem>>
      %dma_start3A_1192 = arith.constant 0 : i32
      %dma_start3A_1193 = tpu.memref_slice %arg7[%dma_start3A_1186, %dma_start3A_1192] : memref<8x128xi32, #tpu.memory_space<vmem>> -> memref<1x128xi32, #tpu.memory_space<vmem>>
      %dma_start3A_1194 = tpu.memref_squeeze %dma_start3A_1193 : memref<1x128xi32, #tpu.memory_space<vmem>> -> memref<128xi32, #tpu.memory_space<vmem>>
      %dma_start3A_1195 = arith.constant 0 : i32
      %dma_start3A_1196 = arith.constant 0 : i32
      %dma_start3A_1197 = tpu.memref_slice %arg2[%dma_start3A_1195, %dma_start3A_1196] : memref<200000x8xf32, #tpu.memory_space<hbm>> -> memref<200000x8xf32, #tpu.memory_space<hbm>>
      tpu.enqueue_indirect_dma source(%dma_start3A_1197 : memref<200000x8xf32, #tpu.memory_space<hbm>>) target(%dma_start3A_1191 : memref<128x8xf32, #tpu.memory_space<vmem>>) offsets(%dma_start3A_1194 : memref<128xi32, #tpu.memory_space<vmem>>) semaphore(%arg16 : memref<!tpu.dma_semaphore, #tpu.memory_space<semaphore_mem>>)
      %dma_start3A_1198 = arith.constant 4 : i32
      %dma_start3A_1199 = arith.constant 4 : i32
      %dma_start3A_1200 = arith.constant 0 : i32
      %dma_start3A_1201 = arith.constant 0 : i32
      %dma_start3A_1202 = tpu.memref_slice %arg9[%dma_start3A_1199, %dma_start3A_1200, %dma_start3A_1201] : memref<8x128x8xf32, #tpu.memory_space<vmem>> -> memref<1x128x8xf32, #tpu.memory_space<vmem>>
      %dma_start3A_1203 = tpu.memref_squeeze %dma_start3A_1202 : memref<1x128x8xf32, #tpu.memory_space<vmem>> -> memref<128x8xf32, #tpu.memory_space<vmem>>
      %dma_start3A_1204 = arith.constant 0 : i32
      %dma_start3A_1205 = tpu.memref_slice %arg7[%dma_start3A_1198, %dma_start3A_1204] : memref<8x128xi32, #tpu.memory_space<vmem>> -> memref<1x128xi32, #tpu.memory_space<vmem>>
      %dma_start3A_1206 = tpu.memref_squeeze %dma_start3A_1205 : memref<1x128xi32, #tpu.memory_space<vmem>> -> memref<128xi32, #tpu.memory_space<vmem>>
      %dma_start3A_1207 = arith.constant 0 : i32
      %dma_start3A_1208 = arith.constant 0 : i32
      %dma_start3A_1209 = tpu.memref_slice %arg2[%dma_start3A_1207, %dma_start3A_1208] : memref<200000x8xf32, #tpu.memory_space<hbm>> -> memref<200000x8xf32, #tpu.memory_space<hbm>>
      tpu.enqueue_indirect_dma source(%dma_start3A_1209 : memref<200000x8xf32, #tpu.memory_space<hbm>>) target(%dma_start3A_1203 : memref<128x8xf32, #tpu.memory_space<vmem>>) offsets(%dma_start3A_1206 : memref<128xi32, #tpu.memory_space<vmem>>) semaphore(%arg16 : memref<!tpu.dma_semaphore, #tpu.memory_space<semaphore_mem>>)
      %dma_start3A_1210 = arith.constant 5 : i32
      %dma_start3A_1211 = arith.constant 5 : i32
      %dma_start3A_1212 = arith.constant 0 : i32
      %dma_start3A_1213 = arith.constant 0 : i32
      %dma_start3A_1214 = tpu.memref_slice %arg9[%dma_start3A_1211, %dma_start3A_1212, %dma_start3A_1213] : memref<8x128x8xf32, #tpu.memory_space<vmem>> -> memref<1x128x8xf32, #tpu.memory_space<vmem>>
      %dma_start3A_1215 = tpu.memref_squeeze %dma_start3A_1214 : memref<1x128x8xf32, #tpu.memory_space<vmem>> -> memref<128x8xf32, #tpu.memory_space<vmem>>
      %dma_start3A_1216 = arith.constant 0 : i32
      %dma_start3A_1217 = tpu.memref_slice %arg7[%dma_start3A_1210, %dma_start3A_1216] : memref<8x128xi32, #tpu.memory_space<vmem>> -> memref<1x128xi32, #tpu.memory_space<vmem>>
      %dma_start3A_1218 = tpu.memref_squeeze %dma_start3A_1217 : memref<1x128xi32, #tpu.memory_space<vmem>> -> memref<128xi32, #tpu.memory_space<vmem>>
      %dma_start3A_1219 = arith.constant 0 : i32
      %dma_start3A_1220 = arith.constant 0 : i32
      %dma_start3A_1221 = tpu.memref_slice %arg2[%dma_start3A_1219, %dma_start3A_1220] : memref<200000x8xf32, #tpu.memory_space<hbm>> -> memref<200000x8xf32, #tpu.memory_space<hbm>>
      tpu.enqueue_indirect_dma source(%dma_start3A_1221 : memref<200000x8xf32, #tpu.memory_space<hbm>>) target(%dma_start3A_1215 : memref<128x8xf32, #tpu.memory_space<vmem>>) offsets(%dma_start3A_1218 : memref<128xi32, #tpu.memory_space<vmem>>) semaphore(%arg16 : memref<!tpu.dma_semaphore, #tpu.memory_space<semaphore_mem>>)
      %dma_start3A_1222 = arith.constant 6 : i32
      %dma_start3A_1223 = arith.constant 6 : i32
      %dma_start3A_1224 = arith.constant 0 : i32
      %dma_start3A_1225 = arith.constant 0 : i32
      %dma_start3A_1226 = tpu.memref_slice %arg9[%dma_start3A_1223, %dma_start3A_1224, %dma_start3A_1225] : memref<8x128x8xf32, #tpu.memory_space<vmem>> -> memref<1x128x8xf32, #tpu.memory_space<vmem>>
      %dma_start3A_1227 = tpu.memref_squeeze %dma_start3A_1226 : memref<1x128x8xf32, #tpu.memory_space<vmem>> -> memref<128x8xf32, #tpu.memory_space<vmem>>
      %dma_start3A_1228 = arith.constant 0 : i32
      %dma_start3A_1229 = tpu.memref_slice %arg7[%dma_start3A_1222, %dma_start3A_1228] : memref<8x128xi32, #tpu.memory_space<vmem>> -> memref<1x128xi32, #tpu.memory_space<vmem>>
      %dma_start3A_1230 = tpu.memref_squeeze %dma_start3A_1229 : memref<1x128xi32, #tpu.memory_space<vmem>> -> memref<128xi32, #tpu.memory_space<vmem>>
      %dma_start3A_1231 = arith.constant 0 : i32
      %dma_start3A_1232 = arith.constant 0 : i32
      %dma_start3A_1233 = tpu.memref_slice %arg2[%dma_start3A_1231, %dma_start3A_1232] : memref<200000x8xf32, #tpu.memory_space<hbm>> -> memref<200000x8xf32, #tpu.memory_space<hbm>>
      tpu.enqueue_indirect_dma source(%dma_start3A_1233 : memref<200000x8xf32, #tpu.memory_space<hbm>>) target(%dma_start3A_1227 : memref<128x8xf32, #tpu.memory_space<vmem>>) offsets(%dma_start3A_1230 : memref<128xi32, #tpu.memory_space<vmem>>) semaphore(%arg16 : memref<!tpu.dma_semaphore, #tpu.memory_space<semaphore_mem>>)
      %dma_start3A_1234 = arith.constant 7 : i32
      %dma_start3A_1235 = arith.constant 7 : i32
      %dma_start3A_1236 = arith.constant 0 : i32
      %dma_start3A_1237 = arith.constant 0 : i32
      %dma_start3A_1238 = tpu.memref_slice %arg9[%dma_start3A_1235, %dma_start3A_1236, %dma_start3A_1237] : memref<8x128x8xf32, #tpu.memory_space<vmem>> -> memref<1x128x8xf32, #tpu.memory_space<vmem>>
      %dma_start3A_1239 = tpu.memref_squeeze %dma_start3A_1238 : memref<1x128x8xf32, #tpu.memory_space<vmem>> -> memref<128x8xf32, #tpu.memory_space<vmem>>
      %dma_start3A_1240 = arith.constant 0 : i32
      %dma_start3A_1241 = tpu.memref_slice %arg7[%dma_start3A_1234, %dma_start3A_1240] : memref<8x128xi32, #tpu.memory_space<vmem>> -> memref<1x128xi32, #tpu.memory_space<vmem>>
      %dma_start3A_1242 = tpu.memref_squeeze %dma_start3A_1241 : memref<1x128xi32, #tpu.memory_space<vmem>> -> memref<128xi32, #tpu.memory_space<vmem>>
      %dma_start3A_1243 = arith.constant 0 : i32
      %dma_start3A_1244 = arith.constant 0 : i32
      %dma_start3A_1245 = tpu.memref_slice %arg2[%dma_start3A_1243, %dma_start3A_1244] : memref<200000x8xf32, #tpu.memory_space<hbm>> -> memref<200000x8xf32, #tpu.memory_space<hbm>>
      tpu.enqueue_indirect_dma source(%dma_start3A_1245 : memref<200000x8xf32, #tpu.memory_space<hbm>>) target(%dma_start3A_1239 : memref<128x8xf32, #tpu.memory_space<vmem>>) offsets(%dma_start3A_1242 : memref<128xi32, #tpu.memory_space<vmem>>) semaphore(%arg16 : memref<!tpu.dma_semaphore, #tpu.memory_space<semaphore_mem>>)
      %dma_wait3A_1246 = arith.constant 0 : i32
      %dma_wait3A_1247 = arith.constant 0 : i32
      %dma_wait3A_1248 = tpu.memref_slice %arg3[%arg1, %add3A_1101, %dma_wait3A_1246, %dma_wait3A_1247] : memref<16x44x8x128xi32, #tpu.memory_space<hbm>> -> memref<1x1x8x128xi32, #tpu.memory_space<hbm>>
      %dma_wait3A_1249 = tpu.memref_squeeze %dma_wait3A_1248 : memref<1x1x8x128xi32, #tpu.memory_space<hbm>> -> memref<8x128xi32, #tpu.memory_space<hbm>>
      %dma_wait3A_1250 = arith.constant 0 : i32
      %dma_wait3A_1251 = arith.constant 0 : i32
      %dma_wait3A_1252 = tpu.memref_slice %arg3[%arg1, %add3A_1101, %dma_wait3A_1250, %dma_wait3A_1251] : memref<16x44x8x128xi32, #tpu.memory_space<hbm>> -> memref<1x1x8x128xi32, #tpu.memory_space<hbm>>
      %dma_wait3A_1253 = tpu.memref_squeeze %dma_wait3A_1252 : memref<1x1x8x128xi32, #tpu.memory_space<hbm>> -> memref<8x128xi32, #tpu.memory_space<hbm>>
      tpu.wait_dma2 semaphore(%arg18 : memref<!tpu.dma_semaphore, #tpu.memory_space<semaphore_mem>>) src(%dma_wait3A_1253 : memref<8x128xi32, #tpu.memory_space<hbm>>) dst(%arg10 : memref<8x128xi32, #tpu.memory_space<vmem>>)
      %dma_wait3A_1254 = arith.constant 0 : i32
      %dma_wait3A_1255 = arith.constant 0 : i32
      %dma_wait3A_1256 = tpu.memref_slice %arg4[%arg0, %arg1, %add3A_1101, %dma_wait3A_1254, %dma_wait3A_1255] : memref<2x16x44x8x128xi32, #tpu.memory_space<hbm>> -> memref<1x1x1x8x128xi32, #tpu.memory_space<hbm>>
      %dma_wait3A_1257 = tpu.memref_squeeze %dma_wait3A_1256 : memref<1x1x1x8x128xi32, #tpu.memory_space<hbm>> -> memref<8x128xi32, #tpu.memory_space<hbm>>
      %dma_wait3A_1258 = arith.constant 0 : i32
      %dma_wait3A_1259 = arith.constant 0 : i32
      %dma_wait3A_1260 = tpu.memref_slice %arg4[%arg0, %arg1, %add3A_1101, %dma_wait3A_1258, %dma_wait3A_1259] : memref<2x16x44x8x128xi32, #tpu.memory_space<hbm>> -> memref<1x1x1x8x128xi32, #tpu.memory_space<hbm>>
      %dma_wait3A_1261 = tpu.memref_squeeze %dma_wait3A_1260 : memref<1x1x1x8x128xi32, #tpu.memory_space<hbm>> -> memref<8x128xi32, #tpu.memory_space<hbm>>
      tpu.wait_dma2 semaphore(%arg18 : memref<!tpu.dma_semaphore, #tpu.memory_space<semaphore_mem>>) src(%dma_wait3A_1261 : memref<8x128xi32, #tpu.memory_space<hbm>>) dst(%arg11 : memref<8x128xi32, #tpu.memory_space<vmem>>)
      %dma_wait3A_1262 = arith.constant 0 : i32
      %dma_wait3A_1263 = arith.constant 0 : i32
      %dma_wait3A_1264 = arith.constant 0 : i32
      %dma_wait3A_1265 = arith.constant 0 : i32
      %dma_wait3A_1266 = tpu.memref_slice %arg9[%dma_wait3A_1263, %dma_wait3A_1264, %dma_wait3A_1265] : memref<8x128x8xf32, #tpu.memory_space<vmem>> -> memref<1x128x8xf32, #tpu.memory_space<vmem>>
      %dma_wait3A_1267 = tpu.memref_squeeze %dma_wait3A_1266 : memref<1x128x8xf32, #tpu.memory_space<vmem>> -> memref<128x8xf32, #tpu.memory_space<vmem>>
      %dma_wait3A_1268 = arith.constant 0 : i32
      %dma_wait3A_1269 = tpu.memref_slice %arg7[%dma_wait3A_1262, %dma_wait3A_1268] : memref<8x128xi32, #tpu.memory_space<vmem>> -> memref<1x128xi32, #tpu.memory_space<vmem>>
      %dma_wait3A_1270 = tpu.memref_squeeze %dma_wait3A_1269 : memref<1x128xi32, #tpu.memory_space<vmem>> -> memref<128xi32, #tpu.memory_space<vmem>>
      %dma_wait3A_1271 = arith.constant 0 : i32
      %dma_wait3A_1272 = arith.constant 0 : i32
      %dma_wait3A_1273 = tpu.memref_slice %arg2[%dma_wait3A_1271, %dma_wait3A_1272] : memref<200000x8xf32, #tpu.memory_space<hbm>> -> memref<200000x8xf32, #tpu.memory_space<hbm>>
      tpu.wait_indirect_dma semaphore(%arg16 : memref<!tpu.dma_semaphore, #tpu.memory_space<semaphore_mem>>) src(%dma_wait3A_1273 : memref<200000x8xf32, #tpu.memory_space<hbm>>) dst(%dma_wait3A_1267 : memref<128x8xf32, #tpu.memory_space<vmem>>)
      %dma_wait3A_1274 = arith.constant 1 : i32
      %dma_wait3A_1275 = arith.constant 1 : i32
      %dma_wait3A_1276 = arith.constant 0 : i32
      %dma_wait3A_1277 = arith.constant 0 : i32
      %dma_wait3A_1278 = tpu.memref_slice %arg9[%dma_wait3A_1275, %dma_wait3A_1276, %dma_wait3A_1277] : memref<8x128x8xf32, #tpu.memory_space<vmem>> -> memref<1x128x8xf32, #tpu.memory_space<vmem>>
      %dma_wait3A_1279 = tpu.memref_squeeze %dma_wait3A_1278 : memref<1x128x8xf32, #tpu.memory_space<vmem>> -> memref<128x8xf32, #tpu.memory_space<vmem>>
      %dma_wait3A_1280 = arith.constant 0 : i32
      %dma_wait3A_1281 = tpu.memref_slice %arg7[%dma_wait3A_1274, %dma_wait3A_1280] : memref<8x128xi32, #tpu.memory_space<vmem>> -> memref<1x128xi32, #tpu.memory_space<vmem>>
      %dma_wait3A_1282 = tpu.memref_squeeze %dma_wait3A_1281 : memref<1x128xi32, #tpu.memory_space<vmem>> -> memref<128xi32, #tpu.memory_space<vmem>>
      %dma_wait3A_1283 = arith.constant 0 : i32
      %dma_wait3A_1284 = arith.constant 0 : i32
      %dma_wait3A_1285 = tpu.memref_slice %arg2[%dma_wait3A_1283, %dma_wait3A_1284] : memref<200000x8xf32, #tpu.memory_space<hbm>> -> memref<200000x8xf32, #tpu.memory_space<hbm>>
      tpu.wait_indirect_dma semaphore(%arg16 : memref<!tpu.dma_semaphore, #tpu.memory_space<semaphore_mem>>) src(%dma_wait3A_1285 : memref<200000x8xf32, #tpu.memory_space<hbm>>) dst(%dma_wait3A_1279 : memref<128x8xf32, #tpu.memory_space<vmem>>)
      %dma_wait3A_1286 = arith.constant 2 : i32
      %dma_wait3A_1287 = arith.constant 2 : i32
      %dma_wait3A_1288 = arith.constant 0 : i32
      %dma_wait3A_1289 = arith.constant 0 : i32
      %dma_wait3A_1290 = tpu.memref_slice %arg9[%dma_wait3A_1287, %dma_wait3A_1288, %dma_wait3A_1289] : memref<8x128x8xf32, #tpu.memory_space<vmem>> -> memref<1x128x8xf32, #tpu.memory_space<vmem>>
      %dma_wait3A_1291 = tpu.memref_squeeze %dma_wait3A_1290 : memref<1x128x8xf32, #tpu.memory_space<vmem>> -> memref<128x8xf32, #tpu.memory_space<vmem>>
      %dma_wait3A_1292 = arith.constant 0 : i32
      %dma_wait3A_1293 = tpu.memref_slice %arg7[%dma_wait3A_1286, %dma_wait3A_1292] : memref<8x128xi32, #tpu.memory_space<vmem>> -> memref<1x128xi32, #tpu.memory_space<vmem>>
      %dma_wait3A_1294 = tpu.memref_squeeze %dma_wait3A_1293 : memref<1x128xi32, #tpu.memory_space<vmem>> -> memref<128xi32, #tpu.memory_space<vmem>>
      %dma_wait3A_1295 = arith.constant 0 : i32
      %dma_wait3A_1296 = arith.constant 0 : i32
      %dma_wait3A_1297 = tpu.memref_slice %arg2[%dma_wait3A_1295, %dma_wait3A_1296] : memref<200000x8xf32, #tpu.memory_space<hbm>> -> memref<200000x8xf32, #tpu.memory_space<hbm>>
      tpu.wait_indirect_dma semaphore(%arg16 : memref<!tpu.dma_semaphore, #tpu.memory_space<semaphore_mem>>) src(%dma_wait3A_1297 : memref<200000x8xf32, #tpu.memory_space<hbm>>) dst(%dma_wait3A_1291 : memref<128x8xf32, #tpu.memory_space<vmem>>)
      %dma_wait3A_1298 = arith.constant 3 : i32
      %dma_wait3A_1299 = arith.constant 3 : i32
      %dma_wait3A_1300 = arith.constant 0 : i32
      %dma_wait3A_1301 = arith.constant 0 : i32
      %dma_wait3A_1302 = tpu.memref_slice %arg9[%dma_wait3A_1299, %dma_wait3A_1300, %dma_wait3A_1301] : memref<8x128x8xf32, #tpu.memory_space<vmem>> -> memref<1x128x8xf32, #tpu.memory_space<vmem>>
      %dma_wait3A_1303 = tpu.memref_squeeze %dma_wait3A_1302 : memref<1x128x8xf32, #tpu.memory_space<vmem>> -> memref<128x8xf32, #tpu.memory_space<vmem>>
      %dma_wait3A_1304 = arith.constant 0 : i32
      %dma_wait3A_1305 = tpu.memref_slice %arg7[%dma_wait3A_1298, %dma_wait3A_1304] : memref<8x128xi32, #tpu.memory_space<vmem>> -> memref<1x128xi32, #tpu.memory_space<vmem>>
      %dma_wait3A_1306 = tpu.memref_squeeze %dma_wait3A_1305 : memref<1x128xi32, #tpu.memory_space<vmem>> -> memref<128xi32, #tpu.memory_space<vmem>>
      %dma_wait3A_1307 = arith.constant 0 : i32
      %dma_wait3A_1308 = arith.constant 0 : i32
      %dma_wait3A_1309 = tpu.memref_slice %arg2[%dma_wait3A_1307, %dma_wait3A_1308] : memref<200000x8xf32, #tpu.memory_space<hbm>> -> memref<200000x8xf32, #tpu.memory_space<hbm>>
      tpu.wait_indirect_dma semaphore(%arg16 : memref<!tpu.dma_semaphore, #tpu.memory_space<semaphore_mem>>) src(%dma_wait3A_1309 : memref<200000x8xf32, #tpu.memory_space<hbm>>) dst(%dma_wait3A_1303 : memref<128x8xf32, #tpu.memory_space<vmem>>)
      %dma_wait3A_1310 = arith.constant 4 : i32
      %dma_wait3A_1311 = arith.constant 4 : i32
      %dma_wait3A_1312 = arith.constant 0 : i32
      %dma_wait3A_1313 = arith.constant 0 : i32
      %dma_wait3A_1314 = tpu.memref_slice %arg9[%dma_wait3A_1311, %dma_wait3A_1312, %dma_wait3A_1313] : memref<8x128x8xf32, #tpu.memory_space<vmem>> -> memref<1x128x8xf32, #tpu.memory_space<vmem>>
      %dma_wait3A_1315 = tpu.memref_squeeze %dma_wait3A_1314 : memref<1x128x8xf32, #tpu.memory_space<vmem>> -> memref<128x8xf32, #tpu.memory_space<vmem>>
      %dma_wait3A_1316 = arith.constant 0 : i32
      %dma_wait3A_1317 = tpu.memref_slice %arg7[%dma_wait3A_1310, %dma_wait3A_1316] : memref<8x128xi32, #tpu.memory_space<vmem>> -> memref<1x128xi32, #tpu.memory_space<vmem>>
      %dma_wait3A_1318 = tpu.memref_squeeze %dma_wait3A_1317 : memref<1x128xi32, #tpu.memory_space<vmem>> -> memref<128xi32, #tpu.memory_space<vmem>>
      %dma_wait3A_1319 = arith.constant 0 : i32
      %dma_wait3A_1320 = arith.constant 0 : i32
      %dma_wait3A_1321 = tpu.memref_slice %arg2[%dma_wait3A_1319, %dma_wait3A_1320] : memref<200000x8xf32, #tpu.memory_space<hbm>> -> memref<200000x8xf32, #tpu.memory_space<hbm>>
      tpu.wait_indirect_dma semaphore(%arg16 : memref<!tpu.dma_semaphore, #tpu.memory_space<semaphore_mem>>) src(%dma_wait3A_1321 : memref<200000x8xf32, #tpu.memory_space<hbm>>) dst(%dma_wait3A_1315 : memref<128x8xf32, #tpu.memory_space<vmem>>)
      %dma_wait3A_1322 = arith.constant 5 : i32
      %dma_wait3A_1323 = arith.constant 5 : i32
      %dma_wait3A_1324 = arith.constant 0 : i32
      %dma_wait3A_1325 = arith.constant 0 : i32
      %dma_wait3A_1326 = tpu.memref_slice %arg9[%dma_wait3A_1323, %dma_wait3A_1324, %dma_wait3A_1325] : memref<8x128x8xf32, #tpu.memory_space<vmem>> -> memref<1x128x8xf32, #tpu.memory_space<vmem>>
      %dma_wait3A_1327 = tpu.memref_squeeze %dma_wait3A_1326 : memref<1x128x8xf32, #tpu.memory_space<vmem>> -> memref<128x8xf32, #tpu.memory_space<vmem>>
      %dma_wait3A_1328 = arith.constant 0 : i32
      %dma_wait3A_1329 = tpu.memref_slice %arg7[%dma_wait3A_1322, %dma_wait3A_1328] : memref<8x128xi32, #tpu.memory_space<vmem>> -> memref<1x128xi32, #tpu.memory_space<vmem>>
      %dma_wait3A_1330 = tpu.memref_squeeze %dma_wait3A_1329 : memref<1x128xi32, #tpu.memory_space<vmem>> -> memref<128xi32, #tpu.memory_space<vmem>>
      %dma_wait3A_1331 = arith.constant 0 : i32
      %dma_wait3A_1332 = arith.constant 0 : i32
      %dma_wait3A_1333 = tpu.memref_slice %arg2[%dma_wait3A_1331, %dma_wait3A_1332] : memref<200000x8xf32, #tpu.memory_space<hbm>> -> memref<200000x8xf32, #tpu.memory_space<hbm>>
      tpu.wait_indirect_dma semaphore(%arg16 : memref<!tpu.dma_semaphore, #tpu.memory_space<semaphore_mem>>) src(%dma_wait3A_1333 : memref<200000x8xf32, #tpu.memory_space<hbm>>) dst(%dma_wait3A_1327 : memref<128x8xf32, #tpu.memory_space<vmem>>)
      %dma_wait3A_1334 = arith.constant 6 : i32
      %dma_wait3A_1335 = arith.constant 6 : i32
      %dma_wait3A_1336 = arith.constant 0 : i32
      %dma_wait3A_1337 = arith.constant 0 : i32
      %dma_wait3A_1338 = tpu.memref_slice %arg9[%dma_wait3A_1335, %dma_wait3A_1336, %dma_wait3A_1337] : memref<8x128x8xf32, #tpu.memory_space<vmem>> -> memref<1x128x8xf32, #tpu.memory_space<vmem>>
      %dma_wait3A_1339 = tpu.memref_squeeze %dma_wait3A_1338 : memref<1x128x8xf32, #tpu.memory_space<vmem>> -> memref<128x8xf32, #tpu.memory_space<vmem>>
      %dma_wait3A_1340 = arith.constant 0 : i32
      %dma_wait3A_1341 = tpu.memref_slice %arg7[%dma_wait3A_1334, %dma_wait3A_1340] : memref<8x128xi32, #tpu.memory_space<vmem>> -> memref<1x128xi32, #tpu.memory_space<vmem>>
      %dma_wait3A_1342 = tpu.memref_squeeze %dma_wait3A_1341 : memref<1x128xi32, #tpu.memory_space<vmem>> -> memref<128xi32, #tpu.memory_space<vmem>>
      %dma_wait3A_1343 = arith.constant 0 : i32
      %dma_wait3A_1344 = arith.constant 0 : i32
      %dma_wait3A_1345 = tpu.memref_slice %arg2[%dma_wait3A_1343, %dma_wait3A_1344] : memref<200000x8xf32, #tpu.memory_space<hbm>> -> memref<200000x8xf32, #tpu.memory_space<hbm>>
      tpu.wait_indirect_dma semaphore(%arg16 : memref<!tpu.dma_semaphore, #tpu.memory_space<semaphore_mem>>) src(%dma_wait3A_1345 : memref<200000x8xf32, #tpu.memory_space<hbm>>) dst(%dma_wait3A_1339 : memref<128x8xf32, #tpu.memory_space<vmem>>)
      %dma_wait3A_1346 = arith.constant 7 : i32
      %dma_wait3A_1347 = arith.constant 7 : i32
      %dma_wait3A_1348 = arith.constant 0 : i32
      %dma_wait3A_1349 = arith.constant 0 : i32
      %dma_wait3A_1350 = tpu.memref_slice %arg9[%dma_wait3A_1347, %dma_wait3A_1348, %dma_wait3A_1349] : memref<8x128x8xf32, #tpu.memory_space<vmem>> -> memref<1x128x8xf32, #tpu.memory_space<vmem>>
      %dma_wait3A_1351 = tpu.memref_squeeze %dma_wait3A_1350 : memref<1x128x8xf32, #tpu.memory_space<vmem>> -> memref<128x8xf32, #tpu.memory_space<vmem>>
      %dma_wait3A_1352 = arith.constant 0 : i32
      %dma_wait3A_1353 = tpu.memref_slice %arg7[%dma_wait3A_1346, %dma_wait3A_1352] : memref<8x128xi32, #tpu.memory_space<vmem>> -> memref<1x128xi32, #tpu.memory_space<vmem>>
      %dma_wait3A_1354 = tpu.memref_squeeze %dma_wait3A_1353 : memref<1x128xi32, #tpu.memory_space<vmem>> -> memref<128xi32, #tpu.memory_space<vmem>>
      %dma_wait3A_1355 = arith.constant 0 : i32
      %dma_wait3A_1356 = arith.constant 0 : i32
      %dma_wait3A_1357 = tpu.memref_slice %arg2[%dma_wait3A_1355, %dma_wait3A_1356] : memref<200000x8xf32, #tpu.memory_space<hbm>> -> memref<200000x8xf32, #tpu.memory_space<hbm>>
      tpu.wait_indirect_dma semaphore(%arg16 : memref<!tpu.dma_semaphore, #tpu.memory_space<semaphore_mem>>) src(%dma_wait3A_1357 : memref<200000x8xf32, #tpu.memory_space<hbm>>) dst(%dma_wait3A_1351 : memref<128x8xf32, #tpu.memory_space<vmem>>)
      %dma_start3A_1358 = arith.constant 0 : i32
      %dma_start3A_1359 = arith.constant 0 : i32
      %dma_start3A_1360 = arith.constant 0 : i32
      %dma_start3A_1361 = arith.constant 0 : i32
      %dma_start3A_1362 = tpu.memref_slice %arg9[%dma_start3A_1358, %dma_start3A_1360, %dma_start3A_1361] : memref<8x128x8xf32, #tpu.memory_space<vmem>> -> memref<1x128x8xf32, #tpu.memory_space<vmem>>
      %dma_start3A_1363 = tpu.memref_squeeze %dma_start3A_1362 : memref<1x128x8xf32, #tpu.memory_space<vmem>> -> memref<128x8xf32, #tpu.memory_space<vmem>>
      %dma_start3A_1364 = arith.constant 0 : i32
      %dma_start3A_1365 = tpu.memref_slice %arg8[%dma_start3A_1359, %dma_start3A_1364] : memref<8x128xi32, #tpu.memory_space<vmem>> -> memref<1x128xi32, #tpu.memory_space<vmem>>
      %dma_start3A_1366 = tpu.memref_squeeze %dma_start3A_1365 : memref<1x128xi32, #tpu.memory_space<vmem>> -> memref<128xi32, #tpu.memory_space<vmem>>
      %dma_start3A_1367 = arith.constant 0 : i32
      %dma_start3A_1368 = arith.constant 0 : i32
      %dma_start3A_1369 = tpu.memref_slice %arg15[%dma_start3A_1367, %dma_start3A_1368] : memref<200192x8xf32, #tpu.memory_space<vmem_shared>> -> memref<200192x8xf32, #tpu.memory_space<vmem_shared>>
      tpu.enqueue_indirect_dma source(%dma_start3A_1363 : memref<128x8xf32, #tpu.memory_space<vmem>>) target(%dma_start3A_1369 : memref<200192x8xf32, #tpu.memory_space<vmem_shared>>) offsets(%dma_start3A_1366 : memref<128xi32, #tpu.memory_space<vmem>>) semaphore(%arg17 : memref<!tpu.dma_semaphore, #tpu.memory_space<semaphore_mem>>) {add = true}
      %dma_start3A_1370 = arith.constant 1 : i32
      %dma_start3A_1371 = arith.constant 1 : i32
      %dma_start3A_1372 = arith.constant 0 : i32
      %dma_start3A_1373 = arith.constant 0 : i32
      %dma_start3A_1374 = tpu.memref_slice %arg9[%dma_start3A_1370, %dma_start3A_1372, %dma_start3A_1373] : memref<8x128x8xf32, #tpu.memory_space<vmem>> -> memref<1x128x8xf32, #tpu.memory_space<vmem>>
      %dma_start3A_1375 = tpu.memref_squeeze %dma_start3A_1374 : memref<1x128x8xf32, #tpu.memory_space<vmem>> -> memref<128x8xf32, #tpu.memory_space<vmem>>
      %dma_start3A_1376 = arith.constant 0 : i32
      %dma_start3A_1377 = tpu.memref_slice %arg8[%dma_start3A_1371, %dma_start3A_1376] : memref<8x128xi32, #tpu.memory_space<vmem>> -> memref<1x128xi32, #tpu.memory_space<vmem>>
      %dma_start3A_1378 = tpu.memref_squeeze %dma_start3A_1377 : memref<1x128xi32, #tpu.memory_space<vmem>> -> memref<128xi32, #tpu.memory_space<vmem>>
      %dma_start3A_1379 = arith.constant 0 : i32
      %dma_start3A_1380 = arith.constant 0 : i32
      %dma_start3A_1381 = tpu.memref_slice %arg15[%dma_start3A_1379, %dma_start3A_1380] : memref<200192x8xf32, #tpu.memory_space<vmem_shared>> -> memref<200192x8xf32, #tpu.memory_space<vmem_shared>>
      tpu.enqueue_indirect_dma source(%dma_start3A_1375 : memref<128x8xf32, #tpu.memory_space<vmem>>) target(%dma_start3A_1381 : memref<200192x8xf32, #tpu.memory_space<vmem_shared>>) offsets(%dma_start3A_1378 : memref<128xi32, #tpu.memory_space<vmem>>) semaphore(%arg17 : memref<!tpu.dma_semaphore, #tpu.memory_space<semaphore_mem>>) {add = true}
      %dma_start3A_1382 = arith.constant 2 : i32
      %dma_start3A_1383 = arith.constant 2 : i32
      %dma_start3A_1384 = arith.constant 0 : i32
      %dma_start3A_1385 = arith.constant 0 : i32
      %dma_start3A_1386 = tpu.memref_slice %arg9[%dma_start3A_1382, %dma_start3A_1384, %dma_start3A_1385] : memref<8x128x8xf32, #tpu.memory_space<vmem>> -> memref<1x128x8xf32, #tpu.memory_space<vmem>>
      %dma_start3A_1387 = tpu.memref_squeeze %dma_start3A_1386 : memref<1x128x8xf32, #tpu.memory_space<vmem>> -> memref<128x8xf32, #tpu.memory_space<vmem>>
      %dma_start3A_1388 = arith.constant 0 : i32
      %dma_start3A_1389 = tpu.memref_slice %arg8[%dma_start3A_1383, %dma_start3A_1388] : memref<8x128xi32, #tpu.memory_space<vmem>> -> memref<1x128xi32, #tpu.memory_space<vmem>>
      %dma_start3A_1390 = tpu.memref_squeeze %dma_start3A_1389 : memref<1x128xi32, #tpu.memory_space<vmem>> -> memref<128xi32, #tpu.memory_space<vmem>>
      %dma_start3A_1391 = arith.constant 0 : i32
      %dma_start3A_1392 = arith.constant 0 : i32
      %dma_start3A_1393 = tpu.memref_slice %arg15[%dma_start3A_1391, %dma_start3A_1392] : memref<200192x8xf32, #tpu.memory_space<vmem_shared>> -> memref<200192x8xf32, #tpu.memory_space<vmem_shared>>
      tpu.enqueue_indirect_dma source(%dma_start3A_1387 : memref<128x8xf32, #tpu.memory_space<vmem>>) target(%dma_start3A_1393 : memref<200192x8xf32, #tpu.memory_space<vmem_shared>>) offsets(%dma_start3A_1390 : memref<128xi32, #tpu.memory_space<vmem>>) semaphore(%arg17 : memref<!tpu.dma_semaphore, #tpu.memory_space<semaphore_mem>>) {add = true}
      %dma_start3A_1394 = arith.constant 3 : i32
      %dma_start3A_1395 = arith.constant 3 : i32
      %dma_start3A_1396 = arith.constant 0 : i32
      %dma_start3A_1397 = arith.constant 0 : i32
      %dma_start3A_1398 = tpu.memref_slice %arg9[%dma_start3A_1394, %dma_start3A_1396, %dma_start3A_1397] : memref<8x128x8xf32, #tpu.memory_space<vmem>> -> memref<1x128x8xf32, #tpu.memory_space<vmem>>
      %dma_start3A_1399 = tpu.memref_squeeze %dma_start3A_1398 : memref<1x128x8xf32, #tpu.memory_space<vmem>> -> memref<128x8xf32, #tpu.memory_space<vmem>>
      %dma_start3A_1400 = arith.constant 0 : i32
      %dma_start3A_1401 = tpu.memref_slice %arg8[%dma_start3A_1395, %dma_start3A_1400] : memref<8x128xi32, #tpu.memory_space<vmem>> -> memref<1x128xi32, #tpu.memory_space<vmem>>
      %dma_start3A_1402 = tpu.memref_squeeze %dma_start3A_1401 : memref<1x128xi32, #tpu.memory_space<vmem>> -> memref<128xi32, #tpu.memory_space<vmem>>
      %dma_start3A_1403 = arith.constant 0 : i32
      %dma_start3A_1404 = arith.constant 0 : i32
      %dma_start3A_1405 = tpu.memref_slice %arg15[%dma_start3A_1403, %dma_start3A_1404] : memref<200192x8xf32, #tpu.memory_space<vmem_shared>> -> memref<200192x8xf32, #tpu.memory_space<vmem_shared>>
      tpu.enqueue_indirect_dma source(%dma_start3A_1399 : memref<128x8xf32, #tpu.memory_space<vmem>>) target(%dma_start3A_1405 : memref<200192x8xf32, #tpu.memory_space<vmem_shared>>) offsets(%dma_start3A_1402 : memref<128xi32, #tpu.memory_space<vmem>>) semaphore(%arg17 : memref<!tpu.dma_semaphore, #tpu.memory_space<semaphore_mem>>) {add = true}
      %dma_start3A_1406 = arith.constant 4 : i32
      %dma_start3A_1407 = arith.constant 4 : i32
      %dma_start3A_1408 = arith.constant 0 : i32
      %dma_start3A_1409 = arith.constant 0 : i32
      %dma_start3A_1410 = tpu.memref_slice %arg9[%dma_start3A_1406, %dma_start3A_1408, %dma_start3A_1409] : memref<8x128x8xf32, #tpu.memory_space<vmem>> -> memref<1x128x8xf32, #tpu.memory_space<vmem>>
      %dma_start3A_1411 = tpu.memref_squeeze %dma_start3A_1410 : memref<1x128x8xf32, #tpu.memory_space<vmem>> -> memref<128x8xf32, #tpu.memory_space<vmem>>
      %dma_start3A_1412 = arith.constant 0 : i32
      %dma_start3A_1413 = tpu.memref_slice %arg8[%dma_start3A_1407, %dma_start3A_1412] : memref<8x128xi32, #tpu.memory_space<vmem>> -> memref<1x128xi32, #tpu.memory_space<vmem>>
      %dma_start3A_1414 = tpu.memref_squeeze %dma_start3A_1413 : memref<1x128xi32, #tpu.memory_space<vmem>> -> memref<128xi32, #tpu.memory_space<vmem>>
      %dma_start3A_1415 = arith.constant 0 : i32
      %dma_start3A_1416 = arith.constant 0 : i32
      %dma_start3A_1417 = tpu.memref_slice %arg15[%dma_start3A_1415, %dma_start3A_1416] : memref<200192x8xf32, #tpu.memory_space<vmem_shared>> -> memref<200192x8xf32, #tpu.memory_space<vmem_shared>>
      tpu.enqueue_indirect_dma source(%dma_start3A_1411 : memref<128x8xf32, #tpu.memory_space<vmem>>) target(%dma_start3A_1417 : memref<200192x8xf32, #tpu.memory_space<vmem_shared>>) offsets(%dma_start3A_1414 : memref<128xi32, #tpu.memory_space<vmem>>) semaphore(%arg17 : memref<!tpu.dma_semaphore, #tpu.memory_space<semaphore_mem>>) {add = true}
      %dma_start3A_1418 = arith.constant 5 : i32
      %dma_start3A_1419 = arith.constant 5 : i32
      %dma_start3A_1420 = arith.constant 0 : i32
      %dma_start3A_1421 = arith.constant 0 : i32
      %dma_start3A_1422 = tpu.memref_slice %arg9[%dma_start3A_1418, %dma_start3A_1420, %dma_start3A_1421] : memref<8x128x8xf32, #tpu.memory_space<vmem>> -> memref<1x128x8xf32, #tpu.memory_space<vmem>>
      %dma_start3A_1423 = tpu.memref_squeeze %dma_start3A_1422 : memref<1x128x8xf32, #tpu.memory_space<vmem>> -> memref<128x8xf32, #tpu.memory_space<vmem>>
      %dma_start3A_1424 = arith.constant 0 : i32
      %dma_start3A_1425 = tpu.memref_slice %arg8[%dma_start3A_1419, %dma_start3A_1424] : memref<8x128xi32, #tpu.memory_space<vmem>> -> memref<1x128xi32, #tpu.memory_space<vmem>>
      %dma_start3A_1426 = tpu.memref_squeeze %dma_start3A_1425 : memref<1x128xi32, #tpu.memory_space<vmem>> -> memref<128xi32, #tpu.memory_space<vmem>>
      %dma_start3A_1427 = arith.constant 0 : i32
      %dma_start3A_1428 = arith.constant 0 : i32
      %dma_start3A_1429 = tpu.memref_slice %arg15[%dma_start3A_1427, %dma_start3A_1428] : memref<200192x8xf32, #tpu.memory_space<vmem_shared>> -> memref<200192x8xf32, #tpu.memory_space<vmem_shared>>
      tpu.enqueue_indirect_dma source(%dma_start3A_1423 : memref<128x8xf32, #tpu.memory_space<vmem>>) target(%dma_start3A_1429 : memref<200192x8xf32, #tpu.memory_space<vmem_shared>>) offsets(%dma_start3A_1426 : memref<128xi32, #tpu.memory_space<vmem>>) semaphore(%arg17 : memref<!tpu.dma_semaphore, #tpu.memory_space<semaphore_mem>>) {add = true}
      %dma_start3A_1430 = arith.constant 6 : i32
      %dma_start3A_1431 = arith.constant 6 : i32
      %dma_start3A_1432 = arith.constant 0 : i32
      %dma_start3A_1433 = arith.constant 0 : i32
      %dma_start3A_1434 = tpu.memref_slice %arg9[%dma_start3A_1430, %dma_start3A_1432, %dma_start3A_1433] : memref<8x128x8xf32, #tpu.memory_space<vmem>> -> memref<1x128x8xf32, #tpu.memory_space<vmem>>
      %dma_start3A_1435 = tpu.memref_squeeze %dma_start3A_1434 : memref<1x128x8xf32, #tpu.memory_space<vmem>> -> memref<128x8xf32, #tpu.memory_space<vmem>>
      %dma_start3A_1436 = arith.constant 0 : i32
      %dma_start3A_1437 = tpu.memref_slice %arg8[%dma_start3A_1431, %dma_start3A_1436] : memref<8x128xi32, #tpu.memory_space<vmem>> -> memref<1x128xi32, #tpu.memory_space<vmem>>
      %dma_start3A_1438 = tpu.memref_squeeze %dma_start3A_1437 : memref<1x128xi32, #tpu.memory_space<vmem>> -> memref<128xi32, #tpu.memory_space<vmem>>
      %dma_start3A_1439 = arith.constant 0 : i32
      %dma_start3A_1440 = arith.constant 0 : i32
      %dma_start3A_1441 = tpu.memref_slice %arg15[%dma_start3A_1439, %dma_start3A_1440] : memref<200192x8xf32, #tpu.memory_space<vmem_shared>> -> memref<200192x8xf32, #tpu.memory_space<vmem_shared>>
      tpu.enqueue_indirect_dma source(%dma_start3A_1435 : memref<128x8xf32, #tpu.memory_space<vmem>>) target(%dma_start3A_1441 : memref<200192x8xf32, #tpu.memory_space<vmem_shared>>) offsets(%dma_start3A_1438 : memref<128xi32, #tpu.memory_space<vmem>>) semaphore(%arg17 : memref<!tpu.dma_semaphore, #tpu.memory_space<semaphore_mem>>) {add = true}
      %dma_start3A_1442 = arith.constant 7 : i32
      %dma_start3A_1443 = arith.constant 7 : i32
      %dma_start3A_1444 = arith.constant 0 : i32
      %dma_start3A_1445 = arith.constant 0 : i32
      %dma_start3A_1446 = tpu.memref_slice %arg9[%dma_start3A_1442, %dma_start3A_1444, %dma_start3A_1445] : memref<8x128x8xf32, #tpu.memory_space<vmem>> -> memref<1x128x8xf32, #tpu.memory_space<vmem>>
      %dma_start3A_1447 = tpu.memref_squeeze %dma_start3A_1446 : memref<1x128x8xf32, #tpu.memory_space<vmem>> -> memref<128x8xf32, #tpu.memory_space<vmem>>
      %dma_start3A_1448 = arith.constant 0 : i32
      %dma_start3A_1449 = tpu.memref_slice %arg8[%dma_start3A_1443, %dma_start3A_1448] : memref<8x128xi32, #tpu.memory_space<vmem>> -> memref<1x128xi32, #tpu.memory_space<vmem>>
      %dma_start3A_1450 = tpu.memref_squeeze %dma_start3A_1449 : memref<1x128xi32, #tpu.memory_space<vmem>> -> memref<128xi32, #tpu.memory_space<vmem>>
      %dma_start3A_1451 = arith.constant 0 : i32
      %dma_start3A_1452 = arith.constant 0 : i32
      %dma_start3A_1453 = tpu.memref_slice %arg15[%dma_start3A_1451, %dma_start3A_1452] : memref<200192x8xf32, #tpu.memory_space<vmem_shared>> -> memref<200192x8xf32, #tpu.memory_space<vmem_shared>>
      tpu.enqueue_indirect_dma source(%dma_start3A_1447 : memref<128x8xf32, #tpu.memory_space<vmem>>) target(%dma_start3A_1453 : memref<200192x8xf32, #tpu.memory_space<vmem_shared>>) offsets(%dma_start3A_1450 : memref<128xi32, #tpu.memory_space<vmem>>) semaphore(%arg17 : memref<!tpu.dma_semaphore, #tpu.memory_space<semaphore_mem>>) {add = true}
      %dma_start3A_1454 = arith.constant 0 : i32
      %dma_start3A_1455 = arith.constant 0 : i32
      %dma_start3A_1456 = arith.constant 0 : i32
      %dma_start3A_1457 = arith.constant 0 : i32
      %dma_start3A_1458 = tpu.memref_slice %arg12[%dma_start3A_1455, %dma_start3A_1456, %dma_start3A_1457] : memref<8x128x8xf32, #tpu.memory_space<vmem>> -> memref<1x128x8xf32, #tpu.memory_space<vmem>>
      %dma_start3A_1459 = tpu.memref_squeeze %dma_start3A_1458 : memref<1x128x8xf32, #tpu.memory_space<vmem>> -> memref<128x8xf32, #tpu.memory_space<vmem>>
      %dma_start3A_1460 = arith.constant 0 : i32
      %dma_start3A_1461 = tpu.memref_slice %arg10[%dma_start3A_1454, %dma_start3A_1460] : memref<8x128xi32, #tpu.memory_space<vmem>> -> memref<1x128xi32, #tpu.memory_space<vmem>>
      %dma_start3A_1462 = tpu.memref_squeeze %dma_start3A_1461 : memref<1x128xi32, #tpu.memory_space<vmem>> -> memref<128xi32, #tpu.memory_space<vmem>>
      %dma_start3A_1463 = arith.constant 0 : i32
      %dma_start3A_1464 = arith.constant 0 : i32
      %dma_start3A_1465 = tpu.memref_slice %arg2[%dma_start3A_1463, %dma_start3A_1464] : memref<200000x8xf32, #tpu.memory_space<hbm>> -> memref<200000x8xf32, #tpu.memory_space<hbm>>
      tpu.enqueue_indirect_dma source(%dma_start3A_1465 : memref<200000x8xf32, #tpu.memory_space<hbm>>) target(%dma_start3A_1459 : memref<128x8xf32, #tpu.memory_space<vmem>>) offsets(%dma_start3A_1462 : memref<128xi32, #tpu.memory_space<vmem>>) semaphore(%arg16 : memref<!tpu.dma_semaphore, #tpu.memory_space<semaphore_mem>>)
      %dma_start3A_1466 = arith.constant 1 : i32
      %dma_start3A_1467 = arith.constant 1 : i32
      %dma_start3A_1468 = arith.constant 0 : i32
      %dma_start3A_1469 = arith.constant 0 : i32
      %dma_start3A_1470 = tpu.memref_slice %arg12[%dma_start3A_1467, %dma_start3A_1468, %dma_start3A_1469] : memref<8x128x8xf32, #tpu.memory_space<vmem>> -> memref<1x128x8xf32, #tpu.memory_space<vmem>>
      %dma_start3A_1471 = tpu.memref_squeeze %dma_start3A_1470 : memref<1x128x8xf32, #tpu.memory_space<vmem>> -> memref<128x8xf32, #tpu.memory_space<vmem>>
      %dma_start3A_1472 = arith.constant 0 : i32
      %dma_start3A_1473 = tpu.memref_slice %arg10[%dma_start3A_1466, %dma_start3A_1472] : memref<8x128xi32, #tpu.memory_space<vmem>> -> memref<1x128xi32, #tpu.memory_space<vmem>>
      %dma_start3A_1474 = tpu.memref_squeeze %dma_start3A_1473 : memref<1x128xi32, #tpu.memory_space<vmem>> -> memref<128xi32, #tpu.memory_space<vmem>>
      %dma_start3A_1475 = arith.constant 0 : i32
      %dma_start3A_1476 = arith.constant 0 : i32
      %dma_start3A_1477 = tpu.memref_slice %arg2[%dma_start3A_1475, %dma_start3A_1476] : memref<200000x8xf32, #tpu.memory_space<hbm>> -> memref<200000x8xf32, #tpu.memory_space<hbm>>
      tpu.enqueue_indirect_dma source(%dma_start3A_1477 : memref<200000x8xf32, #tpu.memory_space<hbm>>) target(%dma_start3A_1471 : memref<128x8xf32, #tpu.memory_space<vmem>>) offsets(%dma_start3A_1474 : memref<128xi32, #tpu.memory_space<vmem>>) semaphore(%arg16 : memref<!tpu.dma_semaphore, #tpu.memory_space<semaphore_mem>>)
      %dma_start3A_1478 = arith.constant 2 : i32
      %dma_start3A_1479 = arith.constant 2 : i32
      %dma_start3A_1480 = arith.constant 0 : i32
      %dma_start3A_1481 = arith.constant 0 : i32
      %dma_start3A_1482 = tpu.memref_slice %arg12[%dma_start3A_1479, %dma_start3A_1480, %dma_start3A_1481] : memref<8x128x8xf32, #tpu.memory_space<vmem>> -> memref<1x128x8xf32, #tpu.memory_space<vmem>>
      %dma_start3A_1483 = tpu.memref_squeeze %dma_start3A_1482 : memref<1x128x8xf32, #tpu.memory_space<vmem>> -> memref<128x8xf32, #tpu.memory_space<vmem>>
      %dma_start3A_1484 = arith.constant 0 : i32
      %dma_start3A_1485 = tpu.memref_slice %arg10[%dma_start3A_1478, %dma_start3A_1484] : memref<8x128xi32, #tpu.memory_space<vmem>> -> memref<1x128xi32, #tpu.memory_space<vmem>>
      %dma_start3A_1486 = tpu.memref_squeeze %dma_start3A_1485 : memref<1x128xi32, #tpu.memory_space<vmem>> -> memref<128xi32, #tpu.memory_space<vmem>>
      %dma_start3A_1487 = arith.constant 0 : i32
      %dma_start3A_1488 = arith.constant 0 : i32
      %dma_start3A_1489 = tpu.memref_slice %arg2[%dma_start3A_1487, %dma_start3A_1488] : memref<200000x8xf32, #tpu.memory_space<hbm>> -> memref<200000x8xf32, #tpu.memory_space<hbm>>
      tpu.enqueue_indirect_dma source(%dma_start3A_1489 : memref<200000x8xf32, #tpu.memory_space<hbm>>) target(%dma_start3A_1483 : memref<128x8xf32, #tpu.memory_space<vmem>>) offsets(%dma_start3A_1486 : memref<128xi32, #tpu.memory_space<vmem>>) semaphore(%arg16 : memref<!tpu.dma_semaphore, #tpu.memory_space<semaphore_mem>>)
      %dma_start3A_1490 = arith.constant 3 : i32
      %dma_start3A_1491 = arith.constant 3 : i32
      %dma_start3A_1492 = arith.constant 0 : i32
      %dma_start3A_1493 = arith.constant 0 : i32
      %dma_start3A_1494 = tpu.memref_slice %arg12[%dma_start3A_1491, %dma_start3A_1492, %dma_start3A_1493] : memref<8x128x8xf32, #tpu.memory_space<vmem>> -> memref<1x128x8xf32, #tpu.memory_space<vmem>>
      %dma_start3A_1495 = tpu.memref_squeeze %dma_start3A_1494 : memref<1x128x8xf32, #tpu.memory_space<vmem>> -> memref<128x8xf32, #tpu.memory_space<vmem>>
      %dma_start3A_1496 = arith.constant 0 : i32
      %dma_start3A_1497 = tpu.memref_slice %arg10[%dma_start3A_1490, %dma_start3A_1496] : memref<8x128xi32, #tpu.memory_space<vmem>> -> memref<1x128xi32, #tpu.memory_space<vmem>>
      %dma_start3A_1498 = tpu.memref_squeeze %dma_start3A_1497 : memref<1x128xi32, #tpu.memory_space<vmem>> -> memref<128xi32, #tpu.memory_space<vmem>>
      %dma_start3A_1499 = arith.constant 0 : i32
      %dma_start3A_1500 = arith.constant 0 : i32
      %dma_start3A_1501 = tpu.memref_slice %arg2[%dma_start3A_1499, %dma_start3A_1500] : memref<200000x8xf32, #tpu.memory_space<hbm>> -> memref<200000x8xf32, #tpu.memory_space<hbm>>
      tpu.enqueue_indirect_dma source(%dma_start3A_1501 : memref<200000x8xf32, #tpu.memory_space<hbm>>) target(%dma_start3A_1495 : memref<128x8xf32, #tpu.memory_space<vmem>>) offsets(%dma_start3A_1498 : memref<128xi32, #tpu.memory_space<vmem>>) semaphore(%arg16 : memref<!tpu.dma_semaphore, #tpu.memory_space<semaphore_mem>>)
      %dma_start3A_1502 = arith.constant 4 : i32
      %dma_start3A_1503 = arith.constant 4 : i32
      %dma_start3A_1504 = arith.constant 0 : i32
      %dma_start3A_1505 = arith.constant 0 : i32
      %dma_start3A_1506 = tpu.memref_slice %arg12[%dma_start3A_1503, %dma_start3A_1504, %dma_start3A_1505] : memref<8x128x8xf32, #tpu.memory_space<vmem>> -> memref<1x128x8xf32, #tpu.memory_space<vmem>>
      %dma_start3A_1507 = tpu.memref_squeeze %dma_start3A_1506 : memref<1x128x8xf32, #tpu.memory_space<vmem>> -> memref<128x8xf32, #tpu.memory_space<vmem>>
      %dma_start3A_1508 = arith.constant 0 : i32
      %dma_start3A_1509 = tpu.memref_slice %arg10[%dma_start3A_1502, %dma_start3A_1508] : memref<8x128xi32, #tpu.memory_space<vmem>> -> memref<1x128xi32, #tpu.memory_space<vmem>>
      %dma_start3A_1510 = tpu.memref_squeeze %dma_start3A_1509 : memref<1x128xi32, #tpu.memory_space<vmem>> -> memref<128xi32, #tpu.memory_space<vmem>>
      %dma_start3A_1511 = arith.constant 0 : i32
      %dma_start3A_1512 = arith.constant 0 : i32
      %dma_start3A_1513 = tpu.memref_slice %arg2[%dma_start3A_1511, %dma_start3A_1512] : memref<200000x8xf32, #tpu.memory_space<hbm>> -> memref<200000x8xf32, #tpu.memory_space<hbm>>
      tpu.enqueue_indirect_dma source(%dma_start3A_1513 : memref<200000x8xf32, #tpu.memory_space<hbm>>) target(%dma_start3A_1507 : memref<128x8xf32, #tpu.memory_space<vmem>>) offsets(%dma_start3A_1510 : memref<128xi32, #tpu.memory_space<vmem>>) semaphore(%arg16 : memref<!tpu.dma_semaphore, #tpu.memory_space<semaphore_mem>>)
      %dma_start3A_1514 = arith.constant 5 : i32
      %dma_start3A_1515 = arith.constant 5 : i32
      %dma_start3A_1516 = arith.constant 0 : i32
      %dma_start3A_1517 = arith.constant 0 : i32
      %dma_start3A_1518 = tpu.memref_slice %arg12[%dma_start3A_1515, %dma_start3A_1516, %dma_start3A_1517] : memref<8x128x8xf32, #tpu.memory_space<vmem>> -> memref<1x128x8xf32, #tpu.memory_space<vmem>>
      %dma_start3A_1519 = tpu.memref_squeeze %dma_start3A_1518 : memref<1x128x8xf32, #tpu.memory_space<vmem>> -> memref<128x8xf32, #tpu.memory_space<vmem>>
      %dma_start3A_1520 = arith.constant 0 : i32
      %dma_start3A_1521 = tpu.memref_slice %arg10[%dma_start3A_1514, %dma_start3A_1520] : memref<8x128xi32, #tpu.memory_space<vmem>> -> memref<1x128xi32, #tpu.memory_space<vmem>>
      %dma_start3A_1522 = tpu.memref_squeeze %dma_start3A_1521 : memref<1x128xi32, #tpu.memory_space<vmem>> -> memref<128xi32, #tpu.memory_space<vmem>>
      %dma_start3A_1523 = arith.constant 0 : i32
      %dma_start3A_1524 = arith.constant 0 : i32
      %dma_start3A_1525 = tpu.memref_slice %arg2[%dma_start3A_1523, %dma_start3A_1524] : memref<200000x8xf32, #tpu.memory_space<hbm>> -> memref<200000x8xf32, #tpu.memory_space<hbm>>
      tpu.enqueue_indirect_dma source(%dma_start3A_1525 : memref<200000x8xf32, #tpu.memory_space<hbm>>) target(%dma_start3A_1519 : memref<128x8xf32, #tpu.memory_space<vmem>>) offsets(%dma_start3A_1522 : memref<128xi32, #tpu.memory_space<vmem>>) semaphore(%arg16 : memref<!tpu.dma_semaphore, #tpu.memory_space<semaphore_mem>>)
      %dma_start3A_1526 = arith.constant 6 : i32
      %dma_start3A_1527 = arith.constant 6 : i32
      %dma_start3A_1528 = arith.constant 0 : i32
      %dma_start3A_1529 = arith.constant 0 : i32
      %dma_start3A_1530 = tpu.memref_slice %arg12[%dma_start3A_1527, %dma_start3A_1528, %dma_start3A_1529] : memref<8x128x8xf32, #tpu.memory_space<vmem>> -> memref<1x128x8xf32, #tpu.memory_space<vmem>>
      %dma_start3A_1531 = tpu.memref_squeeze %dma_start3A_1530 : memref<1x128x8xf32, #tpu.memory_space<vmem>> -> memref<128x8xf32, #tpu.memory_space<vmem>>
      %dma_start3A_1532 = arith.constant 0 : i32
      %dma_start3A_1533 = tpu.memref_slice %arg10[%dma_start3A_1526, %dma_start3A_1532] : memref<8x128xi32, #tpu.memory_space<vmem>> -> memref<1x128xi32, #tpu.memory_space<vmem>>
      %dma_start3A_1534 = tpu.memref_squeeze %dma_start3A_1533 : memref<1x128xi32, #tpu.memory_space<vmem>> -> memref<128xi32, #tpu.memory_space<vmem>>
      %dma_start3A_1535 = arith.constant 0 : i32
      %dma_start3A_1536 = arith.constant 0 : i32
      %dma_start3A_1537 = tpu.memref_slice %arg2[%dma_start3A_1535, %dma_start3A_1536] : memref<200000x8xf32, #tpu.memory_space<hbm>> -> memref<200000x8xf32, #tpu.memory_space<hbm>>
      tpu.enqueue_indirect_dma source(%dma_start3A_1537 : memref<200000x8xf32, #tpu.memory_space<hbm>>) target(%dma_start3A_1531 : memref<128x8xf32, #tpu.memory_space<vmem>>) offsets(%dma_start3A_1534 : memref<128xi32, #tpu.memory_space<vmem>>) semaphore(%arg16 : memref<!tpu.dma_semaphore, #tpu.memory_space<semaphore_mem>>)
      %dma_start3A_1538 = arith.constant 7 : i32
      %dma_start3A_1539 = arith.constant 7 : i32
      %dma_start3A_1540 = arith.constant 0 : i32
      %dma_start3A_1541 = arith.constant 0 : i32
      %dma_start3A_1542 = tpu.memref_slice %arg12[%dma_start3A_1539, %dma_start3A_1540, %dma_start3A_1541] : memref<8x128x8xf32, #tpu.memory_space<vmem>> -> memref<1x128x8xf32, #tpu.memory_space<vmem>>
      %dma_start3A_1543 = tpu.memref_squeeze %dma_start3A_1542 : memref<1x128x8xf32, #tpu.memory_space<vmem>> -> memref<128x8xf32, #tpu.memory_space<vmem>>
      %dma_start3A_1544 = arith.constant 0 : i32
      %dma_start3A_1545 = tpu.memref_slice %arg10[%dma_start3A_1538, %dma_start3A_1544] : memref<8x128xi32, #tpu.memory_space<vmem>> -> memref<1x128xi32, #tpu.memory_space<vmem>>
      %dma_start3A_1546 = tpu.memref_squeeze %dma_start3A_1545 : memref<1x128xi32, #tpu.memory_space<vmem>> -> memref<128xi32, #tpu.memory_space<vmem>>
      %dma_start3A_1547 = arith.constant 0 : i32
      %dma_start3A_1548 = arith.constant 0 : i32
      %dma_start3A_1549 = tpu.memref_slice %arg2[%dma_start3A_1547, %dma_start3A_1548] : memref<200000x8xf32, #tpu.memory_space<hbm>> -> memref<200000x8xf32, #tpu.memory_space<hbm>>
      tpu.enqueue_indirect_dma source(%dma_start3A_1549 : memref<200000x8xf32, #tpu.memory_space<hbm>>) target(%dma_start3A_1543 : memref<128x8xf32, #tpu.memory_space<vmem>>) offsets(%dma_start3A_1546 : memref<128xi32, #tpu.memory_space<vmem>>) semaphore(%arg16 : memref<!tpu.dma_semaphore, #tpu.memory_space<semaphore_mem>>)
      %dma_wait3A_1550 = arith.constant 0 : i32
      %dma_wait3A_1551 = arith.constant 0 : i32
      %dma_wait3A_1552 = arith.constant 0 : i32
      %dma_wait3A_1553 = arith.constant 0 : i32
      %dma_wait3A_1554 = tpu.memref_slice %arg9[%dma_wait3A_1550, %dma_wait3A_1552, %dma_wait3A_1553] : memref<8x128x8xf32, #tpu.memory_space<vmem>> -> memref<1x128x8xf32, #tpu.memory_space<vmem>>
      %dma_wait3A_1555 = tpu.memref_squeeze %dma_wait3A_1554 : memref<1x128x8xf32, #tpu.memory_space<vmem>> -> memref<128x8xf32, #tpu.memory_space<vmem>>
      %dma_wait3A_1556 = arith.constant 0 : i32
      %dma_wait3A_1557 = tpu.memref_slice %arg8[%dma_wait3A_1551, %dma_wait3A_1556] : memref<8x128xi32, #tpu.memory_space<vmem>> -> memref<1x128xi32, #tpu.memory_space<vmem>>
      %dma_wait3A_1558 = tpu.memref_squeeze %dma_wait3A_1557 : memref<1x128xi32, #tpu.memory_space<vmem>> -> memref<128xi32, #tpu.memory_space<vmem>>
      %dma_wait3A_1559 = arith.constant 0 : i32
      %dma_wait3A_1560 = arith.constant 0 : i32
      %dma_wait3A_1561 = tpu.memref_slice %arg15[%dma_wait3A_1559, %dma_wait3A_1560] : memref<200192x8xf32, #tpu.memory_space<vmem_shared>> -> memref<200192x8xf32, #tpu.memory_space<vmem_shared>>
      tpu.wait_indirect_dma semaphore(%arg17 : memref<!tpu.dma_semaphore, #tpu.memory_space<semaphore_mem>>) src(%dma_wait3A_1555 : memref<128x8xf32, #tpu.memory_space<vmem>>) dst(%dma_wait3A_1561 : memref<200192x8xf32, #tpu.memory_space<vmem_shared>>)
      %dma_wait3A_1562 = arith.constant 1 : i32
      %dma_wait3A_1563 = arith.constant 1 : i32
      %dma_wait3A_1564 = arith.constant 0 : i32
      %dma_wait3A_1565 = arith.constant 0 : i32
      %dma_wait3A_1566 = tpu.memref_slice %arg9[%dma_wait3A_1562, %dma_wait3A_1564, %dma_wait3A_1565] : memref<8x128x8xf32, #tpu.memory_space<vmem>> -> memref<1x128x8xf32, #tpu.memory_space<vmem>>
      %dma_wait3A_1567 = tpu.memref_squeeze %dma_wait3A_1566 : memref<1x128x8xf32, #tpu.memory_space<vmem>> -> memref<128x8xf32, #tpu.memory_space<vmem>>
      %dma_wait3A_1568 = arith.constant 0 : i32
      %dma_wait3A_1569 = tpu.memref_slice %arg8[%dma_wait3A_1563, %dma_wait3A_1568] : memref<8x128xi32, #tpu.memory_space<vmem>> -> memref<1x128xi32, #tpu.memory_space<vmem>>
      %dma_wait3A_1570 = tpu.memref_squeeze %dma_wait3A_1569 : memref<1x128xi32, #tpu.memory_space<vmem>> -> memref<128xi32, #tpu.memory_space<vmem>>
      %dma_wait3A_1571 = arith.constant 0 : i32
      %dma_wait3A_1572 = arith.constant 0 : i32
      %dma_wait3A_1573 = tpu.memref_slice %arg15[%dma_wait3A_1571, %dma_wait3A_1572] : memref<200192x8xf32, #tpu.memory_space<vmem_shared>> -> memref<200192x8xf32, #tpu.memory_space<vmem_shared>>
      tpu.wait_indirect_dma semaphore(%arg17 : memref<!tpu.dma_semaphore, #tpu.memory_space<semaphore_mem>>) src(%dma_wait3A_1567 : memref<128x8xf32, #tpu.memory_space<vmem>>) dst(%dma_wait3A_1573 : memref<200192x8xf32, #tpu.memory_space<vmem_shared>>)
      %dma_wait3A_1574 = arith.constant 2 : i32
      %dma_wait3A_1575 = arith.constant 2 : i32
      %dma_wait3A_1576 = arith.constant 0 : i32
      %dma_wait3A_1577 = arith.constant 0 : i32
      %dma_wait3A_1578 = tpu.memref_slice %arg9[%dma_wait3A_1574, %dma_wait3A_1576, %dma_wait3A_1577] : memref<8x128x8xf32, #tpu.memory_space<vmem>> -> memref<1x128x8xf32, #tpu.memory_space<vmem>>
      %dma_wait3A_1579 = tpu.memref_squeeze %dma_wait3A_1578 : memref<1x128x8xf32, #tpu.memory_space<vmem>> -> memref<128x8xf32, #tpu.memory_space<vmem>>
      %dma_wait3A_1580 = arith.constant 0 : i32
      %dma_wait3A_1581 = tpu.memref_slice %arg8[%dma_wait3A_1575, %dma_wait3A_1580] : memref<8x128xi32, #tpu.memory_space<vmem>> -> memref<1x128xi32, #tpu.memory_space<vmem>>
      %dma_wait3A_1582 = tpu.memref_squeeze %dma_wait3A_1581 : memref<1x128xi32, #tpu.memory_space<vmem>> -> memref<128xi32, #tpu.memory_space<vmem>>
      %dma_wait3A_1583 = arith.constant 0 : i32
      %dma_wait3A_1584 = arith.constant 0 : i32
      %dma_wait3A_1585 = tpu.memref_slice %arg15[%dma_wait3A_1583, %dma_wait3A_1584] : memref<200192x8xf32, #tpu.memory_space<vmem_shared>> -> memref<200192x8xf32, #tpu.memory_space<vmem_shared>>
      tpu.wait_indirect_dma semaphore(%arg17 : memref<!tpu.dma_semaphore, #tpu.memory_space<semaphore_mem>>) src(%dma_wait3A_1579 : memref<128x8xf32, #tpu.memory_space<vmem>>) dst(%dma_wait3A_1585 : memref<200192x8xf32, #tpu.memory_space<vmem_shared>>)
      %dma_wait3A_1586 = arith.constant 3 : i32
      %dma_wait3A_1587 = arith.constant 3 : i32
      %dma_wait3A_1588 = arith.constant 0 : i32
      %dma_wait3A_1589 = arith.constant 0 : i32
      %dma_wait3A_1590 = tpu.memref_slice %arg9[%dma_wait3A_1586, %dma_wait3A_1588, %dma_wait3A_1589] : memref<8x128x8xf32, #tpu.memory_space<vmem>> -> memref<1x128x8xf32, #tpu.memory_space<vmem>>
      %dma_wait3A_1591 = tpu.memref_squeeze %dma_wait3A_1590 : memref<1x128x8xf32, #tpu.memory_space<vmem>> -> memref<128x8xf32, #tpu.memory_space<vmem>>
      %dma_wait3A_1592 = arith.constant 0 : i32
      %dma_wait3A_1593 = tpu.memref_slice %arg8[%dma_wait3A_1587, %dma_wait3A_1592] : memref<8x128xi32, #tpu.memory_space<vmem>> -> memref<1x128xi32, #tpu.memory_space<vmem>>
      %dma_wait3A_1594 = tpu.memref_squeeze %dma_wait3A_1593 : memref<1x128xi32, #tpu.memory_space<vmem>> -> memref<128xi32, #tpu.memory_space<vmem>>
      %dma_wait3A_1595 = arith.constant 0 : i32
      %dma_wait3A_1596 = arith.constant 0 : i32
      %dma_wait3A_1597 = tpu.memref_slice %arg15[%dma_wait3A_1595, %dma_wait3A_1596] : memref<200192x8xf32, #tpu.memory_space<vmem_shared>> -> memref<200192x8xf32, #tpu.memory_space<vmem_shared>>
      tpu.wait_indirect_dma semaphore(%arg17 : memref<!tpu.dma_semaphore, #tpu.memory_space<semaphore_mem>>) src(%dma_wait3A_1591 : memref<128x8xf32, #tpu.memory_space<vmem>>) dst(%dma_wait3A_1597 : memref<200192x8xf32, #tpu.memory_space<vmem_shared>>)
      %dma_wait3A_1598 = arith.constant 4 : i32
      %dma_wait3A_1599 = arith.constant 4 : i32
      %dma_wait3A_1600 = arith.constant 0 : i32
      %dma_wait3A_1601 = arith.constant 0 : i32
      %dma_wait3A_1602 = tpu.memref_slice %arg9[%dma_wait3A_1598, %dma_wait3A_1600, %dma_wait3A_1601] : memref<8x128x8xf32, #tpu.memory_space<vmem>> -> memref<1x128x8xf32, #tpu.memory_space<vmem>>
      %dma_wait3A_1603 = tpu.memref_squeeze %dma_wait3A_1602 : memref<1x128x8xf32, #tpu.memory_space<vmem>> -> memref<128x8xf32, #tpu.memory_space<vmem>>
      %dma_wait3A_1604 = arith.constant 0 : i32
      %dma_wait3A_1605 = tpu.memref_slice %arg8[%dma_wait3A_1599, %dma_wait3A_1604] : memref<8x128xi32, #tpu.memory_space<vmem>> -> memref<1x128xi32, #tpu.memory_space<vmem>>
      %dma_wait3A_1606 = tpu.memref_squeeze %dma_wait3A_1605 : memref<1x128xi32, #tpu.memory_space<vmem>> -> memref<128xi32, #tpu.memory_space<vmem>>
      %dma_wait3A_1607 = arith.constant 0 : i32
      %dma_wait3A_1608 = arith.constant 0 : i32
      %dma_wait3A_1609 = tpu.memref_slice %arg15[%dma_wait3A_1607, %dma_wait3A_1608] : memref<200192x8xf32, #tpu.memory_space<vmem_shared>> -> memref<200192x8xf32, #tpu.memory_space<vmem_shared>>
      tpu.wait_indirect_dma semaphore(%arg17 : memref<!tpu.dma_semaphore, #tpu.memory_space<semaphore_mem>>) src(%dma_wait3A_1603 : memref<128x8xf32, #tpu.memory_space<vmem>>) dst(%dma_wait3A_1609 : memref<200192x8xf32, #tpu.memory_space<vmem_shared>>)
      %dma_wait3A_1610 = arith.constant 5 : i32
      %dma_wait3A_1611 = arith.constant 5 : i32
      %dma_wait3A_1612 = arith.constant 0 : i32
      %dma_wait3A_1613 = arith.constant 0 : i32
      %dma_wait3A_1614 = tpu.memref_slice %arg9[%dma_wait3A_1610, %dma_wait3A_1612, %dma_wait3A_1613] : memref<8x128x8xf32, #tpu.memory_space<vmem>> -> memref<1x128x8xf32, #tpu.memory_space<vmem>>
      %dma_wait3A_1615 = tpu.memref_squeeze %dma_wait3A_1614 : memref<1x128x8xf32, #tpu.memory_space<vmem>> -> memref<128x8xf32, #tpu.memory_space<vmem>>
      %dma_wait3A_1616 = arith.constant 0 : i32
      %dma_wait3A_1617 = tpu.memref_slice %arg8[%dma_wait3A_1611, %dma_wait3A_1616] : memref<8x128xi32, #tpu.memory_space<vmem>> -> memref<1x128xi32, #tpu.memory_space<vmem>>
      %dma_wait3A_1618 = tpu.memref_squeeze %dma_wait3A_1617 : memref<1x128xi32, #tpu.memory_space<vmem>> -> memref<128xi32, #tpu.memory_space<vmem>>
      %dma_wait3A_1619 = arith.constant 0 : i32
      %dma_wait3A_1620 = arith.constant 0 : i32
      %dma_wait3A_1621 = tpu.memref_slice %arg15[%dma_wait3A_1619, %dma_wait3A_1620] : memref<200192x8xf32, #tpu.memory_space<vmem_shared>> -> memref<200192x8xf32, #tpu.memory_space<vmem_shared>>
      tpu.wait_indirect_dma semaphore(%arg17 : memref<!tpu.dma_semaphore, #tpu.memory_space<semaphore_mem>>) src(%dma_wait3A_1615 : memref<128x8xf32, #tpu.memory_space<vmem>>) dst(%dma_wait3A_1621 : memref<200192x8xf32, #tpu.memory_space<vmem_shared>>)
      %dma_wait3A_1622 = arith.constant 6 : i32
      %dma_wait3A_1623 = arith.constant 6 : i32
      %dma_wait3A_1624 = arith.constant 0 : i32
      %dma_wait3A_1625 = arith.constant 0 : i32
      %dma_wait3A_1626 = tpu.memref_slice %arg9[%dma_wait3A_1622, %dma_wait3A_1624, %dma_wait3A_1625] : memref<8x128x8xf32, #tpu.memory_space<vmem>> -> memref<1x128x8xf32, #tpu.memory_space<vmem>>
      %dma_wait3A_1627 = tpu.memref_squeeze %dma_wait3A_1626 : memref<1x128x8xf32, #tpu.memory_space<vmem>> -> memref<128x8xf32, #tpu.memory_space<vmem>>
      %dma_wait3A_1628 = arith.constant 0 : i32
      %dma_wait3A_1629 = tpu.memref_slice %arg8[%dma_wait3A_1623, %dma_wait3A_1628] : memref<8x128xi32, #tpu.memory_space<vmem>> -> memref<1x128xi32, #tpu.memory_space<vmem>>
      %dma_wait3A_1630 = tpu.memref_squeeze %dma_wait3A_1629 : memref<1x128xi32, #tpu.memory_space<vmem>> -> memref<128xi32, #tpu.memory_space<vmem>>
      %dma_wait3A_1631 = arith.constant 0 : i32
      %dma_wait3A_1632 = arith.constant 0 : i32
      %dma_wait3A_1633 = tpu.memref_slice %arg15[%dma_wait3A_1631, %dma_wait3A_1632] : memref<200192x8xf32, #tpu.memory_space<vmem_shared>> -> memref<200192x8xf32, #tpu.memory_space<vmem_shared>>
      tpu.wait_indirect_dma semaphore(%arg17 : memref<!tpu.dma_semaphore, #tpu.memory_space<semaphore_mem>>) src(%dma_wait3A_1627 : memref<128x8xf32, #tpu.memory_space<vmem>>) dst(%dma_wait3A_1633 : memref<200192x8xf32, #tpu.memory_space<vmem_shared>>)
      %dma_wait3A_1634 = arith.constant 7 : i32
      %dma_wait3A_1635 = arith.constant 7 : i32
      %dma_wait3A_1636 = arith.constant 0 : i32
      %dma_wait3A_1637 = arith.constant 0 : i32
      %dma_wait3A_1638 = tpu.memref_slice %arg9[%dma_wait3A_1634, %dma_wait3A_1636, %dma_wait3A_1637] : memref<8x128x8xf32, #tpu.memory_space<vmem>> -> memref<1x128x8xf32, #tpu.memory_space<vmem>>
      %dma_wait3A_1639 = tpu.memref_squeeze %dma_wait3A_1638 : memref<1x128x8xf32, #tpu.memory_space<vmem>> -> memref<128x8xf32, #tpu.memory_space<vmem>>
      %dma_wait3A_1640 = arith.constant 0 : i32
      %dma_wait3A_1641 = tpu.memref_slice %arg8[%dma_wait3A_1635, %dma_wait3A_1640] : memref<8x128xi32, #tpu.memory_space<vmem>> -> memref<1x128xi32, #tpu.memory_space<vmem>>
      %dma_wait3A_1642 = tpu.memref_squeeze %dma_wait3A_1641 : memref<1x128xi32, #tpu.memory_space<vmem>> -> memref<128xi32, #tpu.memory_space<vmem>>
      %dma_wait3A_1643 = arith.constant 0 : i32
      %dma_wait3A_1644 = arith.constant 0 : i32
      %dma_wait3A_1645 = tpu.memref_slice %arg15[%dma_wait3A_1643, %dma_wait3A_1644] : memref<200192x8xf32, #tpu.memory_space<vmem_shared>> -> memref<200192x8xf32, #tpu.memory_space<vmem_shared>>
      tpu.wait_indirect_dma semaphore(%arg17 : memref<!tpu.dma_semaphore, #tpu.memory_space<semaphore_mem>>) src(%dma_wait3A_1639 : memref<128x8xf32, #tpu.memory_space<vmem>>) dst(%dma_wait3A_1645 : memref<200192x8xf32, #tpu.memory_space<vmem_shared>>)
      %dma_wait3A_1646 = arith.constant 0 : i32
      %dma_wait3A_1647 = arith.constant 0 : i32
      %dma_wait3A_1648 = arith.constant 0 : i32
      %dma_wait3A_1649 = arith.constant 0 : i32
      %dma_wait3A_1650 = tpu.memref_slice %arg12[%dma_wait3A_1647, %dma_wait3A_1648, %dma_wait3A_1649] : memref<8x128x8xf32, #tpu.memory_space<vmem>> -> memref<1x128x8xf32, #tpu.memory_space<vmem>>
      %dma_wait3A_1651 = tpu.memref_squeeze %dma_wait3A_1650 : memref<1x128x8xf32, #tpu.memory_space<vmem>> -> memref<128x8xf32, #tpu.memory_space<vmem>>
      %dma_wait3A_1652 = arith.constant 0 : i32
      %dma_wait3A_1653 = tpu.memref_slice %arg10[%dma_wait3A_1646, %dma_wait3A_1652] : memref<8x128xi32, #tpu.memory_space<vmem>> -> memref<1x128xi32, #tpu.memory_space<vmem>>
      %dma_wait3A_1654 = tpu.memref_squeeze %dma_wait3A_1653 : memref<1x128xi32, #tpu.memory_space<vmem>> -> memref<128xi32, #tpu.memory_space<vmem>>
      %dma_wait3A_1655 = arith.constant 0 : i32
      %dma_wait3A_1656 = arith.constant 0 : i32
      %dma_wait3A_1657 = tpu.memref_slice %arg2[%dma_wait3A_1655, %dma_wait3A_1656] : memref<200000x8xf32, #tpu.memory_space<hbm>> -> memref<200000x8xf32, #tpu.memory_space<hbm>>
      tpu.wait_indirect_dma semaphore(%arg16 : memref<!tpu.dma_semaphore, #tpu.memory_space<semaphore_mem>>) src(%dma_wait3A_1657 : memref<200000x8xf32, #tpu.memory_space<hbm>>) dst(%dma_wait3A_1651 : memref<128x8xf32, #tpu.memory_space<vmem>>)
      %dma_wait3A_1658 = arith.constant 1 : i32
      %dma_wait3A_1659 = arith.constant 1 : i32
      %dma_wait3A_1660 = arith.constant 0 : i32
      %dma_wait3A_1661 = arith.constant 0 : i32
      %dma_wait3A_1662 = tpu.memref_slice %arg12[%dma_wait3A_1659, %dma_wait3A_1660, %dma_wait3A_1661] : memref<8x128x8xf32, #tpu.memory_space<vmem>> -> memref<1x128x8xf32, #tpu.memory_space<vmem>>
      %dma_wait3A_1663 = tpu.memref_squeeze %dma_wait3A_1662 : memref<1x128x8xf32, #tpu.memory_space<vmem>> -> memref<128x8xf32, #tpu.memory_space<vmem>>
      %dma_wait3A_1664 = arith.constant 0 : i32
      %dma_wait3A_1665 = tpu.memref_slice %arg10[%dma_wait3A_1658, %dma_wait3A_1664] : memref<8x128xi32, #tpu.memory_space<vmem>> -> memref<1x128xi32, #tpu.memory_space<vmem>>
      %dma_wait3A_1666 = tpu.memref_squeeze %dma_wait3A_1665 : memref<1x128xi32, #tpu.memory_space<vmem>> -> memref<128xi32, #tpu.memory_space<vmem>>
      %dma_wait3A_1667 = arith.constant 0 : i32
      %dma_wait3A_1668 = arith.constant 0 : i32
      %dma_wait3A_1669 = tpu.memref_slice %arg2[%dma_wait3A_1667, %dma_wait3A_1668] : memref<200000x8xf32, #tpu.memory_space<hbm>> -> memref<200000x8xf32, #tpu.memory_space<hbm>>
      tpu.wait_indirect_dma semaphore(%arg16 : memref<!tpu.dma_semaphore, #tpu.memory_space<semaphore_mem>>) src(%dma_wait3A_1669 : memref<200000x8xf32, #tpu.memory_space<hbm>>) dst(%dma_wait3A_1663 : memref<128x8xf32, #tpu.memory_space<vmem>>)
      %dma_wait3A_1670 = arith.constant 2 : i32
      %dma_wait3A_1671 = arith.constant 2 : i32
      %dma_wait3A_1672 = arith.constant 0 : i32
      %dma_wait3A_1673 = arith.constant 0 : i32
      %dma_wait3A_1674 = tpu.memref_slice %arg12[%dma_wait3A_1671, %dma_wait3A_1672, %dma_wait3A_1673] : memref<8x128x8xf32, #tpu.memory_space<vmem>> -> memref<1x128x8xf32, #tpu.memory_space<vmem>>
      %dma_wait3A_1675 = tpu.memref_squeeze %dma_wait3A_1674 : memref<1x128x8xf32, #tpu.memory_space<vmem>> -> memref<128x8xf32, #tpu.memory_space<vmem>>
      %dma_wait3A_1676 = arith.constant 0 : i32
      %dma_wait3A_1677 = tpu.memref_slice %arg10[%dma_wait3A_1670, %dma_wait3A_1676] : memref<8x128xi32, #tpu.memory_space<vmem>> -> memref<1x128xi32, #tpu.memory_space<vmem>>
      %dma_wait3A_1678 = tpu.memref_squeeze %dma_wait3A_1677 : memref<1x128xi32, #tpu.memory_space<vmem>> -> memref<128xi32, #tpu.memory_space<vmem>>
      %dma_wait3A_1679 = arith.constant 0 : i32
      %dma_wait3A_1680 = arith.constant 0 : i32
      %dma_wait3A_1681 = tpu.memref_slice %arg2[%dma_wait3A_1679, %dma_wait3A_1680] : memref<200000x8xf32, #tpu.memory_space<hbm>> -> memref<200000x8xf32, #tpu.memory_space<hbm>>
      tpu.wait_indirect_dma semaphore(%arg16 : memref<!tpu.dma_semaphore, #tpu.memory_space<semaphore_mem>>) src(%dma_wait3A_1681 : memref<200000x8xf32, #tpu.memory_space<hbm>>) dst(%dma_wait3A_1675 : memref<128x8xf32, #tpu.memory_space<vmem>>)
      %dma_wait3A_1682 = arith.constant 3 : i32
      %dma_wait3A_1683 = arith.constant 3 : i32
      %dma_wait3A_1684 = arith.constant 0 : i32
      %dma_wait3A_1685 = arith.constant 0 : i32
      %dma_wait3A_1686 = tpu.memref_slice %arg12[%dma_wait3A_1683, %dma_wait3A_1684, %dma_wait3A_1685] : memref<8x128x8xf32, #tpu.memory_space<vmem>> -> memref<1x128x8xf32, #tpu.memory_space<vmem>>
      %dma_wait3A_1687 = tpu.memref_squeeze %dma_wait3A_1686 : memref<1x128x8xf32, #tpu.memory_space<vmem>> -> memref<128x8xf32, #tpu.memory_space<vmem>>
      %dma_wait3A_1688 = arith.constant 0 : i32
      %dma_wait3A_1689 = tpu.memref_slice %arg10[%dma_wait3A_1682, %dma_wait3A_1688] : memref<8x128xi32, #tpu.memory_space<vmem>> -> memref<1x128xi32, #tpu.memory_space<vmem>>
      %dma_wait3A_1690 = tpu.memref_squeeze %dma_wait3A_1689 : memref<1x128xi32, #tpu.memory_space<vmem>> -> memref<128xi32, #tpu.memory_space<vmem>>
      %dma_wait3A_1691 = arith.constant 0 : i32
      %dma_wait3A_1692 = arith.constant 0 : i32
      %dma_wait3A_1693 = tpu.memref_slice %arg2[%dma_wait3A_1691, %dma_wait3A_1692] : memref<200000x8xf32, #tpu.memory_space<hbm>> -> memref<200000x8xf32, #tpu.memory_space<hbm>>
      tpu.wait_indirect_dma semaphore(%arg16 : memref<!tpu.dma_semaphore, #tpu.memory_space<semaphore_mem>>) src(%dma_wait3A_1693 : memref<200000x8xf32, #tpu.memory_space<hbm>>) dst(%dma_wait3A_1687 : memref<128x8xf32, #tpu.memory_space<vmem>>)
      %dma_wait3A_1694 = arith.constant 4 : i32
      %dma_wait3A_1695 = arith.constant 4 : i32
      %dma_wait3A_1696 = arith.constant 0 : i32
      %dma_wait3A_1697 = arith.constant 0 : i32
      %dma_wait3A_1698 = tpu.memref_slice %arg12[%dma_wait3A_1695, %dma_wait3A_1696, %dma_wait3A_1697] : memref<8x128x8xf32, #tpu.memory_space<vmem>> -> memref<1x128x8xf32, #tpu.memory_space<vmem>>
      %dma_wait3A_1699 = tpu.memref_squeeze %dma_wait3A_1698 : memref<1x128x8xf32, #tpu.memory_space<vmem>> -> memref<128x8xf32, #tpu.memory_space<vmem>>
      %dma_wait3A_1700 = arith.constant 0 : i32
      %dma_wait3A_1701 = tpu.memref_slice %arg10[%dma_wait3A_1694, %dma_wait3A_1700] : memref<8x128xi32, #tpu.memory_space<vmem>> -> memref<1x128xi32, #tpu.memory_space<vmem>>
      %dma_wait3A_1702 = tpu.memref_squeeze %dma_wait3A_1701 : memref<1x128xi32, #tpu.memory_space<vmem>> -> memref<128xi32, #tpu.memory_space<vmem>>
      %dma_wait3A_1703 = arith.constant 0 : i32
      %dma_wait3A_1704 = arith.constant 0 : i32
      %dma_wait3A_1705 = tpu.memref_slice %arg2[%dma_wait3A_1703, %dma_wait3A_1704] : memref<200000x8xf32, #tpu.memory_space<hbm>> -> memref<200000x8xf32, #tpu.memory_space<hbm>>
      tpu.wait_indirect_dma semaphore(%arg16 : memref<!tpu.dma_semaphore, #tpu.memory_space<semaphore_mem>>) src(%dma_wait3A_1705 : memref<200000x8xf32, #tpu.memory_space<hbm>>) dst(%dma_wait3A_1699 : memref<128x8xf32, #tpu.memory_space<vmem>>)
      %dma_wait3A_1706 = arith.constant 5 : i32
      %dma_wait3A_1707 = arith.constant 5 : i32
      %dma_wait3A_1708 = arith.constant 0 : i32
      %dma_wait3A_1709 = arith.constant 0 : i32
      %dma_wait3A_1710 = tpu.memref_slice %arg12[%dma_wait3A_1707, %dma_wait3A_1708, %dma_wait3A_1709] : memref<8x128x8xf32, #tpu.memory_space<vmem>> -> memref<1x128x8xf32, #tpu.memory_space<vmem>>
      %dma_wait3A_1711 = tpu.memref_squeeze %dma_wait3A_1710 : memref<1x128x8xf32, #tpu.memory_space<vmem>> -> memref<128x8xf32, #tpu.memory_space<vmem>>
      %dma_wait3A_1712 = arith.constant 0 : i32
      %dma_wait3A_1713 = tpu.memref_slice %arg10[%dma_wait3A_1706, %dma_wait3A_1712] : memref<8x128xi32, #tpu.memory_space<vmem>> -> memref<1x128xi32, #tpu.memory_space<vmem>>
      %dma_wait3A_1714 = tpu.memref_squeeze %dma_wait3A_1713 : memref<1x128xi32, #tpu.memory_space<vmem>> -> memref<128xi32, #tpu.memory_space<vmem>>
      %dma_wait3A_1715 = arith.constant 0 : i32
      %dma_wait3A_1716 = arith.constant 0 : i32
      %dma_wait3A_1717 = tpu.memref_slice %arg2[%dma_wait3A_1715, %dma_wait3A_1716] : memref<200000x8xf32, #tpu.memory_space<hbm>> -> memref<200000x8xf32, #tpu.memory_space<hbm>>
      tpu.wait_indirect_dma semaphore(%arg16 : memref<!tpu.dma_semaphore, #tpu.memory_space<semaphore_mem>>) src(%dma_wait3A_1717 : memref<200000x8xf32, #tpu.memory_space<hbm>>) dst(%dma_wait3A_1711 : memref<128x8xf32, #tpu.memory_space<vmem>>)
      %dma_wait3A_1718 = arith.constant 6 : i32
      %dma_wait3A_1719 = arith.constant 6 : i32
      %dma_wait3A_1720 = arith.constant 0 : i32
      %dma_wait3A_1721 = arith.constant 0 : i32
      %dma_wait3A_1722 = tpu.memref_slice %arg12[%dma_wait3A_1719, %dma_wait3A_1720, %dma_wait3A_1721] : memref<8x128x8xf32, #tpu.memory_space<vmem>> -> memref<1x128x8xf32, #tpu.memory_space<vmem>>
      %dma_wait3A_1723 = tpu.memref_squeeze %dma_wait3A_1722 : memref<1x128x8xf32, #tpu.memory_space<vmem>> -> memref<128x8xf32, #tpu.memory_space<vmem>>
      %dma_wait3A_1724 = arith.constant 0 : i32
      %dma_wait3A_1725 = tpu.memref_slice %arg10[%dma_wait3A_1718, %dma_wait3A_1724] : memref<8x128xi32, #tpu.memory_space<vmem>> -> memref<1x128xi32, #tpu.memory_space<vmem>>
      %dma_wait3A_1726 = tpu.memref_squeeze %dma_wait3A_1725 : memref<1x128xi32, #tpu.memory_space<vmem>> -> memref<128xi32, #tpu.memory_space<vmem>>
      %dma_wait3A_1727 = arith.constant 0 : i32
      %dma_wait3A_1728 = arith.constant 0 : i32
      %dma_wait3A_1729 = tpu.memref_slice %arg2[%dma_wait3A_1727, %dma_wait3A_1728] : memref<200000x8xf32, #tpu.memory_space<hbm>> -> memref<200000x8xf32, #tpu.memory_space<hbm>>
      tpu.wait_indirect_dma semaphore(%arg16 : memref<!tpu.dma_semaphore, #tpu.memory_space<semaphore_mem>>) src(%dma_wait3A_1729 : memref<200000x8xf32, #tpu.memory_space<hbm>>) dst(%dma_wait3A_1723 : memref<128x8xf32, #tpu.memory_space<vmem>>)
      %dma_wait3A_1730 = arith.constant 7 : i32
      %dma_wait3A_1731 = arith.constant 7 : i32
      %dma_wait3A_1732 = arith.constant 0 : i32
      %dma_wait3A_1733 = arith.constant 0 : i32
      %dma_wait3A_1734 = tpu.memref_slice %arg12[%dma_wait3A_1731, %dma_wait3A_1732, %dma_wait3A_1733] : memref<8x128x8xf32, #tpu.memory_space<vmem>> -> memref<1x128x8xf32, #tpu.memory_space<vmem>>
      %dma_wait3A_1735 = tpu.memref_squeeze %dma_wait3A_1734 : memref<1x128x8xf32, #tpu.memory_space<vmem>> -> memref<128x8xf32, #tpu.memory_space<vmem>>
      %dma_wait3A_1736 = arith.constant 0 : i32
      %dma_wait3A_1737 = tpu.memref_slice %arg10[%dma_wait3A_1730, %dma_wait3A_1736] : memref<8x128xi32, #tpu.memory_space<vmem>> -> memref<1x128xi32, #tpu.memory_space<vmem>>
      %dma_wait3A_1738 = tpu.memref_squeeze %dma_wait3A_1737 : memref<1x128xi32, #tpu.memory_space<vmem>> -> memref<128xi32, #tpu.memory_space<vmem>>
      %dma_wait3A_1739 = arith.constant 0 : i32
      %dma_wait3A_1740 = arith.constant 0 : i32
      %dma_wait3A_1741 = tpu.memref_slice %arg2[%dma_wait3A_1739, %dma_wait3A_1740] : memref<200000x8xf32, #tpu.memory_space<hbm>> -> memref<200000x8xf32, #tpu.memory_space<hbm>>
      tpu.wait_indirect_dma semaphore(%arg16 : memref<!tpu.dma_semaphore, #tpu.memory_space<semaphore_mem>>) src(%dma_wait3A_1741 : memref<200000x8xf32, #tpu.memory_space<hbm>>) dst(%dma_wait3A_1735 : memref<128x8xf32, #tpu.memory_space<vmem>>)
      %dma_start3A_1742 = arith.constant 0 : i32
      %dma_start3A_1743 = arith.constant 0 : i32
      %dma_start3A_1744 = arith.constant 0 : i32
      %dma_start3A_1745 = arith.constant 0 : i32
      %dma_start3A_1746 = tpu.memref_slice %arg12[%dma_start3A_1742, %dma_start3A_1744, %dma_start3A_1745] : memref<8x128x8xf32, #tpu.memory_space<vmem>> -> memref<1x128x8xf32, #tpu.memory_space<vmem>>
      %dma_start3A_1747 = tpu.memref_squeeze %dma_start3A_1746 : memref<1x128x8xf32, #tpu.memory_space<vmem>> -> memref<128x8xf32, #tpu.memory_space<vmem>>
      %dma_start3A_1748 = arith.constant 0 : i32
      %dma_start3A_1749 = tpu.memref_slice %arg11[%dma_start3A_1743, %dma_start3A_1748] : memref<8x128xi32, #tpu.memory_space<vmem>> -> memref<1x128xi32, #tpu.memory_space<vmem>>
      %dma_start3A_1750 = tpu.memref_squeeze %dma_start3A_1749 : memref<1x128xi32, #tpu.memory_space<vmem>> -> memref<128xi32, #tpu.memory_space<vmem>>
      %dma_start3A_1751 = arith.constant 0 : i32
      %dma_start3A_1752 = arith.constant 0 : i32
      %dma_start3A_1753 = tpu.memref_slice %arg15[%dma_start3A_1751, %dma_start3A_1752] : memref<200192x8xf32, #tpu.memory_space<vmem_shared>> -> memref<200192x8xf32, #tpu.memory_space<vmem_shared>>
      tpu.enqueue_indirect_dma source(%dma_start3A_1747 : memref<128x8xf32, #tpu.memory_space<vmem>>) target(%dma_start3A_1753 : memref<200192x8xf32, #tpu.memory_space<vmem_shared>>) offsets(%dma_start3A_1750 : memref<128xi32, #tpu.memory_space<vmem>>) semaphore(%arg17 : memref<!tpu.dma_semaphore, #tpu.memory_space<semaphore_mem>>) {add = true}
      %dma_start3A_1754 = arith.constant 1 : i32
      %dma_start3A_1755 = arith.constant 1 : i32
      %dma_start3A_1756 = arith.constant 0 : i32
      %dma_start3A_1757 = arith.constant 0 : i32
      %dma_start3A_1758 = tpu.memref_slice %arg12[%dma_start3A_1754, %dma_start3A_1756, %dma_start3A_1757] : memref<8x128x8xf32, #tpu.memory_space<vmem>> -> memref<1x128x8xf32, #tpu.memory_space<vmem>>
      %dma_start3A_1759 = tpu.memref_squeeze %dma_start3A_1758 : memref<1x128x8xf32, #tpu.memory_space<vmem>> -> memref<128x8xf32, #tpu.memory_space<vmem>>
      %dma_start3A_1760 = arith.constant 0 : i32
      %dma_start3A_1761 = tpu.memref_slice %arg11[%dma_start3A_1755, %dma_start3A_1760] : memref<8x128xi32, #tpu.memory_space<vmem>> -> memref<1x128xi32, #tpu.memory_space<vmem>>
      %dma_start3A_1762 = tpu.memref_squeeze %dma_start3A_1761 : memref<1x128xi32, #tpu.memory_space<vmem>> -> memref<128xi32, #tpu.memory_space<vmem>>
      %dma_start3A_1763 = arith.constant 0 : i32
      %dma_start3A_1764 = arith.constant 0 : i32
      %dma_start3A_1765 = tpu.memref_slice %arg15[%dma_start3A_1763, %dma_start3A_1764] : memref<200192x8xf32, #tpu.memory_space<vmem_shared>> -> memref<200192x8xf32, #tpu.memory_space<vmem_shared>>
      tpu.enqueue_indirect_dma source(%dma_start3A_1759 : memref<128x8xf32, #tpu.memory_space<vmem>>) target(%dma_start3A_1765 : memref<200192x8xf32, #tpu.memory_space<vmem_shared>>) offsets(%dma_start3A_1762 : memref<128xi32, #tpu.memory_space<vmem>>) semaphore(%arg17 : memref<!tpu.dma_semaphore, #tpu.memory_space<semaphore_mem>>) {add = true}
      %dma_start3A_1766 = arith.constant 2 : i32
      %dma_start3A_1767 = arith.constant 2 : i32
      %dma_start3A_1768 = arith.constant 0 : i32
      %dma_start3A_1769 = arith.constant 0 : i32
      %dma_start3A_1770 = tpu.memref_slice %arg12[%dma_start3A_1766, %dma_start3A_1768, %dma_start3A_1769] : memref<8x128x8xf32, #tpu.memory_space<vmem>> -> memref<1x128x8xf32, #tpu.memory_space<vmem>>
      %dma_start3A_1771 = tpu.memref_squeeze %dma_start3A_1770 : memref<1x128x8xf32, #tpu.memory_space<vmem>> -> memref<128x8xf32, #tpu.memory_space<vmem>>
      %dma_start3A_1772 = arith.constant 0 : i32
      %dma_start3A_1773 = tpu.memref_slice %arg11[%dma_start3A_1767, %dma_start3A_1772] : memref<8x128xi32, #tpu.memory_space<vmem>> -> memref<1x128xi32, #tpu.memory_space<vmem>>
      %dma_start3A_1774 = tpu.memref_squeeze %dma_start3A_1773 : memref<1x128xi32, #tpu.memory_space<vmem>> -> memref<128xi32, #tpu.memory_space<vmem>>
      %dma_start3A_1775 = arith.constant 0 : i32
      %dma_start3A_1776 = arith.constant 0 : i32
      %dma_start3A_1777 = tpu.memref_slice %arg15[%dma_start3A_1775, %dma_start3A_1776] : memref<200192x8xf32, #tpu.memory_space<vmem_shared>> -> memref<200192x8xf32, #tpu.memory_space<vmem_shared>>
      tpu.enqueue_indirect_dma source(%dma_start3A_1771 : memref<128x8xf32, #tpu.memory_space<vmem>>) target(%dma_start3A_1777 : memref<200192x8xf32, #tpu.memory_space<vmem_shared>>) offsets(%dma_start3A_1774 : memref<128xi32, #tpu.memory_space<vmem>>) semaphore(%arg17 : memref<!tpu.dma_semaphore, #tpu.memory_space<semaphore_mem>>) {add = true}
      %dma_start3A_1778 = arith.constant 3 : i32
      %dma_start3A_1779 = arith.constant 3 : i32
      %dma_start3A_1780 = arith.constant 0 : i32
      %dma_start3A_1781 = arith.constant 0 : i32
      %dma_start3A_1782 = tpu.memref_slice %arg12[%dma_start3A_1778, %dma_start3A_1780, %dma_start3A_1781] : memref<8x128x8xf32, #tpu.memory_space<vmem>> -> memref<1x128x8xf32, #tpu.memory_space<vmem>>
      %dma_start3A_1783 = tpu.memref_squeeze %dma_start3A_1782 : memref<1x128x8xf32, #tpu.memory_space<vmem>> -> memref<128x8xf32, #tpu.memory_space<vmem>>
      %dma_start3A_1784 = arith.constant 0 : i32
      %dma_start3A_1785 = tpu.memref_slice %arg11[%dma_start3A_1779, %dma_start3A_1784] : memref<8x128xi32, #tpu.memory_space<vmem>> -> memref<1x128xi32, #tpu.memory_space<vmem>>
      %dma_start3A_1786 = tpu.memref_squeeze %dma_start3A_1785 : memref<1x128xi32, #tpu.memory_space<vmem>> -> memref<128xi32, #tpu.memory_space<vmem>>
      %dma_start3A_1787 = arith.constant 0 : i32
      %dma_start3A_1788 = arith.constant 0 : i32
      %dma_start3A_1789 = tpu.memref_slice %arg15[%dma_start3A_1787, %dma_start3A_1788] : memref<200192x8xf32, #tpu.memory_space<vmem_shared>> -> memref<200192x8xf32, #tpu.memory_space<vmem_shared>>
      tpu.enqueue_indirect_dma source(%dma_start3A_1783 : memref<128x8xf32, #tpu.memory_space<vmem>>) target(%dma_start3A_1789 : memref<200192x8xf32, #tpu.memory_space<vmem_shared>>) offsets(%dma_start3A_1786 : memref<128xi32, #tpu.memory_space<vmem>>) semaphore(%arg17 : memref<!tpu.dma_semaphore, #tpu.memory_space<semaphore_mem>>) {add = true}
      %dma_start3A_1790 = arith.constant 4 : i32
      %dma_start3A_1791 = arith.constant 4 : i32
      %dma_start3A_1792 = arith.constant 0 : i32
      %dma_start3A_1793 = arith.constant 0 : i32
      %dma_start3A_1794 = tpu.memref_slice %arg12[%dma_start3A_1790, %dma_start3A_1792, %dma_start3A_1793] : memref<8x128x8xf32, #tpu.memory_space<vmem>> -> memref<1x128x8xf32, #tpu.memory_space<vmem>>
      %dma_start3A_1795 = tpu.memref_squeeze %dma_start3A_1794 : memref<1x128x8xf32, #tpu.memory_space<vmem>> -> memref<128x8xf32, #tpu.memory_space<vmem>>
      %dma_start3A_1796 = arith.constant 0 : i32
      %dma_start3A_1797 = tpu.memref_slice %arg11[%dma_start3A_1791, %dma_start3A_1796] : memref<8x128xi32, #tpu.memory_space<vmem>> -> memref<1x128xi32, #tpu.memory_space<vmem>>
      %dma_start3A_1798 = tpu.memref_squeeze %dma_start3A_1797 : memref<1x128xi32, #tpu.memory_space<vmem>> -> memref<128xi32, #tpu.memory_space<vmem>>
      %dma_start3A_1799 = arith.constant 0 : i32
      %dma_start3A_1800 = arith.constant 0 : i32
      %dma_start3A_1801 = tpu.memref_slice %arg15[%dma_start3A_1799, %dma_start3A_1800] : memref<200192x8xf32, #tpu.memory_space<vmem_shared>> -> memref<200192x8xf32, #tpu.memory_space<vmem_shared>>
      tpu.enqueue_indirect_dma source(%dma_start3A_1795 : memref<128x8xf32, #tpu.memory_space<vmem>>) target(%dma_start3A_1801 : memref<200192x8xf32, #tpu.memory_space<vmem_shared>>) offsets(%dma_start3A_1798 : memref<128xi32, #tpu.memory_space<vmem>>) semaphore(%arg17 : memref<!tpu.dma_semaphore, #tpu.memory_space<semaphore_mem>>) {add = true}
      %dma_start3A_1802 = arith.constant 5 : i32
      %dma_start3A_1803 = arith.constant 5 : i32
      %dma_start3A_1804 = arith.constant 0 : i32
      %dma_start3A_1805 = arith.constant 0 : i32
      %dma_start3A_1806 = tpu.memref_slice %arg12[%dma_start3A_1802, %dma_start3A_1804, %dma_start3A_1805] : memref<8x128x8xf32, #tpu.memory_space<vmem>> -> memref<1x128x8xf32, #tpu.memory_space<vmem>>
      %dma_start3A_1807 = tpu.memref_squeeze %dma_start3A_1806 : memref<1x128x8xf32, #tpu.memory_space<vmem>> -> memref<128x8xf32, #tpu.memory_space<vmem>>
      %dma_start3A_1808 = arith.constant 0 : i32
      %dma_start3A_1809 = tpu.memref_slice %arg11[%dma_start3A_1803, %dma_start3A_1808] : memref<8x128xi32, #tpu.memory_space<vmem>> -> memref<1x128xi32, #tpu.memory_space<vmem>>
      %dma_start3A_1810 = tpu.memref_squeeze %dma_start3A_1809 : memref<1x128xi32, #tpu.memory_space<vmem>> -> memref<128xi32, #tpu.memory_space<vmem>>
      %dma_start3A_1811 = arith.constant 0 : i32
      %dma_start3A_1812 = arith.constant 0 : i32
      %dma_start3A_1813 = tpu.memref_slice %arg15[%dma_start3A_1811, %dma_start3A_1812] : memref<200192x8xf32, #tpu.memory_space<vmem_shared>> -> memref<200192x8xf32, #tpu.memory_space<vmem_shared>>
      tpu.enqueue_indirect_dma source(%dma_start3A_1807 : memref<128x8xf32, #tpu.memory_space<vmem>>) target(%dma_start3A_1813 : memref<200192x8xf32, #tpu.memory_space<vmem_shared>>) offsets(%dma_start3A_1810 : memref<128xi32, #tpu.memory_space<vmem>>) semaphore(%arg17 : memref<!tpu.dma_semaphore, #tpu.memory_space<semaphore_mem>>) {add = true}
      %dma_start3A_1814 = arith.constant 6 : i32
      %dma_start3A_1815 = arith.constant 6 : i32
      %dma_start3A_1816 = arith.constant 0 : i32
      %dma_start3A_1817 = arith.constant 0 : i32
      %dma_start3A_1818 = tpu.memref_slice %arg12[%dma_start3A_1814, %dma_start3A_1816, %dma_start3A_1817] : memref<8x128x8xf32, #tpu.memory_space<vmem>> -> memref<1x128x8xf32, #tpu.memory_space<vmem>>
      %dma_start3A_1819 = tpu.memref_squeeze %dma_start3A_1818 : memref<1x128x8xf32, #tpu.memory_space<vmem>> -> memref<128x8xf32, #tpu.memory_space<vmem>>
      %dma_start3A_1820 = arith.constant 0 : i32
      %dma_start3A_1821 = tpu.memref_slice %arg11[%dma_start3A_1815, %dma_start3A_1820] : memref<8x128xi32, #tpu.memory_space<vmem>> -> memref<1x128xi32, #tpu.memory_space<vmem>>
      %dma_start3A_1822 = tpu.memref_squeeze %dma_start3A_1821 : memref<1x128xi32, #tpu.memory_space<vmem>> -> memref<128xi32, #tpu.memory_space<vmem>>
      %dma_start3A_1823 = arith.constant 0 : i32
      %dma_start3A_1824 = arith.constant 0 : i32
      %dma_start3A_1825 = tpu.memref_slice %arg15[%dma_start3A_1823, %dma_start3A_1824] : memref<200192x8xf32, #tpu.memory_space<vmem_shared>> -> memref<200192x8xf32, #tpu.memory_space<vmem_shared>>
      tpu.enqueue_indirect_dma source(%dma_start3A_1819 : memref<128x8xf32, #tpu.memory_space<vmem>>) target(%dma_start3A_1825 : memref<200192x8xf32, #tpu.memory_space<vmem_shared>>) offsets(%dma_start3A_1822 : memref<128xi32, #tpu.memory_space<vmem>>) semaphore(%arg17 : memref<!tpu.dma_semaphore, #tpu.memory_space<semaphore_mem>>) {add = true}
      %dma_start3A_1826 = arith.constant 7 : i32
      %dma_start3A_1827 = arith.constant 7 : i32
      %dma_start3A_1828 = arith.constant 0 : i32
      %dma_start3A_1829 = arith.constant 0 : i32
      %dma_start3A_1830 = tpu.memref_slice %arg12[%dma_start3A_1826, %dma_start3A_1828, %dma_start3A_1829] : memref<8x128x8xf32, #tpu.memory_space<vmem>> -> memref<1x128x8xf32, #tpu.memory_space<vmem>>
      %dma_start3A_1831 = tpu.memref_squeeze %dma_start3A_1830 : memref<1x128x8xf32, #tpu.memory_space<vmem>> -> memref<128x8xf32, #tpu.memory_space<vmem>>
      %dma_start3A_1832 = arith.constant 0 : i32
      %dma_start3A_1833 = tpu.memref_slice %arg11[%dma_start3A_1827, %dma_start3A_1832] : memref<8x128xi32, #tpu.memory_space<vmem>> -> memref<1x128xi32, #tpu.memory_space<vmem>>
      %dma_start3A_1834 = tpu.memref_squeeze %dma_start3A_1833 : memref<1x128xi32, #tpu.memory_space<vmem>> -> memref<128xi32, #tpu.memory_space<vmem>>
      %dma_start3A_1835 = arith.constant 0 : i32
      %dma_start3A_1836 = arith.constant 0 : i32
      %dma_start3A_1837 = tpu.memref_slice %arg15[%dma_start3A_1835, %dma_start3A_1836] : memref<200192x8xf32, #tpu.memory_space<vmem_shared>> -> memref<200192x8xf32, #tpu.memory_space<vmem_shared>>
      tpu.enqueue_indirect_dma source(%dma_start3A_1831 : memref<128x8xf32, #tpu.memory_space<vmem>>) target(%dma_start3A_1837 : memref<200192x8xf32, #tpu.memory_space<vmem_shared>>) offsets(%dma_start3A_1834 : memref<128xi32, #tpu.memory_space<vmem>>) semaphore(%arg17 : memref<!tpu.dma_semaphore, #tpu.memory_space<semaphore_mem>>) {add = true}
      %dma_wait3A_1838 = arith.constant 0 : i32
      %dma_wait3A_1839 = arith.constant 0 : i32
      %dma_wait3A_1840 = arith.constant 0 : i32
      %dma_wait3A_1841 = arith.constant 0 : i32
      %dma_wait3A_1842 = tpu.memref_slice %arg12[%dma_wait3A_1838, %dma_wait3A_1840, %dma_wait3A_1841] : memref<8x128x8xf32, #tpu.memory_space<vmem>> -> memref<1x128x8xf32, #tpu.memory_space<vmem>>
      %dma_wait3A_1843 = tpu.memref_squeeze %dma_wait3A_1842 : memref<1x128x8xf32, #tpu.memory_space<vmem>> -> memref<128x8xf32, #tpu.memory_space<vmem>>
      %dma_wait3A_1844 = arith.constant 0 : i32
      %dma_wait3A_1845 = tpu.memref_slice %arg11[%dma_wait3A_1839, %dma_wait3A_1844] : memref<8x128xi32, #tpu.memory_space<vmem>> -> memref<1x128xi32, #tpu.memory_space<vmem>>
      %dma_wait3A_1846 = tpu.memref_squeeze %dma_wait3A_1845 : memref<1x128xi32, #tpu.memory_space<vmem>> -> memref<128xi32, #tpu.memory_space<vmem>>
      %dma_wait3A_1847 = arith.constant 0 : i32
      %dma_wait3A_1848 = arith.constant 0 : i32
      %dma_wait3A_1849 = tpu.memref_slice %arg15[%dma_wait3A_1847, %dma_wait3A_1848] : memref<200192x8xf32, #tpu.memory_space<vmem_shared>> -> memref<200192x8xf32, #tpu.memory_space<vmem_shared>>
      tpu.wait_indirect_dma semaphore(%arg17 : memref<!tpu.dma_semaphore, #tpu.memory_space<semaphore_mem>>) src(%dma_wait3A_1843 : memref<128x8xf32, #tpu.memory_space<vmem>>) dst(%dma_wait3A_1849 : memref<200192x8xf32, #tpu.memory_space<vmem_shared>>)
      %dma_wait3A_1850 = arith.constant 1 : i32
      %dma_wait3A_1851 = arith.constant 1 : i32
      %dma_wait3A_1852 = arith.constant 0 : i32
      %dma_wait3A_1853 = arith.constant 0 : i32
      %dma_wait3A_1854 = tpu.memref_slice %arg12[%dma_wait3A_1850, %dma_wait3A_1852, %dma_wait3A_1853] : memref<8x128x8xf32, #tpu.memory_space<vmem>> -> memref<1x128x8xf32, #tpu.memory_space<vmem>>
      %dma_wait3A_1855 = tpu.memref_squeeze %dma_wait3A_1854 : memref<1x128x8xf32, #tpu.memory_space<vmem>> -> memref<128x8xf32, #tpu.memory_space<vmem>>
      %dma_wait3A_1856 = arith.constant 0 : i32
      %dma_wait3A_1857 = tpu.memref_slice %arg11[%dma_wait3A_1851, %dma_wait3A_1856] : memref<8x128xi32, #tpu.memory_space<vmem>> -> memref<1x128xi32, #tpu.memory_space<vmem>>
      %dma_wait3A_1858 = tpu.memref_squeeze %dma_wait3A_1857 : memref<1x128xi32, #tpu.memory_space<vmem>> -> memref<128xi32, #tpu.memory_space<vmem>>
      %dma_wait3A_1859 = arith.constant 0 : i32
      %dma_wait3A_1860 = arith.constant 0 : i32
      %dma_wait3A_1861 = tpu.memref_slice %arg15[%dma_wait3A_1859, %dma_wait3A_1860] : memref<200192x8xf32, #tpu.memory_space<vmem_shared>> -> memref<200192x8xf32, #tpu.memory_space<vmem_shared>>
      tpu.wait_indirect_dma semaphore(%arg17 : memref<!tpu.dma_semaphore, #tpu.memory_space<semaphore_mem>>) src(%dma_wait3A_1855 : memref<128x8xf32, #tpu.memory_space<vmem>>) dst(%dma_wait3A_1861 : memref<200192x8xf32, #tpu.memory_space<vmem_shared>>)
      %dma_wait3A_1862 = arith.constant 2 : i32
      %dma_wait3A_1863 = arith.constant 2 : i32
      %dma_wait3A_1864 = arith.constant 0 : i32
      %dma_wait3A_1865 = arith.constant 0 : i32
      %dma_wait3A_1866 = tpu.memref_slice %arg12[%dma_wait3A_1862, %dma_wait3A_1864, %dma_wait3A_1865] : memref<8x128x8xf32, #tpu.memory_space<vmem>> -> memref<1x128x8xf32, #tpu.memory_space<vmem>>
      %dma_wait3A_1867 = tpu.memref_squeeze %dma_wait3A_1866 : memref<1x128x8xf32, #tpu.memory_space<vmem>> -> memref<128x8xf32, #tpu.memory_space<vmem>>
      %dma_wait3A_1868 = arith.constant 0 : i32
      %dma_wait3A_1869 = tpu.memref_slice %arg11[%dma_wait3A_1863, %dma_wait3A_1868] : memref<8x128xi32, #tpu.memory_space<vmem>> -> memref<1x128xi32, #tpu.memory_space<vmem>>
      %dma_wait3A_1870 = tpu.memref_squeeze %dma_wait3A_1869 : memref<1x128xi32, #tpu.memory_space<vmem>> -> memref<128xi32, #tpu.memory_space<vmem>>
      %dma_wait3A_1871 = arith.constant 0 : i32
      %dma_wait3A_1872 = arith.constant 0 : i32
      %dma_wait3A_1873 = tpu.memref_slice %arg15[%dma_wait3A_1871, %dma_wait3A_1872] : memref<200192x8xf32, #tpu.memory_space<vmem_shared>> -> memref<200192x8xf32, #tpu.memory_space<vmem_shared>>
      tpu.wait_indirect_dma semaphore(%arg17 : memref<!tpu.dma_semaphore, #tpu.memory_space<semaphore_mem>>) src(%dma_wait3A_1867 : memref<128x8xf32, #tpu.memory_space<vmem>>) dst(%dma_wait3A_1873 : memref<200192x8xf32, #tpu.memory_space<vmem_shared>>)
      %dma_wait3A_1874 = arith.constant 3 : i32
      %dma_wait3A_1875 = arith.constant 3 : i32
      %dma_wait3A_1876 = arith.constant 0 : i32
      %dma_wait3A_1877 = arith.constant 0 : i32
      %dma_wait3A_1878 = tpu.memref_slice %arg12[%dma_wait3A_1874, %dma_wait3A_1876, %dma_wait3A_1877] : memref<8x128x8xf32, #tpu.memory_space<vmem>> -> memref<1x128x8xf32, #tpu.memory_space<vmem>>
      %dma_wait3A_1879 = tpu.memref_squeeze %dma_wait3A_1878 : memref<1x128x8xf32, #tpu.memory_space<vmem>> -> memref<128x8xf32, #tpu.memory_space<vmem>>
      %dma_wait3A_1880 = arith.constant 0 : i32
      %dma_wait3A_1881 = tpu.memref_slice %arg11[%dma_wait3A_1875, %dma_wait3A_1880] : memref<8x128xi32, #tpu.memory_space<vmem>> -> memref<1x128xi32, #tpu.memory_space<vmem>>
      %dma_wait3A_1882 = tpu.memref_squeeze %dma_wait3A_1881 : memref<1x128xi32, #tpu.memory_space<vmem>> -> memref<128xi32, #tpu.memory_space<vmem>>
      %dma_wait3A_1883 = arith.constant 0 : i32
      %dma_wait3A_1884 = arith.constant 0 : i32
      %dma_wait3A_1885 = tpu.memref_slice %arg15[%dma_wait3A_1883, %dma_wait3A_1884] : memref<200192x8xf32, #tpu.memory_space<vmem_shared>> -> memref<200192x8xf32, #tpu.memory_space<vmem_shared>>
      tpu.wait_indirect_dma semaphore(%arg17 : memref<!tpu.dma_semaphore, #tpu.memory_space<semaphore_mem>>) src(%dma_wait3A_1879 : memref<128x8xf32, #tpu.memory_space<vmem>>) dst(%dma_wait3A_1885 : memref<200192x8xf32, #tpu.memory_space<vmem_shared>>)
      %dma_wait3A_1886 = arith.constant 4 : i32
      %dma_wait3A_1887 = arith.constant 4 : i32
      %dma_wait3A_1888 = arith.constant 0 : i32
      %dma_wait3A_1889 = arith.constant 0 : i32
      %dma_wait3A_1890 = tpu.memref_slice %arg12[%dma_wait3A_1886, %dma_wait3A_1888, %dma_wait3A_1889] : memref<8x128x8xf32, #tpu.memory_space<vmem>> -> memref<1x128x8xf32, #tpu.memory_space<vmem>>
      %dma_wait3A_1891 = tpu.memref_squeeze %dma_wait3A_1890 : memref<1x128x8xf32, #tpu.memory_space<vmem>> -> memref<128x8xf32, #tpu.memory_space<vmem>>
      %dma_wait3A_1892 = arith.constant 0 : i32
      %dma_wait3A_1893 = tpu.memref_slice %arg11[%dma_wait3A_1887, %dma_wait3A_1892] : memref<8x128xi32, #tpu.memory_space<vmem>> -> memref<1x128xi32, #tpu.memory_space<vmem>>
      %dma_wait3A_1894 = tpu.memref_squeeze %dma_wait3A_1893 : memref<1x128xi32, #tpu.memory_space<vmem>> -> memref<128xi32, #tpu.memory_space<vmem>>
      %dma_wait3A_1895 = arith.constant 0 : i32
      %dma_wait3A_1896 = arith.constant 0 : i32
      %dma_wait3A_1897 = tpu.memref_slice %arg15[%dma_wait3A_1895, %dma_wait3A_1896] : memref<200192x8xf32, #tpu.memory_space<vmem_shared>> -> memref<200192x8xf32, #tpu.memory_space<vmem_shared>>
      tpu.wait_indirect_dma semaphore(%arg17 : memref<!tpu.dma_semaphore, #tpu.memory_space<semaphore_mem>>) src(%dma_wait3A_1891 : memref<128x8xf32, #tpu.memory_space<vmem>>) dst(%dma_wait3A_1897 : memref<200192x8xf32, #tpu.memory_space<vmem_shared>>)
      %dma_wait3A_1898 = arith.constant 5 : i32
      %dma_wait3A_1899 = arith.constant 5 : i32
      %dma_wait3A_1900 = arith.constant 0 : i32
      %dma_wait3A_1901 = arith.constant 0 : i32
      %dma_wait3A_1902 = tpu.memref_slice %arg12[%dma_wait3A_1898, %dma_wait3A_1900, %dma_wait3A_1901] : memref<8x128x8xf32, #tpu.memory_space<vmem>> -> memref<1x128x8xf32, #tpu.memory_space<vmem>>
      %dma_wait3A_1903 = tpu.memref_squeeze %dma_wait3A_1902 : memref<1x128x8xf32, #tpu.memory_space<vmem>> -> memref<128x8xf32, #tpu.memory_space<vmem>>
      %dma_wait3A_1904 = arith.constant 0 : i32
      %dma_wait3A_1905 = tpu.memref_slice %arg11[%dma_wait3A_1899, %dma_wait3A_1904] : memref<8x128xi32, #tpu.memory_space<vmem>> -> memref<1x128xi32, #tpu.memory_space<vmem>>
      %dma_wait3A_1906 = tpu.memref_squeeze %dma_wait3A_1905 : memref<1x128xi32, #tpu.memory_space<vmem>> -> memref<128xi32, #tpu.memory_space<vmem>>
      %dma_wait3A_1907 = arith.constant 0 : i32
      %dma_wait3A_1908 = arith.constant 0 : i32
      %dma_wait3A_1909 = tpu.memref_slice %arg15[%dma_wait3A_1907, %dma_wait3A_1908] : memref<200192x8xf32, #tpu.memory_space<vmem_shared>> -> memref<200192x8xf32, #tpu.memory_space<vmem_shared>>
      tpu.wait_indirect_dma semaphore(%arg17 : memref<!tpu.dma_semaphore, #tpu.memory_space<semaphore_mem>>) src(%dma_wait3A_1903 : memref<128x8xf32, #tpu.memory_space<vmem>>) dst(%dma_wait3A_1909 : memref<200192x8xf32, #tpu.memory_space<vmem_shared>>)
      %dma_wait3A_1910 = arith.constant 6 : i32
      %dma_wait3A_1911 = arith.constant 6 : i32
      %dma_wait3A_1912 = arith.constant 0 : i32
      %dma_wait3A_1913 = arith.constant 0 : i32
      %dma_wait3A_1914 = tpu.memref_slice %arg12[%dma_wait3A_1910, %dma_wait3A_1912, %dma_wait3A_1913] : memref<8x128x8xf32, #tpu.memory_space<vmem>> -> memref<1x128x8xf32, #tpu.memory_space<vmem>>
      %dma_wait3A_1915 = tpu.memref_squeeze %dma_wait3A_1914 : memref<1x128x8xf32, #tpu.memory_space<vmem>> -> memref<128x8xf32, #tpu.memory_space<vmem>>
      %dma_wait3A_1916 = arith.constant 0 : i32
      %dma_wait3A_1917 = tpu.memref_slice %arg11[%dma_wait3A_1911, %dma_wait3A_1916] : memref<8x128xi32, #tpu.memory_space<vmem>> -> memref<1x128xi32, #tpu.memory_space<vmem>>
      %dma_wait3A_1918 = tpu.memref_squeeze %dma_wait3A_1917 : memref<1x128xi32, #tpu.memory_space<vmem>> -> memref<128xi32, #tpu.memory_space<vmem>>
      %dma_wait3A_1919 = arith.constant 0 : i32
      %dma_wait3A_1920 = arith.constant 0 : i32
      %dma_wait3A_1921 = tpu.memref_slice %arg15[%dma_wait3A_1919, %dma_wait3A_1920] : memref<200192x8xf32, #tpu.memory_space<vmem_shared>> -> memref<200192x8xf32, #tpu.memory_space<vmem_shared>>
      tpu.wait_indirect_dma semaphore(%arg17 : memref<!tpu.dma_semaphore, #tpu.memory_space<semaphore_mem>>) src(%dma_wait3A_1915 : memref<128x8xf32, #tpu.memory_space<vmem>>) dst(%dma_wait3A_1921 : memref<200192x8xf32, #tpu.memory_space<vmem_shared>>)
      %dma_wait3A_1922 = arith.constant 7 : i32
      %dma_wait3A_1923 = arith.constant 7 : i32
      %dma_wait3A_1924 = arith.constant 0 : i32
      %dma_wait3A_1925 = arith.constant 0 : i32
      %dma_wait3A_1926 = tpu.memref_slice %arg12[%dma_wait3A_1922, %dma_wait3A_1924, %dma_wait3A_1925] : memref<8x128x8xf32, #tpu.memory_space<vmem>> -> memref<1x128x8xf32, #tpu.memory_space<vmem>>
      %dma_wait3A_1927 = tpu.memref_squeeze %dma_wait3A_1926 : memref<1x128x8xf32, #tpu.memory_space<vmem>> -> memref<128x8xf32, #tpu.memory_space<vmem>>
      %dma_wait3A_1928 = arith.constant 0 : i32
      %dma_wait3A_1929 = tpu.memref_slice %arg11[%dma_wait3A_1923, %dma_wait3A_1928] : memref<8x128xi32, #tpu.memory_space<vmem>> -> memref<1x128xi32, #tpu.memory_space<vmem>>
      %dma_wait3A_1930 = tpu.memref_squeeze %dma_wait3A_1929 : memref<1x128xi32, #tpu.memory_space<vmem>> -> memref<128xi32, #tpu.memory_space<vmem>>
      %dma_wait3A_1931 = arith.constant 0 : i32
      %dma_wait3A_1932 = arith.constant 0 : i32
      %dma_wait3A_1933 = tpu.memref_slice %arg15[%dma_wait3A_1931, %dma_wait3A_1932] : memref<200192x8xf32, #tpu.memory_space<vmem_shared>> -> memref<200192x8xf32, #tpu.memory_space<vmem_shared>>
      tpu.wait_indirect_dma semaphore(%arg17 : memref<!tpu.dma_semaphore, #tpu.memory_space<semaphore_mem>>) src(%dma_wait3A_1927 : memref<128x8xf32, #tpu.memory_space<vmem>>) dst(%dma_wait3A_1933 : memref<200192x8xf32, #tpu.memory_space<vmem_shared>>)
    }
    %barrier3A_328 = arith.constant 0 : index
    tpu.barrier barrier_id(%barrier3A_328)
    %add3A_329 = arith.constant 0 : i32
    %add3A_330 = arith.addi %mul3A_0, %add3A_329 : i32
    %dma_start3A_331 = arith.constant 0 : i32
    %dma_start3A_332 = tpu.memref_slice %arg15[%add3A_330, %dma_start3A_331] : memref<200192x8xf32, #tpu.memory_space<vmem_shared>> -> memref<391x8xf32, #tpu.memory_space<vmem_shared>>
    %dma_start3A_333 = arith.constant 0 : i32
    %dma_start3A_334 = tpu.memref_slice %arg15[%add3A_330, %dma_start3A_333] : memref<200192x8xf32, #tpu.memory_space<vmem_shared>> -> memref<391x8xf32, #tpu.memory_space<vmem_shared>>
    tpu.enqueue_dma source(%dma_start3A_334 : memref<391x8xf32, #tpu.memory_space<vmem_shared>>) target(%arg13 : memref<391x8xf32, #tpu.memory_space<vmem>>) target_semaphore(%arg16 : memref<!tpu.dma_semaphore, #tpu.memory_space<semaphore_mem>>)
    %dma_wait3A_335 = arith.constant 0 : i32
    %dma_wait3A_336 = tpu.memref_slice %arg15[%add3A_330, %dma_wait3A_335] : memref<200192x8xf32, #tpu.memory_space<vmem_shared>> -> memref<391x8xf32, #tpu.memory_space<vmem_shared>>
    %dma_wait3A_337 = arith.constant 0 : i32
    %dma_wait3A_338 = tpu.memref_slice %arg15[%add3A_330, %dma_wait3A_337] : memref<200192x8xf32, #tpu.memory_space<vmem_shared>> -> memref<391x8xf32, #tpu.memory_space<vmem_shared>>
    tpu.wait_dma2 semaphore(%arg16 : memref<!tpu.dma_semaphore, #tpu.memory_space<semaphore_mem>>) src(%dma_wait3A_338 : memref<391x8xf32, #tpu.memory_space<vmem_shared>>) dst(%arg13 : memref<391x8xf32, #tpu.memory_space<vmem>>)
    %add3A_339 = arith.constant 391 : i32
    %add3A_340 = arith.addi %mul3A_0, %add3A_339 : i32
    %dma_start3A_341 = arith.constant 0 : i32
    %dma_start3A_342 = tpu.memref_slice %arg15[%add3A_340, %dma_start3A_341] : memref<200192x8xf32, #tpu.memory_space<vmem_shared>> -> memref<391x8xf32, #tpu.memory_space<vmem_shared>>
    %dma_start3A_343 = arith.constant 0 : i32
    %dma_start3A_344 = tpu.memref_slice %arg15[%add3A_340, %dma_start3A_343] : memref<200192x8xf32, #tpu.memory_space<vmem_shared>> -> memref<391x8xf32, #tpu.memory_space<vmem_shared>>
    tpu.enqueue_dma source(%dma_start3A_344 : memref<391x8xf32, #tpu.memory_space<vmem_shared>>) target(%arg14 : memref<391x8xf32, #tpu.memory_space<vmem>>) target_semaphore(%arg16 : memref<!tpu.dma_semaphore, #tpu.memory_space<semaphore_mem>>)
    %add3A_345 = arith.constant 0 : i32
    %add3A_346 = arith.addi %mul3A_0, %add3A_345 : i32
    %dma_start3A_347 = arith.constant 0 : i32
    %dma_start3A_348 = tpu.memref_slice %arg6[%arg0, %add3A_346, %dma_start3A_347] : memref<2x200192x8xf32, #tpu.memory_space<hbm>> -> memref<1x391x8xf32, #tpu.memory_space<hbm>>
    %dma_start3A_349 = tpu.memref_squeeze %dma_start3A_348 : memref<1x391x8xf32, #tpu.memory_space<hbm>> -> memref<391x8xf32, #tpu.memory_space<hbm>>
    %dma_start3A_350 = arith.constant 0 : i32
    %dma_start3A_351 = tpu.memref_slice %arg6[%arg0, %add3A_346, %dma_start3A_350] : memref<2x200192x8xf32, #tpu.memory_space<hbm>> -> memref<1x391x8xf32, #tpu.memory_space<hbm>>
    %dma_start3A_352 = tpu.memref_squeeze %dma_start3A_351 : memref<1x391x8xf32, #tpu.memory_space<hbm>> -> memref<391x8xf32, #tpu.memory_space<hbm>>
    tpu.enqueue_dma source(%arg13 : memref<391x8xf32, #tpu.memory_space<vmem>>) target(%dma_start3A_352 : memref<391x8xf32, #tpu.memory_space<hbm>>) target_semaphore(%arg17 : memref<!tpu.dma_semaphore, #tpu.memory_space<semaphore_mem>>)
    %dma_wait3A_353 = arith.constant 0 : i32
    %dma_wait3A_354 = tpu.memref_slice %arg15[%add3A_340, %dma_wait3A_353] : memref<200192x8xf32, #tpu.memory_space<vmem_shared>> -> memref<391x8xf32, #tpu.memory_space<vmem_shared>>
    %dma_wait3A_355 = arith.constant 0 : i32
    %dma_wait3A_356 = tpu.memref_slice %arg15[%add3A_340, %dma_wait3A_355] : memref<200192x8xf32, #tpu.memory_space<vmem_shared>> -> memref<391x8xf32, #tpu.memory_space<vmem_shared>>
    tpu.wait_dma2 semaphore(%arg16 : memref<!tpu.dma_semaphore, #tpu.memory_space<semaphore_mem>>) src(%dma_wait3A_356 : memref<391x8xf32, #tpu.memory_space<vmem_shared>>) dst(%arg14 : memref<391x8xf32, #tpu.memory_space<vmem>>)
    %dma_wait3A_357 = arith.constant 0 : i32
    %dma_wait3A_358 = tpu.memref_slice %arg6[%arg0, %add3A_346, %dma_wait3A_357] : memref<2x200192x8xf32, #tpu.memory_space<hbm>> -> memref<1x391x8xf32, #tpu.memory_space<hbm>>
    %dma_wait3A_359 = tpu.memref_squeeze %dma_wait3A_358 : memref<1x391x8xf32, #tpu.memory_space<hbm>> -> memref<391x8xf32, #tpu.memory_space<hbm>>
    %dma_wait3A_360 = arith.constant 0 : i32
    %dma_wait3A_361 = tpu.memref_slice %arg6[%arg0, %add3A_346, %dma_wait3A_360] : memref<2x200192x8xf32, #tpu.memory_space<hbm>> -> memref<1x391x8xf32, #tpu.memory_space<hbm>>
    %dma_wait3A_362 = tpu.memref_squeeze %dma_wait3A_361 : memref<1x391x8xf32, #tpu.memory_space<hbm>> -> memref<391x8xf32, #tpu.memory_space<hbm>>
    tpu.wait_dma2 semaphore(%arg17 : memref<!tpu.dma_semaphore, #tpu.memory_space<semaphore_mem>>) src(%arg13 : memref<391x8xf32, #tpu.memory_space<vmem>>) dst(%dma_wait3A_362 : memref<391x8xf32, #tpu.memory_space<hbm>>)
    %add3A_363 = arith.constant 782 : i32
    %add3A_364 = arith.addi %mul3A_0, %add3A_363 : i32
    %dma_start3A_365 = arith.constant 0 : i32
    %dma_start3A_366 = tpu.memref_slice %arg15[%add3A_364, %dma_start3A_365] : memref<200192x8xf32, #tpu.memory_space<vmem_shared>> -> memref<391x8xf32, #tpu.memory_space<vmem_shared>>
    %dma_start3A_367 = arith.constant 0 : i32
    %dma_start3A_368 = tpu.memref_slice %arg15[%add3A_364, %dma_start3A_367] : memref<200192x8xf32, #tpu.memory_space<vmem_shared>> -> memref<391x8xf32, #tpu.memory_space<vmem_shared>>
    tpu.enqueue_dma source(%dma_start3A_368 : memref<391x8xf32, #tpu.memory_space<vmem_shared>>) target(%arg13 : memref<391x8xf32, #tpu.memory_space<vmem>>) target_semaphore(%arg16 : memref<!tpu.dma_semaphore, #tpu.memory_space<semaphore_mem>>)
    %add3A_369 = arith.constant 391 : i32
    %add3A_370 = arith.addi %mul3A_0, %add3A_369 : i32
    %dma_start3A_371 = arith.constant 0 : i32
    %dma_start3A_372 = tpu.memref_slice %arg6[%arg0, %add3A_370, %dma_start3A_371] : memref<2x200192x8xf32, #tpu.memory_space<hbm>> -> memref<1x391x8xf32, #tpu.memory_space<hbm>>
    %dma_start3A_373 = tpu.memref_squeeze %dma_start3A_372 : memref<1x391x8xf32, #tpu.memory_space<hbm>> -> memref<391x8xf32, #tpu.memory_space<hbm>>
    %dma_start3A_374 = arith.constant 0 : i32
    %dma_start3A_375 = tpu.memref_slice %arg6[%arg0, %add3A_370, %dma_start3A_374] : memref<2x200192x8xf32, #tpu.memory_space<hbm>> -> memref<1x391x8xf32, #tpu.memory_space<hbm>>
    %dma_start3A_376 = tpu.memref_squeeze %dma_start3A_375 : memref<1x391x8xf32, #tpu.memory_space<hbm>> -> memref<391x8xf32, #tpu.memory_space<hbm>>
    tpu.enqueue_dma source(%arg14 : memref<391x8xf32, #tpu.memory_space<vmem>>) target(%dma_start3A_376 : memref<391x8xf32, #tpu.memory_space<hbm>>) target_semaphore(%arg17 : memref<!tpu.dma_semaphore, #tpu.memory_space<semaphore_mem>>)
    %dma_wait3A_377 = arith.constant 0 : i32
    %dma_wait3A_378 = tpu.memref_slice %arg15[%add3A_364, %dma_wait3A_377] : memref<200192x8xf32, #tpu.memory_space<vmem_shared>> -> memref<391x8xf32, #tpu.memory_space<vmem_shared>>
    %dma_wait3A_379 = arith.constant 0 : i32
    %dma_wait3A_380 = tpu.memref_slice %arg15[%add3A_364, %dma_wait3A_379] : memref<200192x8xf32, #tpu.memory_space<vmem_shared>> -> memref<391x8xf32, #tpu.memory_space<vmem_shared>>
    tpu.wait_dma2 semaphore(%arg16 : memref<!tpu.dma_semaphore, #tpu.memory_space<semaphore_mem>>) src(%dma_wait3A_380 : memref<391x8xf32, #tpu.memory_space<vmem_shared>>) dst(%arg13 : memref<391x8xf32, #tpu.memory_space<vmem>>)
    %dma_wait3A_381 = arith.constant 0 : i32
    %dma_wait3A_382 = tpu.memref_slice %arg6[%arg0, %add3A_370, %dma_wait3A_381] : memref<2x200192x8xf32, #tpu.memory_space<hbm>> -> memref<1x391x8xf32, #tpu.memory_space<hbm>>
    %dma_wait3A_383 = tpu.memref_squeeze %dma_wait3A_382 : memref<1x391x8xf32, #tpu.memory_space<hbm>> -> memref<391x8xf32, #tpu.memory_space<hbm>>
    %dma_wait3A_384 = arith.constant 0 : i32
    %dma_wait3A_385 = tpu.memref_slice %arg6[%arg0, %add3A_370, %dma_wait3A_384] : memref<2x200192x8xf32, #tpu.memory_space<hbm>> -> memref<1x391x8xf32, #tpu.memory_space<hbm>>
    %dma_wait3A_386 = tpu.memref_squeeze %dma_wait3A_385 : memref<1x391x8xf32, #tpu.memory_space<hbm>> -> memref<391x8xf32, #tpu.memory_space<hbm>>
    tpu.wait_dma2 semaphore(%arg17 : memref<!tpu.dma_semaphore, #tpu.memory_space<semaphore_mem>>) src(%arg14 : memref<391x8xf32, #tpu.memory_space<vmem>>) dst(%dma_wait3A_386 : memref<391x8xf32, #tpu.memory_space<hbm>>)
    %add3A_387 = arith.constant 1173 : i32
    %add3A_388 = arith.addi %mul3A_0, %add3A_387 : i32
    %dma_start3A_389 = arith.constant 0 : i32
    %dma_start3A_390 = tpu.memref_slice %arg15[%add3A_388, %dma_start3A_389] : memref<200192x8xf32, #tpu.memory_space<vmem_shared>> -> memref<391x8xf32, #tpu.memory_space<vmem_shared>>
    %dma_start3A_391 = arith.constant 0 : i32
    %dma_start3A_392 = tpu.memref_slice %arg15[%add3A_388, %dma_start3A_391] : memref<200192x8xf32, #tpu.memory_space<vmem_shared>> -> memref<391x8xf32, #tpu.memory_space<vmem_shared>>
    tpu.enqueue_dma source(%dma_start3A_392 : memref<391x8xf32, #tpu.memory_space<vmem_shared>>) target(%arg14 : memref<391x8xf32, #tpu.memory_space<vmem>>) target_semaphore(%arg16 : memref<!tpu.dma_semaphore, #tpu.memory_space<semaphore_mem>>)
    %add3A_393 = arith.constant 782 : i32
    %add3A_394 = arith.addi %mul3A_0, %add3A_393 : i32
    %dma_start3A_395 = arith.constant 0 : i32
    %dma_start3A_396 = tpu.memref_slice %arg6[%arg0, %add3A_394, %dma_start3A_395] : memref<2x200192x8xf32, #tpu.memory_space<hbm>> -> memref<1x391x8xf32, #tpu.memory_space<hbm>>
    %dma_start3A_397 = tpu.memref_squeeze %dma_start3A_396 : memref<1x391x8xf32, #tpu.memory_space<hbm>> -> memref<391x8xf32, #tpu.memory_space<hbm>>
    %dma_start3A_398 = arith.constant 0 : i32
    %dma_start3A_399 = tpu.memref_slice %arg6[%arg0, %add3A_394, %dma_start3A_398] : memref<2x200192x8xf32, #tpu.memory_space<hbm>> -> memref<1x391x8xf32, #tpu.memory_space<hbm>>
    %dma_start3A_400 = tpu.memref_squeeze %dma_start3A_399 : memref<1x391x8xf32, #tpu.memory_space<hbm>> -> memref<391x8xf32, #tpu.memory_space<hbm>>
    tpu.enqueue_dma source(%arg13 : memref<391x8xf32, #tpu.memory_space<vmem>>) target(%dma_start3A_400 : memref<391x8xf32, #tpu.memory_space<hbm>>) target_semaphore(%arg17 : memref<!tpu.dma_semaphore, #tpu.memory_space<semaphore_mem>>)
    %dma_wait3A_401 = arith.constant 0 : i32
    %dma_wait3A_402 = tpu.memref_slice %arg15[%add3A_388, %dma_wait3A_401] : memref<200192x8xf32, #tpu.memory_space<vmem_shared>> -> memref<391x8xf32, #tpu.memory_space<vmem_shared>>
    %dma_wait3A_403 = arith.constant 0 : i32
    %dma_wait3A_404 = tpu.memref_slice %arg15[%add3A_388, %dma_wait3A_403] : memref<200192x8xf32, #tpu.memory_space<vmem_shared>> -> memref<391x8xf32, #tpu.memory_space<vmem_shared>>
    tpu.wait_dma2 semaphore(%arg16 : memref<!tpu.dma_semaphore, #tpu.memory_space<semaphore_mem>>) src(%dma_wait3A_404 : memref<391x8xf32, #tpu.memory_space<vmem_shared>>) dst(%arg14 : memref<391x8xf32, #tpu.memory_space<vmem>>)
    %dma_wait3A_405 = arith.constant 0 : i32
    %dma_wait3A_406 = tpu.memref_slice %arg6[%arg0, %add3A_394, %dma_wait3A_405] : memref<2x200192x8xf32, #tpu.memory_space<hbm>> -> memref<1x391x8xf32, #tpu.memory_space<hbm>>
    %dma_wait3A_407 = tpu.memref_squeeze %dma_wait3A_406 : memref<1x391x8xf32, #tpu.memory_space<hbm>> -> memref<391x8xf32, #tpu.memory_space<hbm>>
    %dma_wait3A_408 = arith.constant 0 : i32
    %dma_wait3A_409 = tpu.memref_slice %arg6[%arg0, %add3A_394, %dma_wait3A_408] : memref<2x200192x8xf32, #tpu.memory_space<hbm>> -> memref<1x391x8xf32, #tpu.memory_space<hbm>>
    %dma_wait3A_410 = tpu.memref_squeeze %dma_wait3A_409 : memref<1x391x8xf32, #tpu.memory_space<hbm>> -> memref<391x8xf32, #tpu.memory_space<hbm>>
    tpu.wait_dma2 semaphore(%arg17 : memref<!tpu.dma_semaphore, #tpu.memory_space<semaphore_mem>>) src(%arg13 : memref<391x8xf32, #tpu.memory_space<vmem>>) dst(%dma_wait3A_410 : memref<391x8xf32, #tpu.memory_space<hbm>>)
    %add3A_411 = arith.constant 1564 : i32
    %add3A_412 = arith.addi %mul3A_0, %add3A_411 : i32
    %dma_start3A_413 = arith.constant 0 : i32
    %dma_start3A_414 = tpu.memref_slice %arg15[%add3A_412, %dma_start3A_413] : memref<200192x8xf32, #tpu.memory_space<vmem_shared>> -> memref<391x8xf32, #tpu.memory_space<vmem_shared>>
    %dma_start3A_415 = arith.constant 0 : i32
    %dma_start3A_416 = tpu.memref_slice %arg15[%add3A_412, %dma_start3A_415] : memref<200192x8xf32, #tpu.memory_space<vmem_shared>> -> memref<391x8xf32, #tpu.memory_space<vmem_shared>>
    tpu.enqueue_dma source(%dma_start3A_416 : memref<391x8xf32, #tpu.memory_space<vmem_shared>>) target(%arg13 : memref<391x8xf32, #tpu.memory_space<vmem>>) target_semaphore(%arg16 : memref<!tpu.dma_semaphore, #tpu.memory_space<semaphore_mem>>)
    %add3A_417 = arith.constant 1173 : i32
    %add3A_418 = arith.addi %mul3A_0, %add3A_417 : i32
    %dma_start3A_419 = arith.constant 0 : i32
    %dma_start3A_420 = tpu.memref_slice %arg6[%arg0, %add3A_418, %dma_start3A_419] : memref<2x200192x8xf32, #tpu.memory_space<hbm>> -> memref<1x391x8xf32, #tpu.memory_space<hbm>>
    %dma_start3A_421 = tpu.memref_squeeze %dma_start3A_420 : memref<1x391x8xf32, #tpu.memory_space<hbm>> -> memref<391x8xf32, #tpu.memory_space<hbm>>
    %dma_start3A_422 = arith.constant 0 : i32
    %dma_start3A_423 = tpu.memref_slice %arg6[%arg0, %add3A_418, %dma_start3A_422] : memref<2x200192x8xf32, #tpu.memory_space<hbm>> -> memref<1x391x8xf32, #tpu.memory_space<hbm>>
    %dma_start3A_424 = tpu.memref_squeeze %dma_start3A_423 : memref<1x391x8xf32, #tpu.memory_space<hbm>> -> memref<391x8xf32, #tpu.memory_space<hbm>>
    tpu.enqueue_dma source(%arg14 : memref<391x8xf32, #tpu.memory_space<vmem>>) target(%dma_start3A_424 : memref<391x8xf32, #tpu.memory_space<hbm>>) target_semaphore(%arg17 : memref<!tpu.dma_semaphore, #tpu.memory_space<semaphore_mem>>)
    %dma_wait3A_425 = arith.constant 0 : i32
    %dma_wait3A_426 = tpu.memref_slice %arg15[%add3A_412, %dma_wait3A_425] : memref<200192x8xf32, #tpu.memory_space<vmem_shared>> -> memref<391x8xf32, #tpu.memory_space<vmem_shared>>
    %dma_wait3A_427 = arith.constant 0 : i32
    %dma_wait3A_428 = tpu.memref_slice %arg15[%add3A_412, %dma_wait3A_427] : memref<200192x8xf32, #tpu.memory_space<vmem_shared>> -> memref<391x8xf32, #tpu.memory_space<vmem_shared>>
    tpu.wait_dma2 semaphore(%arg16 : memref<!tpu.dma_semaphore, #tpu.memory_space<semaphore_mem>>) src(%dma_wait3A_428 : memref<391x8xf32, #tpu.memory_space<vmem_shared>>) dst(%arg13 : memref<391x8xf32, #tpu.memory_space<vmem>>)
    %dma_wait3A_429 = arith.constant 0 : i32
    %dma_wait3A_430 = tpu.memref_slice %arg6[%arg0, %add3A_418, %dma_wait3A_429] : memref<2x200192x8xf32, #tpu.memory_space<hbm>> -> memref<1x391x8xf32, #tpu.memory_space<hbm>>
    %dma_wait3A_431 = tpu.memref_squeeze %dma_wait3A_430 : memref<1x391x8xf32, #tpu.memory_space<hbm>> -> memref<391x8xf32, #tpu.memory_space<hbm>>
    %dma_wait3A_432 = arith.constant 0 : i32
    %dma_wait3A_433 = tpu.memref_slice %arg6[%arg0, %add3A_418, %dma_wait3A_432] : memref<2x200192x8xf32, #tpu.memory_space<hbm>> -> memref<1x391x8xf32, #tpu.memory_space<hbm>>
    %dma_wait3A_434 = tpu.memref_squeeze %dma_wait3A_433 : memref<1x391x8xf32, #tpu.memory_space<hbm>> -> memref<391x8xf32, #tpu.memory_space<hbm>>
    tpu.wait_dma2 semaphore(%arg17 : memref<!tpu.dma_semaphore, #tpu.memory_space<semaphore_mem>>) src(%arg14 : memref<391x8xf32, #tpu.memory_space<vmem>>) dst(%dma_wait3A_434 : memref<391x8xf32, #tpu.memory_space<hbm>>)
    %add3A_435 = arith.constant 1955 : i32
    %add3A_436 = arith.addi %mul3A_0, %add3A_435 : i32
    %dma_start3A_437 = arith.constant 0 : i32
    %dma_start3A_438 = tpu.memref_slice %arg15[%add3A_436, %dma_start3A_437] : memref<200192x8xf32, #tpu.memory_space<vmem_shared>> -> memref<391x8xf32, #tpu.memory_space<vmem_shared>>
    %dma_start3A_439 = arith.constant 0 : i32
    %dma_start3A_440 = tpu.memref_slice %arg15[%add3A_436, %dma_start3A_439] : memref<200192x8xf32, #tpu.memory_space<vmem_shared>> -> memref<391x8xf32, #tpu.memory_space<vmem_shared>>
    tpu.enqueue_dma source(%dma_start3A_440 : memref<391x8xf32, #tpu.memory_space<vmem_shared>>) target(%arg14 : memref<391x8xf32, #tpu.memory_space<vmem>>) target_semaphore(%arg16 : memref<!tpu.dma_semaphore, #tpu.memory_space<semaphore_mem>>)
    %add3A_441 = arith.constant 1564 : i32
    %add3A_442 = arith.addi %mul3A_0, %add3A_441 : i32
    %dma_start3A_443 = arith.constant 0 : i32
    %dma_start3A_444 = tpu.memref_slice %arg6[%arg0, %add3A_442, %dma_start3A_443] : memref<2x200192x8xf32, #tpu.memory_space<hbm>> -> memref<1x391x8xf32, #tpu.memory_space<hbm>>
    %dma_start3A_445 = tpu.memref_squeeze %dma_start3A_444 : memref<1x391x8xf32, #tpu.memory_space<hbm>> -> memref<391x8xf32, #tpu.memory_space<hbm>>
    %dma_start3A_446 = arith.constant 0 : i32
    %dma_start3A_447 = tpu.memref_slice %arg6[%arg0, %add3A_442, %dma_start3A_446] : memref<2x200192x8xf32, #tpu.memory_space<hbm>> -> memref<1x391x8xf32, #tpu.memory_space<hbm>>
    %dma_start3A_448 = tpu.memref_squeeze %dma_start3A_447 : memref<1x391x8xf32, #tpu.memory_space<hbm>> -> memref<391x8xf32, #tpu.memory_space<hbm>>
    tpu.enqueue_dma source(%arg13 : memref<391x8xf32, #tpu.memory_space<vmem>>) target(%dma_start3A_448 : memref<391x8xf32, #tpu.memory_space<hbm>>) target_semaphore(%arg17 : memref<!tpu.dma_semaphore, #tpu.memory_space<semaphore_mem>>)
    %dma_wait3A_449 = arith.constant 0 : i32
    %dma_wait3A_450 = tpu.memref_slice %arg15[%add3A_436, %dma_wait3A_449] : memref<200192x8xf32, #tpu.memory_space<vmem_shared>> -> memref<391x8xf32, #tpu.memory_space<vmem_shared>>
    %dma_wait3A_451 = arith.constant 0 : i32
    %dma_wait3A_452 = tpu.memref_slice %arg15[%add3A_436, %dma_wait3A_451] : memref<200192x8xf32, #tpu.memory_space<vmem_shared>> -> memref<391x8xf32, #tpu.memory_space<vmem_shared>>
    tpu.wait_dma2 semaphore(%arg16 : memref<!tpu.dma_semaphore, #tpu.memory_space<semaphore_mem>>) src(%dma_wait3A_452 : memref<391x8xf32, #tpu.memory_space<vmem_shared>>) dst(%arg14 : memref<391x8xf32, #tpu.memory_space<vmem>>)
    %dma_wait3A_453 = arith.constant 0 : i32
    %dma_wait3A_454 = tpu.memref_slice %arg6[%arg0, %add3A_442, %dma_wait3A_453] : memref<2x200192x8xf32, #tpu.memory_space<hbm>> -> memref<1x391x8xf32, #tpu.memory_space<hbm>>
    %dma_wait3A_455 = tpu.memref_squeeze %dma_wait3A_454 : memref<1x391x8xf32, #tpu.memory_space<hbm>> -> memref<391x8xf32, #tpu.memory_space<hbm>>
    %dma_wait3A_456 = arith.constant 0 : i32
    %dma_wait3A_457 = tpu.memref_slice %arg6[%arg0, %add3A_442, %dma_wait3A_456] : memref<2x200192x8xf32, #tpu.memory_space<hbm>> -> memref<1x391x8xf32, #tpu.memory_space<hbm>>
    %dma_wait3A_458 = tpu.memref_squeeze %dma_wait3A_457 : memref<1x391x8xf32, #tpu.memory_space<hbm>> -> memref<391x8xf32, #tpu.memory_space<hbm>>
    tpu.wait_dma2 semaphore(%arg17 : memref<!tpu.dma_semaphore, #tpu.memory_space<semaphore_mem>>) src(%arg13 : memref<391x8xf32, #tpu.memory_space<vmem>>) dst(%dma_wait3A_458 : memref<391x8xf32, #tpu.memory_space<hbm>>)
    %add3A_459 = arith.constant 2346 : i32
    %add3A_460 = arith.addi %mul3A_0, %add3A_459 : i32
    %dma_start3A_461 = arith.constant 0 : i32
    %dma_start3A_462 = tpu.memref_slice %arg15[%add3A_460, %dma_start3A_461] : memref<200192x8xf32, #tpu.memory_space<vmem_shared>> -> memref<391x8xf32, #tpu.memory_space<vmem_shared>>
    %dma_start3A_463 = arith.constant 0 : i32
    %dma_start3A_464 = tpu.memref_slice %arg15[%add3A_460, %dma_start3A_463] : memref<200192x8xf32, #tpu.memory_space<vmem_shared>> -> memref<391x8xf32, #tpu.memory_space<vmem_shared>>
    tpu.enqueue_dma source(%dma_start3A_464 : memref<391x8xf32, #tpu.memory_space<vmem_shared>>) target(%arg13 : memref<391x8xf32, #tpu.memory_space<vmem>>) target_semaphore(%arg16 : memref<!tpu.dma_semaphore, #tpu.memory_space<semaphore_mem>>)
    %add3A_465 = arith.constant 1955 : i32
    %add3A_466 = arith.addi %mul3A_0, %add3A_465 : i32
    %dma_start3A_467 = arith.constant 0 : i32
    %dma_start3A_468 = tpu.memref_slice %arg6[%arg0, %add3A_466, %dma_start3A_467] : memref<2x200192x8xf32, #tpu.memory_space<hbm>> -> memref<1x391x8xf32, #tpu.memory_space<hbm>>
    %dma_start3A_469 = tpu.memref_squeeze %dma_start3A_468 : memref<1x391x8xf32, #tpu.memory_space<hbm>> -> memref<391x8xf32, #tpu.memory_space<hbm>>
    %dma_start3A_470 = arith.constant 0 : i32
    %dma_start3A_471 = tpu.memref_slice %arg6[%arg0, %add3A_466, %dma_start3A_470] : memref<2x200192x8xf32, #tpu.memory_space<hbm>> -> memref<1x391x8xf32, #tpu.memory_space<hbm>>
    %dma_start3A_472 = tpu.memref_squeeze %dma_start3A_471 : memref<1x391x8xf32, #tpu.memory_space<hbm>> -> memref<391x8xf32, #tpu.memory_space<hbm>>
    tpu.enqueue_dma source(%arg14 : memref<391x8xf32, #tpu.memory_space<vmem>>) target(%dma_start3A_472 : memref<391x8xf32, #tpu.memory_space<hbm>>) target_semaphore(%arg17 : memref<!tpu.dma_semaphore, #tpu.memory_space<semaphore_mem>>)
    %dma_wait3A_473 = arith.constant 0 : i32
    %dma_wait3A_474 = tpu.memref_slice %arg15[%add3A_460, %dma_wait3A_473] : memref<200192x8xf32, #tpu.memory_space<vmem_shared>> -> memref<391x8xf32, #tpu.memory_space<vmem_shared>>
    %dma_wait3A_475 = arith.constant 0 : i32
    %dma_wait3A_476 = tpu.memref_slice %arg15[%add3A_460, %dma_wait3A_475] : memref<200192x8xf32, #tpu.memory_space<vmem_shared>> -> memref<391x8xf32, #tpu.memory_space<vmem_shared>>
    tpu.wait_dma2 semaphore(%arg16 : memref<!tpu.dma_semaphore, #tpu.memory_space<semaphore_mem>>) src(%dma_wait3A_476 : memref<391x8xf32, #tpu.memory_space<vmem_shared>>) dst(%arg13 : memref<391x8xf32, #tpu.memory_space<vmem>>)
    %dma_wait3A_477 = arith.constant 0 : i32
    %dma_wait3A_478 = tpu.memref_slice %arg6[%arg0, %add3A_466, %dma_wait3A_477] : memref<2x200192x8xf32, #tpu.memory_space<hbm>> -> memref<1x391x8xf32, #tpu.memory_space<hbm>>
    %dma_wait3A_479 = tpu.memref_squeeze %dma_wait3A_478 : memref<1x391x8xf32, #tpu.memory_space<hbm>> -> memref<391x8xf32, #tpu.memory_space<hbm>>
    %dma_wait3A_480 = arith.constant 0 : i32
    %dma_wait3A_481 = tpu.memref_slice %arg6[%arg0, %add3A_466, %dma_wait3A_480] : memref<2x200192x8xf32, #tpu.memory_space<hbm>> -> memref<1x391x8xf32, #tpu.memory_space<hbm>>
    %dma_wait3A_482 = tpu.memref_squeeze %dma_wait3A_481 : memref<1x391x8xf32, #tpu.memory_space<hbm>> -> memref<391x8xf32, #tpu.memory_space<hbm>>
    tpu.wait_dma2 semaphore(%arg17 : memref<!tpu.dma_semaphore, #tpu.memory_space<semaphore_mem>>) src(%arg14 : memref<391x8xf32, #tpu.memory_space<vmem>>) dst(%dma_wait3A_482 : memref<391x8xf32, #tpu.memory_space<hbm>>)
    %add3A_483 = arith.constant 2737 : i32
    %add3A_484 = arith.addi %mul3A_0, %add3A_483 : i32
    %dma_start3A_485 = arith.constant 0 : i32
    %dma_start3A_486 = tpu.memref_slice %arg15[%add3A_484, %dma_start3A_485] : memref<200192x8xf32, #tpu.memory_space<vmem_shared>> -> memref<391x8xf32, #tpu.memory_space<vmem_shared>>
    %dma_start3A_487 = arith.constant 0 : i32
    %dma_start3A_488 = tpu.memref_slice %arg15[%add3A_484, %dma_start3A_487] : memref<200192x8xf32, #tpu.memory_space<vmem_shared>> -> memref<391x8xf32, #tpu.memory_space<vmem_shared>>
    tpu.enqueue_dma source(%dma_start3A_488 : memref<391x8xf32, #tpu.memory_space<vmem_shared>>) target(%arg14 : memref<391x8xf32, #tpu.memory_space<vmem>>) target_semaphore(%arg16 : memref<!tpu.dma_semaphore, #tpu.memory_space<semaphore_mem>>)
    %add3A_489 = arith.constant 2346 : i32
    %add3A_490 = arith.addi %mul3A_0, %add3A_489 : i32
    %dma_start3A_491 = arith.constant 0 : i32
    %dma_start3A_492 = tpu.memref_slice %arg6[%arg0, %add3A_490, %dma_start3A_491] : memref<2x200192x8xf32, #tpu.memory_space<hbm>> -> memref<1x391x8xf32, #tpu.memory_space<hbm>>
    %dma_start3A_493 = tpu.memref_squeeze %dma_start3A_492 : memref<1x391x8xf32, #tpu.memory_space<hbm>> -> memref<391x8xf32, #tpu.memory_space<hbm>>
    %dma_start3A_494 = arith.constant 0 : i32
    %dma_start3A_495 = tpu.memref_slice %arg6[%arg0, %add3A_490, %dma_start3A_494] : memref<2x200192x8xf32, #tpu.memory_space<hbm>> -> memref<1x391x8xf32, #tpu.memory_space<hbm>>
    %dma_start3A_496 = tpu.memref_squeeze %dma_start3A_495 : memref<1x391x8xf32, #tpu.memory_space<hbm>> -> memref<391x8xf32, #tpu.memory_space<hbm>>
    tpu.enqueue_dma source(%arg13 : memref<391x8xf32, #tpu.memory_space<vmem>>) target(%dma_start3A_496 : memref<391x8xf32, #tpu.memory_space<hbm>>) target_semaphore(%arg17 : memref<!tpu.dma_semaphore, #tpu.memory_space<semaphore_mem>>)
    %dma_wait3A_497 = arith.constant 0 : i32
    %dma_wait3A_498 = tpu.memref_slice %arg15[%add3A_484, %dma_wait3A_497] : memref<200192x8xf32, #tpu.memory_space<vmem_shared>> -> memref<391x8xf32, #tpu.memory_space<vmem_shared>>
    %dma_wait3A_499 = arith.constant 0 : i32
    %dma_wait3A_500 = tpu.memref_slice %arg15[%add3A_484, %dma_wait3A_499] : memref<200192x8xf32, #tpu.memory_space<vmem_shared>> -> memref<391x8xf32, #tpu.memory_space<vmem_shared>>
    tpu.wait_dma2 semaphore(%arg16 : memref<!tpu.dma_semaphore, #tpu.memory_space<semaphore_mem>>) src(%dma_wait3A_500 : memref<391x8xf32, #tpu.memory_space<vmem_shared>>) dst(%arg14 : memref<391x8xf32, #tpu.memory_space<vmem>>)
    %dma_wait3A_501 = arith.constant 0 : i32
    %dma_wait3A_502 = tpu.memref_slice %arg6[%arg0, %add3A_490, %dma_wait3A_501] : memref<2x200192x8xf32, #tpu.memory_space<hbm>> -> memref<1x391x8xf32, #tpu.memory_space<hbm>>
    %dma_wait3A_503 = tpu.memref_squeeze %dma_wait3A_502 : memref<1x391x8xf32, #tpu.memory_space<hbm>> -> memref<391x8xf32, #tpu.memory_space<hbm>>
    %dma_wait3A_504 = arith.constant 0 : i32
    %dma_wait3A_505 = tpu.memref_slice %arg6[%arg0, %add3A_490, %dma_wait3A_504] : memref<2x200192x8xf32, #tpu.memory_space<hbm>> -> memref<1x391x8xf32, #tpu.memory_space<hbm>>
    %dma_wait3A_506 = tpu.memref_squeeze %dma_wait3A_505 : memref<1x391x8xf32, #tpu.memory_space<hbm>> -> memref<391x8xf32, #tpu.memory_space<hbm>>
    tpu.wait_dma2 semaphore(%arg17 : memref<!tpu.dma_semaphore, #tpu.memory_space<semaphore_mem>>) src(%arg13 : memref<391x8xf32, #tpu.memory_space<vmem>>) dst(%dma_wait3A_506 : memref<391x8xf32, #tpu.memory_space<hbm>>)
    %add3A_507 = arith.constant 3128 : i32
    %add3A_508 = arith.addi %mul3A_0, %add3A_507 : i32
    %dma_start3A_509 = arith.constant 0 : i32
    %dma_start3A_510 = tpu.memref_slice %arg15[%add3A_508, %dma_start3A_509] : memref<200192x8xf32, #tpu.memory_space<vmem_shared>> -> memref<391x8xf32, #tpu.memory_space<vmem_shared>>
    %dma_start3A_511 = arith.constant 0 : i32
    %dma_start3A_512 = tpu.memref_slice %arg15[%add3A_508, %dma_start3A_511] : memref<200192x8xf32, #tpu.memory_space<vmem_shared>> -> memref<391x8xf32, #tpu.memory_space<vmem_shared>>
    tpu.enqueue_dma source(%dma_start3A_512 : memref<391x8xf32, #tpu.memory_space<vmem_shared>>) target(%arg13 : memref<391x8xf32, #tpu.memory_space<vmem>>) target_semaphore(%arg16 : memref<!tpu.dma_semaphore, #tpu.memory_space<semaphore_mem>>)
    %add3A_513 = arith.constant 2737 : i32
    %add3A_514 = arith.addi %mul3A_0, %add3A_513 : i32
    %dma_start3A_515 = arith.constant 0 : i32
    %dma_start3A_516 = tpu.memref_slice %arg6[%arg0, %add3A_514, %dma_start3A_515] : memref<2x200192x8xf32, #tpu.memory_space<hbm>> -> memref<1x391x8xf32, #tpu.memory_space<hbm>>
    %dma_start3A_517 = tpu.memref_squeeze %dma_start3A_516 : memref<1x391x8xf32, #tpu.memory_space<hbm>> -> memref<391x8xf32, #tpu.memory_space<hbm>>
    %dma_start3A_518 = arith.constant 0 : i32
    %dma_start3A_519 = tpu.memref_slice %arg6[%arg0, %add3A_514, %dma_start3A_518] : memref<2x200192x8xf32, #tpu.memory_space<hbm>> -> memref<1x391x8xf32, #tpu.memory_space<hbm>>
    %dma_start3A_520 = tpu.memref_squeeze %dma_start3A_519 : memref<1x391x8xf32, #tpu.memory_space<hbm>> -> memref<391x8xf32, #tpu.memory_space<hbm>>
    tpu.enqueue_dma source(%arg14 : memref<391x8xf32, #tpu.memory_space<vmem>>) target(%dma_start3A_520 : memref<391x8xf32, #tpu.memory_space<hbm>>) target_semaphore(%arg17 : memref<!tpu.dma_semaphore, #tpu.memory_space<semaphore_mem>>)
    %dma_wait3A_521 = arith.constant 0 : i32
    %dma_wait3A_522 = tpu.memref_slice %arg15[%add3A_508, %dma_wait3A_521] : memref<200192x8xf32, #tpu.memory_space<vmem_shared>> -> memref<391x8xf32, #tpu.memory_space<vmem_shared>>
    %dma_wait3A_523 = arith.constant 0 : i32
    %dma_wait3A_524 = tpu.memref_slice %arg15[%add3A_508, %dma_wait3A_523] : memref<200192x8xf32, #tpu.memory_space<vmem_shared>> -> memref<391x8xf32, #tpu.memory_space<vmem_shared>>
    tpu.wait_dma2 semaphore(%arg16 : memref<!tpu.dma_semaphore, #tpu.memory_space<semaphore_mem>>) src(%dma_wait3A_524 : memref<391x8xf32, #tpu.memory_space<vmem_shared>>) dst(%arg13 : memref<391x8xf32, #tpu.memory_space<vmem>>)
    %dma_wait3A_525 = arith.constant 0 : i32
    %dma_wait3A_526 = tpu.memref_slice %arg6[%arg0, %add3A_514, %dma_wait3A_525] : memref<2x200192x8xf32, #tpu.memory_space<hbm>> -> memref<1x391x8xf32, #tpu.memory_space<hbm>>
    %dma_wait3A_527 = tpu.memref_squeeze %dma_wait3A_526 : memref<1x391x8xf32, #tpu.memory_space<hbm>> -> memref<391x8xf32, #tpu.memory_space<hbm>>
    %dma_wait3A_528 = arith.constant 0 : i32
    %dma_wait3A_529 = tpu.memref_slice %arg6[%arg0, %add3A_514, %dma_wait3A_528] : memref<2x200192x8xf32, #tpu.memory_space<hbm>> -> memref<1x391x8xf32, #tpu.memory_space<hbm>>
    %dma_wait3A_530 = tpu.memref_squeeze %dma_wait3A_529 : memref<1x391x8xf32, #tpu.memory_space<hbm>> -> memref<391x8xf32, #tpu.memory_space<hbm>>
    tpu.wait_dma2 semaphore(%arg17 : memref<!tpu.dma_semaphore, #tpu.memory_space<semaphore_mem>>) src(%arg14 : memref<391x8xf32, #tpu.memory_space<vmem>>) dst(%dma_wait3A_530 : memref<391x8xf32, #tpu.memory_space<hbm>>)
    %add3A_531 = arith.constant 3519 : i32
    %add3A_532 = arith.addi %mul3A_0, %add3A_531 : i32
    %dma_start3A_533 = arith.constant 0 : i32
    %dma_start3A_534 = tpu.memref_slice %arg15[%add3A_532, %dma_start3A_533] : memref<200192x8xf32, #tpu.memory_space<vmem_shared>> -> memref<391x8xf32, #tpu.memory_space<vmem_shared>>
    %dma_start3A_535 = arith.constant 0 : i32
    %dma_start3A_536 = tpu.memref_slice %arg15[%add3A_532, %dma_start3A_535] : memref<200192x8xf32, #tpu.memory_space<vmem_shared>> -> memref<391x8xf32, #tpu.memory_space<vmem_shared>>
    tpu.enqueue_dma source(%dma_start3A_536 : memref<391x8xf32, #tpu.memory_space<vmem_shared>>) target(%arg14 : memref<391x8xf32, #tpu.memory_space<vmem>>) target_semaphore(%arg16 : memref<!tpu.dma_semaphore, #tpu.memory_space<semaphore_mem>>)
    %add3A_537 = arith.constant 3128 : i32
    %add3A_538 = arith.addi %mul3A_0, %add3A_537 : i32
    %dma_start3A_539 = arith.constant 0 : i32
    %dma_start3A_540 = tpu.memref_slice %arg6[%arg0, %add3A_538, %dma_start3A_539] : memref<2x200192x8xf32, #tpu.memory_space<hbm>> -> memref<1x391x8xf32, #tpu.memory_space<hbm>>
    %dma_start3A_541 = tpu.memref_squeeze %dma_start3A_540 : memref<1x391x8xf32, #tpu.memory_space<hbm>> -> memref<391x8xf32, #tpu.memory_space<hbm>>
    %dma_start3A_542 = arith.constant 0 : i32
    %dma_start3A_543 = tpu.memref_slice %arg6[%arg0, %add3A_538, %dma_start3A_542] : memref<2x200192x8xf32, #tpu.memory_space<hbm>> -> memref<1x391x8xf32, #tpu.memory_space<hbm>>
    %dma_start3A_544 = tpu.memref_squeeze %dma_start3A_543 : memref<1x391x8xf32, #tpu.memory_space<hbm>> -> memref<391x8xf32, #tpu.memory_space<hbm>>
    tpu.enqueue_dma source(%arg13 : memref<391x8xf32, #tpu.memory_space<vmem>>) target(%dma_start3A_544 : memref<391x8xf32, #tpu.memory_space<hbm>>) target_semaphore(%arg17 : memref<!tpu.dma_semaphore, #tpu.memory_space<semaphore_mem>>)
    %dma_wait3A_545 = arith.constant 0 : i32
    %dma_wait3A_546 = tpu.memref_slice %arg15[%add3A_532, %dma_wait3A_545] : memref<200192x8xf32, #tpu.memory_space<vmem_shared>> -> memref<391x8xf32, #tpu.memory_space<vmem_shared>>
    %dma_wait3A_547 = arith.constant 0 : i32
    %dma_wait3A_548 = tpu.memref_slice %arg15[%add3A_532, %dma_wait3A_547] : memref<200192x8xf32, #tpu.memory_space<vmem_shared>> -> memref<391x8xf32, #tpu.memory_space<vmem_shared>>
    tpu.wait_dma2 semaphore(%arg16 : memref<!tpu.dma_semaphore, #tpu.memory_space<semaphore_mem>>) src(%dma_wait3A_548 : memref<391x8xf32, #tpu.memory_space<vmem_shared>>) dst(%arg14 : memref<391x8xf32, #tpu.memory_space<vmem>>)
    %dma_wait3A_549 = arith.constant 0 : i32
    %dma_wait3A_550 = tpu.memref_slice %arg6[%arg0, %add3A_538, %dma_wait3A_549] : memref<2x200192x8xf32, #tpu.memory_space<hbm>> -> memref<1x391x8xf32, #tpu.memory_space<hbm>>
    %dma_wait3A_551 = tpu.memref_squeeze %dma_wait3A_550 : memref<1x391x8xf32, #tpu.memory_space<hbm>> -> memref<391x8xf32, #tpu.memory_space<hbm>>
    %dma_wait3A_552 = arith.constant 0 : i32
    %dma_wait3A_553 = tpu.memref_slice %arg6[%arg0, %add3A_538, %dma_wait3A_552] : memref<2x200192x8xf32, #tpu.memory_space<hbm>> -> memref<1x391x8xf32, #tpu.memory_space<hbm>>
    %dma_wait3A_554 = tpu.memref_squeeze %dma_wait3A_553 : memref<1x391x8xf32, #tpu.memory_space<hbm>> -> memref<391x8xf32, #tpu.memory_space<hbm>>
    tpu.wait_dma2 semaphore(%arg17 : memref<!tpu.dma_semaphore, #tpu.memory_space<semaphore_mem>>) src(%arg13 : memref<391x8xf32, #tpu.memory_space<vmem>>) dst(%dma_wait3A_554 : memref<391x8xf32, #tpu.memory_space<hbm>>)
    %add3A_555 = arith.constant 3910 : i32
    %add3A_556 = arith.addi %mul3A_0, %add3A_555 : i32
    %dma_start3A_557 = arith.constant 0 : i32
    %dma_start3A_558 = tpu.memref_slice %arg15[%add3A_556, %dma_start3A_557] : memref<200192x8xf32, #tpu.memory_space<vmem_shared>> -> memref<391x8xf32, #tpu.memory_space<vmem_shared>>
    %dma_start3A_559 = arith.constant 0 : i32
    %dma_start3A_560 = tpu.memref_slice %arg15[%add3A_556, %dma_start3A_559] : memref<200192x8xf32, #tpu.memory_space<vmem_shared>> -> memref<391x8xf32, #tpu.memory_space<vmem_shared>>
    tpu.enqueue_dma source(%dma_start3A_560 : memref<391x8xf32, #tpu.memory_space<vmem_shared>>) target(%arg13 : memref<391x8xf32, #tpu.memory_space<vmem>>) target_semaphore(%arg16 : memref<!tpu.dma_semaphore, #tpu.memory_space<semaphore_mem>>)
    %add3A_561 = arith.constant 3519 : i32
    %add3A_562 = arith.addi %mul3A_0, %add3A_561 : i32
    %dma_start3A_563 = arith.constant 0 : i32
    %dma_start3A_564 = tpu.memref_slice %arg6[%arg0, %add3A_562, %dma_start3A_563] : memref<2x200192x8xf32, #tpu.memory_space<hbm>> -> memref<1x391x8xf32, #tpu.memory_space<hbm>>
    %dma_start3A_565 = tpu.memref_squeeze %dma_start3A_564 : memref<1x391x8xf32, #tpu.memory_space<hbm>> -> memref<391x8xf32, #tpu.memory_space<hbm>>
    %dma_start3A_566 = arith.constant 0 : i32
    %dma_start3A_567 = tpu.memref_slice %arg6[%arg0, %add3A_562, %dma_start3A_566] : memref<2x200192x8xf32, #tpu.memory_space<hbm>> -> memref<1x391x8xf32, #tpu.memory_space<hbm>>
    %dma_start3A_568 = tpu.memref_squeeze %dma_start3A_567 : memref<1x391x8xf32, #tpu.memory_space<hbm>> -> memref<391x8xf32, #tpu.memory_space<hbm>>
    tpu.enqueue_dma source(%arg14 : memref<391x8xf32, #tpu.memory_space<vmem>>) target(%dma_start3A_568 : memref<391x8xf32, #tpu.memory_space<hbm>>) target_semaphore(%arg17 : memref<!tpu.dma_semaphore, #tpu.memory_space<semaphore_mem>>)
    %dma_wait3A_569 = arith.constant 0 : i32
    %dma_wait3A_570 = tpu.memref_slice %arg15[%add3A_556, %dma_wait3A_569] : memref<200192x8xf32, #tpu.memory_space<vmem_shared>> -> memref<391x8xf32, #tpu.memory_space<vmem_shared>>
    %dma_wait3A_571 = arith.constant 0 : i32
    %dma_wait3A_572 = tpu.memref_slice %arg15[%add3A_556, %dma_wait3A_571] : memref<200192x8xf32, #tpu.memory_space<vmem_shared>> -> memref<391x8xf32, #tpu.memory_space<vmem_shared>>
    tpu.wait_dma2 semaphore(%arg16 : memref<!tpu.dma_semaphore, #tpu.memory_space<semaphore_mem>>) src(%dma_wait3A_572 : memref<391x8xf32, #tpu.memory_space<vmem_shared>>) dst(%arg13 : memref<391x8xf32, #tpu.memory_space<vmem>>)
    %dma_wait3A_573 = arith.constant 0 : i32
    %dma_wait3A_574 = tpu.memref_slice %arg6[%arg0, %add3A_562, %dma_wait3A_573] : memref<2x200192x8xf32, #tpu.memory_space<hbm>> -> memref<1x391x8xf32, #tpu.memory_space<hbm>>
    %dma_wait3A_575 = tpu.memref_squeeze %dma_wait3A_574 : memref<1x391x8xf32, #tpu.memory_space<hbm>> -> memref<391x8xf32, #tpu.memory_space<hbm>>
    %dma_wait3A_576 = arith.constant 0 : i32
    %dma_wait3A_577 = tpu.memref_slice %arg6[%arg0, %add3A_562, %dma_wait3A_576] : memref<2x200192x8xf32, #tpu.memory_space<hbm>> -> memref<1x391x8xf32, #tpu.memory_space<hbm>>
    %dma_wait3A_578 = tpu.memref_squeeze %dma_wait3A_577 : memref<1x391x8xf32, #tpu.memory_space<hbm>> -> memref<391x8xf32, #tpu.memory_space<hbm>>
    tpu.wait_dma2 semaphore(%arg17 : memref<!tpu.dma_semaphore, #tpu.memory_space<semaphore_mem>>) src(%arg14 : memref<391x8xf32, #tpu.memory_space<vmem>>) dst(%dma_wait3A_578 : memref<391x8xf32, #tpu.memory_space<hbm>>)
    %add3A_579 = arith.constant 4301 : i32
    %add3A_580 = arith.addi %mul3A_0, %add3A_579 : i32
    %dma_start3A_581 = arith.constant 0 : i32
    %dma_start3A_582 = tpu.memref_slice %arg15[%add3A_580, %dma_start3A_581] : memref<200192x8xf32, #tpu.memory_space<vmem_shared>> -> memref<391x8xf32, #tpu.memory_space<vmem_shared>>
    %dma_start3A_583 = arith.constant 0 : i32
    %dma_start3A_584 = tpu.memref_slice %arg15[%add3A_580, %dma_start3A_583] : memref<200192x8xf32, #tpu.memory_space<vmem_shared>> -> memref<391x8xf32, #tpu.memory_space<vmem_shared>>
    tpu.enqueue_dma source(%dma_start3A_584 : memref<391x8xf32, #tpu.memory_space<vmem_shared>>) target(%arg14 : memref<391x8xf32, #tpu.memory_space<vmem>>) target_semaphore(%arg16 : memref<!tpu.dma_semaphore, #tpu.memory_space<semaphore_mem>>)
    %add3A_585 = arith.constant 3910 : i32
    %add3A_586 = arith.addi %mul3A_0, %add3A_585 : i32
    %dma_start3A_587 = arith.constant 0 : i32
    %dma_start3A_588 = tpu.memref_slice %arg6[%arg0, %add3A_586, %dma_start3A_587] : memref<2x200192x8xf32, #tpu.memory_space<hbm>> -> memref<1x391x8xf32, #tpu.memory_space<hbm>>
    %dma_start3A_589 = tpu.memref_squeeze %dma_start3A_588 : memref<1x391x8xf32, #tpu.memory_space<hbm>> -> memref<391x8xf32, #tpu.memory_space<hbm>>
    %dma_start3A_590 = arith.constant 0 : i32
    %dma_start3A_591 = tpu.memref_slice %arg6[%arg0, %add3A_586, %dma_start3A_590] : memref<2x200192x8xf32, #tpu.memory_space<hbm>> -> memref<1x391x8xf32, #tpu.memory_space<hbm>>
    %dma_start3A_592 = tpu.memref_squeeze %dma_start3A_591 : memref<1x391x8xf32, #tpu.memory_space<hbm>> -> memref<391x8xf32, #tpu.memory_space<hbm>>
    tpu.enqueue_dma source(%arg13 : memref<391x8xf32, #tpu.memory_space<vmem>>) target(%dma_start3A_592 : memref<391x8xf32, #tpu.memory_space<hbm>>) target_semaphore(%arg17 : memref<!tpu.dma_semaphore, #tpu.memory_space<semaphore_mem>>)
    %dma_wait3A_593 = arith.constant 0 : i32
    %dma_wait3A_594 = tpu.memref_slice %arg15[%add3A_580, %dma_wait3A_593] : memref<200192x8xf32, #tpu.memory_space<vmem_shared>> -> memref<391x8xf32, #tpu.memory_space<vmem_shared>>
    %dma_wait3A_595 = arith.constant 0 : i32
    %dma_wait3A_596 = tpu.memref_slice %arg15[%add3A_580, %dma_wait3A_595] : memref<200192x8xf32, #tpu.memory_space<vmem_shared>> -> memref<391x8xf32, #tpu.memory_space<vmem_shared>>
    tpu.wait_dma2 semaphore(%arg16 : memref<!tpu.dma_semaphore, #tpu.memory_space<semaphore_mem>>) src(%dma_wait3A_596 : memref<391x8xf32, #tpu.memory_space<vmem_shared>>) dst(%arg14 : memref<391x8xf32, #tpu.memory_space<vmem>>)
    %dma_wait3A_597 = arith.constant 0 : i32
    %dma_wait3A_598 = tpu.memref_slice %arg6[%arg0, %add3A_586, %dma_wait3A_597] : memref<2x200192x8xf32, #tpu.memory_space<hbm>> -> memref<1x391x8xf32, #tpu.memory_space<hbm>>
    %dma_wait3A_599 = tpu.memref_squeeze %dma_wait3A_598 : memref<1x391x8xf32, #tpu.memory_space<hbm>> -> memref<391x8xf32, #tpu.memory_space<hbm>>
    %dma_wait3A_600 = arith.constant 0 : i32
    %dma_wait3A_601 = tpu.memref_slice %arg6[%arg0, %add3A_586, %dma_wait3A_600] : memref<2x200192x8xf32, #tpu.memory_space<hbm>> -> memref<1x391x8xf32, #tpu.memory_space<hbm>>
    %dma_wait3A_602 = tpu.memref_squeeze %dma_wait3A_601 : memref<1x391x8xf32, #tpu.memory_space<hbm>> -> memref<391x8xf32, #tpu.memory_space<hbm>>
    tpu.wait_dma2 semaphore(%arg17 : memref<!tpu.dma_semaphore, #tpu.memory_space<semaphore_mem>>) src(%arg13 : memref<391x8xf32, #tpu.memory_space<vmem>>) dst(%dma_wait3A_602 : memref<391x8xf32, #tpu.memory_space<hbm>>)
    %add3A_603 = arith.constant 4692 : i32
    %add3A_604 = arith.addi %mul3A_0, %add3A_603 : i32
    %dma_start3A_605 = arith.constant 0 : i32
    %dma_start3A_606 = tpu.memref_slice %arg15[%add3A_604, %dma_start3A_605] : memref<200192x8xf32, #tpu.memory_space<vmem_shared>> -> memref<391x8xf32, #tpu.memory_space<vmem_shared>>
    %dma_start3A_607 = arith.constant 0 : i32
    %dma_start3A_608 = tpu.memref_slice %arg15[%add3A_604, %dma_start3A_607] : memref<200192x8xf32, #tpu.memory_space<vmem_shared>> -> memref<391x8xf32, #tpu.memory_space<vmem_shared>>
    tpu.enqueue_dma source(%dma_start3A_608 : memref<391x8xf32, #tpu.memory_space<vmem_shared>>) target(%arg13 : memref<391x8xf32, #tpu.memory_space<vmem>>) target_semaphore(%arg16 : memref<!tpu.dma_semaphore, #tpu.memory_space<semaphore_mem>>)
    %add3A_609 = arith.constant 4301 : i32
    %add3A_610 = arith.addi %mul3A_0, %add3A_609 : i32
    %dma_start3A_611 = arith.constant 0 : i32
    %dma_start3A_612 = tpu.memref_slice %arg6[%arg0, %add3A_610, %dma_start3A_611] : memref<2x200192x8xf32, #tpu.memory_space<hbm>> -> memref<1x391x8xf32, #tpu.memory_space<hbm>>
    %dma_start3A_613 = tpu.memref_squeeze %dma_start3A_612 : memref<1x391x8xf32, #tpu.memory_space<hbm>> -> memref<391x8xf32, #tpu.memory_space<hbm>>
    %dma_start3A_614 = arith.constant 0 : i32
    %dma_start3A_615 = tpu.memref_slice %arg6[%arg0, %add3A_610, %dma_start3A_614] : memref<2x200192x8xf32, #tpu.memory_space<hbm>> -> memref<1x391x8xf32, #tpu.memory_space<hbm>>
    %dma_start3A_616 = tpu.memref_squeeze %dma_start3A_615 : memref<1x391x8xf32, #tpu.memory_space<hbm>> -> memref<391x8xf32, #tpu.memory_space<hbm>>
    tpu.enqueue_dma source(%arg14 : memref<391x8xf32, #tpu.memory_space<vmem>>) target(%dma_start3A_616 : memref<391x8xf32, #tpu.memory_space<hbm>>) target_semaphore(%arg17 : memref<!tpu.dma_semaphore, #tpu.memory_space<semaphore_mem>>)
    %dma_wait3A_617 = arith.constant 0 : i32
    %dma_wait3A_618 = tpu.memref_slice %arg15[%add3A_604, %dma_wait3A_617] : memref<200192x8xf32, #tpu.memory_space<vmem_shared>> -> memref<391x8xf32, #tpu.memory_space<vmem_shared>>
    %dma_wait3A_619 = arith.constant 0 : i32
    %dma_wait3A_620 = tpu.memref_slice %arg15[%add3A_604, %dma_wait3A_619] : memref<200192x8xf32, #tpu.memory_space<vmem_shared>> -> memref<391x8xf32, #tpu.memory_space<vmem_shared>>
    tpu.wait_dma2 semaphore(%arg16 : memref<!tpu.dma_semaphore, #tpu.memory_space<semaphore_mem>>) src(%dma_wait3A_620 : memref<391x8xf32, #tpu.memory_space<vmem_shared>>) dst(%arg13 : memref<391x8xf32, #tpu.memory_space<vmem>>)
    %dma_wait3A_621 = arith.constant 0 : i32
    %dma_wait3A_622 = tpu.memref_slice %arg6[%arg0, %add3A_610, %dma_wait3A_621] : memref<2x200192x8xf32, #tpu.memory_space<hbm>> -> memref<1x391x8xf32, #tpu.memory_space<hbm>>
    %dma_wait3A_623 = tpu.memref_squeeze %dma_wait3A_622 : memref<1x391x8xf32, #tpu.memory_space<hbm>> -> memref<391x8xf32, #tpu.memory_space<hbm>>
    %dma_wait3A_624 = arith.constant 0 : i32
    %dma_wait3A_625 = tpu.memref_slice %arg6[%arg0, %add3A_610, %dma_wait3A_624] : memref<2x200192x8xf32, #tpu.memory_space<hbm>> -> memref<1x391x8xf32, #tpu.memory_space<hbm>>
    %dma_wait3A_626 = tpu.memref_squeeze %dma_wait3A_625 : memref<1x391x8xf32, #tpu.memory_space<hbm>> -> memref<391x8xf32, #tpu.memory_space<hbm>>
    tpu.wait_dma2 semaphore(%arg17 : memref<!tpu.dma_semaphore, #tpu.memory_space<semaphore_mem>>) src(%arg14 : memref<391x8xf32, #tpu.memory_space<vmem>>) dst(%dma_wait3A_626 : memref<391x8xf32, #tpu.memory_space<hbm>>)
    %add3A_627 = arith.constant 5083 : i32
    %add3A_628 = arith.addi %mul3A_0, %add3A_627 : i32
    %dma_start3A_629 = arith.constant 0 : i32
    %dma_start3A_630 = tpu.memref_slice %arg15[%add3A_628, %dma_start3A_629] : memref<200192x8xf32, #tpu.memory_space<vmem_shared>> -> memref<391x8xf32, #tpu.memory_space<vmem_shared>>
    %dma_start3A_631 = arith.constant 0 : i32
    %dma_start3A_632 = tpu.memref_slice %arg15[%add3A_628, %dma_start3A_631] : memref<200192x8xf32, #tpu.memory_space<vmem_shared>> -> memref<391x8xf32, #tpu.memory_space<vmem_shared>>
    tpu.enqueue_dma source(%dma_start3A_632 : memref<391x8xf32, #tpu.memory_space<vmem_shared>>) target(%arg14 : memref<391x8xf32, #tpu.memory_space<vmem>>) target_semaphore(%arg16 : memref<!tpu.dma_semaphore, #tpu.memory_space<semaphore_mem>>)
    %add3A_633 = arith.constant 4692 : i32
    %add3A_634 = arith.addi %mul3A_0, %add3A_633 : i32
    %dma_start3A_635 = arith.constant 0 : i32
    %dma_start3A_636 = tpu.memref_slice %arg6[%arg0, %add3A_634, %dma_start3A_635] : memref<2x200192x8xf32, #tpu.memory_space<hbm>> -> memref<1x391x8xf32, #tpu.memory_space<hbm>>
    %dma_start3A_637 = tpu.memref_squeeze %dma_start3A_636 : memref<1x391x8xf32, #tpu.memory_space<hbm>> -> memref<391x8xf32, #tpu.memory_space<hbm>>
    %dma_start3A_638 = arith.constant 0 : i32
    %dma_start3A_639 = tpu.memref_slice %arg6[%arg0, %add3A_634, %dma_start3A_638] : memref<2x200192x8xf32, #tpu.memory_space<hbm>> -> memref<1x391x8xf32, #tpu.memory_space<hbm>>
    %dma_start3A_640 = tpu.memref_squeeze %dma_start3A_639 : memref<1x391x8xf32, #tpu.memory_space<hbm>> -> memref<391x8xf32, #tpu.memory_space<hbm>>
    tpu.enqueue_dma source(%arg13 : memref<391x8xf32, #tpu.memory_space<vmem>>) target(%dma_start3A_640 : memref<391x8xf32, #tpu.memory_space<hbm>>) target_semaphore(%arg17 : memref<!tpu.dma_semaphore, #tpu.memory_space<semaphore_mem>>)
    %dma_wait3A_641 = arith.constant 0 : i32
    %dma_wait3A_642 = tpu.memref_slice %arg15[%add3A_628, %dma_wait3A_641] : memref<200192x8xf32, #tpu.memory_space<vmem_shared>> -> memref<391x8xf32, #tpu.memory_space<vmem_shared>>
    %dma_wait3A_643 = arith.constant 0 : i32
    %dma_wait3A_644 = tpu.memref_slice %arg15[%add3A_628, %dma_wait3A_643] : memref<200192x8xf32, #tpu.memory_space<vmem_shared>> -> memref<391x8xf32, #tpu.memory_space<vmem_shared>>
    tpu.wait_dma2 semaphore(%arg16 : memref<!tpu.dma_semaphore, #tpu.memory_space<semaphore_mem>>) src(%dma_wait3A_644 : memref<391x8xf32, #tpu.memory_space<vmem_shared>>) dst(%arg14 : memref<391x8xf32, #tpu.memory_space<vmem>>)
    %dma_wait3A_645 = arith.constant 0 : i32
    %dma_wait3A_646 = tpu.memref_slice %arg6[%arg0, %add3A_634, %dma_wait3A_645] : memref<2x200192x8xf32, #tpu.memory_space<hbm>> -> memref<1x391x8xf32, #tpu.memory_space<hbm>>
    %dma_wait3A_647 = tpu.memref_squeeze %dma_wait3A_646 : memref<1x391x8xf32, #tpu.memory_space<hbm>> -> memref<391x8xf32, #tpu.memory_space<hbm>>
    %dma_wait3A_648 = arith.constant 0 : i32
    %dma_wait3A_649 = tpu.memref_slice %arg6[%arg0, %add3A_634, %dma_wait3A_648] : memref<2x200192x8xf32, #tpu.memory_space<hbm>> -> memref<1x391x8xf32, #tpu.memory_space<hbm>>
    %dma_wait3A_650 = tpu.memref_squeeze %dma_wait3A_649 : memref<1x391x8xf32, #tpu.memory_space<hbm>> -> memref<391x8xf32, #tpu.memory_space<hbm>>
    tpu.wait_dma2 semaphore(%arg17 : memref<!tpu.dma_semaphore, #tpu.memory_space<semaphore_mem>>) src(%arg13 : memref<391x8xf32, #tpu.memory_space<vmem>>) dst(%dma_wait3A_650 : memref<391x8xf32, #tpu.memory_space<hbm>>)
    %add3A_651 = arith.constant 5474 : i32
    %add3A_652 = arith.addi %mul3A_0, %add3A_651 : i32
    %dma_start3A_653 = arith.constant 0 : i32
    %dma_start3A_654 = tpu.memref_slice %arg15[%add3A_652, %dma_start3A_653] : memref<200192x8xf32, #tpu.memory_space<vmem_shared>> -> memref<391x8xf32, #tpu.memory_space<vmem_shared>>
    %dma_start3A_655 = arith.constant 0 : i32
    %dma_start3A_656 = tpu.memref_slice %arg15[%add3A_652, %dma_start3A_655] : memref<200192x8xf32, #tpu.memory_space<vmem_shared>> -> memref<391x8xf32, #tpu.memory_space<vmem_shared>>
    tpu.enqueue_dma source(%dma_start3A_656 : memref<391x8xf32, #tpu.memory_space<vmem_shared>>) target(%arg13 : memref<391x8xf32, #tpu.memory_space<vmem>>) target_semaphore(%arg16 : memref<!tpu.dma_semaphore, #tpu.memory_space<semaphore_mem>>)
    %add3A_657 = arith.constant 5083 : i32
    %add3A_658 = arith.addi %mul3A_0, %add3A_657 : i32
    %dma_start3A_659 = arith.constant 0 : i32
    %dma_start3A_660 = tpu.memref_slice %arg6[%arg0, %add3A_658, %dma_start3A_659] : memref<2x200192x8xf32, #tpu.memory_space<hbm>> -> memref<1x391x8xf32, #tpu.memory_space<hbm>>
    %dma_start3A_661 = tpu.memref_squeeze %dma_start3A_660 : memref<1x391x8xf32, #tpu.memory_space<hbm>> -> memref<391x8xf32, #tpu.memory_space<hbm>>
    %dma_start3A_662 = arith.constant 0 : i32
    %dma_start3A_663 = tpu.memref_slice %arg6[%arg0, %add3A_658, %dma_start3A_662] : memref<2x200192x8xf32, #tpu.memory_space<hbm>> -> memref<1x391x8xf32, #tpu.memory_space<hbm>>
    %dma_start3A_664 = tpu.memref_squeeze %dma_start3A_663 : memref<1x391x8xf32, #tpu.memory_space<hbm>> -> memref<391x8xf32, #tpu.memory_space<hbm>>
    tpu.enqueue_dma source(%arg14 : memref<391x8xf32, #tpu.memory_space<vmem>>) target(%dma_start3A_664 : memref<391x8xf32, #tpu.memory_space<hbm>>) target_semaphore(%arg17 : memref<!tpu.dma_semaphore, #tpu.memory_space<semaphore_mem>>)
    %dma_wait3A_665 = arith.constant 0 : i32
    %dma_wait3A_666 = tpu.memref_slice %arg15[%add3A_652, %dma_wait3A_665] : memref<200192x8xf32, #tpu.memory_space<vmem_shared>> -> memref<391x8xf32, #tpu.memory_space<vmem_shared>>
    %dma_wait3A_667 = arith.constant 0 : i32
    %dma_wait3A_668 = tpu.memref_slice %arg15[%add3A_652, %dma_wait3A_667] : memref<200192x8xf32, #tpu.memory_space<vmem_shared>> -> memref<391x8xf32, #tpu.memory_space<vmem_shared>>
    tpu.wait_dma2 semaphore(%arg16 : memref<!tpu.dma_semaphore, #tpu.memory_space<semaphore_mem>>) src(%dma_wait3A_668 : memref<391x8xf32, #tpu.memory_space<vmem_shared>>) dst(%arg13 : memref<391x8xf32, #tpu.memory_space<vmem>>)
    %dma_wait3A_669 = arith.constant 0 : i32
    %dma_wait3A_670 = tpu.memref_slice %arg6[%arg0, %add3A_658, %dma_wait3A_669] : memref<2x200192x8xf32, #tpu.memory_space<hbm>> -> memref<1x391x8xf32, #tpu.memory_space<hbm>>
    %dma_wait3A_671 = tpu.memref_squeeze %dma_wait3A_670 : memref<1x391x8xf32, #tpu.memory_space<hbm>> -> memref<391x8xf32, #tpu.memory_space<hbm>>
    %dma_wait3A_672 = arith.constant 0 : i32
    %dma_wait3A_673 = tpu.memref_slice %arg6[%arg0, %add3A_658, %dma_wait3A_672] : memref<2x200192x8xf32, #tpu.memory_space<hbm>> -> memref<1x391x8xf32, #tpu.memory_space<hbm>>
    %dma_wait3A_674 = tpu.memref_squeeze %dma_wait3A_673 : memref<1x391x8xf32, #tpu.memory_space<hbm>> -> memref<391x8xf32, #tpu.memory_space<hbm>>
    tpu.wait_dma2 semaphore(%arg17 : memref<!tpu.dma_semaphore, #tpu.memory_space<semaphore_mem>>) src(%arg14 : memref<391x8xf32, #tpu.memory_space<vmem>>) dst(%dma_wait3A_674 : memref<391x8xf32, #tpu.memory_space<hbm>>)
    %add3A_675 = arith.constant 5865 : i32
    %add3A_676 = arith.addi %mul3A_0, %add3A_675 : i32
    %dma_start3A_677 = arith.constant 0 : i32
    %dma_start3A_678 = tpu.memref_slice %arg15[%add3A_676, %dma_start3A_677] : memref<200192x8xf32, #tpu.memory_space<vmem_shared>> -> memref<391x8xf32, #tpu.memory_space<vmem_shared>>
    %dma_start3A_679 = arith.constant 0 : i32
    %dma_start3A_680 = tpu.memref_slice %arg15[%add3A_676, %dma_start3A_679] : memref<200192x8xf32, #tpu.memory_space<vmem_shared>> -> memref<391x8xf32, #tpu.memory_space<vmem_shared>>
    tpu.enqueue_dma source(%dma_start3A_680 : memref<391x8xf32, #tpu.memory_space<vmem_shared>>) target(%arg14 : memref<391x8xf32, #tpu.memory_space<vmem>>) target_semaphore(%arg16 : memref<!tpu.dma_semaphore, #tpu.memory_space<semaphore_mem>>)
    %add3A_681 = arith.constant 5474 : i32
    %add3A_682 = arith.addi %mul3A_0, %add3A_681 : i32
    %dma_start3A_683 = arith.constant 0 : i32
    %dma_start3A_684 = tpu.memref_slice %arg6[%arg0, %add3A_682, %dma_start3A_683] : memref<2x200192x8xf32, #tpu.memory_space<hbm>> -> memref<1x391x8xf32, #tpu.memory_space<hbm>>
    %dma_start3A_685 = tpu.memref_squeeze %dma_start3A_684 : memref<1x391x8xf32, #tpu.memory_space<hbm>> -> memref<391x8xf32, #tpu.memory_space<hbm>>
    %dma_start3A_686 = arith.constant 0 : i32
    %dma_start3A_687 = tpu.memref_slice %arg6[%arg0, %add3A_682, %dma_start3A_686] : memref<2x200192x8xf32, #tpu.memory_space<hbm>> -> memref<1x391x8xf32, #tpu.memory_space<hbm>>
    %dma_start3A_688 = tpu.memref_squeeze %dma_start3A_687 : memref<1x391x8xf32, #tpu.memory_space<hbm>> -> memref<391x8xf32, #tpu.memory_space<hbm>>
    tpu.enqueue_dma source(%arg13 : memref<391x8xf32, #tpu.memory_space<vmem>>) target(%dma_start3A_688 : memref<391x8xf32, #tpu.memory_space<hbm>>) target_semaphore(%arg17 : memref<!tpu.dma_semaphore, #tpu.memory_space<semaphore_mem>>)
    %dma_wait3A_689 = arith.constant 0 : i32
    %dma_wait3A_690 = tpu.memref_slice %arg15[%add3A_676, %dma_wait3A_689] : memref<200192x8xf32, #tpu.memory_space<vmem_shared>> -> memref<391x8xf32, #tpu.memory_space<vmem_shared>>
    %dma_wait3A_691 = arith.constant 0 : i32
    %dma_wait3A_692 = tpu.memref_slice %arg15[%add3A_676, %dma_wait3A_691] : memref<200192x8xf32, #tpu.memory_space<vmem_shared>> -> memref<391x8xf32, #tpu.memory_space<vmem_shared>>
    tpu.wait_dma2 semaphore(%arg16 : memref<!tpu.dma_semaphore, #tpu.memory_space<semaphore_mem>>) src(%dma_wait3A_692 : memref<391x8xf32, #tpu.memory_space<vmem_shared>>) dst(%arg14 : memref<391x8xf32, #tpu.memory_space<vmem>>)
    %dma_wait3A_693 = arith.constant 0 : i32
    %dma_wait3A_694 = tpu.memref_slice %arg6[%arg0, %add3A_682, %dma_wait3A_693] : memref<2x200192x8xf32, #tpu.memory_space<hbm>> -> memref<1x391x8xf32, #tpu.memory_space<hbm>>
    %dma_wait3A_695 = tpu.memref_squeeze %dma_wait3A_694 : memref<1x391x8xf32, #tpu.memory_space<hbm>> -> memref<391x8xf32, #tpu.memory_space<hbm>>
    %dma_wait3A_696 = arith.constant 0 : i32
    %dma_wait3A_697 = tpu.memref_slice %arg6[%arg0, %add3A_682, %dma_wait3A_696] : memref<2x200192x8xf32, #tpu.memory_space<hbm>> -> memref<1x391x8xf32, #tpu.memory_space<hbm>>
    %dma_wait3A_698 = tpu.memref_squeeze %dma_wait3A_697 : memref<1x391x8xf32, #tpu.memory_space<hbm>> -> memref<391x8xf32, #tpu.memory_space<hbm>>
    tpu.wait_dma2 semaphore(%arg17 : memref<!tpu.dma_semaphore, #tpu.memory_space<semaphore_mem>>) src(%arg13 : memref<391x8xf32, #tpu.memory_space<vmem>>) dst(%dma_wait3A_698 : memref<391x8xf32, #tpu.memory_space<hbm>>)
    %add3A_699 = arith.constant 6256 : i32
    %add3A_700 = arith.addi %mul3A_0, %add3A_699 : i32
    %dma_start3A_701 = arith.constant 0 : i32
    %dma_start3A_702 = tpu.memref_slice %arg15[%add3A_700, %dma_start3A_701] : memref<200192x8xf32, #tpu.memory_space<vmem_shared>> -> memref<391x8xf32, #tpu.memory_space<vmem_shared>>
    %dma_start3A_703 = arith.constant 0 : i32
    %dma_start3A_704 = tpu.memref_slice %arg15[%add3A_700, %dma_start3A_703] : memref<200192x8xf32, #tpu.memory_space<vmem_shared>> -> memref<391x8xf32, #tpu.memory_space<vmem_shared>>
    tpu.enqueue_dma source(%dma_start3A_704 : memref<391x8xf32, #tpu.memory_space<vmem_shared>>) target(%arg13 : memref<391x8xf32, #tpu.memory_space<vmem>>) target_semaphore(%arg16 : memref<!tpu.dma_semaphore, #tpu.memory_space<semaphore_mem>>)
    %add3A_705 = arith.constant 5865 : i32
    %add3A_706 = arith.addi %mul3A_0, %add3A_705 : i32
    %dma_start3A_707 = arith.constant 0 : i32
    %dma_start3A_708 = tpu.memref_slice %arg6[%arg0, %add3A_706, %dma_start3A_707] : memref<2x200192x8xf32, #tpu.memory_space<hbm>> -> memref<1x391x8xf32, #tpu.memory_space<hbm>>
    %dma_start3A_709 = tpu.memref_squeeze %dma_start3A_708 : memref<1x391x8xf32, #tpu.memory_space<hbm>> -> memref<391x8xf32, #tpu.memory_space<hbm>>
    %dma_start3A_710 = arith.constant 0 : i32
    %dma_start3A_711 = tpu.memref_slice %arg6[%arg0, %add3A_706, %dma_start3A_710] : memref<2x200192x8xf32, #tpu.memory_space<hbm>> -> memref<1x391x8xf32, #tpu.memory_space<hbm>>
    %dma_start3A_712 = tpu.memref_squeeze %dma_start3A_711 : memref<1x391x8xf32, #tpu.memory_space<hbm>> -> memref<391x8xf32, #tpu.memory_space<hbm>>
    tpu.enqueue_dma source(%arg14 : memref<391x8xf32, #tpu.memory_space<vmem>>) target(%dma_start3A_712 : memref<391x8xf32, #tpu.memory_space<hbm>>) target_semaphore(%arg17 : memref<!tpu.dma_semaphore, #tpu.memory_space<semaphore_mem>>)
    %dma_wait3A_713 = arith.constant 0 : i32
    %dma_wait3A_714 = tpu.memref_slice %arg15[%add3A_700, %dma_wait3A_713] : memref<200192x8xf32, #tpu.memory_space<vmem_shared>> -> memref<391x8xf32, #tpu.memory_space<vmem_shared>>
    %dma_wait3A_715 = arith.constant 0 : i32
    %dma_wait3A_716 = tpu.memref_slice %arg15[%add3A_700, %dma_wait3A_715] : memref<200192x8xf32, #tpu.memory_space<vmem_shared>> -> memref<391x8xf32, #tpu.memory_space<vmem_shared>>
    tpu.wait_dma2 semaphore(%arg16 : memref<!tpu.dma_semaphore, #tpu.memory_space<semaphore_mem>>) src(%dma_wait3A_716 : memref<391x8xf32, #tpu.memory_space<vmem_shared>>) dst(%arg13 : memref<391x8xf32, #tpu.memory_space<vmem>>)
    %dma_wait3A_717 = arith.constant 0 : i32
    %dma_wait3A_718 = tpu.memref_slice %arg6[%arg0, %add3A_706, %dma_wait3A_717] : memref<2x200192x8xf32, #tpu.memory_space<hbm>> -> memref<1x391x8xf32, #tpu.memory_space<hbm>>
    %dma_wait3A_719 = tpu.memref_squeeze %dma_wait3A_718 : memref<1x391x8xf32, #tpu.memory_space<hbm>> -> memref<391x8xf32, #tpu.memory_space<hbm>>
    %dma_wait3A_720 = arith.constant 0 : i32
    %dma_wait3A_721 = tpu.memref_slice %arg6[%arg0, %add3A_706, %dma_wait3A_720] : memref<2x200192x8xf32, #tpu.memory_space<hbm>> -> memref<1x391x8xf32, #tpu.memory_space<hbm>>
    %dma_wait3A_722 = tpu.memref_squeeze %dma_wait3A_721 : memref<1x391x8xf32, #tpu.memory_space<hbm>> -> memref<391x8xf32, #tpu.memory_space<hbm>>
    tpu.wait_dma2 semaphore(%arg17 : memref<!tpu.dma_semaphore, #tpu.memory_space<semaphore_mem>>) src(%arg14 : memref<391x8xf32, #tpu.memory_space<vmem>>) dst(%dma_wait3A_722 : memref<391x8xf32, #tpu.memory_space<hbm>>)
    %add3A_723 = arith.constant 6647 : i32
    %add3A_724 = arith.addi %mul3A_0, %add3A_723 : i32
    %dma_start3A_725 = arith.constant 0 : i32
    %dma_start3A_726 = tpu.memref_slice %arg15[%add3A_724, %dma_start3A_725] : memref<200192x8xf32, #tpu.memory_space<vmem_shared>> -> memref<391x8xf32, #tpu.memory_space<vmem_shared>>
    %dma_start3A_727 = arith.constant 0 : i32
    %dma_start3A_728 = tpu.memref_slice %arg15[%add3A_724, %dma_start3A_727] : memref<200192x8xf32, #tpu.memory_space<vmem_shared>> -> memref<391x8xf32, #tpu.memory_space<vmem_shared>>
    tpu.enqueue_dma source(%dma_start3A_728 : memref<391x8xf32, #tpu.memory_space<vmem_shared>>) target(%arg14 : memref<391x8xf32, #tpu.memory_space<vmem>>) target_semaphore(%arg16 : memref<!tpu.dma_semaphore, #tpu.memory_space<semaphore_mem>>)
    %add3A_729 = arith.constant 6256 : i32
    %add3A_730 = arith.addi %mul3A_0, %add3A_729 : i32
    %dma_start3A_731 = arith.constant 0 : i32
    %dma_start3A_732 = tpu.memref_slice %arg6[%arg0, %add3A_730, %dma_start3A_731] : memref<2x200192x8xf32, #tpu.memory_space<hbm>> -> memref<1x391x8xf32, #tpu.memory_space<hbm>>
    %dma_start3A_733 = tpu.memref_squeeze %dma_start3A_732 : memref<1x391x8xf32, #tpu.memory_space<hbm>> -> memref<391x8xf32, #tpu.memory_space<hbm>>
    %dma_start3A_734 = arith.constant 0 : i32
    %dma_start3A_735 = tpu.memref_slice %arg6[%arg0, %add3A_730, %dma_start3A_734] : memref<2x200192x8xf32, #tpu.memory_space<hbm>> -> memref<1x391x8xf32, #tpu.memory_space<hbm>>
    %dma_start3A_736 = tpu.memref_squeeze %dma_start3A_735 : memref<1x391x8xf32, #tpu.memory_space<hbm>> -> memref<391x8xf32, #tpu.memory_space<hbm>>
    tpu.enqueue_dma source(%arg13 : memref<391x8xf32, #tpu.memory_space<vmem>>) target(%dma_start3A_736 : memref<391x8xf32, #tpu.memory_space<hbm>>) target_semaphore(%arg17 : memref<!tpu.dma_semaphore, #tpu.memory_space<semaphore_mem>>)
    %dma_wait3A_737 = arith.constant 0 : i32
    %dma_wait3A_738 = tpu.memref_slice %arg15[%add3A_724, %dma_wait3A_737] : memref<200192x8xf32, #tpu.memory_space<vmem_shared>> -> memref<391x8xf32, #tpu.memory_space<vmem_shared>>
    %dma_wait3A_739 = arith.constant 0 : i32
    %dma_wait3A_740 = tpu.memref_slice %arg15[%add3A_724, %dma_wait3A_739] : memref<200192x8xf32, #tpu.memory_space<vmem_shared>> -> memref<391x8xf32, #tpu.memory_space<vmem_shared>>
    tpu.wait_dma2 semaphore(%arg16 : memref<!tpu.dma_semaphore, #tpu.memory_space<semaphore_mem>>) src(%dma_wait3A_740 : memref<391x8xf32, #tpu.memory_space<vmem_shared>>) dst(%arg14 : memref<391x8xf32, #tpu.memory_space<vmem>>)
    %dma_wait3A_741 = arith.constant 0 : i32
    %dma_wait3A_742 = tpu.memref_slice %arg6[%arg0, %add3A_730, %dma_wait3A_741] : memref<2x200192x8xf32, #tpu.memory_space<hbm>> -> memref<1x391x8xf32, #tpu.memory_space<hbm>>
    %dma_wait3A_743 = tpu.memref_squeeze %dma_wait3A_742 : memref<1x391x8xf32, #tpu.memory_space<hbm>> -> memref<391x8xf32, #tpu.memory_space<hbm>>
    %dma_wait3A_744 = arith.constant 0 : i32
    %dma_wait3A_745 = tpu.memref_slice %arg6[%arg0, %add3A_730, %dma_wait3A_744] : memref<2x200192x8xf32, #tpu.memory_space<hbm>> -> memref<1x391x8xf32, #tpu.memory_space<hbm>>
    %dma_wait3A_746 = tpu.memref_squeeze %dma_wait3A_745 : memref<1x391x8xf32, #tpu.memory_space<hbm>> -> memref<391x8xf32, #tpu.memory_space<hbm>>
    tpu.wait_dma2 semaphore(%arg17 : memref<!tpu.dma_semaphore, #tpu.memory_space<semaphore_mem>>) src(%arg13 : memref<391x8xf32, #tpu.memory_space<vmem>>) dst(%dma_wait3A_746 : memref<391x8xf32, #tpu.memory_space<hbm>>)
    %add3A_747 = arith.constant 7038 : i32
    %add3A_748 = arith.addi %mul3A_0, %add3A_747 : i32
    %dma_start3A_749 = arith.constant 0 : i32
    %dma_start3A_750 = tpu.memref_slice %arg15[%add3A_748, %dma_start3A_749] : memref<200192x8xf32, #tpu.memory_space<vmem_shared>> -> memref<391x8xf32, #tpu.memory_space<vmem_shared>>
    %dma_start3A_751 = arith.constant 0 : i32
    %dma_start3A_752 = tpu.memref_slice %arg15[%add3A_748, %dma_start3A_751] : memref<200192x8xf32, #tpu.memory_space<vmem_shared>> -> memref<391x8xf32, #tpu.memory_space<vmem_shared>>
    tpu.enqueue_dma source(%dma_start3A_752 : memref<391x8xf32, #tpu.memory_space<vmem_shared>>) target(%arg13 : memref<391x8xf32, #tpu.memory_space<vmem>>) target_semaphore(%arg16 : memref<!tpu.dma_semaphore, #tpu.memory_space<semaphore_mem>>)
    %add3A_753 = arith.constant 6647 : i32
    %add3A_754 = arith.addi %mul3A_0, %add3A_753 : i32
    %dma_start3A_755 = arith.constant 0 : i32
    %dma_start3A_756 = tpu.memref_slice %arg6[%arg0, %add3A_754, %dma_start3A_755] : memref<2x200192x8xf32, #tpu.memory_space<hbm>> -> memref<1x391x8xf32, #tpu.memory_space<hbm>>
    %dma_start3A_757 = tpu.memref_squeeze %dma_start3A_756 : memref<1x391x8xf32, #tpu.memory_space<hbm>> -> memref<391x8xf32, #tpu.memory_space<hbm>>
    %dma_start3A_758 = arith.constant 0 : i32
    %dma_start3A_759 = tpu.memref_slice %arg6[%arg0, %add3A_754, %dma_start3A_758] : memref<2x200192x8xf32, #tpu.memory_space<hbm>> -> memref<1x391x8xf32, #tpu.memory_space<hbm>>
    %dma_start3A_760 = tpu.memref_squeeze %dma_start3A_759 : memref<1x391x8xf32, #tpu.memory_space<hbm>> -> memref<391x8xf32, #tpu.memory_space<hbm>>
    tpu.enqueue_dma source(%arg14 : memref<391x8xf32, #tpu.memory_space<vmem>>) target(%dma_start3A_760 : memref<391x8xf32, #tpu.memory_space<hbm>>) target_semaphore(%arg17 : memref<!tpu.dma_semaphore, #tpu.memory_space<semaphore_mem>>)
    %dma_wait3A_761 = arith.constant 0 : i32
    %dma_wait3A_762 = tpu.memref_slice %arg15[%add3A_748, %dma_wait3A_761] : memref<200192x8xf32, #tpu.memory_space<vmem_shared>> -> memref<391x8xf32, #tpu.memory_space<vmem_shared>>
    %dma_wait3A_763 = arith.constant 0 : i32
    %dma_wait3A_764 = tpu.memref_slice %arg15[%add3A_748, %dma_wait3A_763] : memref<200192x8xf32, #tpu.memory_space<vmem_shared>> -> memref<391x8xf32, #tpu.memory_space<vmem_shared>>
    tpu.wait_dma2 semaphore(%arg16 : memref<!tpu.dma_semaphore, #tpu.memory_space<semaphore_mem>>) src(%dma_wait3A_764 : memref<391x8xf32, #tpu.memory_space<vmem_shared>>) dst(%arg13 : memref<391x8xf32, #tpu.memory_space<vmem>>)
    %dma_wait3A_765 = arith.constant 0 : i32
    %dma_wait3A_766 = tpu.memref_slice %arg6[%arg0, %add3A_754, %dma_wait3A_765] : memref<2x200192x8xf32, #tpu.memory_space<hbm>> -> memref<1x391x8xf32, #tpu.memory_space<hbm>>
    %dma_wait3A_767 = tpu.memref_squeeze %dma_wait3A_766 : memref<1x391x8xf32, #tpu.memory_space<hbm>> -> memref<391x8xf32, #tpu.memory_space<hbm>>
    %dma_wait3A_768 = arith.constant 0 : i32
    %dma_wait3A_769 = tpu.memref_slice %arg6[%arg0, %add3A_754, %dma_wait3A_768] : memref<2x200192x8xf32, #tpu.memory_space<hbm>> -> memref<1x391x8xf32, #tpu.memory_space<hbm>>
    %dma_wait3A_770 = tpu.memref_squeeze %dma_wait3A_769 : memref<1x391x8xf32, #tpu.memory_space<hbm>> -> memref<391x8xf32, #tpu.memory_space<hbm>>
    tpu.wait_dma2 semaphore(%arg17 : memref<!tpu.dma_semaphore, #tpu.memory_space<semaphore_mem>>) src(%arg14 : memref<391x8xf32, #tpu.memory_space<vmem>>) dst(%dma_wait3A_770 : memref<391x8xf32, #tpu.memory_space<hbm>>)
    %add3A_771 = arith.constant 7429 : i32
    %add3A_772 = arith.addi %mul3A_0, %add3A_771 : i32
    %dma_start3A_773 = arith.constant 0 : i32
    %dma_start3A_774 = tpu.memref_slice %arg15[%add3A_772, %dma_start3A_773] : memref<200192x8xf32, #tpu.memory_space<vmem_shared>> -> memref<391x8xf32, #tpu.memory_space<vmem_shared>>
    %dma_start3A_775 = arith.constant 0 : i32
    %dma_start3A_776 = tpu.memref_slice %arg15[%add3A_772, %dma_start3A_775] : memref<200192x8xf32, #tpu.memory_space<vmem_shared>> -> memref<391x8xf32, #tpu.memory_space<vmem_shared>>
    tpu.enqueue_dma source(%dma_start3A_776 : memref<391x8xf32, #tpu.memory_space<vmem_shared>>) target(%arg14 : memref<391x8xf32, #tpu.memory_space<vmem>>) target_semaphore(%arg16 : memref<!tpu.dma_semaphore, #tpu.memory_space<semaphore_mem>>)
    %add3A_777 = arith.constant 7038 : i32
    %add3A_778 = arith.addi %mul3A_0, %add3A_777 : i32
    %dma_start3A_779 = arith.constant 0 : i32
    %dma_start3A_780 = tpu.memref_slice %arg6[%arg0, %add3A_778, %dma_start3A_779] : memref<2x200192x8xf32, #tpu.memory_space<hbm>> -> memref<1x391x8xf32, #tpu.memory_space<hbm>>
    %dma_start3A_781 = tpu.memref_squeeze %dma_start3A_780 : memref<1x391x8xf32, #tpu.memory_space<hbm>> -> memref<391x8xf32, #tpu.memory_space<hbm>>
    %dma_start3A_782 = arith.constant 0 : i32
    %dma_start3A_783 = tpu.memref_slice %arg6[%arg0, %add3A_778, %dma_start3A_782] : memref<2x200192x8xf32, #tpu.memory_space<hbm>> -> memref<1x391x8xf32, #tpu.memory_space<hbm>>
    %dma_start3A_784 = tpu.memref_squeeze %dma_start3A_783 : memref<1x391x8xf32, #tpu.memory_space<hbm>> -> memref<391x8xf32, #tpu.memory_space<hbm>>
    tpu.enqueue_dma source(%arg13 : memref<391x8xf32, #tpu.memory_space<vmem>>) target(%dma_start3A_784 : memref<391x8xf32, #tpu.memory_space<hbm>>) target_semaphore(%arg17 : memref<!tpu.dma_semaphore, #tpu.memory_space<semaphore_mem>>)
    %dma_wait3A_785 = arith.constant 0 : i32
    %dma_wait3A_786 = tpu.memref_slice %arg15[%add3A_772, %dma_wait3A_785] : memref<200192x8xf32, #tpu.memory_space<vmem_shared>> -> memref<391x8xf32, #tpu.memory_space<vmem_shared>>
    %dma_wait3A_787 = arith.constant 0 : i32
    %dma_wait3A_788 = tpu.memref_slice %arg15[%add3A_772, %dma_wait3A_787] : memref<200192x8xf32, #tpu.memory_space<vmem_shared>> -> memref<391x8xf32, #tpu.memory_space<vmem_shared>>
    tpu.wait_dma2 semaphore(%arg16 : memref<!tpu.dma_semaphore, #tpu.memory_space<semaphore_mem>>) src(%dma_wait3A_788 : memref<391x8xf32, #tpu.memory_space<vmem_shared>>) dst(%arg14 : memref<391x8xf32, #tpu.memory_space<vmem>>)
    %dma_wait3A_789 = arith.constant 0 : i32
    %dma_wait3A_790 = tpu.memref_slice %arg6[%arg0, %add3A_778, %dma_wait3A_789] : memref<2x200192x8xf32, #tpu.memory_space<hbm>> -> memref<1x391x8xf32, #tpu.memory_space<hbm>>
    %dma_wait3A_791 = tpu.memref_squeeze %dma_wait3A_790 : memref<1x391x8xf32, #tpu.memory_space<hbm>> -> memref<391x8xf32, #tpu.memory_space<hbm>>
    %dma_wait3A_792 = arith.constant 0 : i32
    %dma_wait3A_793 = tpu.memref_slice %arg6[%arg0, %add3A_778, %dma_wait3A_792] : memref<2x200192x8xf32, #tpu.memory_space<hbm>> -> memref<1x391x8xf32, #tpu.memory_space<hbm>>
    %dma_wait3A_794 = tpu.memref_squeeze %dma_wait3A_793 : memref<1x391x8xf32, #tpu.memory_space<hbm>> -> memref<391x8xf32, #tpu.memory_space<hbm>>
    tpu.wait_dma2 semaphore(%arg17 : memref<!tpu.dma_semaphore, #tpu.memory_space<semaphore_mem>>) src(%arg13 : memref<391x8xf32, #tpu.memory_space<vmem>>) dst(%dma_wait3A_794 : memref<391x8xf32, #tpu.memory_space<hbm>>)
    %add3A_795 = arith.constant 7820 : i32
    %add3A_796 = arith.addi %mul3A_0, %add3A_795 : i32
    %dma_start3A_797 = arith.constant 0 : i32
    %dma_start3A_798 = tpu.memref_slice %arg15[%add3A_796, %dma_start3A_797] : memref<200192x8xf32, #tpu.memory_space<vmem_shared>> -> memref<391x8xf32, #tpu.memory_space<vmem_shared>>
    %dma_start3A_799 = arith.constant 0 : i32
    %dma_start3A_800 = tpu.memref_slice %arg15[%add3A_796, %dma_start3A_799] : memref<200192x8xf32, #tpu.memory_space<vmem_shared>> -> memref<391x8xf32, #tpu.memory_space<vmem_shared>>
    tpu.enqueue_dma source(%dma_start3A_800 : memref<391x8xf32, #tpu.memory_space<vmem_shared>>) target(%arg13 : memref<391x8xf32, #tpu.memory_space<vmem>>) target_semaphore(%arg16 : memref<!tpu.dma_semaphore, #tpu.memory_space<semaphore_mem>>)
    %add3A_801 = arith.constant 7429 : i32
    %add3A_802 = arith.addi %mul3A_0, %add3A_801 : i32
    %dma_start3A_803 = arith.constant 0 : i32
    %dma_start3A_804 = tpu.memref_slice %arg6[%arg0, %add3A_802, %dma_start3A_803] : memref<2x200192x8xf32, #tpu.memory_space<hbm>> -> memref<1x391x8xf32, #tpu.memory_space<hbm>>
    %dma_start3A_805 = tpu.memref_squeeze %dma_start3A_804 : memref<1x391x8xf32, #tpu.memory_space<hbm>> -> memref<391x8xf32, #tpu.memory_space<hbm>>
    %dma_start3A_806 = arith.constant 0 : i32
    %dma_start3A_807 = tpu.memref_slice %arg6[%arg0, %add3A_802, %dma_start3A_806] : memref<2x200192x8xf32, #tpu.memory_space<hbm>> -> memref<1x391x8xf32, #tpu.memory_space<hbm>>
    %dma_start3A_808 = tpu.memref_squeeze %dma_start3A_807 : memref<1x391x8xf32, #tpu.memory_space<hbm>> -> memref<391x8xf32, #tpu.memory_space<hbm>>
    tpu.enqueue_dma source(%arg14 : memref<391x8xf32, #tpu.memory_space<vmem>>) target(%dma_start3A_808 : memref<391x8xf32, #tpu.memory_space<hbm>>) target_semaphore(%arg17 : memref<!tpu.dma_semaphore, #tpu.memory_space<semaphore_mem>>)
    %dma_wait3A_809 = arith.constant 0 : i32
    %dma_wait3A_810 = tpu.memref_slice %arg15[%add3A_796, %dma_wait3A_809] : memref<200192x8xf32, #tpu.memory_space<vmem_shared>> -> memref<391x8xf32, #tpu.memory_space<vmem_shared>>
    %dma_wait3A_811 = arith.constant 0 : i32
    %dma_wait3A_812 = tpu.memref_slice %arg15[%add3A_796, %dma_wait3A_811] : memref<200192x8xf32, #tpu.memory_space<vmem_shared>> -> memref<391x8xf32, #tpu.memory_space<vmem_shared>>
    tpu.wait_dma2 semaphore(%arg16 : memref<!tpu.dma_semaphore, #tpu.memory_space<semaphore_mem>>) src(%dma_wait3A_812 : memref<391x8xf32, #tpu.memory_space<vmem_shared>>) dst(%arg13 : memref<391x8xf32, #tpu.memory_space<vmem>>)
    %dma_wait3A_813 = arith.constant 0 : i32
    %dma_wait3A_814 = tpu.memref_slice %arg6[%arg0, %add3A_802, %dma_wait3A_813] : memref<2x200192x8xf32, #tpu.memory_space<hbm>> -> memref<1x391x8xf32, #tpu.memory_space<hbm>>
    %dma_wait3A_815 = tpu.memref_squeeze %dma_wait3A_814 : memref<1x391x8xf32, #tpu.memory_space<hbm>> -> memref<391x8xf32, #tpu.memory_space<hbm>>
    %dma_wait3A_816 = arith.constant 0 : i32
    %dma_wait3A_817 = tpu.memref_slice %arg6[%arg0, %add3A_802, %dma_wait3A_816] : memref<2x200192x8xf32, #tpu.memory_space<hbm>> -> memref<1x391x8xf32, #tpu.memory_space<hbm>>
    %dma_wait3A_818 = tpu.memref_squeeze %dma_wait3A_817 : memref<1x391x8xf32, #tpu.memory_space<hbm>> -> memref<391x8xf32, #tpu.memory_space<hbm>>
    tpu.wait_dma2 semaphore(%arg17 : memref<!tpu.dma_semaphore, #tpu.memory_space<semaphore_mem>>) src(%arg14 : memref<391x8xf32, #tpu.memory_space<vmem>>) dst(%dma_wait3A_818 : memref<391x8xf32, #tpu.memory_space<hbm>>)
    %add3A_819 = arith.constant 8211 : i32
    %add3A_820 = arith.addi %mul3A_0, %add3A_819 : i32
    %dma_start3A_821 = arith.constant 0 : i32
    %dma_start3A_822 = tpu.memref_slice %arg15[%add3A_820, %dma_start3A_821] : memref<200192x8xf32, #tpu.memory_space<vmem_shared>> -> memref<391x8xf32, #tpu.memory_space<vmem_shared>>
    %dma_start3A_823 = arith.constant 0 : i32
    %dma_start3A_824 = tpu.memref_slice %arg15[%add3A_820, %dma_start3A_823] : memref<200192x8xf32, #tpu.memory_space<vmem_shared>> -> memref<391x8xf32, #tpu.memory_space<vmem_shared>>
    tpu.enqueue_dma source(%dma_start3A_824 : memref<391x8xf32, #tpu.memory_space<vmem_shared>>) target(%arg14 : memref<391x8xf32, #tpu.memory_space<vmem>>) target_semaphore(%arg16 : memref<!tpu.dma_semaphore, #tpu.memory_space<semaphore_mem>>)
    %add3A_825 = arith.constant 7820 : i32
    %add3A_826 = arith.addi %mul3A_0, %add3A_825 : i32
    %dma_start3A_827 = arith.constant 0 : i32
    %dma_start3A_828 = tpu.memref_slice %arg6[%arg0, %add3A_826, %dma_start3A_827] : memref<2x200192x8xf32, #tpu.memory_space<hbm>> -> memref<1x391x8xf32, #tpu.memory_space<hbm>>
    %dma_start3A_829 = tpu.memref_squeeze %dma_start3A_828 : memref<1x391x8xf32, #tpu.memory_space<hbm>> -> memref<391x8xf32, #tpu.memory_space<hbm>>
    %dma_start3A_830 = arith.constant 0 : i32
    %dma_start3A_831 = tpu.memref_slice %arg6[%arg0, %add3A_826, %dma_start3A_830] : memref<2x200192x8xf32, #tpu.memory_space<hbm>> -> memref<1x391x8xf32, #tpu.memory_space<hbm>>
    %dma_start3A_832 = tpu.memref_squeeze %dma_start3A_831 : memref<1x391x8xf32, #tpu.memory_space<hbm>> -> memref<391x8xf32, #tpu.memory_space<hbm>>
    tpu.enqueue_dma source(%arg13 : memref<391x8xf32, #tpu.memory_space<vmem>>) target(%dma_start3A_832 : memref<391x8xf32, #tpu.memory_space<hbm>>) target_semaphore(%arg17 : memref<!tpu.dma_semaphore, #tpu.memory_space<semaphore_mem>>)
    %dma_wait3A_833 = arith.constant 0 : i32
    %dma_wait3A_834 = tpu.memref_slice %arg15[%add3A_820, %dma_wait3A_833] : memref<200192x8xf32, #tpu.memory_space<vmem_shared>> -> memref<391x8xf32, #tpu.memory_space<vmem_shared>>
    %dma_wait3A_835 = arith.constant 0 : i32
    %dma_wait3A_836 = tpu.memref_slice %arg15[%add3A_820, %dma_wait3A_835] : memref<200192x8xf32, #tpu.memory_space<vmem_shared>> -> memref<391x8xf32, #tpu.memory_space<vmem_shared>>
    tpu.wait_dma2 semaphore(%arg16 : memref<!tpu.dma_semaphore, #tpu.memory_space<semaphore_mem>>) src(%dma_wait3A_836 : memref<391x8xf32, #tpu.memory_space<vmem_shared>>) dst(%arg14 : memref<391x8xf32, #tpu.memory_space<vmem>>)
    %dma_wait3A_837 = arith.constant 0 : i32
    %dma_wait3A_838 = tpu.memref_slice %arg6[%arg0, %add3A_826, %dma_wait3A_837] : memref<2x200192x8xf32, #tpu.memory_space<hbm>> -> memref<1x391x8xf32, #tpu.memory_space<hbm>>
    %dma_wait3A_839 = tpu.memref_squeeze %dma_wait3A_838 : memref<1x391x8xf32, #tpu.memory_space<hbm>> -> memref<391x8xf32, #tpu.memory_space<hbm>>
    %dma_wait3A_840 = arith.constant 0 : i32
    %dma_wait3A_841 = tpu.memref_slice %arg6[%arg0, %add3A_826, %dma_wait3A_840] : memref<2x200192x8xf32, #tpu.memory_space<hbm>> -> memref<1x391x8xf32, #tpu.memory_space<hbm>>
    %dma_wait3A_842 = tpu.memref_squeeze %dma_wait3A_841 : memref<1x391x8xf32, #tpu.memory_space<hbm>> -> memref<391x8xf32, #tpu.memory_space<hbm>>
    tpu.wait_dma2 semaphore(%arg17 : memref<!tpu.dma_semaphore, #tpu.memory_space<semaphore_mem>>) src(%arg13 : memref<391x8xf32, #tpu.memory_space<vmem>>) dst(%dma_wait3A_842 : memref<391x8xf32, #tpu.memory_space<hbm>>)
    %add3A_843 = arith.constant 8602 : i32
    %add3A_844 = arith.addi %mul3A_0, %add3A_843 : i32
    %dma_start3A_845 = arith.constant 0 : i32
    %dma_start3A_846 = tpu.memref_slice %arg15[%add3A_844, %dma_start3A_845] : memref<200192x8xf32, #tpu.memory_space<vmem_shared>> -> memref<391x8xf32, #tpu.memory_space<vmem_shared>>
    %dma_start3A_847 = arith.constant 0 : i32
    %dma_start3A_848 = tpu.memref_slice %arg15[%add3A_844, %dma_start3A_847] : memref<200192x8xf32, #tpu.memory_space<vmem_shared>> -> memref<391x8xf32, #tpu.memory_space<vmem_shared>>
    tpu.enqueue_dma source(%dma_start3A_848 : memref<391x8xf32, #tpu.memory_space<vmem_shared>>) target(%arg13 : memref<391x8xf32, #tpu.memory_space<vmem>>) target_semaphore(%arg16 : memref<!tpu.dma_semaphore, #tpu.memory_space<semaphore_mem>>)
    %add3A_849 = arith.constant 8211 : i32
    %add3A_850 = arith.addi %mul3A_0, %add3A_849 : i32
    %dma_start3A_851 = arith.constant 0 : i32
    %dma_start3A_852 = tpu.memref_slice %arg6[%arg0, %add3A_850, %dma_start3A_851] : memref<2x200192x8xf32, #tpu.memory_space<hbm>> -> memref<1x391x8xf32, #tpu.memory_space<hbm>>
    %dma_start3A_853 = tpu.memref_squeeze %dma_start3A_852 : memref<1x391x8xf32, #tpu.memory_space<hbm>> -> memref<391x8xf32, #tpu.memory_space<hbm>>
    %dma_start3A_854 = arith.constant 0 : i32
    %dma_start3A_855 = tpu.memref_slice %arg6[%arg0, %add3A_850, %dma_start3A_854] : memref<2x200192x8xf32, #tpu.memory_space<hbm>> -> memref<1x391x8xf32, #tpu.memory_space<hbm>>
    %dma_start3A_856 = tpu.memref_squeeze %dma_start3A_855 : memref<1x391x8xf32, #tpu.memory_space<hbm>> -> memref<391x8xf32, #tpu.memory_space<hbm>>
    tpu.enqueue_dma source(%arg14 : memref<391x8xf32, #tpu.memory_space<vmem>>) target(%dma_start3A_856 : memref<391x8xf32, #tpu.memory_space<hbm>>) target_semaphore(%arg17 : memref<!tpu.dma_semaphore, #tpu.memory_space<semaphore_mem>>)
    %dma_wait3A_857 = arith.constant 0 : i32
    %dma_wait3A_858 = tpu.memref_slice %arg15[%add3A_844, %dma_wait3A_857] : memref<200192x8xf32, #tpu.memory_space<vmem_shared>> -> memref<391x8xf32, #tpu.memory_space<vmem_shared>>
    %dma_wait3A_859 = arith.constant 0 : i32
    %dma_wait3A_860 = tpu.memref_slice %arg15[%add3A_844, %dma_wait3A_859] : memref<200192x8xf32, #tpu.memory_space<vmem_shared>> -> memref<391x8xf32, #tpu.memory_space<vmem_shared>>
    tpu.wait_dma2 semaphore(%arg16 : memref<!tpu.dma_semaphore, #tpu.memory_space<semaphore_mem>>) src(%dma_wait3A_860 : memref<391x8xf32, #tpu.memory_space<vmem_shared>>) dst(%arg13 : memref<391x8xf32, #tpu.memory_space<vmem>>)
    %dma_wait3A_861 = arith.constant 0 : i32
    %dma_wait3A_862 = tpu.memref_slice %arg6[%arg0, %add3A_850, %dma_wait3A_861] : memref<2x200192x8xf32, #tpu.memory_space<hbm>> -> memref<1x391x8xf32, #tpu.memory_space<hbm>>
    %dma_wait3A_863 = tpu.memref_squeeze %dma_wait3A_862 : memref<1x391x8xf32, #tpu.memory_space<hbm>> -> memref<391x8xf32, #tpu.memory_space<hbm>>
    %dma_wait3A_864 = arith.constant 0 : i32
    %dma_wait3A_865 = tpu.memref_slice %arg6[%arg0, %add3A_850, %dma_wait3A_864] : memref<2x200192x8xf32, #tpu.memory_space<hbm>> -> memref<1x391x8xf32, #tpu.memory_space<hbm>>
    %dma_wait3A_866 = tpu.memref_squeeze %dma_wait3A_865 : memref<1x391x8xf32, #tpu.memory_space<hbm>> -> memref<391x8xf32, #tpu.memory_space<hbm>>
    tpu.wait_dma2 semaphore(%arg17 : memref<!tpu.dma_semaphore, #tpu.memory_space<semaphore_mem>>) src(%arg14 : memref<391x8xf32, #tpu.memory_space<vmem>>) dst(%dma_wait3A_866 : memref<391x8xf32, #tpu.memory_space<hbm>>)
    %add3A_867 = arith.constant 8993 : i32
    %add3A_868 = arith.addi %mul3A_0, %add3A_867 : i32
    %dma_start3A_869 = arith.constant 0 : i32
    %dma_start3A_870 = tpu.memref_slice %arg15[%add3A_868, %dma_start3A_869] : memref<200192x8xf32, #tpu.memory_space<vmem_shared>> -> memref<391x8xf32, #tpu.memory_space<vmem_shared>>
    %dma_start3A_871 = arith.constant 0 : i32
    %dma_start3A_872 = tpu.memref_slice %arg15[%add3A_868, %dma_start3A_871] : memref<200192x8xf32, #tpu.memory_space<vmem_shared>> -> memref<391x8xf32, #tpu.memory_space<vmem_shared>>
    tpu.enqueue_dma source(%dma_start3A_872 : memref<391x8xf32, #tpu.memory_space<vmem_shared>>) target(%arg14 : memref<391x8xf32, #tpu.memory_space<vmem>>) target_semaphore(%arg16 : memref<!tpu.dma_semaphore, #tpu.memory_space<semaphore_mem>>)
    %add3A_873 = arith.constant 8602 : i32
    %add3A_874 = arith.addi %mul3A_0, %add3A_873 : i32
    %dma_start3A_875 = arith.constant 0 : i32
    %dma_start3A_876 = tpu.memref_slice %arg6[%arg0, %add3A_874, %dma_start3A_875] : memref<2x200192x8xf32, #tpu.memory_space<hbm>> -> memref<1x391x8xf32, #tpu.memory_space<hbm>>
    %dma_start3A_877 = tpu.memref_squeeze %dma_start3A_876 : memref<1x391x8xf32, #tpu.memory_space<hbm>> -> memref<391x8xf32, #tpu.memory_space<hbm>>
    %dma_start3A_878 = arith.constant 0 : i32
    %dma_start3A_879 = tpu.memref_slice %arg6[%arg0, %add3A_874, %dma_start3A_878] : memref<2x200192x8xf32, #tpu.memory_space<hbm>> -> memref<1x391x8xf32, #tpu.memory_space<hbm>>
    %dma_start3A_880 = tpu.memref_squeeze %dma_start3A_879 : memref<1x391x8xf32, #tpu.memory_space<hbm>> -> memref<391x8xf32, #tpu.memory_space<hbm>>
    tpu.enqueue_dma source(%arg13 : memref<391x8xf32, #tpu.memory_space<vmem>>) target(%dma_start3A_880 : memref<391x8xf32, #tpu.memory_space<hbm>>) target_semaphore(%arg17 : memref<!tpu.dma_semaphore, #tpu.memory_space<semaphore_mem>>)
    %dma_wait3A_881 = arith.constant 0 : i32
    %dma_wait3A_882 = tpu.memref_slice %arg15[%add3A_868, %dma_wait3A_881] : memref<200192x8xf32, #tpu.memory_space<vmem_shared>> -> memref<391x8xf32, #tpu.memory_space<vmem_shared>>
    %dma_wait3A_883 = arith.constant 0 : i32
    %dma_wait3A_884 = tpu.memref_slice %arg15[%add3A_868, %dma_wait3A_883] : memref<200192x8xf32, #tpu.memory_space<vmem_shared>> -> memref<391x8xf32, #tpu.memory_space<vmem_shared>>
    tpu.wait_dma2 semaphore(%arg16 : memref<!tpu.dma_semaphore, #tpu.memory_space<semaphore_mem>>) src(%dma_wait3A_884 : memref<391x8xf32, #tpu.memory_space<vmem_shared>>) dst(%arg14 : memref<391x8xf32, #tpu.memory_space<vmem>>)
    %dma_wait3A_885 = arith.constant 0 : i32
    %dma_wait3A_886 = tpu.memref_slice %arg6[%arg0, %add3A_874, %dma_wait3A_885] : memref<2x200192x8xf32, #tpu.memory_space<hbm>> -> memref<1x391x8xf32, #tpu.memory_space<hbm>>
    %dma_wait3A_887 = tpu.memref_squeeze %dma_wait3A_886 : memref<1x391x8xf32, #tpu.memory_space<hbm>> -> memref<391x8xf32, #tpu.memory_space<hbm>>
    %dma_wait3A_888 = arith.constant 0 : i32
    %dma_wait3A_889 = tpu.memref_slice %arg6[%arg0, %add3A_874, %dma_wait3A_888] : memref<2x200192x8xf32, #tpu.memory_space<hbm>> -> memref<1x391x8xf32, #tpu.memory_space<hbm>>
    %dma_wait3A_890 = tpu.memref_squeeze %dma_wait3A_889 : memref<1x391x8xf32, #tpu.memory_space<hbm>> -> memref<391x8xf32, #tpu.memory_space<hbm>>
    tpu.wait_dma2 semaphore(%arg17 : memref<!tpu.dma_semaphore, #tpu.memory_space<semaphore_mem>>) src(%arg13 : memref<391x8xf32, #tpu.memory_space<vmem>>) dst(%dma_wait3A_890 : memref<391x8xf32, #tpu.memory_space<hbm>>)
    %add3A_891 = arith.constant 9384 : i32
    %add3A_892 = arith.addi %mul3A_0, %add3A_891 : i32
    %dma_start3A_893 = arith.constant 0 : i32
    %dma_start3A_894 = tpu.memref_slice %arg15[%add3A_892, %dma_start3A_893] : memref<200192x8xf32, #tpu.memory_space<vmem_shared>> -> memref<391x8xf32, #tpu.memory_space<vmem_shared>>
    %dma_start3A_895 = arith.constant 0 : i32
    %dma_start3A_896 = tpu.memref_slice %arg15[%add3A_892, %dma_start3A_895] : memref<200192x8xf32, #tpu.memory_space<vmem_shared>> -> memref<391x8xf32, #tpu.memory_space<vmem_shared>>
    tpu.enqueue_dma source(%dma_start3A_896 : memref<391x8xf32, #tpu.memory_space<vmem_shared>>) target(%arg13 : memref<391x8xf32, #tpu.memory_space<vmem>>) target_semaphore(%arg16 : memref<!tpu.dma_semaphore, #tpu.memory_space<semaphore_mem>>)
    %add3A_897 = arith.constant 8993 : i32
    %add3A_898 = arith.addi %mul3A_0, %add3A_897 : i32
    %dma_start3A_899 = arith.constant 0 : i32
    %dma_start3A_900 = tpu.memref_slice %arg6[%arg0, %add3A_898, %dma_start3A_899] : memref<2x200192x8xf32, #tpu.memory_space<hbm>> -> memref<1x391x8xf32, #tpu.memory_space<hbm>>
    %dma_start3A_901 = tpu.memref_squeeze %dma_start3A_900 : memref<1x391x8xf32, #tpu.memory_space<hbm>> -> memref<391x8xf32, #tpu.memory_space<hbm>>
    %dma_start3A_902 = arith.constant 0 : i32
    %dma_start3A_903 = tpu.memref_slice %arg6[%arg0, %add3A_898, %dma_start3A_902] : memref<2x200192x8xf32, #tpu.memory_space<hbm>> -> memref<1x391x8xf32, #tpu.memory_space<hbm>>
    %dma_start3A_904 = tpu.memref_squeeze %dma_start3A_903 : memref<1x391x8xf32, #tpu.memory_space<hbm>> -> memref<391x8xf32, #tpu.memory_space<hbm>>
    tpu.enqueue_dma source(%arg14 : memref<391x8xf32, #tpu.memory_space<vmem>>) target(%dma_start3A_904 : memref<391x8xf32, #tpu.memory_space<hbm>>) target_semaphore(%arg17 : memref<!tpu.dma_semaphore, #tpu.memory_space<semaphore_mem>>)
    %dma_wait3A_905 = arith.constant 0 : i32
    %dma_wait3A_906 = tpu.memref_slice %arg15[%add3A_892, %dma_wait3A_905] : memref<200192x8xf32, #tpu.memory_space<vmem_shared>> -> memref<391x8xf32, #tpu.memory_space<vmem_shared>>
    %dma_wait3A_907 = arith.constant 0 : i32
    %dma_wait3A_908 = tpu.memref_slice %arg15[%add3A_892, %dma_wait3A_907] : memref<200192x8xf32, #tpu.memory_space<vmem_shared>> -> memref<391x8xf32, #tpu.memory_space<vmem_shared>>
    tpu.wait_dma2 semaphore(%arg16 : memref<!tpu.dma_semaphore, #tpu.memory_space<semaphore_mem>>) src(%dma_wait3A_908 : memref<391x8xf32, #tpu.memory_space<vmem_shared>>) dst(%arg13 : memref<391x8xf32, #tpu.memory_space<vmem>>)
    %dma_wait3A_909 = arith.constant 0 : i32
    %dma_wait3A_910 = tpu.memref_slice %arg6[%arg0, %add3A_898, %dma_wait3A_909] : memref<2x200192x8xf32, #tpu.memory_space<hbm>> -> memref<1x391x8xf32, #tpu.memory_space<hbm>>
    %dma_wait3A_911 = tpu.memref_squeeze %dma_wait3A_910 : memref<1x391x8xf32, #tpu.memory_space<hbm>> -> memref<391x8xf32, #tpu.memory_space<hbm>>
    %dma_wait3A_912 = arith.constant 0 : i32
    %dma_wait3A_913 = tpu.memref_slice %arg6[%arg0, %add3A_898, %dma_wait3A_912] : memref<2x200192x8xf32, #tpu.memory_space<hbm>> -> memref<1x391x8xf32, #tpu.memory_space<hbm>>
    %dma_wait3A_914 = tpu.memref_squeeze %dma_wait3A_913 : memref<1x391x8xf32, #tpu.memory_space<hbm>> -> memref<391x8xf32, #tpu.memory_space<hbm>>
    tpu.wait_dma2 semaphore(%arg17 : memref<!tpu.dma_semaphore, #tpu.memory_space<semaphore_mem>>) src(%arg14 : memref<391x8xf32, #tpu.memory_space<vmem>>) dst(%dma_wait3A_914 : memref<391x8xf32, #tpu.memory_space<hbm>>)
    %add3A_915 = arith.constant 9775 : i32
    %add3A_916 = arith.addi %mul3A_0, %add3A_915 : i32
    %dma_start3A_917 = arith.constant 0 : i32
    %dma_start3A_918 = tpu.memref_slice %arg15[%add3A_916, %dma_start3A_917] : memref<200192x8xf32, #tpu.memory_space<vmem_shared>> -> memref<391x8xf32, #tpu.memory_space<vmem_shared>>
    %dma_start3A_919 = arith.constant 0 : i32
    %dma_start3A_920 = tpu.memref_slice %arg15[%add3A_916, %dma_start3A_919] : memref<200192x8xf32, #tpu.memory_space<vmem_shared>> -> memref<391x8xf32, #tpu.memory_space<vmem_shared>>
    tpu.enqueue_dma source(%dma_start3A_920 : memref<391x8xf32, #tpu.memory_space<vmem_shared>>) target(%arg14 : memref<391x8xf32, #tpu.memory_space<vmem>>) target_semaphore(%arg16 : memref<!tpu.dma_semaphore, #tpu.memory_space<semaphore_mem>>)
    %add3A_921 = arith.constant 9384 : i32
    %add3A_922 = arith.addi %mul3A_0, %add3A_921 : i32
    %dma_start3A_923 = arith.constant 0 : i32
    %dma_start3A_924 = tpu.memref_slice %arg6[%arg0, %add3A_922, %dma_start3A_923] : memref<2x200192x8xf32, #tpu.memory_space<hbm>> -> memref<1x391x8xf32, #tpu.memory_space<hbm>>
    %dma_start3A_925 = tpu.memref_squeeze %dma_start3A_924 : memref<1x391x8xf32, #tpu.memory_space<hbm>> -> memref<391x8xf32, #tpu.memory_space<hbm>>
    %dma_start3A_926 = arith.constant 0 : i32
    %dma_start3A_927 = tpu.memref_slice %arg6[%arg0, %add3A_922, %dma_start3A_926] : memref<2x200192x8xf32, #tpu.memory_space<hbm>> -> memref<1x391x8xf32, #tpu.memory_space<hbm>>
    %dma_start3A_928 = tpu.memref_squeeze %dma_start3A_927 : memref<1x391x8xf32, #tpu.memory_space<hbm>> -> memref<391x8xf32, #tpu.memory_space<hbm>>
    tpu.enqueue_dma source(%arg13 : memref<391x8xf32, #tpu.memory_space<vmem>>) target(%dma_start3A_928 : memref<391x8xf32, #tpu.memory_space<hbm>>) target_semaphore(%arg17 : memref<!tpu.dma_semaphore, #tpu.memory_space<semaphore_mem>>)
    %dma_wait3A_929 = arith.constant 0 : i32
    %dma_wait3A_930 = tpu.memref_slice %arg15[%add3A_916, %dma_wait3A_929] : memref<200192x8xf32, #tpu.memory_space<vmem_shared>> -> memref<391x8xf32, #tpu.memory_space<vmem_shared>>
    %dma_wait3A_931 = arith.constant 0 : i32
    %dma_wait3A_932 = tpu.memref_slice %arg15[%add3A_916, %dma_wait3A_931] : memref<200192x8xf32, #tpu.memory_space<vmem_shared>> -> memref<391x8xf32, #tpu.memory_space<vmem_shared>>
    tpu.wait_dma2 semaphore(%arg16 : memref<!tpu.dma_semaphore, #tpu.memory_space<semaphore_mem>>) src(%dma_wait3A_932 : memref<391x8xf32, #tpu.memory_space<vmem_shared>>) dst(%arg14 : memref<391x8xf32, #tpu.memory_space<vmem>>)
    %dma_wait3A_933 = arith.constant 0 : i32
    %dma_wait3A_934 = tpu.memref_slice %arg6[%arg0, %add3A_922, %dma_wait3A_933] : memref<2x200192x8xf32, #tpu.memory_space<hbm>> -> memref<1x391x8xf32, #tpu.memory_space<hbm>>
    %dma_wait3A_935 = tpu.memref_squeeze %dma_wait3A_934 : memref<1x391x8xf32, #tpu.memory_space<hbm>> -> memref<391x8xf32, #tpu.memory_space<hbm>>
    %dma_wait3A_936 = arith.constant 0 : i32
    %dma_wait3A_937 = tpu.memref_slice %arg6[%arg0, %add3A_922, %dma_wait3A_936] : memref<2x200192x8xf32, #tpu.memory_space<hbm>> -> memref<1x391x8xf32, #tpu.memory_space<hbm>>
    %dma_wait3A_938 = tpu.memref_squeeze %dma_wait3A_937 : memref<1x391x8xf32, #tpu.memory_space<hbm>> -> memref<391x8xf32, #tpu.memory_space<hbm>>
    tpu.wait_dma2 semaphore(%arg17 : memref<!tpu.dma_semaphore, #tpu.memory_space<semaphore_mem>>) src(%arg13 : memref<391x8xf32, #tpu.memory_space<vmem>>) dst(%dma_wait3A_938 : memref<391x8xf32, #tpu.memory_space<hbm>>)
    %add3A_939 = arith.constant 10166 : i32
    %add3A_940 = arith.addi %mul3A_0, %add3A_939 : i32
    %dma_start3A_941 = arith.constant 0 : i32
    %dma_start3A_942 = tpu.memref_slice %arg15[%add3A_940, %dma_start3A_941] : memref<200192x8xf32, #tpu.memory_space<vmem_shared>> -> memref<391x8xf32, #tpu.memory_space<vmem_shared>>
    %dma_start3A_943 = arith.constant 0 : i32
    %dma_start3A_944 = tpu.memref_slice %arg15[%add3A_940, %dma_start3A_943] : memref<200192x8xf32, #tpu.memory_space<vmem_shared>> -> memref<391x8xf32, #tpu.memory_space<vmem_shared>>
    tpu.enqueue_dma source(%dma_start3A_944 : memref<391x8xf32, #tpu.memory_space<vmem_shared>>) target(%arg13 : memref<391x8xf32, #tpu.memory_space<vmem>>) target_semaphore(%arg16 : memref<!tpu.dma_semaphore, #tpu.memory_space<semaphore_mem>>)
    %add3A_945 = arith.constant 9775 : i32
    %add3A_946 = arith.addi %mul3A_0, %add3A_945 : i32
    %dma_start3A_947 = arith.constant 0 : i32
    %dma_start3A_948 = tpu.memref_slice %arg6[%arg0, %add3A_946, %dma_start3A_947] : memref<2x200192x8xf32, #tpu.memory_space<hbm>> -> memref<1x391x8xf32, #tpu.memory_space<hbm>>
    %dma_start3A_949 = tpu.memref_squeeze %dma_start3A_948 : memref<1x391x8xf32, #tpu.memory_space<hbm>> -> memref<391x8xf32, #tpu.memory_space<hbm>>
    %dma_start3A_950 = arith.constant 0 : i32
    %dma_start3A_951 = tpu.memref_slice %arg6[%arg0, %add3A_946, %dma_start3A_950] : memref<2x200192x8xf32, #tpu.memory_space<hbm>> -> memref<1x391x8xf32, #tpu.memory_space<hbm>>
    %dma_start3A_952 = tpu.memref_squeeze %dma_start3A_951 : memref<1x391x8xf32, #tpu.memory_space<hbm>> -> memref<391x8xf32, #tpu.memory_space<hbm>>
    tpu.enqueue_dma source(%arg14 : memref<391x8xf32, #tpu.memory_space<vmem>>) target(%dma_start3A_952 : memref<391x8xf32, #tpu.memory_space<hbm>>) target_semaphore(%arg17 : memref<!tpu.dma_semaphore, #tpu.memory_space<semaphore_mem>>)
    %dma_wait3A_953 = arith.constant 0 : i32
    %dma_wait3A_954 = tpu.memref_slice %arg15[%add3A_940, %dma_wait3A_953] : memref<200192x8xf32, #tpu.memory_space<vmem_shared>> -> memref<391x8xf32, #tpu.memory_space<vmem_shared>>
    %dma_wait3A_955 = arith.constant 0 : i32
    %dma_wait3A_956 = tpu.memref_slice %arg15[%add3A_940, %dma_wait3A_955] : memref<200192x8xf32, #tpu.memory_space<vmem_shared>> -> memref<391x8xf32, #tpu.memory_space<vmem_shared>>
    tpu.wait_dma2 semaphore(%arg16 : memref<!tpu.dma_semaphore, #tpu.memory_space<semaphore_mem>>) src(%dma_wait3A_956 : memref<391x8xf32, #tpu.memory_space<vmem_shared>>) dst(%arg13 : memref<391x8xf32, #tpu.memory_space<vmem>>)
    %dma_wait3A_957 = arith.constant 0 : i32
    %dma_wait3A_958 = tpu.memref_slice %arg6[%arg0, %add3A_946, %dma_wait3A_957] : memref<2x200192x8xf32, #tpu.memory_space<hbm>> -> memref<1x391x8xf32, #tpu.memory_space<hbm>>
    %dma_wait3A_959 = tpu.memref_squeeze %dma_wait3A_958 : memref<1x391x8xf32, #tpu.memory_space<hbm>> -> memref<391x8xf32, #tpu.memory_space<hbm>>
    %dma_wait3A_960 = arith.constant 0 : i32
    %dma_wait3A_961 = tpu.memref_slice %arg6[%arg0, %add3A_946, %dma_wait3A_960] : memref<2x200192x8xf32, #tpu.memory_space<hbm>> -> memref<1x391x8xf32, #tpu.memory_space<hbm>>
    %dma_wait3A_962 = tpu.memref_squeeze %dma_wait3A_961 : memref<1x391x8xf32, #tpu.memory_space<hbm>> -> memref<391x8xf32, #tpu.memory_space<hbm>>
    tpu.wait_dma2 semaphore(%arg17 : memref<!tpu.dma_semaphore, #tpu.memory_space<semaphore_mem>>) src(%arg14 : memref<391x8xf32, #tpu.memory_space<vmem>>) dst(%dma_wait3A_962 : memref<391x8xf32, #tpu.memory_space<hbm>>)
    %add3A_963 = arith.constant 10557 : i32
    %add3A_964 = arith.addi %mul3A_0, %add3A_963 : i32
    %dma_start3A_965 = arith.constant 0 : i32
    %dma_start3A_966 = tpu.memref_slice %arg15[%add3A_964, %dma_start3A_965] : memref<200192x8xf32, #tpu.memory_space<vmem_shared>> -> memref<391x8xf32, #tpu.memory_space<vmem_shared>>
    %dma_start3A_967 = arith.constant 0 : i32
    %dma_start3A_968 = tpu.memref_slice %arg15[%add3A_964, %dma_start3A_967] : memref<200192x8xf32, #tpu.memory_space<vmem_shared>> -> memref<391x8xf32, #tpu.memory_space<vmem_shared>>
    tpu.enqueue_dma source(%dma_start3A_968 : memref<391x8xf32, #tpu.memory_space<vmem_shared>>) target(%arg14 : memref<391x8xf32, #tpu.memory_space<vmem>>) target_semaphore(%arg16 : memref<!tpu.dma_semaphore, #tpu.memory_space<semaphore_mem>>)
    %add3A_969 = arith.constant 10166 : i32
    %add3A_970 = arith.addi %mul3A_0, %add3A_969 : i32
    %dma_start3A_971 = arith.constant 0 : i32
    %dma_start3A_972 = tpu.memref_slice %arg6[%arg0, %add3A_970, %dma_start3A_971] : memref<2x200192x8xf32, #tpu.memory_space<hbm>> -> memref<1x391x8xf32, #tpu.memory_space<hbm>>
    %dma_start3A_973 = tpu.memref_squeeze %dma_start3A_972 : memref<1x391x8xf32, #tpu.memory_space<hbm>> -> memref<391x8xf32, #tpu.memory_space<hbm>>
    %dma_start3A_974 = arith.constant 0 : i32
    %dma_start3A_975 = tpu.memref_slice %arg6[%arg0, %add3A_970, %dma_start3A_974] : memref<2x200192x8xf32, #tpu.memory_space<hbm>> -> memref<1x391x8xf32, #tpu.memory_space<hbm>>
    %dma_start3A_976 = tpu.memref_squeeze %dma_start3A_975 : memref<1x391x8xf32, #tpu.memory_space<hbm>> -> memref<391x8xf32, #tpu.memory_space<hbm>>
    tpu.enqueue_dma source(%arg13 : memref<391x8xf32, #tpu.memory_space<vmem>>) target(%dma_start3A_976 : memref<391x8xf32, #tpu.memory_space<hbm>>) target_semaphore(%arg17 : memref<!tpu.dma_semaphore, #tpu.memory_space<semaphore_mem>>)
    %dma_wait3A_977 = arith.constant 0 : i32
    %dma_wait3A_978 = tpu.memref_slice %arg15[%add3A_964, %dma_wait3A_977] : memref<200192x8xf32, #tpu.memory_space<vmem_shared>> -> memref<391x8xf32, #tpu.memory_space<vmem_shared>>
    %dma_wait3A_979 = arith.constant 0 : i32
    %dma_wait3A_980 = tpu.memref_slice %arg15[%add3A_964, %dma_wait3A_979] : memref<200192x8xf32, #tpu.memory_space<vmem_shared>> -> memref<391x8xf32, #tpu.memory_space<vmem_shared>>
    tpu.wait_dma2 semaphore(%arg16 : memref<!tpu.dma_semaphore, #tpu.memory_space<semaphore_mem>>) src(%dma_wait3A_980 : memref<391x8xf32, #tpu.memory_space<vmem_shared>>) dst(%arg14 : memref<391x8xf32, #tpu.memory_space<vmem>>)
    %dma_wait3A_981 = arith.constant 0 : i32
    %dma_wait3A_982 = tpu.memref_slice %arg6[%arg0, %add3A_970, %dma_wait3A_981] : memref<2x200192x8xf32, #tpu.memory_space<hbm>> -> memref<1x391x8xf32, #tpu.memory_space<hbm>>
    %dma_wait3A_983 = tpu.memref_squeeze %dma_wait3A_982 : memref<1x391x8xf32, #tpu.memory_space<hbm>> -> memref<391x8xf32, #tpu.memory_space<hbm>>
    %dma_wait3A_984 = arith.constant 0 : i32
    %dma_wait3A_985 = tpu.memref_slice %arg6[%arg0, %add3A_970, %dma_wait3A_984] : memref<2x200192x8xf32, #tpu.memory_space<hbm>> -> memref<1x391x8xf32, #tpu.memory_space<hbm>>
    %dma_wait3A_986 = tpu.memref_squeeze %dma_wait3A_985 : memref<1x391x8xf32, #tpu.memory_space<hbm>> -> memref<391x8xf32, #tpu.memory_space<hbm>>
    tpu.wait_dma2 semaphore(%arg17 : memref<!tpu.dma_semaphore, #tpu.memory_space<semaphore_mem>>) src(%arg13 : memref<391x8xf32, #tpu.memory_space<vmem>>) dst(%dma_wait3A_986 : memref<391x8xf32, #tpu.memory_space<hbm>>)
    %add3A_987 = arith.constant 10948 : i32
    %add3A_988 = arith.addi %mul3A_0, %add3A_987 : i32
    %dma_start3A_989 = arith.constant 0 : i32
    %dma_start3A_990 = tpu.memref_slice %arg15[%add3A_988, %dma_start3A_989] : memref<200192x8xf32, #tpu.memory_space<vmem_shared>> -> memref<391x8xf32, #tpu.memory_space<vmem_shared>>
    %dma_start3A_991 = arith.constant 0 : i32
    %dma_start3A_992 = tpu.memref_slice %arg15[%add3A_988, %dma_start3A_991] : memref<200192x8xf32, #tpu.memory_space<vmem_shared>> -> memref<391x8xf32, #tpu.memory_space<vmem_shared>>
    tpu.enqueue_dma source(%dma_start3A_992 : memref<391x8xf32, #tpu.memory_space<vmem_shared>>) target(%arg13 : memref<391x8xf32, #tpu.memory_space<vmem>>) target_semaphore(%arg16 : memref<!tpu.dma_semaphore, #tpu.memory_space<semaphore_mem>>)
    %add3A_993 = arith.constant 10557 : i32
    %add3A_994 = arith.addi %mul3A_0, %add3A_993 : i32
    %dma_start3A_995 = arith.constant 0 : i32
    %dma_start3A_996 = tpu.memref_slice %arg6[%arg0, %add3A_994, %dma_start3A_995] : memref<2x200192x8xf32, #tpu.memory_space<hbm>> -> memref<1x391x8xf32, #tpu.memory_space<hbm>>
    %dma_start3A_997 = tpu.memref_squeeze %dma_start3A_996 : memref<1x391x8xf32, #tpu.memory_space<hbm>> -> memref<391x8xf32, #tpu.memory_space<hbm>>
    %dma_start3A_998 = arith.constant 0 : i32
    %dma_start3A_999 = tpu.memref_slice %arg6[%arg0, %add3A_994, %dma_start3A_998] : memref<2x200192x8xf32, #tpu.memory_space<hbm>> -> memref<1x391x8xf32, #tpu.memory_space<hbm>>
    %dma_start3A_1000 = tpu.memref_squeeze %dma_start3A_999 : memref<1x391x8xf32, #tpu.memory_space<hbm>> -> memref<391x8xf32, #tpu.memory_space<hbm>>
    tpu.enqueue_dma source(%arg14 : memref<391x8xf32, #tpu.memory_space<vmem>>) target(%dma_start3A_1000 : memref<391x8xf32, #tpu.memory_space<hbm>>) target_semaphore(%arg17 : memref<!tpu.dma_semaphore, #tpu.memory_space<semaphore_mem>>)
    %dma_wait3A_1001 = arith.constant 0 : i32
    %dma_wait3A_1002 = tpu.memref_slice %arg15[%add3A_988, %dma_wait3A_1001] : memref<200192x8xf32, #tpu.memory_space<vmem_shared>> -> memref<391x8xf32, #tpu.memory_space<vmem_shared>>
    %dma_wait3A_1003 = arith.constant 0 : i32
    %dma_wait3A_1004 = tpu.memref_slice %arg15[%add3A_988, %dma_wait3A_1003] : memref<200192x8xf32, #tpu.memory_space<vmem_shared>> -> memref<391x8xf32, #tpu.memory_space<vmem_shared>>
    tpu.wait_dma2 semaphore(%arg16 : memref<!tpu.dma_semaphore, #tpu.memory_space<semaphore_mem>>) src(%dma_wait3A_1004 : memref<391x8xf32, #tpu.memory_space<vmem_shared>>) dst(%arg13 : memref<391x8xf32, #tpu.memory_space<vmem>>)
    %dma_wait3A_1005 = arith.constant 0 : i32
    %dma_wait3A_1006 = tpu.memref_slice %arg6[%arg0, %add3A_994, %dma_wait3A_1005] : memref<2x200192x8xf32, #tpu.memory_space<hbm>> -> memref<1x391x8xf32, #tpu.memory_space<hbm>>
    %dma_wait3A_1007 = tpu.memref_squeeze %dma_wait3A_1006 : memref<1x391x8xf32, #tpu.memory_space<hbm>> -> memref<391x8xf32, #tpu.memory_space<hbm>>
    %dma_wait3A_1008 = arith.constant 0 : i32
    %dma_wait3A_1009 = tpu.memref_slice %arg6[%arg0, %add3A_994, %dma_wait3A_1008] : memref<2x200192x8xf32, #tpu.memory_space<hbm>> -> memref<1x391x8xf32, #tpu.memory_space<hbm>>
    %dma_wait3A_1010 = tpu.memref_squeeze %dma_wait3A_1009 : memref<1x391x8xf32, #tpu.memory_space<hbm>> -> memref<391x8xf32, #tpu.memory_space<hbm>>
    tpu.wait_dma2 semaphore(%arg17 : memref<!tpu.dma_semaphore, #tpu.memory_space<semaphore_mem>>) src(%arg14 : memref<391x8xf32, #tpu.memory_space<vmem>>) dst(%dma_wait3A_1010 : memref<391x8xf32, #tpu.memory_space<hbm>>)
    %add3A_1011 = arith.constant 11339 : i32
    %add3A_1012 = arith.addi %mul3A_0, %add3A_1011 : i32
    %dma_start3A_1013 = arith.constant 0 : i32
    %dma_start3A_1014 = tpu.memref_slice %arg15[%add3A_1012, %dma_start3A_1013] : memref<200192x8xf32, #tpu.memory_space<vmem_shared>> -> memref<391x8xf32, #tpu.memory_space<vmem_shared>>
    %dma_start3A_1015 = arith.constant 0 : i32
    %dma_start3A_1016 = tpu.memref_slice %arg15[%add3A_1012, %dma_start3A_1015] : memref<200192x8xf32, #tpu.memory_space<vmem_shared>> -> memref<391x8xf32, #tpu.memory_space<vmem_shared>>
    tpu.enqueue_dma source(%dma_start3A_1016 : memref<391x8xf32, #tpu.memory_space<vmem_shared>>) target(%arg14 : memref<391x8xf32, #tpu.memory_space<vmem>>) target_semaphore(%arg16 : memref<!tpu.dma_semaphore, #tpu.memory_space<semaphore_mem>>)
    %add3A_1017 = arith.constant 10948 : i32
    %add3A_1018 = arith.addi %mul3A_0, %add3A_1017 : i32
    %dma_start3A_1019 = arith.constant 0 : i32
    %dma_start3A_1020 = tpu.memref_slice %arg6[%arg0, %add3A_1018, %dma_start3A_1019] : memref<2x200192x8xf32, #tpu.memory_space<hbm>> -> memref<1x391x8xf32, #tpu.memory_space<hbm>>
    %dma_start3A_1021 = tpu.memref_squeeze %dma_start3A_1020 : memref<1x391x8xf32, #tpu.memory_space<hbm>> -> memref<391x8xf32, #tpu.memory_space<hbm>>
    %dma_start3A_1022 = arith.constant 0 : i32
    %dma_start3A_1023 = tpu.memref_slice %arg6[%arg0, %add3A_1018, %dma_start3A_1022] : memref<2x200192x8xf32, #tpu.memory_space<hbm>> -> memref<1x391x8xf32, #tpu.memory_space<hbm>>
    %dma_start3A_1024 = tpu.memref_squeeze %dma_start3A_1023 : memref<1x391x8xf32, #tpu.memory_space<hbm>> -> memref<391x8xf32, #tpu.memory_space<hbm>>
    tpu.enqueue_dma source(%arg13 : memref<391x8xf32, #tpu.memory_space<vmem>>) target(%dma_start3A_1024 : memref<391x8xf32, #tpu.memory_space<hbm>>) target_semaphore(%arg17 : memref<!tpu.dma_semaphore, #tpu.memory_space<semaphore_mem>>)
    %dma_wait3A_1025 = arith.constant 0 : i32
    %dma_wait3A_1026 = tpu.memref_slice %arg15[%add3A_1012, %dma_wait3A_1025] : memref<200192x8xf32, #tpu.memory_space<vmem_shared>> -> memref<391x8xf32, #tpu.memory_space<vmem_shared>>
    %dma_wait3A_1027 = arith.constant 0 : i32
    %dma_wait3A_1028 = tpu.memref_slice %arg15[%add3A_1012, %dma_wait3A_1027] : memref<200192x8xf32, #tpu.memory_space<vmem_shared>> -> memref<391x8xf32, #tpu.memory_space<vmem_shared>>
    tpu.wait_dma2 semaphore(%arg16 : memref<!tpu.dma_semaphore, #tpu.memory_space<semaphore_mem>>) src(%dma_wait3A_1028 : memref<391x8xf32, #tpu.memory_space<vmem_shared>>) dst(%arg14 : memref<391x8xf32, #tpu.memory_space<vmem>>)
    %dma_wait3A_1029 = arith.constant 0 : i32
    %dma_wait3A_1030 = tpu.memref_slice %arg6[%arg0, %add3A_1018, %dma_wait3A_1029] : memref<2x200192x8xf32, #tpu.memory_space<hbm>> -> memref<1x391x8xf32, #tpu.memory_space<hbm>>
    %dma_wait3A_1031 = tpu.memref_squeeze %dma_wait3A_1030 : memref<1x391x8xf32, #tpu.memory_space<hbm>> -> memref<391x8xf32, #tpu.memory_space<hbm>>
    %dma_wait3A_1032 = arith.constant 0 : i32
    %dma_wait3A_1033 = tpu.memref_slice %arg6[%arg0, %add3A_1018, %dma_wait3A_1032] : memref<2x200192x8xf32, #tpu.memory_space<hbm>> -> memref<1x391x8xf32, #tpu.memory_space<hbm>>
    %dma_wait3A_1034 = tpu.memref_squeeze %dma_wait3A_1033 : memref<1x391x8xf32, #tpu.memory_space<hbm>> -> memref<391x8xf32, #tpu.memory_space<hbm>>
    tpu.wait_dma2 semaphore(%arg17 : memref<!tpu.dma_semaphore, #tpu.memory_space<semaphore_mem>>) src(%arg13 : memref<391x8xf32, #tpu.memory_space<vmem>>) dst(%dma_wait3A_1034 : memref<391x8xf32, #tpu.memory_space<hbm>>)
    %add3A_1035 = arith.constant 11730 : i32
    %add3A_1036 = arith.addi %mul3A_0, %add3A_1035 : i32
    %dma_start3A_1037 = arith.constant 0 : i32
    %dma_start3A_1038 = tpu.memref_slice %arg15[%add3A_1036, %dma_start3A_1037] : memref<200192x8xf32, #tpu.memory_space<vmem_shared>> -> memref<391x8xf32, #tpu.memory_space<vmem_shared>>
    %dma_start3A_1039 = arith.constant 0 : i32
    %dma_start3A_1040 = tpu.memref_slice %arg15[%add3A_1036, %dma_start3A_1039] : memref<200192x8xf32, #tpu.memory_space<vmem_shared>> -> memref<391x8xf32, #tpu.memory_space<vmem_shared>>
    tpu.enqueue_dma source(%dma_start3A_1040 : memref<391x8xf32, #tpu.memory_space<vmem_shared>>) target(%arg13 : memref<391x8xf32, #tpu.memory_space<vmem>>) target_semaphore(%arg16 : memref<!tpu.dma_semaphore, #tpu.memory_space<semaphore_mem>>)
    %add3A_1041 = arith.constant 11339 : i32
    %add3A_1042 = arith.addi %mul3A_0, %add3A_1041 : i32
    %dma_start3A_1043 = arith.constant 0 : i32
    %dma_start3A_1044 = tpu.memref_slice %arg6[%arg0, %add3A_1042, %dma_start3A_1043] : memref<2x200192x8xf32, #tpu.memory_space<hbm>> -> memref<1x391x8xf32, #tpu.memory_space<hbm>>
    %dma_start3A_1045 = tpu.memref_squeeze %dma_start3A_1044 : memref<1x391x8xf32, #tpu.memory_space<hbm>> -> memref<391x8xf32, #tpu.memory_space<hbm>>
    %dma_start3A_1046 = arith.constant 0 : i32
    %dma_start3A_1047 = tpu.memref_slice %arg6[%arg0, %add3A_1042, %dma_start3A_1046] : memref<2x200192x8xf32, #tpu.memory_space<hbm>> -> memref<1x391x8xf32, #tpu.memory_space<hbm>>
    %dma_start3A_1048 = tpu.memref_squeeze %dma_start3A_1047 : memref<1x391x8xf32, #tpu.memory_space<hbm>> -> memref<391x8xf32, #tpu.memory_space<hbm>>
    tpu.enqueue_dma source(%arg14 : memref<391x8xf32, #tpu.memory_space<vmem>>) target(%dma_start3A_1048 : memref<391x8xf32, #tpu.memory_space<hbm>>) target_semaphore(%arg17 : memref<!tpu.dma_semaphore, #tpu.memory_space<semaphore_mem>>)
    %dma_wait3A_1049 = arith.constant 0 : i32
    %dma_wait3A_1050 = tpu.memref_slice %arg15[%add3A_1036, %dma_wait3A_1049] : memref<200192x8xf32, #tpu.memory_space<vmem_shared>> -> memref<391x8xf32, #tpu.memory_space<vmem_shared>>
    %dma_wait3A_1051 = arith.constant 0 : i32
    %dma_wait3A_1052 = tpu.memref_slice %arg15[%add3A_1036, %dma_wait3A_1051] : memref<200192x8xf32, #tpu.memory_space<vmem_shared>> -> memref<391x8xf32, #tpu.memory_space<vmem_shared>>
    tpu.wait_dma2 semaphore(%arg16 : memref<!tpu.dma_semaphore, #tpu.memory_space<semaphore_mem>>) src(%dma_wait3A_1052 : memref<391x8xf32, #tpu.memory_space<vmem_shared>>) dst(%arg13 : memref<391x8xf32, #tpu.memory_space<vmem>>)
    %dma_wait3A_1053 = arith.constant 0 : i32
    %dma_wait3A_1054 = tpu.memref_slice %arg6[%arg0, %add3A_1042, %dma_wait3A_1053] : memref<2x200192x8xf32, #tpu.memory_space<hbm>> -> memref<1x391x8xf32, #tpu.memory_space<hbm>>
    %dma_wait3A_1055 = tpu.memref_squeeze %dma_wait3A_1054 : memref<1x391x8xf32, #tpu.memory_space<hbm>> -> memref<391x8xf32, #tpu.memory_space<hbm>>
    %dma_wait3A_1056 = arith.constant 0 : i32
    %dma_wait3A_1057 = tpu.memref_slice %arg6[%arg0, %add3A_1042, %dma_wait3A_1056] : memref<2x200192x8xf32, #tpu.memory_space<hbm>> -> memref<1x391x8xf32, #tpu.memory_space<hbm>>
    %dma_wait3A_1058 = tpu.memref_squeeze %dma_wait3A_1057 : memref<1x391x8xf32, #tpu.memory_space<hbm>> -> memref<391x8xf32, #tpu.memory_space<hbm>>
    tpu.wait_dma2 semaphore(%arg17 : memref<!tpu.dma_semaphore, #tpu.memory_space<semaphore_mem>>) src(%arg14 : memref<391x8xf32, #tpu.memory_space<vmem>>) dst(%dma_wait3A_1058 : memref<391x8xf32, #tpu.memory_space<hbm>>)
    %add3A_1059 = arith.constant 12121 : i32
    %add3A_1060 = arith.addi %mul3A_0, %add3A_1059 : i32
    %dma_start3A_1061 = arith.constant 0 : i32
    %dma_start3A_1062 = tpu.memref_slice %arg15[%add3A_1060, %dma_start3A_1061] : memref<200192x8xf32, #tpu.memory_space<vmem_shared>> -> memref<391x8xf32, #tpu.memory_space<vmem_shared>>
    %dma_start3A_1063 = arith.constant 0 : i32
    %dma_start3A_1064 = tpu.memref_slice %arg15[%add3A_1060, %dma_start3A_1063] : memref<200192x8xf32, #tpu.memory_space<vmem_shared>> -> memref<391x8xf32, #tpu.memory_space<vmem_shared>>
    tpu.enqueue_dma source(%dma_start3A_1064 : memref<391x8xf32, #tpu.memory_space<vmem_shared>>) target(%arg14 : memref<391x8xf32, #tpu.memory_space<vmem>>) target_semaphore(%arg16 : memref<!tpu.dma_semaphore, #tpu.memory_space<semaphore_mem>>)
    %add3A_1065 = arith.constant 11730 : i32
    %add3A_1066 = arith.addi %mul3A_0, %add3A_1065 : i32
    %dma_start3A_1067 = arith.constant 0 : i32
    %dma_start3A_1068 = tpu.memref_slice %arg6[%arg0, %add3A_1066, %dma_start3A_1067] : memref<2x200192x8xf32, #tpu.memory_space<hbm>> -> memref<1x391x8xf32, #tpu.memory_space<hbm>>
    %dma_start3A_1069 = tpu.memref_squeeze %dma_start3A_1068 : memref<1x391x8xf32, #tpu.memory_space<hbm>> -> memref<391x8xf32, #tpu.memory_space<hbm>>
    %dma_start3A_1070 = arith.constant 0 : i32
    %dma_start3A_1071 = tpu.memref_slice %arg6[%arg0, %add3A_1066, %dma_start3A_1070] : memref<2x200192x8xf32, #tpu.memory_space<hbm>> -> memref<1x391x8xf32, #tpu.memory_space<hbm>>
    %dma_start3A_1072 = tpu.memref_squeeze %dma_start3A_1071 : memref<1x391x8xf32, #tpu.memory_space<hbm>> -> memref<391x8xf32, #tpu.memory_space<hbm>>
    tpu.enqueue_dma source(%arg13 : memref<391x8xf32, #tpu.memory_space<vmem>>) target(%dma_start3A_1072 : memref<391x8xf32, #tpu.memory_space<hbm>>) target_semaphore(%arg17 : memref<!tpu.dma_semaphore, #tpu.memory_space<semaphore_mem>>)
    %dma_wait3A_1073 = arith.constant 0 : i32
    %dma_wait3A_1074 = tpu.memref_slice %arg15[%add3A_1060, %dma_wait3A_1073] : memref<200192x8xf32, #tpu.memory_space<vmem_shared>> -> memref<391x8xf32, #tpu.memory_space<vmem_shared>>
    %dma_wait3A_1075 = arith.constant 0 : i32
    %dma_wait3A_1076 = tpu.memref_slice %arg15[%add3A_1060, %dma_wait3A_1075] : memref<200192x8xf32, #tpu.memory_space<vmem_shared>> -> memref<391x8xf32, #tpu.memory_space<vmem_shared>>
    tpu.wait_dma2 semaphore(%arg16 : memref<!tpu.dma_semaphore, #tpu.memory_space<semaphore_mem>>) src(%dma_wait3A_1076 : memref<391x8xf32, #tpu.memory_space<vmem_shared>>) dst(%arg14 : memref<391x8xf32, #tpu.memory_space<vmem>>)
    %add3A_1077 = arith.constant 12121 : i32
    %add3A_1078 = arith.addi %mul3A_0, %add3A_1077 : i32
    %dma_start3A_1079 = arith.constant 0 : i32
    %dma_start3A_1080 = tpu.memref_slice %arg6[%arg0, %add3A_1078, %dma_start3A_1079] : memref<2x200192x8xf32, #tpu.memory_space<hbm>> -> memref<1x391x8xf32, #tpu.memory_space<hbm>>
    %dma_start3A_1081 = tpu.memref_squeeze %dma_start3A_1080 : memref<1x391x8xf32, #tpu.memory_space<hbm>> -> memref<391x8xf32, #tpu.memory_space<hbm>>
    %dma_start3A_1082 = arith.constant 0 : i32
    %dma_start3A_1083 = tpu.memref_slice %arg6[%arg0, %add3A_1078, %dma_start3A_1082] : memref<2x200192x8xf32, #tpu.memory_space<hbm>> -> memref<1x391x8xf32, #tpu.memory_space<hbm>>
    %dma_start3A_1084 = tpu.memref_squeeze %dma_start3A_1083 : memref<1x391x8xf32, #tpu.memory_space<hbm>> -> memref<391x8xf32, #tpu.memory_space<hbm>>
    tpu.enqueue_dma source(%arg14 : memref<391x8xf32, #tpu.memory_space<vmem>>) target(%dma_start3A_1084 : memref<391x8xf32, #tpu.memory_space<hbm>>) target_semaphore(%arg17 : memref<!tpu.dma_semaphore, #tpu.memory_space<semaphore_mem>>)
    %dma_wait3A_1085 = arith.constant 0 : i32
    %dma_wait3A_1086 = tpu.memref_slice %arg6[%arg0, %add3A_1066, %dma_wait3A_1085] : memref<2x200192x8xf32, #tpu.memory_space<hbm>> -> memref<1x391x8xf32, #tpu.memory_space<hbm>>
    %dma_wait3A_1087 = tpu.memref_squeeze %dma_wait3A_1086 : memref<1x391x8xf32, #tpu.memory_space<hbm>> -> memref<391x8xf32, #tpu.memory_space<hbm>>
    %dma_wait3A_1088 = arith.constant 0 : i32
    %dma_wait3A_1089 = tpu.memref_slice %arg6[%arg0, %add3A_1066, %dma_wait3A_1088] : memref<2x200192x8xf32, #tpu.memory_space<hbm>> -> memref<1x391x8xf32, #tpu.memory_space<hbm>>
    %dma_wait3A_1090 = tpu.memref_squeeze %dma_wait3A_1089 : memref<1x391x8xf32, #tpu.memory_space<hbm>> -> memref<391x8xf32, #tpu.memory_space<hbm>>
    tpu.wait_dma2 semaphore(%arg17 : memref<!tpu.dma_semaphore, #tpu.memory_space<semaphore_mem>>) src(%arg13 : memref<391x8xf32, #tpu.memory_space<vmem>>) dst(%dma_wait3A_1090 : memref<391x8xf32, #tpu.memory_space<hbm>>)
    %dma_wait3A_1091 = arith.constant 0 : i32
    %dma_wait3A_1092 = tpu.memref_slice %arg6[%arg0, %add3A_1078, %dma_wait3A_1091] : memref<2x200192x8xf32, #tpu.memory_space<hbm>> -> memref<1x391x8xf32, #tpu.memory_space<hbm>>
    %dma_wait3A_1093 = tpu.memref_squeeze %dma_wait3A_1092 : memref<1x391x8xf32, #tpu.memory_space<hbm>> -> memref<391x8xf32, #tpu.memory_space<hbm>>
    %dma_wait3A_1094 = arith.constant 0 : i32
    %dma_wait3A_1095 = tpu.memref_slice %arg6[%arg0, %add3A_1078, %dma_wait3A_1094] : memref<2x200192x8xf32, #tpu.memory_space<hbm>> -> memref<1x391x8xf32, #tpu.memory_space<hbm>>
    %dma_wait3A_1096 = tpu.memref_squeeze %dma_wait3A_1095 : memref<1x391x8xf32, #tpu.memory_space<hbm>> -> memref<391x8xf32, #tpu.memory_space<hbm>>
    tpu.wait_dma2 semaphore(%arg17 : memref<!tpu.dma_semaphore, #tpu.memory_space<semaphore_mem>>) src(%arg14 : memref<391x8xf32, #tpu.memory_space<vmem>>) dst(%dma_wait3A_1096 : memref<391x8xf32, #tpu.memory_space<hbm>>)
    return
  }
}

module attributes {stable_mosaic.version = 14 : i64} {
  func.func @_key_body(%arg0: i32, %arg1: memref<704x128xi32, #tpu.memory_space<vmem>>, %arg2: memref<704x128xi32, #tpu.memory_space<vmem>>, %arg3: memref<704x128xi32, #tpu.memory_space<vmem>>, %arg4: memref<2x704x128xi32, #tpu.memory_space<vmem>>, %arg5: memref<704x128xi32, #tpu.memory_space<vmem>>) attributes {dimension_semantics = [#tpu.dimension_semantics<arbitrary>], iteration_bounds = array<i64: 8>, scalar_prefetch = 0 : i64, scratch_operands = 0 : i64, tpu.core_type = #tpu.core_type<tc>, window_params = [{transform_indices = @transform_0, window_bounds = array<i64: 704, 128>}, {transform_indices = @transform_1, window_bounds = array<i64: 704, 128>}, {transform_indices = @transform_2, window_bounds = array<i64: 704, 128>}, {transform_indices = @transform_3, window_bounds = array<i64: 2, 704, 128>}, {transform_indices = @transform_4, window_bounds = array<i64: 704, 128>}]} {
    %get3A = arith.constant 0 : index
    %get3A_0 = arith.constant 0 : index
    %get3A_1 = vector.load %arg1[%get3A, %get3A_0] : memref<704x128xi32, #tpu.memory_space<vmem>>, vector<704x128xi32>
    %get3A_2 = arith.constant 0 : index
    %get3A_3 = arith.constant 0 : index
    %get3A_4 = vector.load %arg2[%get3A_2, %get3A_3] : memref<704x128xi32, #tpu.memory_space<vmem>>, vector<704x128xi32>
    %iota3A = tpu.iota {dimensions = array<i32: 1>} : vector<704x128xi32>
    %and3A = arith.constant 127 : i32
    %and3A_5 = vector.broadcast %and3A : i32 to vector<704x128xi32>
    %and3A_6 = arith.andi %iota3A, %and3A_5 : vector<704x128xi32>
    %add3A = arith.constant 200000 : i32
    %add3A_7 = vector.broadcast %add3A : i32 to vector<704x128xi32>
    %add3A_8 = arith.addi %add3A_7, %and3A_6 : vector<704x128xi32>
    %sub3A = arith.constant 50000 : i32
    %sub3A_9 = vector.broadcast %sub3A : i32 to vector<704x128xi32>
    %sub3A_10 = arith.subi %get3A_1, %sub3A_9 : vector<704x128xi32>
    %mul3A = arith.constant 4 : i32
    %mul3A_11 = vector.broadcast %mul3A : i32 to vector<704x128xi32>
    %mul3A_12 = arith.muli %sub3A_10, %mul3A_11 : vector<704x128xi32>
    %shift_right_arithmetic3A = arith.constant 1 : i32
    %shift_right_arithmetic3A_13 = vector.broadcast %shift_right_arithmetic3A : i32 to vector<704x128xi32>
    %shift_right_arithmetic3A_14 = arith.shrsi %get3A_4, %shift_right_arithmetic3A_13 : vector<704x128xi32>
    %add3A_15 = arith.addi %mul3A_12, %shift_right_arithmetic3A_14 : vector<704x128xi32>
    %lt3A = arith.constant 50000 : i32
    %lt3A_16 = vector.broadcast %lt3A : i32 to vector<704x128xi32>
    %lt3A_17 = arith.cmpi slt, %get3A_1, %lt3A_16 : vector<704x128xi32>
    %mul3A_18 = arith.constant 4 : i32
    %mul3A_19 = vector.broadcast %mul3A_18 : i32 to vector<704x128xi32>
    %mul3A_20 = arith.muli %get3A_1, %mul3A_19 : vector<704x128xi32>
    %shift_right_arithmetic3A_21 = arith.constant 1 : i32
    %shift_right_arithmetic3A_22 = vector.broadcast %shift_right_arithmetic3A_21 : i32 to vector<704x128xi32>
    %shift_right_arithmetic3A_23 = arith.shrsi %get3A_4, %shift_right_arithmetic3A_22 : vector<704x128xi32>
    %add3A_24 = arith.addi %mul3A_20, %shift_right_arithmetic3A_23 : vector<704x128xi32>
    %select_n3A = arith.select %lt3A_17, %add3A_24, %add3A_8 : vector<704x128xi1>, vector<704x128xi32>
    %swap3A = arith.constant 0 : index
    %swap3A_25 = arith.constant 0 : index
    %swap3A_26 = arith.constant 0 : index
    %swap3A_27 = vector.load %arg4[%swap3A, %swap3A_25, %swap3A_26] : memref<2x704x128xi32, #tpu.memory_space<vmem>>, vector<1x704x128xi32>
    %swap3A_28 = vector.shape_cast %swap3A_27 : vector<1x704x128xi32> to vector<704x128xi32>
    %swap3A_29 = vector.shape_cast %select_n3A : vector<704x128xi32> to vector<1x704x128xi32>
    tpu.vector_store %arg4[%swap3A, %swap3A_25, %swap3A_26], %swap3A_29 {strides = array<i32>} : memref<2x704x128xi32, #tpu.memory_space<vmem>>, vector<1x704x128xi32>,
    %ge3A = arith.constant 50000 : i32
    %ge3A_30 = vector.broadcast %ge3A : i32 to vector<704x128xi32>
    %ge3A_31 = arith.cmpi sge, %get3A_1, %ge3A_30 : vector<704x128xi32>
    %lt3A_32 = arith.constant 100000 : i32
    %lt3A_33 = vector.broadcast %lt3A_32 : i32 to vector<704x128xi32>
    %lt3A_34 = arith.cmpi slt, %get3A_1, %lt3A_33 : vector<704x128xi32>
    %and3A_35 = arith.andi %ge3A_31, %lt3A_34 : vector<704x128xi1>
    %select_n3A_36 = arith.select %and3A_35, %add3A_15, %add3A_8 : vector<704x128xi1>, vector<704x128xi32>
    %swap3A_37 = arith.constant 1 : index
    %swap3A_38 = arith.constant 0 : index
    %swap3A_39 = arith.constant 0 : index
    %swap3A_40 = vector.load %arg4[%swap3A_37, %swap3A_38, %swap3A_39] : memref<2x704x128xi32, #tpu.memory_space<vmem>>, vector<1x704x128xi32>
    %swap3A_41 = vector.shape_cast %swap3A_40 : vector<1x704x128xi32> to vector<704x128xi32>
    %swap3A_42 = vector.shape_cast %select_n3A_36 : vector<704x128xi32> to vector<1x704x128xi32>
    tpu.vector_store %arg4[%swap3A_37, %swap3A_38, %swap3A_39], %swap3A_42 {strides = array<i32>} : memref<2x704x128xi32, #tpu.memory_space<vmem>>, vector<1x704x128xi32>,
    %get3A_43 = arith.constant 0 : index
    %get3A_44 = arith.constant 0 : index
    %get3A_45 = vector.load %arg3[%get3A_43, %get3A_44] : memref<704x128xi32, #tpu.memory_space<vmem>>, vector<704x128xi32>
    %and3A_46 = arith.constant 1 : i32
    %and3A_47 = vector.broadcast %and3A_46 : i32 to vector<704x128xi32>
    %and3A_48 = arith.andi %get3A_4, %and3A_47 : vector<704x128xi32>
    %mul3A_49 = arith.constant 100000 : i32
    %mul3A_50 = vector.broadcast %mul3A_49 : i32 to vector<704x128xi32>
    %mul3A_51 = arith.muli %and3A_48, %mul3A_50 : vector<704x128xi32>
    %add3A_52 = arith.addi %get3A_45, %mul3A_51 : vector<704x128xi32>
    %swap3A_53 = arith.constant 0 : index
    %swap3A_54 = arith.constant 0 : index
    %swap3A_55 = vector.load %arg5[%swap3A_53, %swap3A_54] : memref<704x128xi32, #tpu.memory_space<vmem>>, vector<704x128xi32>
    tpu.vector_store %arg5[%swap3A_53, %swap3A_54], %add3A_52 {strides = array<i32>} : memref<704x128xi32, #tpu.memory_space<vmem>>, vector<704x128xi32>,
    return
  }
  func.func @transform_0(%arg0: i32) -> (i32, i32) {
    %c0_i32 = arith.constant 0 : i32
    %c0_i32_0 = arith.constant 0 : i32
    return %arg0, %c0_i32 : i32, i32
  }
  func.func @transform_1(%arg0: i32) -> (i32, i32) {
    %c0_i32 = arith.constant 0 : i32
    %c0_i32_0 = arith.constant 0 : i32
    return %arg0, %c0_i32 : i32, i32
  }
  func.func @transform_2(%arg0: i32) -> (i32, i32) {
    %c0_i32 = arith.constant 0 : i32
    %c0_i32_0 = arith.constant 0 : i32
    return %arg0, %c0_i32 : i32, i32
  }
  func.func @transform_3(%arg0: i32) -> (i32, i32, i32) {
    %c0_i32 = arith.constant 0 : i32
    %c0_i32_0 = arith.constant 0 : i32
    %c0_i32_1 = arith.constant 0 : i32
    return %c0_i32, %arg0, %c0_i32_0 : i32, i32, i32
  }
  func.func @transform_4(%arg0: i32) -> (i32, i32) {
    %c0_i32 = arith.constant 0 : i32
    %c0_i32_0 = arith.constant 0 : i32
    return %arg0, %c0_i32 : i32, i32
  }
}

module attributes {stable_mosaic.version = 14 : i64} {
  func.func @_stat_body(%arg0: i32, %arg1: i32, %arg2: memref<1x2000x32xf32, #tpu.memory_space<vmem>>, %arg3: memref<32x32xf32, #tpu.memory_space<vmem>>, %arg4: memref<1x32xf32, #tpu.memory_space<vmem>>) attributes {dimension_semantics = [#tpu.dimension_semantics<arbitrary>, #tpu.dimension_semantics<arbitrary>], iteration_bounds = array<i64: 2, 25>, scalar_prefetch = 0 : i64, scratch_operands = 0 : i64, tpu.core_type = #tpu.core_type<tc>, window_params = [{transform_indices = @transform_0, window_bounds = array<i64: 1, 2000, 32>}, {pipeline_mode = #tpu.pipeline_mode<synchronous>, transform_indices = @transform_1, window_bounds = array<i64: 32, 32>}, {pipeline_mode = #tpu.pipeline_mode<synchronous>, transform_indices = @transform_2, window_bounds = array<i64: 1, 32>}]} {
    %get3A = arith.constant 0 : index
    %get3A_0 = arith.constant 0 : index
    %get3A_1 = arith.constant 0 : index
    %get3A_2 = vector.load %arg2[%get3A, %get3A_0, %get3A_1] : memref<1x2000x32xf32, #tpu.memory_space<vmem>>, vector<1x2000x32xf32>
    %get3A_3 = vector.shape_cast %get3A_2 : vector<1x2000x32xf32> to vector<2000x32xf32>
    %dot_general3A = arith.constant dense<0.000000e+00> : vector<32x32xf32>
    %dot_general3A_4 = tpu.matmul %get3A_3, %get3A_3, %dot_general3A {dimension_numbers = #tpu.dot_dimension_numbers<[0], [0], [1], [1], [0, 1, 1, 1], [], []>, transpose_lhs_hint = false} : vector<2000x32xf32>, vector<2000x32xf32>, vector<32x32xf32> -> vector<32x32xf32>
    %reduce_sum3A = arith.constant dense<0.000000e+00> : vector<32xf32>
    %reduce_sum3A_5 = vector.multi_reduction <add>, %get3A_3, %reduce_sum3A [0] : vector<2000x32xf32> to vector<32xf32>
    %broadcast_in_dim3A = vector.shape_cast %reduce_sum3A_5 : vector<32xf32> to vector<1x32xf32>
    %eq3A = arith.constant 0 : i32
    %eq3A_6 = arith.cmpi eq, %arg0, %eq3A : i32
    %eq3A_7 = arith.constant 0 : i32
    %eq3A_8 = arith.cmpi eq, %arg1, %eq3A_7 : i32
    %and3A = arith.andi %eq3A_6, %eq3A_8 : i1
    %convert_element_type3A = arith.extui %and3A : i1 to i32
    %cond3A = arith.constant 0 : i32
    %cond3A_9 = arith.cmpi ne, %convert_element_type3A, %cond3A : i32
    scf.if %cond3A_9 {
      %swap3A = arith.constant 0 : index
      %swap3A_14 = arith.constant 0 : index
      %swap3A_15 = vector.load %arg3[%swap3A, %swap3A_14] : memref<32x32xf32, #tpu.memory_space<vmem>>, vector<32x32xf32>
      tpu.vector_store %arg3[%swap3A, %swap3A_14], %dot_general3A_4 {strides = array<i32>} : memref<32x32xf32, #tpu.memory_space<vmem>>, vector<32x32xf32>,
      %swap3A_16 = arith.constant 0 : index
      %swap3A_17 = arith.constant 0 : index
      %swap3A_18 = vector.load %arg4[%swap3A_16, %swap3A_17] : memref<1x32xf32, #tpu.memory_space<vmem>>, vector<1x32xf32>
      tpu.vector_store %arg4[%swap3A_16, %swap3A_17], %broadcast_in_dim3A {strides = array<i32>} : memref<1x32xf32, #tpu.memory_space<vmem>>, vector<1x32xf32>,
    } else {
    }
    %not3A = arith.constant true
    %not3A_10 = arith.xori %and3A, %not3A : i1
    %convert_element_type3A_11 = arith.extui %not3A_10 : i1 to i32
    %cond3A_12 = arith.constant 0 : i32
    %cond3A_13 = arith.cmpi ne, %convert_element_type3A_11, %cond3A_12 : i32
    scf.if %cond3A_13 {
      %get3A_14 = arith.constant 0 : index
      %get3A_15 = arith.constant 0 : index
      %get3A_16 = vector.load %arg3[%get3A_14, %get3A_15] : memref<32x32xf32, #tpu.memory_space<vmem>>, vector<32x32xf32>
      %add3A = arith.addf %get3A_16, %dot_general3A_4 : vector<32x32xf32>
      %swap3A = arith.constant 0 : index
      %swap3A_17 = arith.constant 0 : index
      %swap3A_18 = vector.load %arg3[%swap3A, %swap3A_17] : memref<32x32xf32, #tpu.memory_space<vmem>>, vector<32x32xf32>
      tpu.vector_store %arg3[%swap3A, %swap3A_17], %add3A {strides = array<i32>} : memref<32x32xf32, #tpu.memory_space<vmem>>, vector<32x32xf32>,
      %get3A_19 = arith.constant 0 : index
      %get3A_20 = arith.constant 0 : index
      %get3A_21 = vector.load %arg4[%get3A_19, %get3A_20] : memref<1x32xf32, #tpu.memory_space<vmem>>, vector<1x32xf32>
      %add3A_22 = arith.addf %get3A_21, %broadcast_in_dim3A : vector<1x32xf32>
      %swap3A_23 = arith.constant 0 : index
      %swap3A_24 = arith.constant 0 : index
      %swap3A_25 = vector.load %arg4[%swap3A_23, %swap3A_24] : memref<1x32xf32, #tpu.memory_space<vmem>>, vector<1x32xf32>
      tpu.vector_store %arg4[%swap3A_23, %swap3A_24], %add3A_22 {strides = array<i32>} : memref<1x32xf32, #tpu.memory_space<vmem>>, vector<1x32xf32>,
    } else {
    }
    return
  }
  func.func @transform_0(%arg0: i32, %arg1: i32) -> (i32, i32, i32) {
    %c0_i32 = arith.constant 0 : i32
    %c0_i32_0 = arith.constant 0 : i32
    return %arg0, %arg1, %c0_i32 : i32, i32, i32
  }
  func.func @transform_1(%arg0: i32, %arg1: i32) -> (i32, i32) {
    %c0_i32 = arith.constant 0 : i32
    %c0_i32_0 = arith.constant 0 : i32
    %c0_i32_1 = arith.constant 0 : i32
    return %c0_i32, %c0_i32_0 : i32, i32
  }
  func.func @transform_2(%arg0: i32, %arg1: i32) -> (i32, i32) {
    %c0_i32 = arith.constant 0 : i32
    %c0_i32_0 = arith.constant 0 : i32
    %c0_i32_1 = arith.constant 0 : i32
    return %c0_i32, %c0_i32_0 : i32, i32
  }
}

module attributes {stable_mosaic.version = 14 : i64} {
  func.func @_out_body(%arg0: i32, %arg1: i32, %arg2: memref<1x2000x32xf32, #tpu.memory_space<vmem>>, %arg3: memref<32x32xf32, #tpu.memory_space<vmem>>, %arg4: memref<32x32xf32, #tpu.memory_space<vmem>>, %arg5: memref<1x32xf32, #tpu.memory_space<vmem>>, %arg6: memref<1x32xf32, #tpu.memory_space<vmem>>, %arg7: memref<1x32xf32, #tpu.memory_space<vmem>>, %arg8: memref<2000x32xf32, #tpu.memory_space<vmem>>) attributes {dimension_semantics = [#tpu.dimension_semantics<arbitrary>, #tpu.dimension_semantics<arbitrary>], iteration_bounds = array<i64: 2, 25>, scalar_prefetch = 0 : i64, scratch_operands = 0 : i64, tpu.core_type = #tpu.core_type<tc>, window_params = [{transform_indices = @transform_0, window_bounds = array<i64: 1, 2000, 32>}, {pipeline_mode = #tpu.pipeline_mode<synchronous>, transform_indices = @transform_1, window_bounds = array<i64: 32, 32>}, {pipeline_mode = #tpu.pipeline_mode<synchronous>, transform_indices = @transform_2, window_bounds = array<i64: 32, 32>}, {pipeline_mode = #tpu.pipeline_mode<synchronous>, transform_indices = @transform_3, window_bounds = array<i64: 1, 32>}, {pipeline_mode = #tpu.pipeline_mode<synchronous>, transform_indices = @transform_4, window_bounds = array<i64: 1, 32>}, {pipeline_mode = #tpu.pipeline_mode<synchronous>, transform_indices = @transform_5, window_bounds = array<i64: 1, 32>}, {transform_indices = @transform_6, window_bounds = array<i64: 2000, 32>}]} {
    %get3A = arith.constant 0 : index
    %get3A_0 = arith.constant 0 : index
    %get3A_1 = vector.load %arg3[%get3A, %get3A_0] : memref<32x32xf32, #tpu.memory_space<vmem>>, vector<32x32xf32>
    %get3A_2 = arith.constant 0 : index
    %get3A_3 = arith.constant 0 : index
    %get3A_4 = vector.load %arg5[%get3A_2, %get3A_3] : memref<1x32xf32, #tpu.memory_space<vmem>>, vector<1x32xf32>
    %dot_general3A = arith.constant dense<0.000000e+00> : vector<1x32xf32>
    %dot_general3A_5 = tpu.matmul %get3A_4, %get3A_1, %dot_general3A {dimension_numbers = #tpu.dot_dimension_numbers<[1], [0], [0], [1], [0, 0, 1, 1], [], []>, transpose_lhs_hint = false} : vector<1x32xf32>, vector<32x32xf32>, vector<1x32xf32> -> vector<1x32xf32>
    %mul3A = arith.constant 1.42857141E-6 : f32
    %mul3A_6 = vector.broadcast %mul3A : f32 to vector<1x32xf32>
    %mul3A_7 = arith.mulf %dot_general3A_5, %mul3A_6 : vector<1x32xf32>
    %get3A_8 = arith.constant 0 : index
    %get3A_9 = arith.constant 0 : index
    %get3A_10 = vector.load %arg4[%get3A_8, %get3A_9] : memref<32x32xf32, #tpu.memory_space<vmem>>, vector<32x32xf32>
    %dot_general3A_11 = arith.constant dense<0.000000e+00> : vector<32x32xf32>
    %dot_general3A_12 = tpu.matmul %get3A_10, %get3A_1, %dot_general3A_11 {dimension_numbers = #tpu.dot_dimension_numbers<[1], [0], [0], [1], [0, 0, 1, 1], [], []>, transpose_lhs_hint = false} : vector<32x32xf32>, vector<32x32xf32>, vector<32x32xf32> -> vector<32x32xf32>
    %mul3A_13 = arith.mulf %get3A_1, %dot_general3A_12 : vector<32x32xf32>
    %reduce_sum3A = arith.constant dense<0.000000e+00> : vector<32xf32>
    %reduce_sum3A_14 = vector.multi_reduction <add>, %mul3A_13, %reduce_sum3A [0] : vector<32x32xf32> to vector<32xf32>
    %broadcast_in_dim3A = vector.shape_cast %reduce_sum3A_14 : vector<32xf32> to vector<1x32xf32>
    %mul3A_15 = arith.constant 2.0408163E-7 : f32
    %mul3A_16 = vector.broadcast %mul3A_15 : f32 to vector<1x32xf32>
    %mul3A_17 = arith.mulf %broadcast_in_dim3A, %mul3A_16 : vector<1x32xf32>
    %mul3A_18 = arith.mulf %mul3A_7, %mul3A_7 : vector<1x32xf32>
    %sub3A = arith.subf %mul3A_17, %mul3A_18 : vector<1x32xf32>
    %add3A = arith.constant 9.99999974E-6 : f32
    %add3A_19 = vector.broadcast %add3A : f32 to vector<1x32xf32>
    %add3A_20 = arith.addf %sub3A, %add3A_19 : vector<1x32xf32>
    %rsqrt3A = math.rsqrt %add3A_20 : vector<1x32xf32>
    %get3A_21 = arith.constant 0 : index
    %get3A_22 = arith.constant 0 : index
    %get3A_23 = vector.load %arg6[%get3A_21, %get3A_22] : memref<1x32xf32, #tpu.memory_space<vmem>>, vector<1x32xf32>
    %mul3A_24 = arith.mulf %rsqrt3A, %get3A_23 : vector<1x32xf32>
    %get3A_25 = arith.constant 0 : index
    %get3A_26 = arith.constant 0 : index
    %get3A_27 = arith.constant 0 : index
    %get3A_28 = vector.load %arg2[%get3A_25, %get3A_26, %get3A_27] : memref<1x2000x32xf32, #tpu.memory_space<vmem>>, vector<1x2000x32xf32>
    %get3A_29 = vector.shape_cast %get3A_28 : vector<1x2000x32xf32> to vector<2000x32xf32>
    %dot_general3A_30 = arith.constant dense<0.000000e+00> : vector<2000x32xf32>
    %dot_general3A_31 = tpu.matmul %get3A_29, %get3A_1, %dot_general3A_30 {dimension_numbers = #tpu.dot_dimension_numbers<[1], [0], [0], [1], [0, 0, 1, 1], [], []>, transpose_lhs_hint = false} : vector<2000x32xf32>, vector<32x32xf32>, vector<2000x32xf32> -> vector<2000x32xf32>
    %mul3A_32 = arith.constant 0.142857149 : f32
    %mul3A_33 = vector.broadcast %mul3A_32 : f32 to vector<2000x32xf32>
    %mul3A_34 = arith.mulf %dot_general3A_31, %mul3A_33 : vector<2000x32xf32>
    %sub3A_35 = vector.broadcast %mul3A_7 : vector<1x32xf32> to vector<2000x32xf32>
    %sub3A_36 = arith.subf %mul3A_34, %sub3A_35 : vector<2000x32xf32>
    %mul3A_37 = vector.broadcast %mul3A_24 : vector<1x32xf32> to vector<2000x32xf32>
    %mul3A_38 = arith.mulf %sub3A_36, %mul3A_37 : vector<2000x32xf32>
    %get3A_39 = arith.constant 0 : index
    %get3A_40 = arith.constant 0 : index
    %get3A_41 = vector.load %arg7[%get3A_39, %get3A_40] : memref<1x32xf32, #tpu.memory_space<vmem>>, vector<1x32xf32>
    %add3A_42 = vector.broadcast %get3A_41 : vector<1x32xf32> to vector<2000x32xf32>
    %add3A_43 = arith.addf %mul3A_38, %add3A_42 : vector<2000x32xf32>
    %max3A = arith.constant 0.000000e+00 : f32
    %max3A_44 = vector.broadcast %max3A : f32 to vector<2000x32xf32>
    %max3A_45 = arith.maximumf %add3A_43, %max3A_44 : vector<2000x32xf32>
    %swap3A = arith.constant 0 : index
    %swap3A_46 = arith.constant 0 : index
    %swap3A_47 = vector.load %arg8[%swap3A, %swap3A_46] : memref<2000x32xf32, #tpu.memory_space<vmem>>, vector<2000x32xf32>
    tpu.vector_store %arg8[%swap3A, %swap3A_46], %max3A_45 {strides = array<i32>} : memref<2000x32xf32, #tpu.memory_space<vmem>>, vector<2000x32xf32>,
    return
  }
  func.func @transform_0(%arg0: i32, %arg1: i32) -> (i32, i32, i32) {
    %c0_i32 = arith.constant 0 : i32
    %c0_i32_0 = arith.constant 0 : i32
    return %arg0, %arg1, %c0_i32 : i32, i32, i32
  }
  func.func @transform_1(%arg0: i32, %arg1: i32) -> (i32, i32) {
    %c0_i32 = arith.constant 0 : i32
    %c0_i32_0 = arith.constant 0 : i32
    %c0_i32_1 = arith.constant 0 : i32
    return %c0_i32, %c0_i32_0 : i32, i32
  }
  func.func @transform_2(%arg0: i32, %arg1: i32) -> (i32, i32) {
    %c0_i32 = arith.constant 0 : i32
    %c0_i32_0 = arith.constant 0 : i32
    %c0_i32_1 = arith.constant 0 : i32
    return %c0_i32, %c0_i32_0 : i32, i32
  }
  func.func @transform_3(%arg0: i32, %arg1: i32) -> (i32, i32) {
    %c0_i32 = arith.constant 0 : i32
    %c0_i32_0 = arith.constant 0 : i32
    %c0_i32_1 = arith.constant 0 : i32
    return %c0_i32, %c0_i32_0 : i32, i32
  }
  func.func @transform_4(%arg0: i32, %arg1: i32) -> (i32, i32) {
    %c0_i32 = arith.constant 0 : i32
    %c0_i32_0 = arith.constant 0 : i32
    %c0_i32_1 = arith.constant 0 : i32
    return %c0_i32, %c0_i32_0 : i32, i32
  }
  func.func @transform_5(%arg0: i32, %arg1: i32) -> (i32, i32) {
    %c0_i32 = arith.constant 0 : i32
    %c0_i32_0 = arith.constant 0 : i32
    %c0_i32_1 = arith.constant 0 : i32
    return %c0_i32, %c0_i32_0 : i32, i32
  }
  func.func @transform_6(%arg0: i32, %arg1: i32) -> (i32, i32) {
    %mul3A = arith.constant 25 : i32
    %mul3A_0 = arith.muli %arg0, %mul3A : i32
    %add3A = arith.addi %mul3A_0, %arg1 : i32
    %c0_i32 = arith.constant 0 : i32
    %c0_i32_1 = arith.constant 0 : i32
    return %add3A, %c0_i32 : i32, i32
  }
}

</mosaic_0001>

<sc_bundles>
// kernel: kernel.6.cloned.1.call-start
scs
__scs_entry_jumppad:
0x0: {  	(pc) =	sbr.rel $0x88, $3  }
0x1: {  	(tag) =	ssettag $0x0;
	lr =	simm.s32 $0x1  }
0x2: {  	[smem:$0x3F9B] =	sst lr;
	_ =	strace $0xD0000000  }
0x3: {  	_ = 	snop  }
0x4: {  	_ = 	snop  }
0x5: {  	_ = 	snop  }
0x6: {  	_ = 	snop  }
0x7: {  	_ = 	snop  }
__scs_overlays_trampoline_lowered:
0x8: {  	[smem:$0x3FAA] =	sst s0  }
0x9: {  	[smem:$0x3FAB] =	sst s1  }
0xa: {  	[smem:$0x3FAC] =	sst s2  }
0xb: {  	[smem:$0x3FAD] =	sst s3  }
0xc: {  	[smem:$0x3FAE] =	sst s4  }
0xd: {  	[smem:$0x3FAF] =	sst s5  }
0xe: {  	[smem:$0x3FB0] =	sst s6  }
0xf: {  	[smem:$0x3FB1] =	sst s7  }
0x10: {  	[smem:$0x3FB2] =	sst s8  }
0x11: {  	[smem:$0x3FB3] =	sst s9;
	s0 =	simm.s32 @!p0 $0x0  }
0x12: {  	s1 =	sld [smem:$0x3F99];
	s0 =	simm.s32 @p0 $0x1  }
0x13: {  	[smem:$0x3FB4] =	sst s0;
	s0 =	simm.s32 @!p1 $0x0  }
0x14: {  	s2 =	sld [smem:$0x3F98];
	s0 =	simm.s32 @p1 $0x1  }
0x15: {  	[smem:$0x3FB5] =	sst s0;
	s0 =	simm.s32 @!p2 $0x0  }
0x16: {  	s3 =	sld [smem:$0x3FDB];
	s0 =	simm.s32 @p2 $0x1  }
0x17: {  	s4 =	simm.s32 $0x1BF5;
	[smem:$0x3FB7] =	sst s0  }
0x18: {  	s0 =	sld [smem:$0x3F9A];
	_ =	swait.ge [sflag:s4], $0x0  }
0x19: {  	s7 =	sld [smem:$0x3F9B]  }
0x1a: {  	s8 =	sadd.s32 $0xFFFFE003, lr  }
0x1b: {  	s9 =	sadd.s32 $0xFFFFFEF7, lr;
	s5 =	simm.s32 $0xFFFFFFFF;
	p2 =	slt.u32 s8, $0xFFFFF086  }
0x1c: {  	p1 =	slt.u32 s9, $0xF7A;
	s5 =	simm.s32 @!p2 $0x0  }
0x1d: {  	s5 =	simm.s32 @p1 $0x1;
	p0 =	seq.s32 s7, s2  }
0x1e: {  	s7 =	smul.u32 @!p0 $0xF7A, s2;
	p2 =	seq.s32 @!p0 s5, $0x0  }
0x1f: {  	s9 =	smul.u32 $0xF7A, s1;
	s8 =	simm.s32 @!p0 $0x1BF5;
	p2 =	por !p2, p0  }
0x20: {  	[sflag:s8] =	ssyncset.s32 @!p0 $0xFFFFF086;
	s6 =	sadd.s32 @!p0 s3, s7;
	s7 =	simm.s32 @!p0 $0x108  }
0x21: {  	s3 =	sadd.s32 s3, s9;
	s6 =	sadd.s32 @!p0 $0x88, s6;
	s7 =	simm.s32 @p2 $0x1082  }
0x22: {  	[simem:s7], [sflag:s8] =	dma.local @!p0 [hbm:s6], $0xF7A  }
0x23: {  	s9 =	sor.u32 $0xD0000000, s2;
	s6 =	simm.s32 $0x108;
	_ =	swait.ge @!p0 [sflag:s8], $0x0  }
0x24: {  	s3 =	sadd.s32 $0x88, s3;
	s6 =	simm.s32 @!p1 $0x1082;
	[sflag:s4] =	ssyncset.s32 $0xFFFFF086  }
0x25: {  	[simem:s6], [sflag:s4] =	dma.local [hbm:s3], $0xF7A  }
0x26: {  	[smem:$0x3F9B] =	sst s1;
	(tag) =	ssettag s2;
	_ =	strace s9  }
0x27: {  	s1 =	sld [smem:$0x3FAB]  }
0x28: {  	s2 =	sld [smem:$0x3FAC]  }
0x29: {  	s4 =	sld [smem:$0x3FAE]  }
0x2a: {  	p0 =	seq.s32 s5, $0x0;
	s5 =	sld [smem:$0x3FAF]  }
0x2b: {  	s6 =	sld [smem:$0x3FB0]  }
0x2c: {  	s7 =	sld [smem:$0x3FB1]  }
0x2d: {  	s3 =	simm.s32 $0x108;
	s8 =	sld [smem:$0x3FB2]  }
0x2e: {  	s3 =	simm.s32 @!p0 $0x1082;
	s9 =	sld [smem:$0x3FB3]  }
0x2f: {  	lr =	sadd.s32 s0, s3;
	s0 =	sld [smem:$0x3FAA]  }
0x30: {  	s3 =	sld [smem:$0x3FAD]  }
0x31: {  	[smem:$0x3FB6] =	sst s10  }
0x32: {  	s10 =	sld [smem:$0x3FB4];
	_ =	sdelay $0x3  }
0x33: {  	p0 =	seq.s32 s10, $0x1;
	s10 =	sld [smem:$0x3FB6];
	_ =	sdelay $0x3  }
0x34: {  	[smem:$0x3FB6] =	sst s10  }
0x35: {  	s10 =	sld [smem:$0x3FB5];
	_ =	sdelay $0x3  }
0x36: {  	p1 =	seq.s32 s10, $0x1;
	s10 =	sld [smem:$0x3FB6];
	_ =	sdelay $0x3  }
0x37: {  	[smem:$0x3FB6] =	sst s10  }
0x38: {  	s10 =	sld [smem:$0x3FB7]  }
0x39: {  	_ = 	snop;
	(pc) =	sbr.ind lr, $3  }
0x3a: {  	_ = 	snop  }
0x3b: {  	_ = 	snop  }
0x3c: {  	p2 =	seq.s32 s10, $0x1;
	s10 =	sld [smem:$0x3FB6]  }
0x3d: {  	_ =	shalt  }
0x3e: {  	_ =	shalt  }
0x3f: {  	_ =	shalt  }
0x40: {  	_ =	shalt  }
0x41: {  	_ =	shalt  }
0x42: {  	_ =	shalt  }
0x43: {  	_ =	shalt  }
0x44: {  	_ =	shalt  }
0x45: {  	_ =	shalt  }
0x46: {  	_ =	shalt  }
0x47: {  	_ =	shalt  }
0x48: {  	_ =	shalt  }
0x49: {  	_ =	shalt  }
0x4a: {  	_ =	shalt  }
0x4b: {  	_ =	shalt  }
0x4c: {  	_ =	shalt  }
0x4d: {  	_ =	shalt  }
0x4e: {  	_ =	shalt  }
0x4f: {  	_ =	shalt  }
0x50: {  	_ =	shalt  }
0x51: {  	_ =	shalt  }
0x52: {  	_ =	shalt  }
0x53: {  	_ =	shalt  }
0x54: {  	_ =	shalt  }
0x55: {  	_ =	shalt  }
0x56: {  	_ =	shalt  }
0x57: {  	_ =	shalt  }
0x58: {  	_ =	shalt  }
0x59: {  	_ =	shalt  }
0x5a: {  	_ =	shalt  }
0x5b: {  	_ =	shalt  }
0x5c: {  	_ =	shalt  }
0x5d: {  	_ =	shalt  }
0x5e: {  	_ =	shalt  }
0x5f: {  	_ =	shalt  }
0x60: {  	_ =	shalt  }
0x61: {  	_ =	shalt  }
0x62: {  	_ =	shalt  }
0x63: {  	_ =	shalt  }
0x64: {  	_ =	shalt  }
0x65: {  	_ =	shalt  }
0x66: {  	_ =	shalt  }
0x67: {  	_ =	shalt  }
0x68: {  	_ =	shalt  }
0x69: {  	_ =	shalt  }
0x6a: {  	_ =	shalt  }
0x6b: {  	_ =	shalt  }
0x6c: {  	_ =	shalt  }
0x6d: {  	_ =	shalt  }
0x6e: {  	_ =	shalt  }
0x6f: {  	_ =	shalt  }
0x70: {  	_ =	shalt  }
0x71: {  	_ =	shalt  }
0x72: {  	_ =	shalt  }
0x73: {  	_ =	shalt  }
0x74: {  	_ =	shalt  }
0x75: {  	_ =	shalt  }
0x76: {  	_ =	shalt  }
0x77: {  	_ =	shalt  }
0x78: {  	_ =	shalt  }
0x79: {  	_ =	shalt  }
0x7a: {  	_ =	shalt  }
0x7b: {  	_ =	shalt  }
0x7c: {  	_ =	shalt  }
0x7d: {  	_ =	shalt  }
0x7e: {  	_ =	shalt  }
0x7f: {  	_ =	shalt  }
0x80: {  	_ =	shalt  }
0x81: {  	_ =	shalt  }
0x82: {  	_ =	shalt  }
0x83: {  	_ =	shalt  }
0x84: {  	_ =	shalt  }
0x85: {  	_ =	shalt  }
0x86: {  	_ =	shalt  }
0x87: {  	_ =	shalt  }
.Lfunc_end0:
.L_simem_size_0:
called_computation_lowered:
.L_overlay_start_0:
0x88: {  	s2 =	sld [smem:$0x3FD9]  }
0x89: {  	s3 =	sld [smem:$0x3FFE];
	_ =	sdelay $0x1  }
0x8a: {  	s1 =	srdreg.scid  }
0x8b: {  	s0 =	sand.u32 $0x1, s1  }
0x8c: {  	s17 =	sshll.u32 s0, $0xA;
	s2 =	sadd.s32 s3, s2  }
0x8d: {  	s2 =	sadd.s32 s2, s17  }
0x8e: {  	[smem:$0x3FC2] =	sst s2  }
0x8f: {  	_ = 	snop  }
0x90: {  	s2 =	sld [smem:$0x3FD0];
	(tm) =	ssettm $0x1  }
0x91: {  	s18 =	sld [smem:$0x3FFB];
	_ =	sdelay $0x3  }
0x92: {  	_ =	strace s18  }
0x93: {  	s3 =	sld [smem:$0x3FFC];
	_ =	sdelay $0x3  }
0x94: {  	_ =	strace s3  }
0x95: {  	s3 =	sld [smem:$0x3FFD];
	_ =	sdelay $0x3  }
0x96: {  	_ =	strace s3  }
0x97: {  	_ =	strace $0x8FFFFFFF  }
0x98: {  	s19 =	sld [smem:$0x3FDB];
	_ =	sdelay $0x1  }
0x99: {  	s4 =	simm.s32 $_scs_section_size  }
0x9a: {  	s5 =	simm.s32 $_size__tile_overlayer_lowered;
	s6 =	simm.s32 $_tile_overlayer_lowered  }
0x9b: {  	s22 =	simm.s32 $0x1BFF;
	s21 =	sshll.u32 s6, $0x1;
	s3 =	sadd.s32 s4, s19  }
0x9c: {  	s7 =	simm.s32 $0x0;
	s20 =	sshll.u32 s5, $0x1;
	s5 =	sadd.s32 s21, s3  }
0x9d: {  	[timem:s7], [sflag:s22] =	dma.local [hbm:s5], s20  }
0x9e: {  	_ =	swait.ge [sflag:s22], s20  }
0x9f: {  	s4 =	ssub.s32 $0x0, s20;
	[sflag:s22] =	ssyncset.done $0x0  }
0xa0: {  	[sflag:s22] =	ssyncadd.s32 s4;
	_ =	sdelay $0x1  }
0xa1: {  	s23 =	simm.s32 $0x1B8B  }
0xa2: {  	_ =	swait.ge [sflag:s23], $0x1  }
0xa3: {  	[sflag:s23] =	ssyncset.done $0x0  }
0xa4: {  	s25 =	simm.s32 $0x1B8E;
	s24 =	sld [smem:$0x3FFE];
	[sflag:s23] =	ssyncadd.s32 $0xFFFFFFFF  }
0xa5: {  	s26 =	simm.s32 $execute0_lowered;
	[smem:$0x3FD2] =	sst s25  }
0xa6: {  	s5 =	sshll.u32 s26, $0x1;
	_ =	strace $0x80000046;
	[dreg:$0x1] =	wrdreg $0xFFFFFFFF  }
0xa7: {  	s28 =	simm.s32 $_size_execute0_lowered;
	s3 =	sadd.s32 s3, s5;
	[dreg:$0x0] =	wrdreg $0x0  }
0xa8: {  	s5 =	sshll.u32 s28, $0x1;
	[dreg:$0x2] =	wrdreg s3  }
0xa9: {  	[dreg:$0x3] =	wrdreg s5  }
0xaa: {  	[dreg:$0x4] =	wrdreg $0xC0  }
0xab: {  	_ =	task [dreg:s7], $0x5FFFF  }
0xac: {  	[dreg:$0x1] =	wrdreg $0xFFFFFFFF  }
0xad: {  	[dreg:$0x0] =	wrdreg $0x60  }
0xae: {  	[dreg:$0x2] =	wrdreg s24  }
0xaf: {  	[dreg:$0x3] =	wrdreg s2  }
0xb0: {  	[dreg:$0x4] =	wrdreg $0x68700  }
0xb1: {  	[dreg:$0x5] =	wrdreg $0x9  }
0xb2: {  	_ =	task.clear_ibuf [dreg:s7], $0x6FFFF;
	_ =	strace $0x90000046  }
0xb3: {  	s29 =	simm.s32 $0x9;
	_ =	strace $0x80000048  }
0xb4: {  	_ =	swait.ge [sflag:s29], $0x1  }
0xb5: {  	[sflag:s29] =	ssyncadd.s32 $0xFFFFFFFF  }
0xb6: {  	_ =	strace $0x90000048  }
0xb7: {  	_ =	sfence  }
0xb8: {  	s30 =	sld [smem:$0x0];
	_ =	sdelay $0x2  }
0xb9: {  	s31 =	sshll.u32 s1, $0xD;
	s1 =	sshrl.u32 s1, $0x2  }
0xba: {  	s3 =	sand.u32 $0x4000, s31;
	s1 =	sadd.s32 s1, s30  }
0xbb: {  	s0 =	sor.u32 s3, s0;
	s1 =	sshll.u32 s1, $0x11  }
0xbc: {  	s0 =	sor.u32 s1, s0  }
0xbd: {  	s0 =	sadd.s32 $0x8F2B, s0  }
0xbe: {  	[sflag:s0] =	ssyncadd.remote.s32 $0x1  }
0xbf: {  	_ =	sfence.sel $0xFFFF  }
0xc0: {  	[dreg:$0x0] =	wrdreg $0xFFFFFFFF;
	(pc) =	sbr.abs _section_cstart, $3  }
0xc1: {  	[dreg:$0x1] =	wrdreg $0xFFFFFFFF  }
0xc2: {  	_ =	task.clear_ibuf [dreg:s7], $0x2FFFF;
	_ =	strace $0x9FFFFFFF  }
0xc3: {  	(tm) =	ssettm $0x7FFFFFFF  }
tec
execute0_lowered:
.L_overlay_start_1:
0x0: {  	(tag) =	ssettag $0x1  }
0x1: {  	s10 =	rddreg [dreg:$0x0]  }
0x2: {  	s4 =	rddreg [dreg:$0x1]  }
0x3: {  	s2 =	rddreg [dreg:$0x2];
	s3 =	simm.s32 $0x0  }
0x4: {  	s17 =	simm.s32 $0x100;
	[smem:$0x7FF] =	sst s3  }
0x5: {  	s18 =	simm.s32 $0x180;
	_ =	strace $0x80000047;
	[dreg:$0x7] =	wrdreg s17  }
0x6: {  	s19 =	simm.s32 $0x200;
	[dreg:$0x8] =	wrdreg s18  }
0x7: {  	s20 =	simm.s32 $0x280;
	[dreg:$0x9] =	wrdreg s19  }
0x8: {  	s1 =	stileid.u32;
	s21 =	simm.s32 $0x300;
	[dreg:$0xa] =	wrdreg s20  }
0x9: {  	s6 =	srdreg.scid;
	s22 =	simm.s32 $0x380;
	[dreg:$0xb] =	wrdreg s21  }
0xa: {  	s23 =	simm.s32 $0x480;
	s24 =	simm.s32 $0x500;
	[dreg:$0xc] =	wrdreg s22  }
0xb: {  	s25 =	simm.s32 $0x580;
	s0 =	smul.u32 $0x1600, s1;
	[dreg:$0xd] =	wrdreg s23  }
0xc: {  	s26 =	simm.s32 $0x600;
	s5 =	smul.u32 $0x18700, s1;
	[dreg:$0xe] =	wrdreg s24  }
0xd: {  	s7 =	sand.u32 $0x1, s6;
	s8 =	smul.u32 $0xB000, s1;
	[dreg:$0xf] =	wrdreg s25  }
0xe: {  	s1 =	simm.s32 $0x2E00;
	s6 =	ssub.s32 $0x2, s7;
	[dreg:$0x10] =	wrdreg s26  }
0xf: {  	s9 =	smul.u32 $0xB0000, s7;
	s17 =	simm.s32 $0x680;
	[dreg:$0x1e] =	wrdreg s1  }
0x10: {  	s7 =	smul.u32 $0x187000, s7;
	s19 =	simm.s32 $0x700;
	[dreg:$0x11] =	wrdreg s17  }
0x11: {  	s20 =	simm.s32 $0x780;
	s22 =	simm.s32 $0x2880;
	[dreg:$0x12] =	wrdreg s19  }
0x12: {  	s24 =	simm.s32 $0x2900;
	s25 =	simm.s32 $0x2980;
	[dreg:$0x13] =	wrdreg s20  }
0x13: {  	s0 =	sadd.s32 s0, s10;
	s10 =	sadd.s32 $0xC00, s10;
	[dreg:$0x14] =	wrdreg s22  }
0x14: {  	s11 =	sshrl.u32 s6, $0x1;
	s13 =	sadd.s32 $0xC38, s5;
	[dreg:$0x15] =	wrdreg s24  }
0x15: {  	s15 =	sadd.s32 $0x1870, s5;
	[dreg:$0x16] =	wrdreg s25;
	s17 =	simm.s32 $0x2A80  }
0x16: {  	s20 =	simm.s32 $0x2B80;
	s22 =	simm.s32 $0x2C80;
	[smem:$0x7D6] =	sst s13  }
0x17: {  	s25 =	simm.s32 $0x2D80;
	s28 =	sadd.s32 $0x10098, s5;
	[smem:$0x7D8] =	sst s15  }
0x18: {  	s29 =	sadd.s32 $0x10CD0, s5;
	s31 =	sadd.s32 $0x12540, s5;
	[dreg:$0x18] =	wrdreg s17  }
0x19: {  	s11 =	ssub.s32 s6, s11;
	s8 =	sadd.s32 s8, s9;
	[dreg:$0x1a] =	wrdreg s20  }
0x1a: {  	s0 =	sadd.s32 $0x2CC00, s0;
	s6 =	sadd.s32 $0x24A8, s5;
	[dreg:$0x1b] =	wrdreg s22  }
0x1b: {  	s18 =	sadd.s32 s7, s13;
	s23 =	sadd.s32 s7, s15;
	[dreg:$0x1d] =	wrdreg s25  }
0x1c: {  	s13 =	simm.s32 $0x2A00;
	s30 =	sadd.s32 s7, s28;
	[smem:$0x7F8] =	sst s11  }
0x1d: {  	s9 =	sshrl.u32 s8, $0x3;
	s8 =	sor.u32 $0x400, s8;
	[dreg:$0x4] =	wrdreg s0  }
0x1e: {  	[smem:$0x7DA] =	sst s6;
	s11 =	sadd.s32 $0x61C0, s5;
	s15 =	sadd.s32 s7, s6  }
0x1f: {  	[dreg:$0x17] =	wrdreg s13;
	s6 =	simm.s32 $0x2E80;
	s12 =	sadd.s32 s9, s10  }
0x20: {  	s14 =	sshrl.u32 s8, $0x3;
	s9 =	sadd.s32 $0x4950, s5;
	[dreg:$0x1f] =	wrdreg s6  }
0x21: {  	s8 =	sadd.s32 $0x5588, s5;
	s13 =	sadd.s32 s7, s11;
	[dreg:$0x5] =	wrdreg s12  }
0x22: {  	s16 =	sadd.s32 s14, s10;
	s10 =	sadd.s32 $0x30E0, s5;
	[smem:$0x7E0] =	sst s9  }
0x23: {  	s12 =	sadd.s32 $0x3D18, s5;
	[smem:$0x7E2] =	sst s8;
	s14 =	sadd.s32 $0x6DF8, s5  }
0x24: {  	s17 =	sadd.s32 s7, s9;
	s8 =	sadd.s32 s7, s8;
	[dreg:$0x6] =	wrdreg s16  }
0x25: {  	[smem:$0x7DC] =	sst s10;
	s16 =	sadd.s32 s5, s7;
	s0 =	sshrl.u32 s8, $0x3  }
0x26: {  	[smem:$0x7DE] =	sst s12;
	s16 =	sshrl.u32 s16, $0x3;
	s0 =	sadd.s32 s4, s0  }
0x27: {  	s16 =	sadd.s32 s4, s16;
	[smem:$0x7B9] =	sst s0;
	s0 =	sshrl.u32 s13, $0x3  }
0x28: {  	[smem:$0x7B2] =	sst s16;
	s16 =	sshrl.u32 s18, $0x3;
	s18 =	simm.s32 $0x2B00  }
0x29: {  	s13 =	smov.u32 s14;
	s0 =	sadd.s32 s4, s0;
	[dreg:$0x19] =	wrdreg s18  }
0x2a: {  	s21 =	sadd.s32 s4, s16;
	s16 =	sshrl.u32 s23, $0x3;
	[smem:$0x7BA] =	sst s0  }
0x2b: {  	s23 =	simm.s32 $0x2D00;
	[smem:$0x7B3] =	sst s21;
	s26 =	sadd.s32 s4, s16  }
0x2c: {  	s16 =	sshrl.u32 s15, $0x3;
	s21 =	sadd.s32 s7, s10;
	[dreg:$0x1c] =	wrdreg s23  }
0x2d: {  	s10 =	sshrl.u32 s17, $0x3;
	s15 =	smov.u32 s11;
	[smem:$0x7B4] =	sst s26  }
0x2e: {  	s19 =	sadd.s32 s4, s16;
	s16 =	sshrl.u32 s21, $0x3;
	s26 =	sadd.s32 s7, s12  }
0x2f: {  	s12 =	sadd.s32 s4, s10;
	s10 =	sadd.s32 $0x8668, s5;
	[smem:$0x7B5] =	sst s19  }
0x30: {  	s24 =	sadd.s32 s4, s16;
	s16 =	sshrl.u32 s26, $0x3;
	[smem:$0x7B8] =	sst s12  }
0x31: {  	s12 =	sadd.s32 $0x7A30, s5;
	s21 =	sadd.s32 s7, s10;
	[smem:$0x7B6] =	sst s24  }
0x32: {  	s9 =	sadd.s32 s4, s16;
	s16 =	sadd.s32 s7, s14;
	s19 =	sadd.s32 s7, s12  }
0x33: {  	s12 =	sadd.s32 s12, s2;
	[smem:$0x7B7] =	sst s9;
	s18 =	sshrl.u32 s16, $0x3  }
0x34: {  	s20 =	sshrl.u32 s19, $0x3;
	s9 =	sadd.s32 $0x92A0, s5;
	s19 =	sadd.s32 $0x9ED8, s5  }
0x35: {  	[smem:$0x7E6] =	sst s12;
	s0 =	sadd.s32 s4, s18;
	s23 =	sadd.s32 s7, s19  }
0x36: {  	s18 =	sshrl.u32 s30, $0x3;
	s30 =	sadd.s32 s7, s29;
	[smem:$0x7BB] =	sst s0  }
0x37: {  	s0 =	sadd.s32 s4, s20;
	s20 =	sadd.s32 s7, s9;
	s24 =	sshrl.u32 s23, $0x3  }
0x38: {  	[smem:$0x7BC] =	sst s0;
	s0 =	sshrl.u32 s21, $0x3;
	s22 =	sshrl.u32 s20, $0x3  }
0x39: {  	s20 =	sadd.s32 $0xAB10, s5;
	s21 =	sadd.s32 $0xB748, s5;
	s0 =	sadd.s32 s4, s0  }
0x3a: {  	s25 =	sadd.s32 s7, s20;
	s23 =	sadd.s32 s7, s21;
	[smem:$0x7BD] =	sst s0  }
0x3b: {  	s0 =	sadd.s32 s4, s22;
	s22 =	sadd.s32 $0xC380, s5;
	s26 =	sshrl.u32 s23, $0x3  }
0x3c: {  	s23 =	sadd.s32 $0xCFB8, s5;
	[smem:$0x7BE] =	sst s0;
	s0 =	sadd.s32 s4, s24  }
0x3d: {  	s1 =	sadd.s32 s7, s22;
	s24 =	sadd.s32 $0xDBF0, s5;
	s8 =	sadd.s32 s7, s23  }
0x3e: {  	[smem:$0x7BF] =	sst s0;
	s0 =	sshrl.u32 s25, $0x3;
	s6 =	sshrl.u32 s1, $0x3  }
0x3f: {  	s25 =	sadd.s32 $0xE828, s5;
	s1 =	sshrl.u32 s30, $0x3;
	s0 =	sadd.s32 s4, s0  }
0x40: {  	s30 =	sadd.s32 $0x11908, s5;
	[smem:$0x7C0] =	sst s0;
	s0 =	sadd.s32 s4, s26  }
0x41: {  	s14 =	sadd.s32 s7, s25;
	[smem:$0x7C1] =	sst s0;
	s0 =	sadd.s32 s4, s6  }
0x42: {  	s26 =	sadd.s32 s7, s24;
	[smem:$0x7C2] =	sst s0;
	s0 =	sshrl.u32 s8, $0x3  }
0x43: {  	s16 =	sshrl.u32 s14, $0x3;
	s11 =	sshrl.u32 s26, $0x3;
	s0 =	sadd.s32 s4, s0  }
0x44: {  	s26 =	sadd.s32 $0xF460, s5;
	[smem:$0x7C3] =	sst s0;
	s0 =	sadd.s32 s4, s11  }
0x45: {  	s17 =	sadd.s32 s7, s26;
	[smem:$0x7C4] =	sst s0;
	s0 =	sadd.s32 s4, s16  }
0x46: {  	s12 =	sadd.s32 s24, s2;
	[smem:$0x7C5] =	sst s0;
	s0 =	sshrl.u32 s17, $0x3  }
0x47: {  	[smem:$0x7EE] =	sst s12;
	s17 =	sadd.s32 $0x13DB0, s5;
	s0 =	sadd.s32 s4, s0  }
0x48: {  	s6 =	sadd.s32 s7, s30;
	s24 =	sadd.s32 s17, s2;
	[smem:$0x7C6] =	sst s0  }
0x49: {  	s8 =	sshrl.u32 s6, $0x3;
	s0 =	sadd.s32 s4, s18;
	[smem:$0x7F6] =	sst s24  }
0x4a: {  	s11 =	sadd.s32 s7, s31;
	[smem:$0x7C7] =	sst s0;
	s0 =	sadd.s32 s4, s1  }
0x4b: {  	s18 =	sadd.s32 $0x13178, s5;
	s1 =	sadd.s32 s4, s8;
	[smem:$0x7C8] =	sst s0  }
0x4c: {  	s14 =	sadd.s32 s7, s18;
	[smem:$0x7C9] =	sst s1;
	s0 =	sshrl.u32 s11, $0x3  }
0x4d: {  	s16 =	sshrl.u32 s14, $0x3;
	s1 =	sadd.s32 s7, s17;
	s0 =	sadd.s32 s4, s0  }
0x4e: {  	s14 =	sadd.s32 $0x15620, s5;
	s8 =	sshrl.u32 s1, $0x3;
	[smem:$0x7CA] =	sst s0  }
0x4f: {  	s0 =	sadd.s32 s4, s16;
	s16 =	sadd.s32 $0x149E8, s5;
	s11 =	sadd.s32 s4, s8  }
0x50: {  	s8 =	sadd.s32 $0x16258, s5;
	[smem:$0x7CB] =	sst s0;
	s6 =	sadd.s32 s7, s16  }
0x51: {  	[smem:$0x7CC] =	sst s11;
	s1 =	sadd.s32 s7, s8;
	s12 =	sadd.s32 s8, s2  }
0x52: {  	s0 =	sshrl.u32 s6, $0x3;
	s6 =	sadd.s32 s7, s14;
	[smem:$0x7FB] =	sst s12  }
0x53: {  	s0 =	sadd.s32 s4, s0;
	s11 =	sshrl.u32 s6, $0x3;
	s6 =	sadd.s32 $0x16E90, s5  }
0x54: {  	[smem:$0x7CD] =	sst s0;
	s0 =	sadd.s32 s4, s11;
	s11 =	sshrl.u32 s1, $0x3  }
0x55: {  	[smem:$0x7CE] =	sst s0;
	s0 =	sadd.s32 s7, s6;
	s11 =	sadd.s32 s4, s11  }
0x56: {  	[smem:$0x7CF] =	sst s11;
	s0 =	sshrl.u32 s0, $0x3;
	s11 =	simm.s32 $0x2F00  }
0x57: {  	s1 =	sadd.s32 $0x17AC8, s5;
	s0 =	sadd.s32 s4, s0;
	[smem:$0x7D2] =	sst s11  }
0x58: {  	s7 =	sadd.s32 s7, s1;
	s11 =	simm.s32 $0x2F80;
	[smem:$0x7D0] =	sst s0  }
0x59: {  	s7 =	sshrl.u32 s7, $0x3;
	[smem:$0x7D3] =	sst s11  }
0x5a: {  	s0 =	sadd.s32 s4, s7;
	s4 =	rddreg [dreg:$0x0]  }
0x5b: {  	s11 =	sadd.s32 s5, s2;
	s5 =	sld [smem:$0x7D8]  }
0x5c: {  	[smem:$0x7D1] =	sst s0  }
0x5d: {  	[smem:$0x7D5] =	sst s11  }
0x5e: {  	s7 =	sadd.s32 $0x30E000, s4;
	s0 =	sadd.s32 $0x42C00, s4;
	s4 =	sld [smem:$0x7D6]  }
0x5f: {  	s11 =	sld [smem:$0x7DA]  }
0x60: {  	[smem:$0x7D4] =	sst s0  }
0x61: {  	s0 =	sadd.s32 s4, s2;
	s4 =	sld [smem:$0x7DC]  }
0x62: {  	[smem:$0x7D7] =	sst s0  }
0x63: {  	s0 =	sadd.s32 s5, s2;
	s5 =	sld [smem:$0x7DE]  }
0x64: {  	[smem:$0x7D9] =	sst s0  }
0x65: {  	s0 =	sadd.s32 s11, s2;
	s11 =	sld [smem:$0x7E0]  }
0x66: {  	[smem:$0x7DB] =	sst s0  }
0x67: {  	s0 =	sadd.s32 s4, s2;
	s4 =	sld [smem:$0x7E2]  }
0x68: {  	[smem:$0x7DD] =	sst s0;
	s0 =	sadd.s32 s5, s2  }
0x69: {  	s5 =	sadd.s32 s15, s2;
	[smem:$0x7DF] =	sst s0  }
0x6a: {  	s15 =	sadd.s32 s9, s2;
	[smem:$0x7E4] =	sst s5  }
0x6b: {  	s9 =	sadd.s32 s21, s2;
	[smem:$0x7E8] =	sst s15  }
0x6c: {  	s21 =	sadd.s32 s30, s2;
	[smem:$0x7EB] =	sst s9  }
0x6d: {  	s24 =	simm.s32 $0x1800;
	s17 =	simm.s32 $0x2C00;
	[smem:$0x7F3] =	sst s21  }
0x6e: {  	s0 =	sadd.s32 s11, s2;
	s15 =	sadd.s32 s26, s2;
	s26 =	sld [smem:$0x7F8]  }
0x6f: {  	s8 =	simm.s32 $0x2;
	s11 =	sadd.s32 s13, s2;
	[smem:$0x7E1] =	sst s0  }
0x70: {  	s30 =	simm.s32 $0x3400;
	s13 =	sadd.s32 s10, s2;
	[smem:$0x7E5] =	sst s11  }
0x71: {  	s5 =	sadd.s32 s20, s2;
	s10 =	sadd.s32 s22, s2;
	[smem:$0x7E7] =	sst s13  }
0x72: {  	s20 =	sadd.s32 s29, s2;
	s22 =	sadd.s32 s31, s2;
	[smem:$0x7EA] =	sst s5  }
0x73: {  	s21 =	simm.s32 $0xC00;
	s29 =	simm.s32 $0x3000;
	[smem:$0x7EC] =	sst s10  }
0x74: {  	s31 =	simm.s32 $0x3800;
	s0 =	sadd.s32 s4, s2;
	[smem:$0x7F0] =	sst s15  }
0x75: {  	s4 =	sadd.s32 s19, s2;
	s11 =	sadd.s32 s23, s2;
	[smem:$0x7F2] =	sst s20  }
0x76: {  	s13 =	sadd.s32 s25, s2;
	s19 =	sadd.s32 s28, s2;
	[smem:$0x7F4] =	sst s22  }
0x77: {  	s23 =	sadd.s32 s18, s2;
	s25 =	sadd.s32 s16, s2;
	[smem:$0x7E3] =	sst s0  }
0x78: {  	s15 =	sadd.s32 s14, s2;
	s10 =	sadd.s32 s1, s2;
	[smem:$0x7E9] =	sst s4  }
0x79: {  	s14 =	simm.s32 $0x1;
	s18 =	simm.s32 $0x3;
	[smem:$0x7ED] =	sst s11  }
0x7a: {  	s20 =	simm.s32 $0x800;
	s22 =	simm.s32 $0x1000;
	[smem:$0x7EF] =	sst s13  }
0x7b: {  	s28 =	simm.s32 $0x2400;
	s1 =	simm.s32 $0x4000;
	[smem:$0x7F1] =	sst s19  }
0x7c: {  	s5 =	simm.s32 $0x4800;
	s16 =	simm.s32 $0x0;
	[smem:$0x7F5] =	sst s23  }
0x7d: {  	[smem:$0x7F7] =	sst s25;
	s13 =	sadd.s32 s6, s2;
	s11 =	simm.s32 $0x5000  }
0x7e: {  	s19 =	simm.s32 $0x80;
	s23 =	simm.s32 $0x1400;
	[smem:$0x7FA] =	sst s15  }
0x7f: {  	s25 =	simm.s32 $0x1C00;
	s4 =	simm.s32 $0x4400;
	[smem:$0x7FD] =	sst s10  }
0x80: {  	s6 =	simm.s32 $0x4C00;
	s0 =	smax.u32 s26, $0x1;
	[smem:$0x7FC] =	sst s13  }
0x81: {  	s26 =	simm.s32 $0x2000;
	[smem:$0x7F9] =	sst s0;
	s0 =	simm.s32 $0x3C00  }
.LBB2_1:
0x82: {  	s9 =	sld [smem:$0x7D4];
	_ =	sdelay $0x1  }
0x83: {  	[smem:$0x7B1] =	sst s16;
	s16 =	simm.s32 $0x4  }
0x84: {  	[tilespmem:s11], [sflag:$0x4] =	stream.linear.gather [hbm4b:s9+s3], $0xC38, $0x38;
	[tilespmem:$0x1EF70] =	vst v63  }
0x85: {  	_ =	swait.ge [sflag:s16], $0xC38  }
0x86: {  	[sflag:s16] =	ssyncset.done $0x0  }
0x87: {  	[sflag:s16] =	ssyncadd.s32 $0xFFFFF3C8;
	s16 =	sld [smem:$0x7D5];
	_ =	sdelay $0x2  }
0x88: {  	[spmem:s16] =	stream.linear.scatter [tilespmem:s11], [sflag:$0x1], $0xC38, $0x38;
	[tilespmem:$0x1EF70] =	vst v63  }
0x89: {  	s16 =	sld [smem:$0x7D7];
	_ =	sdelay $0x2  }
0x8a: {  	[spmem:s16] =	stream.linear.scatter [tilespmem:s11], [sflag:$0x1], $0xC38, $0x38;
	[tilespmem:$0x1EF70] =	vst v63  }
0x8b: {  	s16 =	sld [smem:$0x7D9];
	_ =	sdelay $0x2  }
0x8c: {  	[spmem:s16] =	stream.linear.scatter [tilespmem:s11], [sflag:$0x1], $0xC38, $0x38;
	[tilespmem:$0x1EF70] =	vst v63  }
0x8d: {  	s16 =	sld [smem:$0x7DB];
	_ =	sdelay $0x2  }
0x8e: {  	[spmem:s16] =	stream.linear.scatter [tilespmem:s11], [sflag:$0x1], $0xC38, $0x38;
	[tilespmem:$0x1EF70] =	vst v63  }
0x8f: {  	s16 =	sld [smem:$0x7DD];
	_ =	sdelay $0x2  }
0x90: {  	[spmem:s16] =	stream.linear.scatter [tilespmem:s11], [sflag:$0x1], $0xC38, $0x38;
	[tilespmem:$0x1EF70] =	vst v63  }
0x91: {  	s16 =	sld [smem:$0x7DF];
	_ =	sdelay $0x2  }
0x92: {  	[spmem:s16] =	stream.linear.scatter [tilespmem:s11], [sflag:$0x1], $0xC38, $0x38;
	[tilespmem:$0x1EF70] =	vst v63  }
0x93: {  	s16 =	sld [smem:$0x7E1];
	_ =	sdelay $0x2  }
0x94: {  	[spmem:s16] =	stream.linear.scatter [tilespmem:s11], [sflag:$0x1], $0xC38, $0x38;
	[tilespmem:$0x1EF70] =	vst v63  }
0x95: {  	s16 =	sld [smem:$0x7E3];
	_ =	sdelay $0x2  }
0x96: {  	[spmem:s16] =	stream.linear.scatter [tilespmem:s11], [sflag:$0x1], $0xC38, $0x38;
	[tilespmem:$0x1EF70] =	vst v63  }
0x97: {  	s16 =	sld [smem:$0x7E4];
	_ =	sdelay $0x2  }
0x98: {  	[spmem:s16] =	stream.linear.scatter [tilespmem:s11], [sflag:$0x1], $0xC38, $0x38;
	[tilespmem:$0x1EF70] =	vst v63  }
0x99: {  	s16 =	sld [smem:$0x7E5];
	_ =	sdelay $0x2  }
0x9a: {  	[spmem:s16] =	stream.linear.scatter [tilespmem:s11], [sflag:$0x1], $0xC38, $0x38;
	[tilespmem:$0x1EF70] =	vst v63  }
0x9b: {  	s16 =	sld [smem:$0x7E6];
	_ =	sdelay $0x2  }
0x9c: {  	[spmem:s16] =	stream.linear.scatter [tilespmem:s11], [sflag:$0x1], $0xC38, $0x38;
	[tilespmem:$0x1EF70] =	vst v63  }
0x9d: {  	s16 =	sld [smem:$0x7E7];
	_ =	sdelay $0x2  }
0x9e: {  	[spmem:s16] =	stream.linear.scatter [tilespmem:s11], [sflag:$0x1], $0xC38, $0x38;
	[tilespmem:$0x1EF70] =	vst v63  }
0x9f: {  	s16 =	sld [smem:$0x7E8];
	_ =	sdelay $0x2  }
0xa0: {  	[spmem:s16] =	stream.linear.scatter [tilespmem:s11], [sflag:$0x1], $0xC38, $0x38;
	[tilespmem:$0x1EF70] =	vst v63  }
0xa1: {  	s16 =	sld [smem:$0x7E9];
	_ =	sdelay $0x2  }
0xa2: {  	[spmem:s16] =	stream.linear.scatter [tilespmem:s11], [sflag:$0x1], $0xC38, $0x38;
	[tilespmem:$0x1EF70] =	vst v63  }
0xa3: {  	s16 =	sld [smem:$0x7EA];
	_ =	sdelay $0x2  }
0xa4: {  	[spmem:s16] =	stream.linear.scatter [tilespmem:s11], [sflag:$0x1], $0xC38, $0x38;
	[tilespmem:$0x1EF70] =	vst v63  }
0xa5: {  	s16 =	sld [smem:$0x7EB];
	_ =	sdelay $0x2  }
0xa6: {  	[spmem:s16] =	stream.linear.scatter [tilespmem:s11], [sflag:$0x1], $0xC38, $0x38;
	[tilespmem:$0x1EF70] =	vst v63  }
0xa7: {  	s16 =	sld [smem:$0x7EC];
	_ =	sdelay $0x2  }
0xa8: {  	[spmem:s16] =	stream.linear.scatter [tilespmem:s11], [sflag:$0x1], $0xC38, $0x38;
	[tilespmem:$0x1EF70] =	vst v63  }
0xa9: {  	s16 =	sld [smem:$0x7ED];
	_ =	sdelay $0x2  }
0xaa: {  	[spmem:s16] =	stream.linear.scatter [tilespmem:s11], [sflag:$0x1], $0xC38, $0x38;
	[tilespmem:$0x1EF70] =	vst v63  }
0xab: {  	s16 =	sld [smem:$0x7EE];
	_ =	sdelay $0x2  }
0xac: {  	[spmem:s16] =	stream.linear.scatter [tilespmem:s11], [sflag:$0x1], $0xC38, $0x38;
	[tilespmem:$0x1EF70] =	vst v63  }
0xad: {  	s16 =	sld [smem:$0x7EF];
	_ =	sdelay $0x2  }
0xae: {  	[spmem:s16] =	stream.linear.scatter [tilespmem:s11], [sflag:$0x1], $0xC38, $0x38;
	[tilespmem:$0x1EF70] =	vst v63  }
0xaf: {  	s16 =	sld [smem:$0x7F0];
	_ =	sdelay $0x2  }
0xb0: {  	[spmem:s16] =	stream.linear.scatter [tilespmem:s11], [sflag:$0x1], $0xC38, $0x38;
	[tilespmem:$0x1EF70] =	vst v63  }
0xb1: {  	s16 =	sld [smem:$0x7F1];
	_ =	sdelay $0x2  }
0xb2: {  	[spmem:s16] =	stream.linear.scatter [tilespmem:s11], [sflag:$0x1], $0xC38, $0x38;
	[tilespmem:$0x1EF70] =	vst v63  }
0xb3: {  	s16 =	sld [smem:$0x7F2];
	_ =	sdelay $0x2  }
0xb4: {  	[spmem:s16] =	stream.linear.scatter [tilespmem:s11], [sflag:$0x1], $0xC38, $0x38;
	[tilespmem:$0x1EF70] =	vst v63  }
0xb5: {  	s16 =	sld [smem:$0x7F3];
	_ =	sdelay $0x2  }
0xb6: {  	[spmem:s16] =	stream.linear.scatter [tilespmem:s11], [sflag:$0x1], $0xC38, $0x38;
	[tilespmem:$0x1EF70] =	vst v63  }
0xb7: {  	s16 =	sld [smem:$0x7F4];
	_ =	sdelay $0x2  }
0xb8: {  	[spmem:s16] =	stream.linear.scatter [tilespmem:s11], [sflag:$0x1], $0xC38, $0x38;
	[tilespmem:$0x1EF70] =	vst v63  }
0xb9: {  	s16 =	sld [smem:$0x7F5];
	_ =	sdelay $0x2  }
0xba: {  	[spmem:s16] =	stream.linear.scatter [tilespmem:s11], [sflag:$0x1], $0xC38, $0x38;
	[tilespmem:$0x1EF70] =	vst v63  }
0xbb: {  	s16 =	sld [smem:$0x7F6];
	_ =	sdelay $0x2  }
0xbc: {  	[spmem:s16] =	stream.linear.scatter [tilespmem:s11], [sflag:$0x1], $0xC38, $0x38;
	[tilespmem:$0x1EF70] =	vst v63  }
0xbd: {  	s16 =	sld [smem:$0x7F7];
	_ =	sdelay $0x2  }
0xbe: {  	[spmem:s16] =	stream.linear.scatter [tilespmem:s11], [sflag:$0x1], $0xC38, $0x38;
	[tilespmem:$0x1EF70] =	vst v63  }
0xbf: {  	_ = 	snop  }
0xc0: {  	[spmem:s15] =	stream.linear.scatter [tilespmem:s11], [sflag:$0x1], $0xC38, $0x38;
	[tilespmem:$0x1EF70] =	vst v63  }
0xc1: {  	_ = 	snop  }
0xc2: {  	[spmem:s12] =	stream.linear.scatter [tilespmem:s11], [sflag:$0x1], $0xC38, $0x38;
	[tilespmem:$0x1EF70] =	vst v63  }
0xc3: {  	_ = 	snop  }
0xc4: {  	[spmem:s13] =	stream.linear.scatter [tilespmem:s11], [sflag:$0x1], $0xC38, $0x38;
	[tilespmem:$0x1EF70] =	vst v63  }
0xc5: {  	_ = 	snop  }
0xc6: {  	[spmem:s10] =	stream.linear.scatter [tilespmem:s11], [sflag:$0x1], $0xC38, $0x38;
	[tilespmem:$0x1EF70] =	vst v63  }
0xc7: {  	_ =	swait.ge [sflag:s14], $0xC38  }
0xc8: {  	[sflag:s14] =	ssyncset.done $0x0  }
0xc9: {  	[sflag:s14] =	ssyncadd.s32 $0xFFFFF3C8  }
0xca: {  	_ =	swait.ge [sflag:s14], $0xC38  }
0xcb: {  	[sflag:s14] =	ssyncset.done $0x0  }
0xcc: {  	[sflag:s14] =	ssyncadd.s32 $0xFFFFF3C8  }
0xcd: {  	_ =	swait.ge [sflag:s14], $0xC38  }
0xce: {  	[sflag:s14] =	ssyncset.done $0x0  }
0xcf: {  	[sflag:s14] =	ssyncadd.s32 $0xFFFFF3C8  }
0xd0: {  	_ =	swait.ge [sflag:s14], $0xC38  }
0xd1: {  	[sflag:s14] =	ssyncset.done $0x0  }
0xd2: {  	[sflag:s14] =	ssyncadd.s32 $0xFFFFF3C8  }
0xd3: {  	_ =	swait.ge [sflag:s14], $0xC38  }
0xd4: {  	[sflag:s14] =	ssyncset.done $0x0  }
0xd5: {  	[sflag:s14] =	ssyncadd.s32 $0xFFFFF3C8  }
0xd6: {  	_ =	swait.ge [sflag:s14], $0xC38  }
0xd7: {  	[sflag:s14] =	ssyncset.done $0x0  }
0xd8: {  	[sflag:s14] =	ssyncadd.s32 $0xFFFFF3C8  }
0xd9: {  	_ =	swait.ge [sflag:s14], $0xC38  }
0xda: {  	[sflag:s14] =	ssyncset.done $0x0  }
0xdb: {  	[sflag:s14] =	ssyncadd.s32 $0xFFFFF3C8  }
0xdc: {  	_ =	swait.ge [sflag:s14], $0xC38  }
0xdd: {  	[sflag:s14] =	ssyncset.done $0x0  }
0xde: {  	[sflag:s14] =	ssyncadd.s32 $0xFFFFF3C8  }
0xdf: {  	_ =	swait.ge [sflag:s14], $0xC38  }
0xe0: {  	[sflag:s14] =	ssyncset.done $0x0  }
0xe1: {  	[sflag:s14] =	ssyncadd.s32 $0xFFFFF3C8  }
0xe2: {  	_ =	swait.ge [sflag:s14], $0xC38  }
0xe3: {  	[sflag:s14] =	ssyncset.done $0x0  }
0xe4: {  	[sflag:s14] =	ssyncadd.s32 $0xFFFFF3C8  }
0xe5: {  	_ =	swait.ge [sflag:s14], $0xC38  }
0xe6: {  	[sflag:s14] =	ssyncset.done $0x0  }
0xe7: {  	[sflag:s14] =	ssyncadd.s32 $0xFFFFF3C8  }
0xe8: {  	_ =	swait.ge [sflag:s14], $0xC38  }
0xe9: {  	[sflag:s14] =	ssyncset.done $0x0  }
0xea: {  	[sflag:s14] =	ssyncadd.s32 $0xFFFFF3C8  }
0xeb: {  	_ =	swait.ge [sflag:s14], $0xC38  }
0xec: {  	[sflag:s14] =	ssyncset.done $0x0  }
0xed: {  	[sflag:s14] =	ssyncadd.s32 $0xFFFFF3C8  }
0xee: {  	_ =	swait.ge [sflag:s14], $0xC38  }
0xef: {  	[sflag:s14] =	ssyncset.done $0x0  }
0xf0: {  	[sflag:s14] =	ssyncadd.s32 $0xFFFFF3C8  }
0xf1: {  	_ =	swait.ge [sflag:s14], $0xC38  }
0xf2: {  	[sflag:s14] =	ssyncset.done $0x0  }
0xf3: {  	[sflag:s14] =	ssyncadd.s32 $0xFFFFF3C8  }
0xf4: {  	_ =	swait.ge [sflag:s14], $0xC38  }
0xf5: {  	[sflag:s14] =	ssyncset.done $0x0  }
0xf6: {  	[sflag:s14] =	ssyncadd.s32 $0xFFFFF3C8  }
0xf7: {  	_ =	swait.ge [sflag:s14], $0xC38  }
0xf8: {  	[sflag:s14] =	ssyncset.done $0x0  }
0xf9: {  	[sflag:s14] =	ssyncadd.s32 $0xFFFFF3C8  }
0xfa: {  	_ =	swait.ge [sflag:s14], $0xC38  }
0xfb: {  	[sflag:s14] =	ssyncset.done $0x0  }
0xfc: {  	[sflag:s14] =	ssyncadd.s32 $0xFFFFF3C8  }
0xfd: {  	_ =	swait.ge [sflag:s14], $0xC38  }
0xfe: {  	[sflag:s14] =	ssyncset.done $0x0  }
0xff: {  	[sflag:s14] =	ssyncadd.s32 $0xFFFFF3C8  }
0x100: {  	_ =	swait.ge [sflag:s14], $0xC38  }
0x101: {  	[sflag:s14] =	ssyncset.done $0x0  }
0x102: {  	[sflag:s14] =	ssyncadd.s32 $0xFFFFF3C8  }
0x103: {  	_ =	swait.ge [sflag:s14], $0xC38  }
0x104: {  	[sflag:s14] =	ssyncset.done $0x0  }
0x105: {  	[sflag:s14] =	ssyncadd.s32 $0xFFFFF3C8  }
0x106: {  	_ =	swait.ge [sflag:s14], $0xC38  }
0x107: {  	[sflag:s14] =	ssyncset.done $0x0  }
0x108: {  	[sflag:s14] =	ssyncadd.s32 $0xFFFFF3C8  }
0x109: {  	_ =	swait.ge [sflag:s14], $0xC38  }
0x10a: {  	[sflag:s14] =	ssyncset.done $0x0  }
0x10b: {  	[sflag:s14] =	ssyncadd.s32 $0xFFFFF3C8  }
0x10c: {  	_ =	swait.ge [sflag:s14], $0xC38  }
0x10d: {  	[sflag:s14] =	ssyncset.done $0x0  }
0x10e: {  	[sflag:s14] =	ssyncadd.s32 $0xFFFFF3C8  }
0x10f: {  	_ =	swait.ge [sflag:s14], $0xC38  }
0x110: {  	[sflag:s14] =	ssyncset.done $0x0  }
0x111: {  	[sflag:s14] =	ssyncadd.s32 $0xFFFFF3C8  }
0x112: {  	_ =	swait.ge [sflag:s14], $0xC38  }
0x113: {  	[sflag:s14] =	ssyncset.done $0x0  }
0x114: {  	[sflag:s14] =	ssyncadd.s32 $0xFFFFF3C8  }
0x115: {  	_ =	swait.ge [sflag:s14], $0xC38  }
0x116: {  	[sflag:s14] =	ssyncset.done $0x0  }
0x117: {  	[sflag:s14] =	ssyncadd.s32 $0xFFFFF3C8  }
0x118: {  	_ =	swait.ge [sflag:s14], $0xC38  }
0x119: {  	[sflag:s14] =	ssyncset.done $0x0  }
0x11a: {  	[sflag:s14] =	ssyncadd.s32 $0xFFFFF3C8  }
0x11b: {  	_ =	swait.ge [sflag:s14], $0xC38  }
0x11c: {  	[sflag:s14] =	ssyncset.done $0x0  }
0x11d: {  	[sflag:s14] =	ssyncadd.s32 $0xFFFFF3C8  }
0x11e: {  	_ =	swait.ge [sflag:s14], $0xC38  }
0x11f: {  	[sflag:s14] =	ssyncset.done $0x0  }
0x120: {  	[sflag:s14] =	ssyncadd.s32 $0xFFFFF3C8  }
0x121: {  	_ =	swait.ge [sflag:s14], $0xC38  }
0x122: {  	[sflag:s14] =	ssyncset.done $0x0  }
0x123: {  	[sflag:s14] =	ssyncadd.s32 $0xFFFFF3C8  }
0x124: {  	_ =	swait.ge [sflag:s14], $0xC38  }
0x125: {  	[sflag:s14] =	ssyncset.done $0x0  }
0x126: {  	[sflag:s14] =	ssyncadd.s32 $0xFFFFF3C8  }
0x127: {  	[bflag:$0x0] =	sbarrier.arrive $0xFFFF  }
0x128: {  	s13 =	rddreg [dreg:$0x4]  }
0x129: {  	s15 =	rddreg [dreg:$0x5];
	s10 =	sadd.s32 $0x0, s13  }
0x12a: {  	[tilespmem:s3], [sflag:$0x3] =	stream.linear.gather [hbm4b:s10+s3], $0x400, $0x38;
	[tilespmem:$0x1EF70] =	vst v63  }
0x12b: {  	s9 =	simm.s32 $0x400;
	s11 =	sadd.s32 $0x0, s15  }
0x12c: {  	[tilespmem:s9], [sflag:$0x3] =	stream.linear.gather [hbm4b:s11+s3], $0x400, $0x38;
	[tilespmem:$0x1EF70] =	vst v63  }
0x12d: {  	s16 =	rddreg [dreg:$0x6];
	s13 =	simm.s32 $0x2800;
	s10 =	sadd.s32 $0x80, s10  }
0x12e: {  	[tilespmem:s13], [sflag:$0x3] =	stream.linear.gather [hbm4b:s10+s3], $0x400, $0x38;
	[tilespmem:$0x1EF70] =	vst v63  }
0x12f: {  	s12 =	sadd.s32 $0x0, s16  }
0x130: {  	[tilespmem:s17], [sflag:$0x3] =	stream.linear.gather [hbm4b:s12+s3], $0x400, $0x38;
	[tilespmem:$0x1EF70] =	vst v63  }
0x131: {  	_ =	swait.ge [sflag:s18], $0x400  }
0x132: {  	[sflag:s18] =	ssyncset.done $0x0  }
0x133: {  	[sflag:s18] =	ssyncadd.s32 $0xFFFFFC00  }
0x134: {  	_ =	swait.ge [sflag:s18], $0x400  }
0x135: {  	[sflag:s18] =	ssyncset.done $0x0  }
0x136: {  	[sflag:s18] =	ssyncadd.s32 $0xFFFFFC00  }
0x137: {  	[tilespmem:s20], [sflag:$0x1] =	stream.indirect.gather [hbm4b:s7+s19], $0x8, s3, s19, $0xb8;
	[tilespmem:$0x1EF70] =	vst v63  }
0x138: {  	_ = 	snop  }
0x139: {  	[tilespmem:s21], [sflag:$0x1] =	stream.indirect.gather [hbm4b:s7+s19], $0x8, s19, s19, $0xb8;
	[tilespmem:$0x1EF70] =	vst v63  }
0x13a: {  	s15 =	rddreg [dreg:$0x7]  }
0x13b: {  	[tilespmem:s22], [sflag:$0x1] =	stream.indirect.gather [hbm4b:s7+s19], $0x8, s15, s19, $0xb8;
	[tilespmem:$0x1EF70] =	vst v63  }
0x13c: {  	s16 =	rddreg [dreg:$0x8]  }
0x13d: {  	[tilespmem:s23], [sflag:$0x1] =	stream.indirect.gather [hbm4b:s7+s19], $0x8, s16, s19, $0xb8;
	[tilespmem:$0x1EF70] =	vst v63  }
0x13e: {  	s12 =	rddreg [dreg:$0x9]  }
0x13f: {  	[tilespmem:s24], [sflag:$0x1] =	stream.indirect.gather [hbm4b:s7+s19], $0x8, s12, s19, $0xb8;
	[tilespmem:$0x1EF70] =	vst v63  }
0x140: {  	s15 =	rddreg [dreg:$0xa]  }
0x141: {  	[tilespmem:s25], [sflag:$0x1] =	stream.indirect.gather [hbm4b:s7+s19], $0x8, s15, s19, $0xb8;
	[tilespmem:$0x1EF70] =	vst v63  }
0x142: {  	s16 =	rddreg [dreg:$0xb]  }
0x143: {  	[tilespmem:s26], [sflag:$0x1] =	stream.indirect.gather [hbm4b:s7+s19], $0x8, s16, s19, $0xb8;
	[tilespmem:$0x1EF70] =	vst v63  }
0x144: {  	s12 =	rddreg [dreg:$0xc]  }
0x145: {  	[tilespmem:s28], [sflag:$0x1] =	stream.indirect.gather [hbm4b:s7+s19], $0x8, s12, s19, $0xb8;
	[tilespmem:$0x1EF70] =	vst v63  }
0x146: {  	_ =	swait.ge [sflag:s18], $0x400  }
0x147: {  	[sflag:s18] =	ssyncset.done $0x0  }
0x148: {  	[sflag:s18] =	ssyncadd.s32 $0xFFFFFC00  }
0x149: {  	_ =	swait.ge [sflag:s18], $0x400  }
0x14a: {  	[sflag:s18] =	ssyncset.done $0x0  }
0x14b: {  	[sflag:s18] =	ssyncadd.s32 $0xFFFFFC00  }
0x14c: {  	_ =	swait.ge [sflag:s14], $0x400  }
0x14d: {  	[sflag:s14] =	ssyncset.done $0x0  }
0x14e: {  	[sflag:s14] =	ssyncadd.s32 $0xFFFFFC00  }
0x14f: {  	_ =	swait.ge [sflag:s14], $0x400  }
0x150: {  	[sflag:s14] =	ssyncset.done $0x0  }
0x151: {  	[sflag:s14] =	ssyncadd.s32 $0xFFFFFC00  }
0x152: {  	_ =	swait.ge [sflag:s14], $0x400  }
0x153: {  	[sflag:s14] =	ssyncset.done $0x0  }
0x154: {  	[sflag:s14] =	ssyncadd.s32 $0xFFFFFC00  }
0x155: {  	_ =	swait.ge [sflag:s14], $0x400  }
0x156: {  	[sflag:s14] =	ssyncset.done $0x0  }
0x157: {  	[sflag:s14] =	ssyncadd.s32 $0xFFFFFC00  }
0x158: {  	_ =	swait.ge [sflag:s14], $0x400  }
0x159: {  	[sflag:s14] =	ssyncset.done $0x0  }
0x15a: {  	[sflag:s14] =	ssyncadd.s32 $0xFFFFFC00  }
0x15b: {  	_ =	swait.ge [sflag:s14], $0x400  }
0x15c: {  	[sflag:s14] =	ssyncset.done $0x0  }
0x15d: {  	[sflag:s14] =	ssyncadd.s32 $0xFFFFFC00  }
0x15e: {  	_ =	swait.ge [sflag:s14], $0x400  }
0x15f: {  	[sflag:s14] =	ssyncset.done $0x0  }
0x160: {  	[sflag:s14] =	ssyncadd.s32 $0xFFFFFC00  }
0x161: {  	_ =	swait.ge [sflag:s14], $0x400  }
0x162: {  	[sflag:s14] =	ssyncset.done $0x0  }
0x163: {  	[sflag:s14] =	ssyncadd.s32 $0xFFFFFC00  }
0x164: {  	[spmem:s2] =	stream.indirect.scatter.add.f32 [tilespmem:s20], [sflag:$0x2], $0x8, s9, s19, $0xb8;
	[tilespmem:$0x1EF70] =	vst v63  }
0x165: {  	s15 =	rddreg [dreg:$0xd]  }
0x166: {  	[spmem:s2] =	stream.indirect.scatter.add.f32 [tilespmem:s21], [sflag:$0x2], $0x8, s15, s19, $0xb8;
	[tilespmem:$0x1EF70] =	vst v63  }
0x167: {  	s16 =	rddreg [dreg:$0xe]  }
0x168: {  	[spmem:s2] =	stream.indirect.scatter.add.f32 [tilespmem:s22], [sflag:$0x2], $0x8, s16, s19, $0xb8;
	[tilespmem:$0x1EF70] =	vst v63  }
0x169: {  	s9 =	rddreg [dreg:$0xf]  }
0x16a: {  	[spmem:s2] =	stream.indirect.scatter.add.f32 [tilespmem:s23], [sflag:$0x2], $0x8, s9, s19, $0xb8;
	[tilespmem:$0x1EF70] =	vst v63  }
0x16b: {  	s12 =	rddreg [dreg:$0x10]  }
0x16c: {  	[spmem:s2] =	stream.indirect.scatter.add.f32 [tilespmem:s24], [sflag:$0x2], $0x8, s12, s19, $0xb8;
	[tilespmem:$0x1EF70] =	vst v63  }
0x16d: {  	s15 =	rddreg [dreg:$0x11]  }
0x16e: {  	[spmem:s2] =	stream.indirect.scatter.add.f32 [tilespmem:s25], [sflag:$0x2], $0x8, s15, s19, $0xb8;
	[tilespmem:$0x1EF70] =	vst v63  }
0x16f: {  	s16 =	rddreg [dreg:$0x12]  }
0x170: {  	[spmem:s2] =	stream.indirect.scatter.add.f32 [tilespmem:s26], [sflag:$0x2], $0x8, s16, s19, $0xb8;
	[tilespmem:$0x1EF70] =	vst v63  }
0x171: {  	s9 =	rddreg [dreg:$0x13]  }
0x172: {  	[spmem:s2] =	stream.indirect.scatter.add.f32 [tilespmem:s28], [sflag:$0x2], $0x8, s9, s19, $0xb8;
	[tilespmem:$0x1EF70] =	vst v63  }
0x173: {  	_ = 	snop  }
0x174: {  	[tilespmem:s29], [sflag:$0x1] =	stream.indirect.gather [hbm4b:s7+s19], $0x8, s13, s19, $0xb8;
	[tilespmem:$0x1EF70] =	vst v63  }
0x175: {  	s12 =	rddreg [dreg:$0x14]  }
0x176: {  	[tilespmem:s30], [sflag:$0x1] =	stream.indirect.gather [hbm4b:s7+s19], $0x8, s12, s19, $0xb8;
	[tilespmem:$0x1EF70] =	vst v63  }
0x177: {  	s13 =	rddreg [dreg:$0x15]  }
0x178: {  	[tilespmem:s31], [sflag:$0x1] =	stream.indirect.gather [hbm4b:s7+s19], $0x8, s13, s19, $0xb8;
	[tilespmem:$0x1EF70] =	vst v63  }
0x179: {  	s15 =	rddreg [dreg:$0x16]  }
0x17a: {  	[tilespmem:s0], [sflag:$0x1] =	stream.indirect.gather [hbm4b:s7+s19], $0x8, s15, s19, $0xb8;
	[tilespmem:$0x1EF70] =	vst v63  }
0x17b: {  	s16 =	rddreg [dreg:$0x17]  }
0x17c: {  	[tilespmem:s1], [sflag:$0x1] =	stream.indirect.gather [hbm4b:s7+s19], $0x8, s16, s19, $0xb8;
	[tilespmem:$0x1EF70] =	vst v63  }
0x17d: {  	s9 =	rddreg [dreg:$0x18]  }
0x17e: {  	[tilespmem:s4], [sflag:$0x1] =	stream.indirect.gather [hbm4b:s7+s19], $0x8, s9, s19, $0xb8;
	[tilespmem:$0x1EF70] =	vst v63  }
0x17f: {  	s12 =	rddreg [dreg:$0x19]  }
0x180: {  	[tilespmem:s5], [sflag:$0x1] =	stream.indirect.gather [hbm4b:s7+s19], $0x8, s12, s19, $0xb8;
	[tilespmem:$0x1EF70] =	vst v63  }
0x181: {  	s13 =	rddreg [dreg:$0x1a]  }
0x182: {  	[tilespmem:s6], [sflag:$0x1] =	stream.indirect.gather [hbm4b:s7+s19], $0x8, s13, s19, $0xb8;
	[tilespmem:$0x1EF70] =	vst v63  }
0x183: {  	_ =	swait.ge [sflag:s8], $0x400  }
0x184: {  	[sflag:s8] =	ssyncset.done $0x0  }
0x185: {  	[sflag:s8] =	ssyncadd.s32 $0xFFFFFC00  }
0x186: {  	_ =	swait.ge [sflag:s8], $0x400  }
0x187: {  	[sflag:s8] =	ssyncset.done $0x0  }
0x188: {  	[sflag:s8] =	ssyncadd.s32 $0xFFFFFC00  }
0x189: {  	_ =	swait.ge [sflag:s8], $0x400  }
0x18a: {  	[sflag:s8] =	ssyncset.done $0x0  }
0x18b: {  	[sflag:s8] =	ssyncadd.s32 $0xFFFFFC00  }
0x18c: {  	_ =	swait.ge [sflag:s8], $0x400  }
0x18d: {  	[sflag:s8] =	ssyncset.done $0x0  }
0x18e: {  	[sflag:s8] =	ssyncadd.s32 $0xFFFFFC00  }
0x18f: {  	_ =	swait.ge [sflag:s8], $0x400  }
0x190: {  	[sflag:s8] =	ssyncset.done $0x0  }
0x191: {  	[sflag:s8] =	ssyncadd.s32 $0xFFFFFC00  }
0x192: {  	_ =	swait.ge [sflag:s8], $0x400  }
0x193: {  	[sflag:s8] =	ssyncset.done $0x0  }
0x194: {  	[sflag:s8] =	ssyncadd.s32 $0xFFFFFC00  }
0x195: {  	_ =	swait.ge [sflag:s8], $0x400  }
0x196: {  	[sflag:s8] =	ssyncset.done $0x0  }
0x197: {  	[sflag:s8] =	ssyncadd.s32 $0xFFFFFC00  }
0x198: {  	_ =	swait.ge [sflag:s8], $0x400  }
0x199: {  	[sflag:s8] =	ssyncset.done $0x0  }
0x19a: {  	[sflag:s8] =	ssyncadd.s32 $0xFFFFFC00  }
0x19b: {  	_ =	swait.ge [sflag:s14], $0x400  }
0x19c: {  	[sflag:s14] =	ssyncset.done $0x0  }
0x19d: {  	[sflag:s14] =	ssyncadd.s32 $0xFFFFFC00  }
0x19e: {  	_ =	swait.ge [sflag:s14], $0x400  }
0x19f: {  	[sflag:s14] =	ssyncset.done $0x0  }
0x1a0: {  	[sflag:s14] =	ssyncadd.s32 $0xFFFFFC00  }
0x1a1: {  	_ =	swait.ge [sflag:s14], $0x400  }
0x1a2: {  	[sflag:s14] =	ssyncset.done $0x0  }
0x1a3: {  	[sflag:s14] =	ssyncadd.s32 $0xFFFFFC00  }
0x1a4: {  	_ =	swait.ge [sflag:s14], $0x400  }
0x1a5: {  	[sflag:s14] =	ssyncset.done $0x0  }
0x1a6: {  	[sflag:s14] =	ssyncadd.s32 $0xFFFFFC00  }
0x1a7: {  	_ =	swait.ge [sflag:s14], $0x400  }
0x1a8: {  	[sflag:s14] =	ssyncset.done $0x0  }
0x1a9: {  	[sflag:s14] =	ssyncadd.s32 $0xFFFFFC00  }
0x1aa: {  	_ =	swait.ge [sflag:s14], $0x400  }
0x1ab: {  	[sflag:s14] =	ssyncset.done $0x0  }
0x1ac: {  	[sflag:s14] =	ssyncadd.s32 $0xFFFFFC00  }
0x1ad: {  	_ =	swait.ge [sflag:s14], $0x400  }
0x1ae: {  	[sflag:s14] =	ssyncset.done $0x0  }
0x1af: {  	[sflag:s14] =	ssyncadd.s32 $0xFFFFFC00  }
0x1b0: {  	_ =	swait.ge [sflag:s14], $0x400  }
0x1b1: {  	[sflag:s14] =	ssyncset.done $0x0  }
0x1b2: {  	s15 =	rddreg [dreg:$0x1b];
	[sflag:s14] =	ssyncadd.s32 $0xFFFFFC00  }
0x1b3: {  	[spmem:s2] =	stream.indirect.scatter.add.f32 [tilespmem:s29], [sflag:$0x2], $0x8, s17, s19, $0xb8;
	[tilespmem:$0x1EF70] =	vst v63  }
0x1b4: {  	s16 =	rddreg [dreg:$0x1c]  }
0x1b5: {  	[spmem:s2] =	stream.indirect.scatter.add.f32 [tilespmem:s30], [sflag:$0x2], $0x8, s15, s19, $0xb8;
	[tilespmem:$0x1EF70] =	vst v63  }
0x1b6: {  	s9 =	rddreg [dreg:$0x1d]  }
0x1b7: {  	[spmem:s2] =	stream.indirect.scatter.add.f32 [tilespmem:s31], [sflag:$0x2], $0x8, s16, s19, $0xb8;
	[tilespmem:$0x1EF70] =	vst v63  }
0x1b8: {  	s12 =	rddreg [dreg:$0x1e]  }
0x1b9: {  	[spmem:s2] =	stream.indirect.scatter.add.f32 [tilespmem:s0], [sflag:$0x2], $0x8, s9, s19, $0xb8;
	[tilespmem:$0x1EF70] =	vst v63  }
0x1ba: {  	s13 =	rddreg [dreg:$0x1f]  }
0x1bb: {  	[spmem:s2] =	stream.indirect.scatter.add.f32 [tilespmem:s1], [sflag:$0x2], $0x8, s12, s19, $0xb8;
	[tilespmem:$0x1EF70] =	vst v63  }
0x1bc: {  	s15 =	sld [smem:$0x7D2]  }
0x1bd: {  	[spmem:s2] =	stream.indirect.scatter.add.f32 [tilespmem:s4], [sflag:$0x2], $0x8, s13, s19, $0xb8;
	[tilespmem:$0x1EF70] =	vst v63  }
0x1be: {  	s16 =	sld [smem:$0x7D3]  }
0x1bf: {  	[spmem:s2] =	stream.indirect.scatter.add.f32 [tilespmem:s5], [sflag:$0x2], $0x8, s15, s19, $0xb8;
	[tilespmem:$0x1EF70] =	vst v63  }
0x1c0: {  	_ = 	snop  }
0x1c1: {  	[spmem:s2] =	stream.indirect.scatter.add.f32 [tilespmem:s6], [sflag:$0x2], $0x8, s16, s19, $0xb8;
	[tilespmem:$0x1EF70] =	vst v63  }
0x1c2: {  	_ =	swait.ge [sflag:s8], $0x400  }
0x1c3: {  	[sflag:s8] =	ssyncset.done $0x0  }
0x1c4: {  	[sflag:s8] =	ssyncadd.s32 $0xFFFFFC00  }
0x1c5: {  	_ =	swait.ge [sflag:s8], $0x400  }
0x1c6: {  	[sflag:s8] =	ssyncset.done $0x0  }
0x1c7: {  	[sflag:s8] =	ssyncadd.s32 $0xFFFFFC00  }
0x1c8: {  	_ =	swait.ge [sflag:s8], $0x400  }
0x1c9: {  	[sflag:s8] =	ssyncset.done $0x0  }
0x1ca: {  	[sflag:s8] =	ssyncadd.s32 $0xFFFFFC00  }
0x1cb: {  	_ =	swait.ge [sflag:s8], $0x400  }
0x1cc: {  	[sflag:s8] =	ssyncset.done $0x0  }
0x1cd: {  	[sflag:s8] =	ssyncadd.s32 $0xFFFFFC00  }
0x1ce: {  	_ =	swait.ge [sflag:s8], $0x400  }
0x1cf: {  	[sflag:s8] =	ssyncset.done $0x0  }
0x1d0: {  	[sflag:s8] =	ssyncadd.s32 $0xFFFFFC00  }
0x1d1: {  	_ =	swait.ge [sflag:s8], $0x400  }
0x1d2: {  	[sflag:s8] =	ssyncset.done $0x0  }
0x1d3: {  	[sflag:s8] =	ssyncadd.s32 $0xFFFFFC00  }
0x1d4: {  	_ =	swait.ge [sflag:s8], $0x400  }
0x1d5: {  	[sflag:s8] =	ssyncset.done $0x0  }
0x1d6: {  	[sflag:s8] =	ssyncadd.s32 $0xFFFFFC00  }
0x1d7: {  	s11 =	simm.s32 $0x100;
	_ =	swait.ge [sflag:s8], $0x400  }
0x1d8: {  	s12 =	simm.s32 $0x200;
	s10 =	rddreg [dreg:$0x4];
	[sflag:s8] =	ssyncset.done $0x0  }
.LBB2_2:
0x1d9: {  	[sflag:s8] =	ssyncadd.s32 $0xFFFFFC00;
	s13 =	rddreg [dreg:$0x5];
	s10 =	sadd.s32 s11, s10  }
0x1da: {  	[tilespmem:s3], [sflag:$0x3] =	stream.linear.gather [hbm4b:s10+s3], $0x400, $0x38;
	[tilespmem:$0x1EF70] =	vst v63  }
0x1db: {  	s16 =	simm.s32 $0x400;
	s13 =	sadd.s32 s11, s13  }
0x1dc: {  	[tilespmem:s16], [sflag:$0x3] =	stream.linear.gather [hbm4b:s13+s3], $0x400, $0x38;
	[tilespmem:$0x1EF70] =	vst v63  }
0x1dd: {  	s15 =	rddreg [dreg:$0x6];
	s10 =	sadd.s32 $0x80, s10;
	s13 =	simm.s32 $0x2800  }
0x1de: {  	[tilespmem:s13], [sflag:$0x3] =	stream.linear.gather [hbm4b:s10+s3], $0x400, $0x38;
	[tilespmem:$0x1EF70] =	vst v63  }
0x1df: {  	s15 =	sadd.s32 s11, s15  }
0x1e0: {  	[tilespmem:s17], [sflag:$0x3] =	stream.linear.gather [hbm4b:s15+s3], $0x400, $0x38;
	[tilespmem:$0x1EF70] =	vst v63  }
0x1e1: {  	_ =	swait.ge [sflag:s18], $0x400  }
0x1e2: {  	[sflag:s18] =	ssyncset.done $0x0  }
0x1e3: {  	[sflag:s18] =	ssyncadd.s32 $0xFFFFFC00  }
0x1e4: {  	_ =	swait.ge [sflag:s18], $0x400  }
0x1e5: {  	[sflag:s18] =	ssyncset.done $0x0  }
0x1e6: {  	[sflag:s18] =	ssyncadd.s32 $0xFFFFFC00  }
0x1e7: {  	[tilespmem:s20], [sflag:$0x1] =	stream.indirect.gather [hbm4b:s7+s19], $0x8, s3, s19, $0xb8;
	[tilespmem:$0x1EF70] =	vst v63  }
0x1e8: {  	_ = 	snop  }
0x1e9: {  	[tilespmem:s21], [sflag:$0x1] =	stream.indirect.gather [hbm4b:s7+s19], $0x8, s19, s19, $0xb8;
	[tilespmem:$0x1EF70] =	vst v63  }
0x1ea: {  	s10 =	rddreg [dreg:$0x7]  }
0x1eb: {  	[tilespmem:s22], [sflag:$0x1] =	stream.indirect.gather [hbm4b:s7+s19], $0x8, s10, s19, $0xb8;
	[tilespmem:$0x1EF70] =	vst v63  }
0x1ec: {  	s9 =	smov.u32 s12;
	s15 =	rddreg [dreg:$0x8]  }
0x1ed: {  	[tilespmem:s23], [sflag:$0x1] =	stream.indirect.gather [hbm4b:s7+s19], $0x8, s15, s19, $0xb8;
	[tilespmem:$0x1EF70] =	vst v63  }
0x1ee: {  	s11 =	smov.u32 s9;
	s9 =	rddreg [dreg:$0x9]  }
0x1ef: {  	[tilespmem:s24], [sflag:$0x1] =	stream.indirect.gather [hbm4b:s7+s19], $0x8, s9, s19, $0xb8;
	[tilespmem:$0x1EF70] =	vst v63  }
0x1f0: {  	s15 =	rddreg [dreg:$0xa]  }
0x1f1: {  	[tilespmem:s25], [sflag:$0x1] =	stream.indirect.gather [hbm4b:s7+s19], $0x8, s15, s19, $0xb8;
	[tilespmem:$0x1EF70] =	vst v63  }
0x1f2: {  	s9 =	rddreg [dreg:$0xb]  }
0x1f3: {  	[tilespmem:s26], [sflag:$0x1] =	stream.indirect.gather [hbm4b:s7+s19], $0x8, s9, s19, $0xb8;
	[tilespmem:$0x1EF70] =	vst v63  }
0x1f4: {  	s15 =	rddreg [dreg:$0xc]  }
0x1f5: {  	[tilespmem:s28], [sflag:$0x1] =	stream.indirect.gather [hbm4b:s7+s19], $0x8, s15, s19, $0xb8;
	[tilespmem:$0x1EF70] =	vst v63  }
0x1f6: {  	_ =	swait.ge [sflag:s18], $0x400  }
0x1f7: {  	[sflag:s18] =	ssyncset.done $0x0  }
0x1f8: {  	[sflag:s18] =	ssyncadd.s32 $0xFFFFFC00  }
0x1f9: {  	_ =	swait.ge [sflag:s18], $0x400  }
0x1fa: {  	[sflag:s18] =	ssyncset.done $0x0  }
0x1fb: {  	[sflag:s18] =	ssyncadd.s32 $0xFFFFFC00  }
0x1fc: {  	_ =	swait.ge [sflag:s14], $0x400  }
0x1fd: {  	[sflag:s14] =	ssyncset.done $0x0  }
0x1fe: {  	[sflag:s14] =	ssyncadd.s32 $0xFFFFFC00  }
0x1ff: {  	_ =	swait.ge [sflag:s14], $0x400  }
0x200: {  	[sflag:s14] =	ssyncset.done $0x0  }
0x201: {  	[sflag:s14] =	ssyncadd.s32 $0xFFFFFC00  }
0x202: {  	_ =	swait.ge [sflag:s14], $0x400  }
0x203: {  	[sflag:s14] =	ssyncset.done $0x0  }
0x204: {  	[sflag:s14] =	ssyncadd.s32 $0xFFFFFC00  }
0x205: {  	_ =	swait.ge [sflag:s14], $0x400  }
0x206: {  	[sflag:s14] =	ssyncset.done $0x0  }
0x207: {  	[sflag:s14] =	ssyncadd.s32 $0xFFFFFC00  }
0x208: {  	_ =	swait.ge [sflag:s14], $0x400  }
0x209: {  	[sflag:s14] =	ssyncset.done $0x0  }
0x20a: {  	[sflag:s14] =	ssyncadd.s32 $0xFFFFFC00  }
0x20b: {  	_ =	swait.ge [sflag:s14], $0x400  }
0x20c: {  	[sflag:s14] =	ssyncset.done $0x0  }
0x20d: {  	[sflag:s14] =	ssyncadd.s32 $0xFFFFFC00  }
0x20e: {  	_ =	swait.ge [sflag:s14], $0x400  }
0x20f: {  	[sflag:s14] =	ssyncset.done $0x0  }
0x210: {  	[sflag:s14] =	ssyncadd.s32 $0xFFFFFC00  }
0x211: {  	_ =	swait.ge [sflag:s14], $0x400  }
0x212: {  	[sflag:s14] =	ssyncset.done $0x0  }
0x213: {  	[sflag:s14] =	ssyncadd.s32 $0xFFFFFC00  }
0x214: {  	[spmem:s2] =	stream.indirect.scatter.add.f32 [tilespmem:s20], [sflag:$0x2], $0x8, s16, s19, $0xb8;
	[tilespmem:$0x1EF70] =	vst v63  }
0x215: {  	s10 =	rddreg [dreg:$0xd]  }
0x216: {  	[spmem:s2] =	stream.indirect.scatter.add.f32 [tilespmem:s21], [sflag:$0x2], $0x8, s10, s19, $0xb8;
	[tilespmem:$0x1EF70] =	vst v63  }
0x217: {  	s15 =	rddreg [dreg:$0xe]  }
0x218: {  	[spmem:s2] =	stream.indirect.scatter.add.f32 [tilespmem:s22], [sflag:$0x2], $0x8, s15, s19, $0xb8;
	[tilespmem:$0x1EF70] =	vst v63  }
0x219: {  	s16 =	rddreg [dreg:$0xf]  }
0x21a: {  	[spmem:s2] =	stream.indirect.scatter.add.f32 [tilespmem:s23], [sflag:$0x2], $0x8, s16, s19, $0xb8;
	[tilespmem:$0x1EF70] =	vst v63  }
0x21b: {  	s15 =	rddreg [dreg:$0x10]  }
0x21c: {  	[spmem:s2] =	stream.indirect.scatter.add.f32 [tilespmem:s24], [sflag:$0x2], $0x8, s15, s19, $0xb8;
	[tilespmem:$0x1EF70] =	vst v63  }
0x21d: {  	s16 =	rddreg [dreg:$0x11]  }
0x21e: {  	[spmem:s2] =	stream.indirect.scatter.add.f32 [tilespmem:s25], [sflag:$0x2], $0x8, s16, s19, $0xb8;
	[tilespmem:$0x1EF70] =	vst v63  }
0x21f: {  	s15 =	rddreg [dreg:$0x12]  }
0x220: {  	[spmem:s2] =	stream.indirect.scatter.add.f32 [tilespmem:s26], [sflag:$0x2], $0x8, s15, s19, $0xb8;
	[tilespmem:$0x1EF70] =	vst v63  }
0x221: {  	s16 =	rddreg [dreg:$0x13]  }
0x222: {  	[spmem:s2] =	stream.indirect.scatter.add.f32 [tilespmem:s28], [sflag:$0x2], $0x8, s16, s19, $0xb8;
	[tilespmem:$0x1EF70] =	vst v63  }
0x223: {  	_ = 	snop  }
0x224: {  	[tilespmem:s29], [sflag:$0x1] =	stream.indirect.gather [hbm4b:s7+s19], $0x8, s13, s19, $0xb8;
	[tilespmem:$0x1EF70] =	vst v63  }
0x225: {  	s10 =	rddreg [dreg:$0x14]  }
0x226: {  	[tilespmem:s30], [sflag:$0x1] =	stream.indirect.gather [hbm4b:s7+s19], $0x8, s10, s19, $0xb8;
	[tilespmem:$0x1EF70] =	vst v63  }
0x227: {  	s13 =	rddreg [dreg:$0x15]  }
0x228: {  	[tilespmem:s31], [sflag:$0x1] =	stream.indirect.gather [hbm4b:s7+s19], $0x8, s13, s19, $0xb8;
	[tilespmem:$0x1EF70] =	vst v63  }
0x229: {  	s15 =	rddreg [dreg:$0x16]  }
0x22a: {  	[tilespmem:s0], [sflag:$0x1] =	stream.indirect.gather [hbm4b:s7+s19], $0x8, s15, s19, $0xb8;
	[tilespmem:$0x1EF70] =	vst v63  }
0x22b: {  	s16 =	rddreg [dreg:$0x17]  }
0x22c: {  	[tilespmem:s1], [sflag:$0x1] =	stream.indirect.gather [hbm4b:s7+s19], $0x8, s16, s19, $0xb8;
	[tilespmem:$0x1EF70] =	vst v63  }
0x22d: {  	s13 =	rddreg [dreg:$0x18]  }
0x22e: {  	[tilespmem:s4], [sflag:$0x1] =	stream.indirect.gather [hbm4b:s7+s19], $0x8, s13, s19, $0xb8;
	[tilespmem:$0x1EF70] =	vst v63  }
0x22f: {  	s15 =	rddreg [dreg:$0x19]  }
0x230: {  	[tilespmem:s5], [sflag:$0x1] =	stream.indirect.gather [hbm4b:s7+s19], $0x8, s15, s19, $0xb8;
	[tilespmem:$0x1EF70] =	vst v63  }
0x231: {  	s16 =	rddreg [dreg:$0x1a]  }
0x232: {  	[tilespmem:s6], [sflag:$0x1] =	stream.indirect.gather [hbm4b:s7+s19], $0x8, s16, s19, $0xb8;
	[tilespmem:$0x1EF70] =	vst v63  }
0x233: {  	_ =	swait.ge [sflag:s8], $0x400  }
0x234: {  	[sflag:s8] =	ssyncset.done $0x0  }
0x235: {  	[sflag:s8] =	ssyncadd.s32 $0xFFFFFC00  }
0x236: {  	_ =	swait.ge [sflag:s8], $0x400  }
0x237: {  	[sflag:s8] =	ssyncset.done $0x0  }
0x238: {  	[sflag:s8] =	ssyncadd.s32 $0xFFFFFC00  }
0x239: {  	_ =	swait.ge [sflag:s8], $0x400  }
0x23a: {  	[sflag:s8] =	ssyncset.done $0x0  }
0x23b: {  	[sflag:s8] =	ssyncadd.s32 $0xFFFFFC00  }
0x23c: {  	_ =	swait.ge [sflag:s8], $0x400  }
0x23d: {  	[sflag:s8] =	ssyncset.done $0x0  }
0x23e: {  	[sflag:s8] =	ssyncadd.s32 $0xFFFFFC00  }
0x23f: {  	_ =	swait.ge [sflag:s8], $0x400  }
0x240: {  	[sflag:s8] =	ssyncset.done $0x0  }
0x241: {  	[sflag:s8] =	ssyncadd.s32 $0xFFFFFC00  }
0x242: {  	_ =	swait.ge [sflag:s8], $0x400  }
0x243: {  	[sflag:s8] =	ssyncset.done $0x0  }
0x244: {  	[sflag:s8] =	ssyncadd.s32 $0xFFFFFC00  }
0x245: {  	_ =	swait.ge [sflag:s8], $0x400  }
0x246: {  	[sflag:s8] =	ssyncset.done $0x0  }
0x247: {  	[sflag:s8] =	ssyncadd.s32 $0xFFFFFC00  }
0x248: {  	_ =	swait.ge [sflag:s8], $0x400  }
0x249: {  	[sflag:s8] =	ssyncset.done $0x0  }
0x24a: {  	[sflag:s8] =	ssyncadd.s32 $0xFFFFFC00  }
0x24b: {  	_ =	swait.ge [sflag:s14], $0x400  }
0x24c: {  	[sflag:s14] =	ssyncset.done $0x0  }
0x24d: {  	[sflag:s14] =	ssyncadd.s32 $0xFFFFFC00  }
0x24e: {  	_ =	swait.ge [sflag:s14], $0x400  }
0x24f: {  	[sflag:s14] =	ssyncset.done $0x0  }
0x250: {  	[sflag:s14] =	ssyncadd.s32 $0xFFFFFC00  }
0x251: {  	_ =	swait.ge [sflag:s14], $0x400  }
0x252: {  	[sflag:s14] =	ssyncset.done $0x0  }
0x253: {  	[sflag:s14] =	ssyncadd.s32 $0xFFFFFC00  }
0x254: {  	_ =	swait.ge [sflag:s14], $0x400  }
0x255: {  	[sflag:s14] =	ssyncset.done $0x0  }
0x256: {  	[sflag:s14] =	ssyncadd.s32 $0xFFFFFC00  }
0x257: {  	_ =	swait.ge [sflag:s14], $0x400  }
0x258: {  	[sflag:s14] =	ssyncset.done $0x0  }
0x259: {  	[sflag:s14] =	ssyncadd.s32 $0xFFFFFC00  }
0x25a: {  	_ =	swait.ge [sflag:s14], $0x400  }
0x25b: {  	[sflag:s14] =	ssyncset.done $0x0  }
0x25c: {  	[sflag:s14] =	ssyncadd.s32 $0xFFFFFC00  }
0x25d: {  	_ =	swait.ge [sflag:s14], $0x400  }
0x25e: {  	[sflag:s14] =	ssyncset.done $0x0  }
0x25f: {  	[sflag:s14] =	ssyncadd.s32 $0xFFFFFC00  }
0x260: {  	_ =	swait.ge [sflag:s14], $0x400  }
0x261: {  	[sflag:s14] =	ssyncset.done $0x0  }
0x262: {  	s10 =	rddreg [dreg:$0x1b];
	[sflag:s14] =	ssyncadd.s32 $0xFFFFFC00  }
0x263: {  	[spmem:s2] =	stream.indirect.scatter.add.f32 [tilespmem:s29], [sflag:$0x2], $0x8, s17, s19, $0xb8;
	[tilespmem:$0x1EF70] =	vst v63  }
0x264: {  	s13 =	rddreg [dreg:$0x1c]  }
0x265: {  	[spmem:s2] =	stream.indirect.scatter.add.f32 [tilespmem:s30], [sflag:$0x2], $0x8, s10, s19, $0xb8;
	[tilespmem:$0x1EF70] =	vst v63  }
0x266: {  	s15 =	rddreg [dreg:$0x1d]  }
0x267: {  	[spmem:s2] =	stream.indirect.scatter.add.f32 [tilespmem:s31], [sflag:$0x2], $0x8, s13, s19, $0xb8;
	[tilespmem:$0x1EF70] =	vst v63  }
0x268: {  	s16 =	rddreg [dreg:$0x1e]  }
0x269: {  	[spmem:s2] =	stream.indirect.scatter.add.f32 [tilespmem:s0], [sflag:$0x2], $0x8, s15, s19, $0xb8;
	[tilespmem:$0x1EF70] =	vst v63  }
0x26a: {  	s13 =	rddreg [dreg:$0x1f]  }
0x26b: {  	[spmem:s2] =	stream.indirect.scatter.add.f32 [tilespmem:s1], [sflag:$0x2], $0x8, s16, s19, $0xb8;
	[tilespmem:$0x1EF70] =	vst v63  }
0x26c: {  	s15 =	sld [smem:$0x7D2]  }
0x26d: {  	[spmem:s2] =	stream.indirect.scatter.add.f32 [tilespmem:s4], [sflag:$0x2], $0x8, s13, s19, $0xb8;
	[tilespmem:$0x1EF70] =	vst v63  }
0x26e: {  	s16 =	sld [smem:$0x7D3]  }
0x26f: {  	[spmem:s2] =	stream.indirect.scatter.add.f32 [tilespmem:s5], [sflag:$0x2], $0x8, s15, s19, $0xb8;
	[tilespmem:$0x1EF70] =	vst v63  }
0x270: {  	_ = 	snop  }
0x271: {  	[spmem:s2] =	stream.indirect.scatter.add.f32 [tilespmem:s6], [sflag:$0x2], $0x8, s16, s19, $0xb8;
	[tilespmem:$0x1EF70] =	vst v63  }
0x272: {  	_ =	swait.ge [sflag:s8], $0x400  }
0x273: {  	[sflag:s8] =	ssyncset.done $0x0  }
0x274: {  	[sflag:s8] =	ssyncadd.s32 $0xFFFFFC00  }
0x275: {  	_ =	swait.ge [sflag:s8], $0x400  }
0x276: {  	[sflag:s8] =	ssyncset.done $0x0  }
0x277: {  	[sflag:s8] =	ssyncadd.s32 $0xFFFFFC00  }
0x278: {  	_ =	swait.ge [sflag:s8], $0x400  }
0x279: {  	[sflag:s8] =	ssyncset.done $0x0  }
0x27a: {  	[sflag:s8] =	ssyncadd.s32 $0xFFFFFC00  }
0x27b: {  	_ =	swait.ge [sflag:s8], $0x400  }
0x27c: {  	[sflag:s8] =	ssyncset.done $0x0  }
0x27d: {  	[sflag:s8] =	ssyncadd.s32 $0xFFFFFC00  }
0x27e: {  	_ =	swait.ge [sflag:s8], $0x400  }
0x27f: {  	[sflag:s8] =	ssyncset.done $0x0  }
0x280: {  	[sflag:s8] =	ssyncadd.s32 $0xFFFFFC00  }
0x281: {  	_ =	swait.ge [sflag:s8], $0x400  }
0x282: {  	[sflag:s8] =	ssyncset.done $0x0  }
0x283: {  	p0 =	sne.s32 s12, $0x1500;
	[sflag:s8] =	ssyncadd.s32 $0xFFFFFC00  }
.Ltmp0:
0x284: {  	_ =	swait.ge [sflag:s8], $0x400;
	(pc) =	sbr.rel @p0 .LBB2_2-.Ltmp0, $4  }
0x285: {  	[sflag:s8] =	ssyncset.done $0x0  }
0x286: {  	[sflag:s8] =	ssyncadd.s32 $0xFFFFFC00  }
0x287: {  	_ =	swait.ge [sflag:s8], $0x400  }
0x288: {  	s12 =	sadd.s32 $0x100, s12;
	s10 =	rddreg [dreg:$0x4];
	[sflag:s8] =	ssyncset.done $0x0  }
0x289: {  	s9 =	rddreg [dreg:$0x5];
	[sflag:s8] =	ssyncadd.s32 $0xFFFFFC00;
	s10 =	sadd.s32 s11, s10  }
0x28a: {  	[tilespmem:s3], [sflag:$0x3] =	stream.linear.gather [hbm4b:s10+s3], $0x400, $0x38;
	[tilespmem:$0x1EF70] =	vst v63  }
0x28b: {  	s12 =	simm.s32 $0x400;
	s9 =	sadd.s32 s11, s9  }
0x28c: {  	[tilespmem:s12], [sflag:$0x3] =	stream.linear.gather [hbm4b:s9+s3], $0x400, $0x38;
	[tilespmem:$0x1EF70] =	vst v63  }
0x28d: {  	s16 =	rddreg [dreg:$0x6];
	s13 =	simm.s32 $0x2800;
	s10 =	sadd.s32 $0x80, s10  }
0x28e: {  	[tilespmem:s13], [sflag:$0x3] =	stream.linear.gather [hbm4b:s10+s3], $0x400, $0x38;
	[tilespmem:$0x1EF70] =	vst v63  }
0x28f: {  	s9 =	sadd.s32 s11, s16  }
0x290: {  	[tilespmem:s17], [sflag:$0x3] =	stream.linear.gather [hbm4b:s9+s3], $0x400, $0x38;
	[tilespmem:$0x1EF70] =	vst v63  }
0x291: {  	_ =	swait.ge [sflag:s18], $0x400  }
0x292: {  	[sflag:s18] =	ssyncset.done $0x0  }
0x293: {  	[sflag:s18] =	ssyncadd.s32 $0xFFFFFC00  }
0x294: {  	_ =	swait.ge [sflag:s18], $0x400  }
0x295: {  	[sflag:s18] =	ssyncset.done $0x0  }
0x296: {  	[sflag:s18] =	ssyncadd.s32 $0xFFFFFC00  }
0x297: {  	[tilespmem:s20], [sflag:$0x1] =	stream.indirect.gather [hbm4b:s7+s19], $0x8, s3, s19, $0xb8;
	[tilespmem:$0x1EF70] =	vst v63  }
0x298: {  	_ = 	snop  }
0x299: {  	[tilespmem:s21], [sflag:$0x1] =	stream.indirect.gather [hbm4b:s7+s19], $0x8, s19, s19, $0xb8;
	[tilespmem:$0x1EF70] =	vst v63  }
0x29a: {  	s11 =	rddreg [dreg:$0x7]  }
0x29b: {  	[tilespmem:s22], [sflag:$0x1] =	stream.indirect.gather [hbm4b:s7+s19], $0x8, s11, s19, $0xb8;
	[tilespmem:$0x1EF70] =	vst v63  }
0x29c: {  	s15 =	rddreg [dreg:$0x8]  }
0x29d: {  	[tilespmem:s23], [sflag:$0x1] =	stream.indirect.gather [hbm4b:s7+s19], $0x8, s15, s19, $0xb8;
	[tilespmem:$0x1EF70] =	vst v63  }
0x29e: {  	s16 =	rddreg [dreg:$0x9]  }
0x29f: {  	[tilespmem:s24], [sflag:$0x1] =	stream.indirect.gather [hbm4b:s7+s19], $0x8, s16, s19, $0xb8;
	[tilespmem:$0x1EF70] =	vst v63  }
0x2a0: {  	s11 =	rddreg [dreg:$0xa]  }
0x2a1: {  	[tilespmem:s25], [sflag:$0x1] =	stream.indirect.gather [hbm4b:s7+s19], $0x8, s11, s19, $0xb8;
	[tilespmem:$0x1EF70] =	vst v63  }
0x2a2: {  	s15 =	rddreg [dreg:$0xb]  }
0x2a3: {  	[tilespmem:s26], [sflag:$0x1] =	stream.indirect.gather [hbm4b:s7+s19], $0x8, s15, s19, $0xb8;
	[tilespmem:$0x1EF70] =	vst v63  }
0x2a4: {  	s16 =	rddreg [dreg:$0xc]  }
0x2a5: {  	[tilespmem:s28], [sflag:$0x1] =	stream.indirect.gather [hbm4b:s7+s19], $0x8, s16, s19, $0xb8;
	[tilespmem:$0x1EF70] =	vst v63  }
0x2a6: {  	_ =	swait.ge [sflag:s18], $0x400  }
0x2a7: {  	[sflag:s18] =	ssyncset.done $0x0  }
0x2a8: {  	[sflag:s18] =	ssyncadd.s32 $0xFFFFFC00  }
0x2a9: {  	_ =	swait.ge [sflag:s18], $0x400  }
0x2aa: {  	[sflag:s18] =	ssyncset.done $0x0  }
0x2ab: {  	[sflag:s18] =	ssyncadd.s32 $0xFFFFFC00  }
0x2ac: {  	_ =	swait.ge [sflag:s14], $0x400  }
0x2ad: {  	[sflag:s14] =	ssyncset.done $0x0  }
0x2ae: {  	[sflag:s14] =	ssyncadd.s32 $0xFFFFFC00  }
0x2af: {  	_ =	swait.ge [sflag:s14], $0x400  }
0x2b0: {  	[sflag:s14] =	ssyncset.done $0x0  }
0x2b1: {  	[sflag:s14] =	ssyncadd.s32 $0xFFFFFC00  }
0x2b2: {  	_ =	swait.ge [sflag:s14], $0x400  }
0x2b3: {  	[sflag:s14] =	ssyncset.done $0x0  }
0x2b4: {  	[sflag:s14] =	ssyncadd.s32 $0xFFFFFC00  }
0x2b5: {  	_ =	swait.ge [sflag:s14], $0x400  }
0x2b6: {  	[sflag:s14] =	ssyncset.done $0x0  }
0x2b7: {  	[sflag:s14] =	ssyncadd.s32 $0xFFFFFC00  }
0x2b8: {  	_ =	swait.ge [sflag:s14], $0x400  }
0x2b9: {  	[sflag:s14] =	ssyncset.done $0x0  }
0x2ba: {  	[sflag:s14] =	ssyncadd.s32 $0xFFFFFC00  }
0x2bb: {  	_ =	swait.ge [sflag:s14], $0x400  }
0x2bc: {  	[sflag:s14] =	ssyncset.done $0x0  }
0x2bd: {  	[sflag:s14] =	ssyncadd.s32 $0xFFFFFC00  }
0x2be: {  	_ =	swait.ge [sflag:s14], $0x400  }
0x2bf: {  	[sflag:s14] =	ssyncset.done $0x0  }
0x2c0: {  	[sflag:s14] =	ssyncadd.s32 $0xFFFFFC00  }
0x2c1: {  	_ =	swait.ge [sflag:s14], $0x400  }
0x2c2: {  	[sflag:s14] =	ssyncset.done $0x0  }
0x2c3: {  	[sflag:s14] =	ssyncadd.s32 $0xFFFFFC00  }
0x2c4: {  	[spmem:s2] =	stream.indirect.scatter.add.f32 [tilespmem:s20], [sflag:$0x2], $0x8, s12, s19, $0xb8;
	[tilespmem:$0x1EF70] =	vst v63  }
0x2c5: {  	s10 =	rddreg [dreg:$0xd]  }
0x2c6: {  	[spmem:s2] =	stream.indirect.scatter.add.f32 [tilespmem:s21], [sflag:$0x2], $0x8, s10, s19, $0xb8;
	[tilespmem:$0x1EF70] =	vst v63  }
0x2c7: {  	s11 =	rddreg [dreg:$0xe]  }
0x2c8: {  	[spmem:s2] =	stream.indirect.scatter.add.f32 [tilespmem:s22], [sflag:$0x2], $0x8, s11, s19, $0xb8;
	[tilespmem:$0x1EF70] =	vst v63  }
0x2c9: {  	s12 =	rddreg [dreg:$0xf]  }
0x2ca: {  	[spmem:s2] =	stream.indirect.scatter.add.f32 [tilespmem:s23], [sflag:$0x2], $0x8, s12, s19, $0xb8;
	[tilespmem:$0x1EF70] =	vst v63  }
0x2cb: {  	s15 =	rddreg [dreg:$0x10]  }
0x2cc: {  	[spmem:s2] =	stream.indirect.scatter.add.f32 [tilespmem:s24], [sflag:$0x2], $0x8, s15, s19, $0xb8;
	[tilespmem:$0x1EF70] =	vst v63  }
0x2cd: {  	s16 =	rddreg [dreg:$0x11]  }
0x2ce: {  	[spmem:s2] =	stream.indirect.scatter.add.f32 [tilespmem:s25], [sflag:$0x2], $0x8, s16, s19, $0xb8;
	[tilespmem:$0x1EF70] =	vst v63  }
0x2cf: {  	s11 =	rddreg [dreg:$0x12]  }
0x2d0: {  	[spmem:s2] =	stream.indirect.scatter.add.f32 [tilespmem:s26], [sflag:$0x2], $0x8, s11, s19, $0xb8;
	[tilespmem:$0x1EF70] =	vst v63  }
0x2d1: {  	s12 =	rddreg [dreg:$0x13]  }
0x2d2: {  	[spmem:s2] =	stream.indirect.scatter.add.f32 [tilespmem:s28], [sflag:$0x2], $0x8, s12, s19, $0xb8;
	[tilespmem:$0x1EF70] =	vst v63  }
0x2d3: {  	_ = 	snop  }
0x2d4: {  	[tilespmem:s29], [sflag:$0x1] =	stream.indirect.gather [hbm4b:s7+s19], $0x8, s13, s19, $0xb8;
	[tilespmem:$0x1EF70] =	vst v63  }
0x2d5: {  	s15 =	rddreg [dreg:$0x14]  }
0x2d6: {  	[tilespmem:s30], [sflag:$0x1] =	stream.indirect.gather [hbm4b:s7+s19], $0x8, s15, s19, $0xb8;
	[tilespmem:$0x1EF70] =	vst v63  }
0x2d7: {  	s16 =	rddreg [dreg:$0x15]  }
0x2d8: {  	[tilespmem:s31], [sflag:$0x1] =	stream.indirect.gather [hbm4b:s7+s19], $0x8, s16, s19, $0xb8;
	[tilespmem:$0x1EF70] =	vst v63  }
0x2d9: {  	s11 =	rddreg [dreg:$0x16]  }
0x2da: {  	[tilespmem:s0], [sflag:$0x1] =	stream.indirect.gather [hbm4b:s7+s19], $0x8, s11, s19, $0xb8;
	[tilespmem:$0x1EF70] =	vst v63  }
0x2db: {  	s12 =	rddreg [dreg:$0x17]  }
0x2dc: {  	[tilespmem:s1], [sflag:$0x1] =	stream.indirect.gather [hbm4b:s7+s19], $0x8, s12, s19, $0xb8;
	[tilespmem:$0x1EF70] =	vst v63  }
0x2dd: {  	s13 =	rddreg [dreg:$0x18]  }
0x2de: {  	[tilespmem:s4], [sflag:$0x1] =	stream.indirect.gather [hbm4b:s7+s19], $0x8, s13, s19, $0xb8;
	[tilespmem:$0x1EF70] =	vst v63  }
0x2df: {  	s15 =	rddreg [dreg:$0x19]  }
0x2e0: {  	[tilespmem:s5], [sflag:$0x1] =	stream.indirect.gather [hbm4b:s7+s19], $0x8, s15, s19, $0xb8;
	[tilespmem:$0x1EF70] =	vst v63  }
0x2e1: {  	s16 =	rddreg [dreg:$0x1a]  }
0x2e2: {  	[tilespmem:s6], [sflag:$0x1] =	stream.indirect.gather [hbm4b:s7+s19], $0x8, s16, s19, $0xb8;
	[tilespmem:$0x1EF70] =	vst v63  }
0x2e3: {  	_ =	swait.ge [sflag:s8], $0x400  }
0x2e4: {  	[sflag:s8] =	ssyncset.done $0x0  }
0x2e5: {  	[sflag:s8] =	ssyncadd.s32 $0xFFFFFC00  }
0x2e6: {  	_ =	swait.ge [sflag:s8], $0x400  }
0x2e7: {  	[sflag:s8] =	ssyncset.done $0x0  }
0x2e8: {  	[sflag:s8] =	ssyncadd.s32 $0xFFFFFC00  }
0x2e9: {  	_ =	swait.ge [sflag:s8], $0x400  }
0x2ea: {  	[sflag:s8] =	ssyncset.done $0x0  }
0x2eb: {  	[sflag:s8] =	ssyncadd.s32 $0xFFFFFC00  }
0x2ec: {  	_ =	swait.ge [sflag:s8], $0x400  }
0x2ed: {  	[sflag:s8] =	ssyncset.done $0x0  }
0x2ee: {  	[sflag:s8] =	ssyncadd.s32 $0xFFFFFC00  }
0x2ef: {  	_ =	swait.ge [sflag:s8], $0x400  }
0x2f0: {  	[sflag:s8] =	ssyncset.done $0x0  }
0x2f1: {  	[sflag:s8] =	ssyncadd.s32 $0xFFFFFC00  }
0x2f2: {  	_ =	swait.ge [sflag:s8], $0x400  }
0x2f3: {  	[sflag:s8] =	ssyncset.done $0x0  }
0x2f4: {  	[sflag:s8] =	ssyncadd.s32 $0xFFFFFC00  }
0x2f5: {  	_ =	swait.ge [sflag:s8], $0x400  }
0x2f6: {  	[sflag:s8] =	ssyncset.done $0x0  }
0x2f7: {  	[sflag:s8] =	ssyncadd.s32 $0xFFFFFC00  }
0x2f8: {  	_ =	swait.ge [sflag:s8], $0x400  }
0x2f9: {  	[sflag:s8] =	ssyncset.done $0x0  }
0x2fa: {  	[sflag:s8] =	ssyncadd.s32 $0xFFFFFC00  }
0x2fb: {  	_ =	swait.ge [sflag:s14], $0x400  }
0x2fc: {  	[sflag:s14] =	ssyncset.done $0x0  }
0x2fd: {  	[sflag:s14] =	ssyncadd.s32 $0xFFFFFC00  }
0x2fe: {  	_ =	swait.ge [sflag:s14], $0x400  }
0x2ff: {  	[sflag:s14] =	ssyncset.done $0x0  }
0x300: {  	[sflag:s14] =	ssyncadd.s32 $0xFFFFFC00  }
0x301: {  	_ =	swait.ge [sflag:s14], $0x400  }
0x302: {  	[sflag:s14] =	ssyncset.done $0x0  }
0x303: {  	[sflag:s14] =	ssyncadd.s32 $0xFFFFFC00  }
0x304: {  	_ =	swait.ge [sflag:s14], $0x400  }
0x305: {  	[sflag:s14] =	ssyncset.done $0x0  }
0x306: {  	[sflag:s14] =	ssyncadd.s32 $0xFFFFFC00  }
0x307: {  	_ =	swait.ge [sflag:s14], $0x400  }
0x308: {  	[sflag:s14] =	ssyncset.done $0x0  }
0x309: {  	[sflag:s14] =	ssyncadd.s32 $0xFFFFFC00  }
0x30a: {  	_ =	swait.ge [sflag:s14], $0x400  }
0x30b: {  	[sflag:s14] =	ssyncset.done $0x0  }
0x30c: {  	[sflag:s14] =	ssyncadd.s32 $0xFFFFFC00  }
0x30d: {  	_ =	swait.ge [sflag:s14], $0x400  }
0x30e: {  	[sflag:s14] =	ssyncset.done $0x0  }
0x30f: {  	[sflag:s14] =	ssyncadd.s32 $0xFFFFFC00  }
0x310: {  	_ =	swait.ge [sflag:s14], $0x400  }
0x311: {  	[sflag:s14] =	ssyncset.done $0x0  }
0x312: {  	s11 =	rddreg [dreg:$0x1b];
	[sflag:s14] =	ssyncadd.s32 $0xFFFFFC00  }
0x313: {  	[spmem:s2] =	stream.indirect.scatter.add.f32 [tilespmem:s29], [sflag:$0x2], $0x8, s17, s19, $0xb8;
	[tilespmem:$0x1EF70] =	vst v63  }
0x314: {  	s12 =	rddreg [dreg:$0x1c]  }
0x315: {  	[spmem:s2] =	stream.indirect.scatter.add.f32 [tilespmem:s30], [sflag:$0x2], $0x8, s11, s19, $0xb8;
	[tilespmem:$0x1EF70] =	vst v63  }
0x316: {  	s13 =	rddreg [dreg:$0x1d]  }
0x317: {  	[spmem:s2] =	stream.indirect.scatter.add.f32 [tilespmem:s31], [sflag:$0x2], $0x8, s12, s19, $0xb8;
	[tilespmem:$0x1EF70] =	vst v63  }
0x318: {  	s15 =	rddreg [dreg:$0x1e]  }
0x319: {  	[spmem:s2] =	stream.indirect.scatter.add.f32 [tilespmem:s0], [sflag:$0x2], $0x8, s13, s19, $0xb8;
	[tilespmem:$0x1EF70] =	vst v63  }
0x31a: {  	s16 =	rddreg [dreg:$0x1f]  }
0x31b: {  	[spmem:s2] =	stream.indirect.scatter.add.f32 [tilespmem:s1], [sflag:$0x2], $0x8, s15, s19, $0xb8;
	[tilespmem:$0x1EF70] =	vst v63  }
0x31c: {  	s11 =	sld [smem:$0x7D2]  }
0x31d: {  	[spmem:s2] =	stream.indirect.scatter.add.f32 [tilespmem:s4], [sflag:$0x2], $0x8, s16, s19, $0xb8;
	[tilespmem:$0x1EF70] =	vst v63  }
0x31e: {  	s12 =	sld [smem:$0x7D3]  }
0x31f: {  	[spmem:s2] =	stream.indirect.scatter.add.f32 [tilespmem:s5], [sflag:$0x2], $0x8, s11, s19, $0xb8;
	[tilespmem:$0x1EF70] =	vst v63  }
0x320: {  	_ = 	snop  }
0x321: {  	[spmem:s2] =	stream.indirect.scatter.add.f32 [tilespmem:s6], [sflag:$0x2], $0x8, s12, s19, $0xb8;
	[tilespmem:$0x1EF70] =	vst v63  }
0x322: {  	_ =	swait.ge [sflag:s8], $0x400  }
0x323: {  	[sflag:s8] =	ssyncset.done $0x0  }
0x324: {  	[sflag:s8] =	ssyncadd.s32 $0xFFFFFC00  }
0x325: {  	_ =	swait.ge [sflag:s8], $0x400  }
0x326: {  	[sflag:s8] =	ssyncset.done $0x0  }
0x327: {  	[sflag:s8] =	ssyncadd.s32 $0xFFFFFC00  }
0x328: {  	_ =	swait.ge [sflag:s8], $0x400  }
0x329: {  	[sflag:s8] =	ssyncset.done $0x0  }
0x32a: {  	[sflag:s8] =	ssyncadd.s32 $0xFFFFFC00  }
0x32b: {  	_ =	swait.ge [sflag:s8], $0x400  }
0x32c: {  	[sflag:s8] =	ssyncset.done $0x0  }
0x32d: {  	[sflag:s8] =	ssyncadd.s32 $0xFFFFFC00  }
0x32e: {  	_ =	swait.ge [sflag:s8], $0x400  }
0x32f: {  	[sflag:s8] =	ssyncset.done $0x0  }
0x330: {  	[sflag:s8] =	ssyncadd.s32 $0xFFFFFC00  }
0x331: {  	_ =	swait.ge [sflag:s8], $0x400  }
0x332: {  	[sflag:s8] =	ssyncset.done $0x0  }
0x333: {  	[sflag:s8] =	ssyncadd.s32 $0xFFFFFC00  }
0x334: {  	_ =	swait.ge [sflag:s8], $0x400  }
0x335: {  	[sflag:s8] =	ssyncset.done $0x0  }
0x336: {  	[sflag:s8] =	ssyncadd.s32 $0xFFFFFC00  }
0x337: {  	_ =	swait.ge [sflag:s8], $0x400  }
0x338: {  	[sflag:s8] =	ssyncset.done $0x0  }
0x339: {  	[sflag:s8] =	ssyncadd.s32 $0xFFFFFC00  }
0x33a: {  	[bflag:$0x0] =	sbarrier.arrive $0xFFFF  }
0x33b: {  	s13 =	sld [smem:$0x7D5];
	_ =	sdelay $0x1  }
0x33c: {  	s11 =	simm.s32 $0x5000  }
0x33d: {  	[tilespmem:s11], [sflag:$0x1] =	stream.linear.gather [spmem:s13], $0xC38, $0x38;
	[tilespmem:$0x1EF70] =	vst v63  }
0x33e: {  	_ =	swait.ge [sflag:s14], $0xC38  }
0x33f: {  	s15 =	sld [smem:$0x7D7]  }
0x340: {  	[sflag:s14] =	ssyncset.done $0x0  }
0x341: {  	s16 =	simm.s32 $0x5C38;
	s10 =	sld [smem:$0x7B2];
	[sflag:s14] =	ssyncadd.s32 $0xFFFFF3C8  }
0x342: {  	[tilespmem:s16], [sflag:$0x1] =	stream.linear.gather [spmem:s15], $0xC38, $0x38;
	[tilespmem:$0x1EF70] =	vst v63  }
0x343: {  	_ = 	snop  }
0x344: {  	[hbm4b:s10+s3] =	stream.linear.scatter [tilespmem:s11], [sflag:$0x2], $0xC38, $0x38;
	[tilespmem:$0x1EF70] =	vst v63  }
0x345: {  	_ =	swait.ge [sflag:s14], $0xC38  }
0x346: {  	[sflag:s14] =	ssyncset.done $0x0  }
0x347: {  	[sflag:s14] =	ssyncadd.s32 $0xFFFFF3C8  }
0x348: {  	_ =	swait.ge [sflag:s8], $0xC38  }
0x349: {  	s12 =	sld [smem:$0x7D9]  }
0x34a: {  	[sflag:s8] =	ssyncset.done $0x0  }
0x34b: {  	s13 =	sld [smem:$0x7B3];
	[sflag:s8] =	ssyncadd.s32 $0xFFFFF3C8  }
0x34c: {  	[tilespmem:s11], [sflag:$0x1] =	stream.linear.gather [spmem:s12], $0xC38, $0x38;
	[tilespmem:$0x1EF70] =	vst v63  }
0x34d: {  	_ = 	snop  }
0x34e: {  	[hbm4b:s13+s3] =	stream.linear.scatter [tilespmem:s16], [sflag:$0x2], $0xC38, $0x38;
	[tilespmem:$0x1EF70] =	vst v63  }
0x34f: {  	_ =	swait.ge [sflag:s14], $0xC38  }
0x350: {  	[sflag:s14] =	ssyncset.done $0x0  }
0x351: {  	[sflag:s14] =	ssyncadd.s32 $0xFFFFF3C8  }
0x352: {  	_ =	swait.ge [sflag:s8], $0xC38  }
0x353: {  	s15 =	sld [smem:$0x7DB]  }
0x354: {  	[sflag:s8] =	ssyncset.done $0x0  }
0x355: {  	s10 =	sld [smem:$0x7B4];
	[sflag:s8] =	ssyncadd.s32 $0xFFFFF3C8  }
0x356: {  	[tilespmem:s16], [sflag:$0x1] =	stream.linear.gather [spmem:s15], $0xC38, $0x38;
	[tilespmem:$0x1EF70] =	vst v63  }
0x357: {  	_ = 	snop  }
0x358: {  	[hbm4b:s10+s3] =	stream.linear.scatter [tilespmem:s11], [sflag:$0x2], $0xC38, $0x38;
	[tilespmem:$0x1EF70] =	vst v63  }
0x359: {  	_ =	swait.ge [sflag:s14], $0xC38  }
0x35a: {  	[sflag:s14] =	ssyncset.done $0x0  }
0x35b: {  	[sflag:s14] =	ssyncadd.s32 $0xFFFFF3C8  }
0x35c: {  	_ =	swait.ge [sflag:s8], $0xC38  }
0x35d: {  	s12 =	sld [smem:$0x7DD]  }
0x35e: {  	[sflag:s8] =	ssyncset.done $0x0  }
0x35f: {  	s13 =	sld [smem:$0x7B5];
	[sflag:s8] =	ssyncadd.s32 $0xFFFFF3C8  }
0x360: {  	[tilespmem:s11], [sflag:$0x1] =	stream.linear.gather [spmem:s12], $0xC38, $0x38;
	[tilespmem:$0x1EF70] =	vst v63  }
0x361: {  	_ = 	snop  }
0x362: {  	[hbm4b:s13+s3] =	stream.linear.scatter [tilespmem:s16], [sflag:$0x2], $0xC38, $0x38;
	[tilespmem:$0x1EF70] =	vst v63  }
0x363: {  	_ =	swait.ge [sflag:s14], $0xC38  }
0x364: {  	[sflag:s14] =	ssyncset.done $0x0  }
0x365: {  	[sflag:s14] =	ssyncadd.s32 $0xFFFFF3C8  }
0x366: {  	_ =	swait.ge [sflag:s8], $0xC38  }
0x367: {  	s15 =	sld [smem:$0x7DF]  }
0x368: {  	[sflag:s8] =	ssyncset.done $0x0  }
0x369: {  	s10 =	sld [smem:$0x7B6];
	[sflag:s8] =	ssyncadd.s32 $0xFFFFF3C8  }
0x36a: {  	[tilespmem:s16], [sflag:$0x1] =	stream.linear.gather [spmem:s15], $0xC38, $0x38;
	[tilespmem:$0x1EF70] =	vst v63  }
0x36b: {  	_ = 	snop  }
0x36c: {  	[hbm4b:s10+s3] =	stream.linear.scatter [tilespmem:s11], [sflag:$0x2], $0xC38, $0x38;
	[tilespmem:$0x1EF70] =	vst v63  }
0x36d: {  	_ =	swait.ge [sflag:s14], $0xC38  }
0x36e: {  	[sflag:s14] =	ssyncset.done $0x0  }
0x36f: {  	[sflag:s14] =	ssyncadd.s32 $0xFFFFF3C8  }
0x370: {  	_ =	swait.ge [sflag:s8], $0xC38  }
0x371: {  	s12 =	sld [smem:$0x7E1]  }
0x372: {  	[sflag:s8] =	ssyncset.done $0x0  }
0x373: {  	s13 =	sld [smem:$0x7B7];
	[sflag:s8] =	ssyncadd.s32 $0xFFFFF3C8  }
0x374: {  	[tilespmem:s11], [sflag:$0x1] =	stream.linear.gather [spmem:s12], $0xC38, $0x38;
	[tilespmem:$0x1EF70] =	vst v63  }
0x375: {  	_ = 	snop  }
0x376: {  	[hbm4b:s13+s3] =	stream.linear.scatter [tilespmem:s16], [sflag:$0x2], $0xC38, $0x38;
	[tilespmem:$0x1EF70] =	vst v63  }
0x377: {  	_ =	swait.ge [sflag:s14], $0xC38  }
0x378: {  	[sflag:s14] =	ssyncset.done $0x0  }
0x379: {  	[sflag:s14] =	ssyncadd.s32 $0xFFFFF3C8  }
0x37a: {  	_ =	swait.ge [sflag:s8], $0xC38  }
0x37b: {  	s15 =	sld [smem:$0x7E3]  }
0x37c: {  	[sflag:s8] =	ssyncset.done $0x0  }
0x37d: {  	s10 =	sld [smem:$0x7B8];
	[sflag:s8] =	ssyncadd.s32 $0xFFFFF3C8  }
0x37e: {  	[tilespmem:s16], [sflag:$0x1] =	stream.linear.gather [spmem:s15], $0xC38, $0x38;
	[tilespmem:$0x1EF70] =	vst v63  }
0x37f: {  	_ = 	snop  }
0x380: {  	[hbm4b:s10+s3] =	stream.linear.scatter [tilespmem:s11], [sflag:$0x2], $0xC38, $0x38;
	[tilespmem:$0x1EF70] =	vst v63  }
0x381: {  	_ =	swait.ge [sflag:s14], $0xC38  }
0x382: {  	[sflag:s14] =	ssyncset.done $0x0  }
0x383: {  	[sflag:s14] =	ssyncadd.s32 $0xFFFFF3C8  }
0x384: {  	_ =	swait.ge [sflag:s8], $0xC38  }
0x385: {  	s12 =	sld [smem:$0x7E4]  }
0x386: {  	[sflag:s8] =	ssyncset.done $0x0  }
0x387: {  	s13 =	sld [smem:$0x7B9];
	[sflag:s8] =	ssyncadd.s32 $0xFFFFF3C8  }
0x388: {  	[tilespmem:s11], [sflag:$0x1] =	stream.linear.gather [spmem:s12], $0xC38, $0x38;
	[tilespmem:$0x1EF70] =	vst v63  }
0x389: {  	_ = 	snop  }
0x38a: {  	[hbm4b:s13+s3] =	stream.linear.scatter [tilespmem:s16], [sflag:$0x2], $0xC38, $0x38;
	[tilespmem:$0x1EF70] =	vst v63  }
0x38b: {  	_ =	swait.ge [sflag:s14], $0xC38  }
0x38c: {  	[sflag:s14] =	ssyncset.done $0x0  }
0x38d: {  	[sflag:s14] =	ssyncadd.s32 $0xFFFFF3C8  }
0x38e: {  	_ =	swait.ge [sflag:s8], $0xC38  }
0x38f: {  	s15 =	sld [smem:$0x7E5]  }
0x390: {  	[sflag:s8] =	ssyncset.done $0x0  }
0x391: {  	s10 =	sld [smem:$0x7BA];
	[sflag:s8] =	ssyncadd.s32 $0xFFFFF3C8  }
0x392: {  	[tilespmem:s16], [sflag:$0x1] =	stream.linear.gather [spmem:s15], $0xC38, $0x38;
	[tilespmem:$0x1EF70] =	vst v63  }
0x393: {  	_ = 	snop  }
0x394: {  	[hbm4b:s10+s3] =	stream.linear.scatter [tilespmem:s11], [sflag:$0x2], $0xC38, $0x38;
	[tilespmem:$0x1EF70] =	vst v63  }
0x395: {  	_ =	swait.ge [sflag:s14], $0xC38  }
0x396: {  	[sflag:s14] =	ssyncset.done $0x0  }
0x397: {  	[sflag:s14] =	ssyncadd.s32 $0xFFFFF3C8  }
0x398: {  	_ =	swait.ge [sflag:s8], $0xC38  }
0x399: {  	s12 =	sld [smem:$0x7E6]  }
0x39a: {  	[sflag:s8] =	ssyncset.done $0x0  }
0x39b: {  	s13 =	sld [smem:$0x7BB];
	[sflag:s8] =	ssyncadd.s32 $0xFFFFF3C8  }
0x39c: {  	[tilespmem:s11], [sflag:$0x1] =	stream.linear.gather [spmem:s12], $0xC38, $0x38;
	[tilespmem:$0x1EF70] =	vst v63  }
0x39d: {  	_ = 	snop  }
0x39e: {  	[hbm4b:s13+s3] =	stream.linear.scatter [tilespmem:s16], [sflag:$0x2], $0xC38, $0x38;
	[tilespmem:$0x1EF70] =	vst v63  }
0x39f: {  	_ =	swait.ge [sflag:s14], $0xC38  }
0x3a0: {  	[sflag:s14] =	ssyncset.done $0x0  }
0x3a1: {  	[sflag:s14] =	ssyncadd.s32 $0xFFFFF3C8  }
0x3a2: {  	_ =	swait.ge [sflag:s8], $0xC38  }
0x3a3: {  	s15 =	sld [smem:$0x7E7]  }
0x3a4: {  	[sflag:s8] =	ssyncset.done $0x0  }
0x3a5: {  	s10 =	sld [smem:$0x7BC];
	[sflag:s8] =	ssyncadd.s32 $0xFFFFF3C8  }
0x3a6: {  	[tilespmem:s16], [sflag:$0x1] =	stream.linear.gather [spmem:s15], $0xC38, $0x38;
	[tilespmem:$0x1EF70] =	vst v63  }
0x3a7: {  	_ = 	snop  }
0x3a8: {  	[hbm4b:s10+s3] =	stream.linear.scatter [tilespmem:s11], [sflag:$0x2], $0xC38, $0x38;
	[tilespmem:$0x1EF70] =	vst v63  }
0x3a9: {  	_ =	swait.ge [sflag:s14], $0xC38  }
0x3aa: {  	[sflag:s14] =	ssyncset.done $0x0  }
0x3ab: {  	[sflag:s14] =	ssyncadd.s32 $0xFFFFF3C8  }
0x3ac: {  	_ =	swait.ge [sflag:s8], $0xC38  }
0x3ad: {  	s12 =	sld [smem:$0x7E8]  }
0x3ae: {  	[sflag:s8] =	ssyncset.done $0x0  }
0x3af: {  	s13 =	sld [smem:$0x7BD];
	[sflag:s8] =	ssyncadd.s32 $0xFFFFF3C8  }
0x3b0: {  	[tilespmem:s11], [sflag:$0x1] =	stream.linear.gather [spmem:s12], $0xC38, $0x38;
	[tilespmem:$0x1EF70] =	vst v63  }
0x3b1: {  	_ = 	snop  }
0x3b2: {  	[hbm4b:s13+s3] =	stream.linear.scatter [tilespmem:s16], [sflag:$0x2], $0xC38, $0x38;
	[tilespmem:$0x1EF70] =	vst v63  }
0x3b3: {  	_ =	swait.ge [sflag:s14], $0xC38  }
0x3b4: {  	[sflag:s14] =	ssyncset.done $0x0  }
0x3b5: {  	[sflag:s14] =	ssyncadd.s32 $0xFFFFF3C8  }
0x3b6: {  	_ =	swait.ge [sflag:s8], $0xC38  }
0x3b7: {  	s15 =	sld [smem:$0x7E9]  }
0x3b8: {  	[sflag:s8] =	ssyncset.done $0x0  }
0x3b9: {  	s10 =	sld [smem:$0x7BE];
	[sflag:s8] =	ssyncadd.s32 $0xFFFFF3C8  }
0x3ba: {  	[tilespmem:s16], [sflag:$0x1] =	stream.linear.gather [spmem:s15], $0xC38, $0x38;
	[tilespmem:$0x1EF70] =	vst v63  }
0x3bb: {  	_ = 	snop  }
0x3bc: {  	[hbm4b:s10+s3] =	stream.linear.scatter [tilespmem:s11], [sflag:$0x2], $0xC38, $0x38;
	[tilespmem:$0x1EF70] =	vst v63  }
0x3bd: {  	_ =	swait.ge [sflag:s14], $0xC38  }
0x3be: {  	[sflag:s14] =	ssyncset.done $0x0  }
0x3bf: {  	[sflag:s14] =	ssyncadd.s32 $0xFFFFF3C8  }
0x3c0: {  	_ =	swait.ge [sflag:s8], $0xC38  }
0x3c1: {  	s12 =	sld [smem:$0x7EA]  }
0x3c2: {  	[sflag:s8] =	ssyncset.done $0x0  }
0x3c3: {  	s13 =	sld [smem:$0x7BF];
	[sflag:s8] =	ssyncadd.s32 $0xFFFFF3C8  }
0x3c4: {  	[tilespmem:s11], [sflag:$0x1] =	stream.linear.gather [spmem:s12], $0xC38, $0x38;
	[tilespmem:$0x1EF70] =	vst v63  }
0x3c5: {  	_ = 	snop  }
0x3c6: {  	[hbm4b:s13+s3] =	stream.linear.scatter [tilespmem:s16], [sflag:$0x2], $0xC38, $0x38;
	[tilespmem:$0x1EF70] =	vst v63  }
0x3c7: {  	_ =	swait.ge [sflag:s14], $0xC38  }
0x3c8: {  	[sflag:s14] =	ssyncset.done $0x0  }
0x3c9: {  	[sflag:s14] =	ssyncadd.s32 $0xFFFFF3C8  }
0x3ca: {  	_ =	swait.ge [sflag:s8], $0xC38  }
0x3cb: {  	s15 =	sld [smem:$0x7EB]  }
0x3cc: {  	[sflag:s8] =	ssyncset.done $0x0  }
0x3cd: {  	s10 =	sld [smem:$0x7C0];
	[sflag:s8] =	ssyncadd.s32 $0xFFFFF3C8  }
0x3ce: {  	[tilespmem:s16], [sflag:$0x1] =	stream.linear.gather [spmem:s15], $0xC38, $0x38;
	[tilespmem:$0x1EF70] =	vst v63  }
0x3cf: {  	_ = 	snop  }
0x3d0: {  	[hbm4b:s10+s3] =	stream.linear.scatter [tilespmem:s11], [sflag:$0x2], $0xC38, $0x38;
	[tilespmem:$0x1EF70] =	vst v63  }
0x3d1: {  	_ =	swait.ge [sflag:s14], $0xC38  }
0x3d2: {  	[sflag:s14] =	ssyncset.done $0x0  }
0x3d3: {  	[sflag:s14] =	ssyncadd.s32 $0xFFFFF3C8  }
0x3d4: {  	_ =	swait.ge [sflag:s8], $0xC38  }
0x3d5: {  	s12 =	sld [smem:$0x7EC]  }
0x3d6: {  	[sflag:s8] =	ssyncset.done $0x0  }
0x3d7: {  	s13 =	sld [smem:$0x7C1];
	[sflag:s8] =	ssyncadd.s32 $0xFFFFF3C8  }
0x3d8: {  	[tilespmem:s11], [sflag:$0x1] =	stream.linear.gather [spmem:s12], $0xC38, $0x38;
	[tilespmem:$0x1EF70] =	vst v63  }
0x3d9: {  	_ = 	snop  }
0x3da: {  	[hbm4b:s13+s3] =	stream.linear.scatter [tilespmem:s16], [sflag:$0x2], $0xC38, $0x38;
	[tilespmem:$0x1EF70] =	vst v63  }
0x3db: {  	_ =	swait.ge [sflag:s14], $0xC38  }
0x3dc: {  	[sflag:s14] =	ssyncset.done $0x0  }
0x3dd: {  	[sflag:s14] =	ssyncadd.s32 $0xFFFFF3C8  }
0x3de: {  	_ =	swait.ge [sflag:s8], $0xC38  }
0x3df: {  	s15 =	sld [smem:$0x7ED]  }
0x3e0: {  	[sflag:s8] =	ssyncset.done $0x0  }
0x3e1: {  	s10 =	sld [smem:$0x7C2];
	[sflag:s8] =	ssyncadd.s32 $0xFFFFF3C8  }
0x3e2: {  	[tilespmem:s16], [sflag:$0x1] =	stream.linear.gather [spmem:s15], $0xC38, $0x38;
	[tilespmem:$0x1EF70] =	vst v63  }
0x3e3: {  	_ = 	snop  }
0x3e4: {  	[hbm4b:s10+s3] =	stream.linear.scatter [tilespmem:s11], [sflag:$0x2], $0xC38, $0x38;
	[tilespmem:$0x1EF70] =	vst v63  }
0x3e5: {  	_ =	swait.ge [sflag:s14], $0xC38  }
0x3e6: {  	[sflag:s14] =	ssyncset.done $0x0  }
0x3e7: {  	[sflag:s14] =	ssyncadd.s32 $0xFFFFF3C8  }
0x3e8: {  	_ =	swait.ge [sflag:s8], $0xC38  }
0x3e9: {  	s12 =	sld [smem:$0x7EE]  }
0x3ea: {  	[sflag:s8] =	ssyncset.done $0x0  }
0x3eb: {  	s13 =	sld [smem:$0x7C3];
	[sflag:s8] =	ssyncadd.s32 $0xFFFFF3C8  }
0x3ec: {  	[tilespmem:s11], [sflag:$0x1] =	stream.linear.gather [spmem:s12], $0xC38, $0x38;
	[tilespmem:$0x1EF70] =	vst v63  }
0x3ed: {  	_ = 	snop  }
0x3ee: {  	[hbm4b:s13+s3] =	stream.linear.scatter [tilespmem:s16], [sflag:$0x2], $0xC38, $0x38;
	[tilespmem:$0x1EF70] =	vst v63  }
0x3ef: {  	_ =	swait.ge [sflag:s14], $0xC38  }
0x3f0: {  	[sflag:s14] =	ssyncset.done $0x0  }
0x3f1: {  	[sflag:s14] =	ssyncadd.s32 $0xFFFFF3C8  }
0x3f2: {  	_ =	swait.ge [sflag:s8], $0xC38  }
0x3f3: {  	s15 =	sld [smem:$0x7EF]  }
0x3f4: {  	[sflag:s8] =	ssyncset.done $0x0  }
0x3f5: {  	s10 =	sld [smem:$0x7C4];
	[sflag:s8] =	ssyncadd.s32 $0xFFFFF3C8  }
0x3f6: {  	[tilespmem:s16], [sflag:$0x1] =	stream.linear.gather [spmem:s15], $0xC38, $0x38;
	[tilespmem:$0x1EF70] =	vst v63  }
0x3f7: {  	_ = 	snop  }
0x3f8: {  	[hbm4b:s10+s3] =	stream.linear.scatter [tilespmem:s11], [sflag:$0x2], $0xC38, $0x38;
	[tilespmem:$0x1EF70] =	vst v63  }
0x3f9: {  	_ =	swait.ge [sflag:s14], $0xC38  }
0x3fa: {  	[sflag:s14] =	ssyncset.done $0x0  }
0x3fb: {  	[sflag:s14] =	ssyncadd.s32 $0xFFFFF3C8  }
0x3fc: {  	_ =	swait.ge [sflag:s8], $0xC38  }
0x3fd: {  	s12 =	sld [smem:$0x7F0]  }
0x3fe: {  	[sflag:s8] =	ssyncset.done $0x0  }
0x3ff: {  	s13 =	sld [smem:$0x7C5];
	[sflag:s8] =	ssyncadd.s32 $0xFFFFF3C8  }
0x400: {  	[tilespmem:s11], [sflag:$0x1] =	stream.linear.gather [spmem:s12], $0xC38, $0x38;
	[tilespmem:$0x1EF70] =	vst v63  }
0x401: {  	_ = 	snop  }
0x402: {  	[hbm4b:s13+s3] =	stream.linear.scatter [tilespmem:s16], [sflag:$0x2], $0xC38, $0x38;
	[tilespmem:$0x1EF70] =	vst v63  }
0x403: {  	_ =	swait.ge [sflag:s14], $0xC38  }
0x404: {  	[sflag:s14] =	ssyncset.done $0x0  }
0x405: {  	[sflag:s14] =	ssyncadd.s32 $0xFFFFF3C8  }
0x406: {  	_ =	swait.ge [sflag:s8], $0xC38  }
0x407: {  	s15 =	sld [smem:$0x7F1]  }
0x408: {  	[sflag:s8] =	ssyncset.done $0x0  }
0x409: {  	s10 =	sld [smem:$0x7C6];
	[sflag:s8] =	ssyncadd.s32 $0xFFFFF3C8  }
0x40a: {  	[tilespmem:s16], [sflag:$0x1] =	stream.linear.gather [spmem:s15], $0xC38, $0x38;
	[tilespmem:$0x1EF70] =	vst v63  }
0x40b: {  	_ = 	snop  }
0x40c: {  	[hbm4b:s10+s3] =	stream.linear.scatter [tilespmem:s11], [sflag:$0x2], $0xC38, $0x38;
	[tilespmem:$0x1EF70] =	vst v63  }
0x40d: {  	_ =	swait.ge [sflag:s14], $0xC38  }
0x40e: {  	[sflag:s14] =	ssyncset.done $0x0  }
0x40f: {  	[sflag:s14] =	ssyncadd.s32 $0xFFFFF3C8  }
0x410: {  	_ =	swait.ge [sflag:s8], $0xC38  }
0x411: {  	s12 =	sld [smem:$0x7F2]  }
0x412: {  	[sflag:s8] =	ssyncset.done $0x0  }
0x413: {  	s13 =	sld [smem:$0x7C7];
	[sflag:s8] =	ssyncadd.s32 $0xFFFFF3C8  }
0x414: {  	[tilespmem:s11], [sflag:$0x1] =	stream.linear.gather [spmem:s12], $0xC38, $0x38;
	[tilespmem:$0x1EF70] =	vst v63  }
0x415: {  	_ = 	snop  }
0x416: {  	[hbm4b:s13+s3] =	stream.linear.scatter [tilespmem:s16], [sflag:$0x2], $0xC38, $0x38;
	[tilespmem:$0x1EF70] =	vst v63  }
0x417: {  	_ =	swait.ge [sflag:s14], $0xC38  }
0x418: {  	[sflag:s14] =	ssyncset.done $0x0  }
0x419: {  	[sflag:s14] =	ssyncadd.s32 $0xFFFFF3C8  }
0x41a: {  	_ =	swait.ge [sflag:s8], $0xC38  }
0x41b: {  	s15 =	sld [smem:$0x7F3]  }
0x41c: {  	[sflag:s8] =	ssyncset.done $0x0  }
0x41d: {  	s10 =	sld [smem:$0x7C8];
	[sflag:s8] =	ssyncadd.s32 $0xFFFFF3C8  }
0x41e: {  	[tilespmem:s16], [sflag:$0x1] =	stream.linear.gather [spmem:s15], $0xC38, $0x38;
	[tilespmem:$0x1EF70] =	vst v63  }
0x41f: {  	_ = 	snop  }
0x420: {  	[hbm4b:s10+s3] =	stream.linear.scatter [tilespmem:s11], [sflag:$0x2], $0xC38, $0x38;
	[tilespmem:$0x1EF70] =	vst v63  }
0x421: {  	_ =	swait.ge [sflag:s14], $0xC38  }
0x422: {  	[sflag:s14] =	ssyncset.done $0x0  }
0x423: {  	[sflag:s14] =	ssyncadd.s32 $0xFFFFF3C8  }
0x424: {  	_ =	swait.ge [sflag:s8], $0xC38  }
0x425: {  	s12 =	sld [smem:$0x7F4]  }
0x426: {  	[sflag:s8] =	ssyncset.done $0x0  }
0x427: {  	s13 =	sld [smem:$0x7C9];
	[sflag:s8] =	ssyncadd.s32 $0xFFFFF3C8  }
0x428: {  	[tilespmem:s11], [sflag:$0x1] =	stream.linear.gather [spmem:s12], $0xC38, $0x38;
	[tilespmem:$0x1EF70] =	vst v63  }
0x429: {  	_ = 	snop  }
0x42a: {  	[hbm4b:s13+s3] =	stream.linear.scatter [tilespmem:s16], [sflag:$0x2], $0xC38, $0x38;
	[tilespmem:$0x1EF70] =	vst v63  }
0x42b: {  	_ =	swait.ge [sflag:s14], $0xC38  }
0x42c: {  	[sflag:s14] =	ssyncset.done $0x0  }
0x42d: {  	[sflag:s14] =	ssyncadd.s32 $0xFFFFF3C8  }
0x42e: {  	_ =	swait.ge [sflag:s8], $0xC38  }
0x42f: {  	s15 =	sld [smem:$0x7F5]  }
0x430: {  	[sflag:s8] =	ssyncset.done $0x0  }
0x431: {  	s10 =	sld [smem:$0x7CA];
	[sflag:s8] =	ssyncadd.s32 $0xFFFFF3C8  }
0x432: {  	[tilespmem:s16], [sflag:$0x1] =	stream.linear.gather [spmem:s15], $0xC38, $0x38;
	[tilespmem:$0x1EF70] =	vst v63  }
0x433: {  	_ = 	snop  }
0x434: {  	[hbm4b:s10+s3] =	stream.linear.scatter [tilespmem:s11], [sflag:$0x2], $0xC38, $0x38;
	[tilespmem:$0x1EF70] =	vst v63  }
0x435: {  	_ =	swait.ge [sflag:s14], $0xC38  }
0x436: {  	[sflag:s14] =	ssyncset.done $0x0  }
0x437: {  	[sflag:s14] =	ssyncadd.s32 $0xFFFFF3C8  }
0x438: {  	_ =	swait.ge [sflag:s8], $0xC38  }
0x439: {  	s12 =	sld [smem:$0x7F6]  }
0x43a: {  	[sflag:s8] =	ssyncset.done $0x0  }
0x43b: {  	s13 =	sld [smem:$0x7CB];
	[sflag:s8] =	ssyncadd.s32 $0xFFFFF3C8  }
0x43c: {  	[tilespmem:s11], [sflag:$0x1] =	stream.linear.gather [spmem:s12], $0xC38, $0x38;
	[tilespmem:$0x1EF70] =	vst v63  }
0x43d: {  	_ = 	snop  }
0x43e: {  	[hbm4b:s13+s3] =	stream.linear.scatter [tilespmem:s16], [sflag:$0x2], $0xC38, $0x38;
	[tilespmem:$0x1EF70] =	vst v63  }
0x43f: {  	_ =	swait.ge [sflag:s14], $0xC38  }
0x440: {  	[sflag:s14] =	ssyncset.done $0x0  }
0x441: {  	[sflag:s14] =	ssyncadd.s32 $0xFFFFF3C8  }
0x442: {  	_ =	swait.ge [sflag:s8], $0xC38  }
0x443: {  	s15 =	sld [smem:$0x7F7]  }
0x444: {  	[sflag:s8] =	ssyncset.done $0x0  }
0x445: {  	s10 =	sld [smem:$0x7CC];
	[sflag:s8] =	ssyncadd.s32 $0xFFFFF3C8  }
0x446: {  	[tilespmem:s16], [sflag:$0x1] =	stream.linear.gather [spmem:s15], $0xC38, $0x38;
	[tilespmem:$0x1EF70] =	vst v63  }
0x447: {  	_ = 	snop  }
0x448: {  	[hbm4b:s10+s3] =	stream.linear.scatter [tilespmem:s11], [sflag:$0x2], $0xC38, $0x38;
	[tilespmem:$0x1EF70] =	vst v63  }
0x449: {  	_ =	swait.ge [sflag:s14], $0xC38  }
0x44a: {  	[sflag:s14] =	ssyncset.done $0x0  }
0x44b: {  	[sflag:s14] =	ssyncadd.s32 $0xFFFFF3C8  }
0x44c: {  	_ =	swait.ge [sflag:s8], $0xC38  }
0x44d: {  	s15 =	sld [smem:$0x7FA]  }
0x44e: {  	[sflag:s8] =	ssyncset.done $0x0  }
0x44f: {  	s12 =	sld [smem:$0x7CD];
	[sflag:s8] =	ssyncadd.s32 $0xFFFFF3C8  }
0x450: {  	[tilespmem:s11], [sflag:$0x1] =	stream.linear.gather [spmem:s15], $0xC38, $0x38;
	[tilespmem:$0x1EF70] =	vst v63  }
0x451: {  	_ = 	snop  }
0x452: {  	[hbm4b:s12+s3] =	stream.linear.scatter [tilespmem:s16], [sflag:$0x2], $0xC38, $0x38;
	[tilespmem:$0x1EF70] =	vst v63  }
0x453: {  	_ =	swait.ge [sflag:s14], $0xC38  }
0x454: {  	[sflag:s14] =	ssyncset.done $0x0  }
0x455: {  	[sflag:s14] =	ssyncadd.s32 $0xFFFFF3C8  }
0x456: {  	_ =	swait.ge [sflag:s8], $0xC38  }
0x457: {  	s12 =	sld [smem:$0x7FB]  }
0x458: {  	[sflag:s8] =	ssyncset.done $0x0  }
0x459: {  	s13 =	sld [smem:$0x7CE];
	[sflag:s8] =	ssyncadd.s32 $0xFFFFF3C8  }
0x45a: {  	[tilespmem:s16], [sflag:$0x1] =	stream.linear.gather [spmem:s12], $0xC38, $0x38;
	[tilespmem:$0x1EF70] =	vst v63  }
0x45b: {  	_ = 	snop  }
0x45c: {  	[hbm4b:s13+s3] =	stream.linear.scatter [tilespmem:s11], [sflag:$0x2], $0xC38, $0x38;
	[tilespmem:$0x1EF70] =	vst v63  }
0x45d: {  	_ =	swait.ge [sflag:s14], $0xC38  }
0x45e: {  	[sflag:s14] =	ssyncset.done $0x0  }
0x45f: {  	[sflag:s14] =	ssyncadd.s32 $0xFFFFF3C8  }
0x460: {  	_ =	swait.ge [sflag:s8], $0xC38  }
0x461: {  	s13 =	sld [smem:$0x7FC]  }
0x462: {  	[sflag:s8] =	ssyncset.done $0x0  }
0x463: {  	s10 =	sld [smem:$0x7CF];
	[sflag:s8] =	ssyncadd.s32 $0xFFFFF3C8  }
0x464: {  	[tilespmem:s11], [sflag:$0x1] =	stream.linear.gather [spmem:s13], $0xC38, $0x38;
	[tilespmem:$0x1EF70] =	vst v63  }
0x465: {  	_ = 	snop  }
0x466: {  	[hbm4b:s10+s3] =	stream.linear.scatter [tilespmem:s16], [sflag:$0x2], $0xC38, $0x38;
	[tilespmem:$0x1EF70] =	vst v63  }
0x467: {  	_ =	swait.ge [sflag:s14], $0xC38  }
0x468: {  	[sflag:s14] =	ssyncset.done $0x0  }
0x469: {  	[sflag:s14] =	ssyncadd.s32 $0xFFFFF3C8  }
0x46a: {  	_ =	swait.ge [sflag:s8], $0xC38  }
0x46b: {  	s10 =	sld [smem:$0x7FD]  }
0x46c: {  	[sflag:s8] =	ssyncset.done $0x0  }
0x46d: {  	s9 =	sld [smem:$0x7D0];
	[sflag:s8] =	ssyncadd.s32 $0xFFFFF3C8  }
0x46e: {  	[tilespmem:s16], [sflag:$0x1] =	stream.linear.gather [spmem:s10], $0xC38, $0x38;
	[tilespmem:$0x1EF70] =	vst v63  }
0x46f: {  	_ = 	snop  }
0x470: {  	[hbm4b:s9+s3] =	stream.linear.scatter [tilespmem:s11], [sflag:$0x2], $0xC38, $0x38;
	[tilespmem:$0x1EF70] =	vst v63  }
0x471: {  	_ =	swait.ge [sflag:s14], $0xC38  }
0x472: {  	s9 =	sld [smem:$0x7D1]  }
0x473: {  	[sflag:s14] =	ssyncset.done $0x0  }
0x474: {  	[sflag:s14] =	ssyncadd.s32 $0xFFFFF3C8  }
0x475: {  	[hbm4b:s9+s3] =	stream.linear.scatter [tilespmem:s16], [sflag:$0x2], $0xC38, $0x38;
	[tilespmem:$0x1EF70] =	vst v63  }
0x476: {  	_ =	swait.ge [sflag:s8], $0xC38  }
0x477: {  	[sflag:s8] =	ssyncset.done $0x0  }
0x478: {  	[sflag:s8] =	ssyncadd.s32 $0xFFFFF3C8  }
0x479: {  	_ =	swait.ge [sflag:s8], $0xC38  }
0x47a: {  	s9 =	sld [smem:$0x7B1];
	_ =	sdelay $0x2  }
0x47b: {  	s16 =	sadd.s32 $0x1, s9;
	s9 =	sld [smem:$0x7F9];
	_ =	sdelay $0x2  }
0x47c: {  	p0 =	sne.s32 s16, s9  }
.Ltmp1:
0x47d: {  	_ = 	snop;
	(pc) =	sbr.rel @p0 .LBB2_1-.Ltmp1, $3  }
0x47e: {  	_ =	sdelay $0x1  }
0x47f: {  	[sflag:s8] =	ssyncset.done $0x0  }
0x480: {  	[sflag:s8] =	ssyncadd.s32 $0xFFFFF3C8  }
0x481: {  	_ =	sfence.sel $0x180000  }
0x482: {  	[bflag:$0x0] =	sbarrier.arrive $0xFFFF  }
0x483: {  	_ =	strace $0x90000047  }
0x484: {  	s0 =	stileid.u32;
	[bflag:$0x2] =	sbarrier.arrive $0xFFFF  }
0x485: {  	p0 =	sne.s32 s0, $0x0;
	s0 =	rddreg [dreg:$0x3]  }
0x486: {  	s0 =	sadd.s32 @!p0 $0x100000, s0  }
0x487: {  	[sflag:s0] =	ssyncadd.tile.s32 @!p0 $0x1;
	_ =	shalt  }
.Lfunc_end2:
_tile_overlayer_lowered:
.L_overlay_start_2:
0x488: {  	(tag) =	ssettag $0x2  }
0x489: {  	s0 =	rddreg [dreg:$0x0];
	s2 =	stileid.u32  }
0x48a: {  	s1 =	rddreg [dreg:$0x1];
	p0 =	sne.s32 s2, $0x0  }
0x48b: {  	s3 =	rddreg [dreg:$0x2];
	[bflag:$0x3] =	sbarrier.arrive $0xFFFF;
	s2 =	simm.s32 @!p0 $0x1C04  }
0x48c: {  	[timem:s3], [sflag:s2] =	dma.local @!p0 [hbm:s0], s1  }
0x48d: {  	s0 =	simm.s32 @!p0 $0x4  }
0x48e: {  	_ =	swait.ge @!p0 [sflag:s0], s1  }
0x48f: {  	s1 =	ssub.s32 @!p0 $0x0, s1;
	[sflag:s0] =	ssyncset.done @!p0 $0x0  }
0x490: {  	[sflag:s0] =	ssyncadd.s32 @!p0 s1  }
0x491: {  	[bflag:$0x3] =	sbarrier.arrive $0xFFFF  }
0x492: {  	_ =	shalt  }

</sc_bundles>
